<compile_context>
chip_gen: v7x
topology: tpu7x:2x2x1
jax: 0.10.2.dev20260603
libtpu: 0.0.44.dev20260713+nightly
codegen_flags: <defaults>
</compile_context>

<pallas_src>
import functools

import jax
import jax.numpy as jnp
from jax import lax
from jax.experimental import pallas as pl
from jax.experimental.pallas import tpu as pltpu
from jax.experimental.pallas import tpu_sc as plsc

_N = 10000
_E = 320000
_D = 128

_NC = 2
_NS = 16
_L = 16

_EPT = _E // _NS
_CB = 128
_SUP = 4096
_NSUP = -(-_EPT // _SUP)
_TAIL = _EPT - (_EPT // _CB) * _CB
_RPT = (_N // _NS) // 8 * 8
_RREM = _N - _RPT * _NS

_ROW_BLK = 1000


def _dense_body(mean_ref, var_ref, wm_ref, bm_ref, wv_ref, bv_ref, out_ref):
    m = jnp.dot(mean_ref[...], wm_ref[...],
                preferred_element_type=jnp.float32) + bm_ref[...]
    m = jnp.where(m > 0.0, m, jnp.exp(m) - 1.0)
    v = jnp.dot(var_ref[...], wv_ref[...],
                preferred_element_type=jnp.float32) + bv_ref[...]
    v = jnp.maximum(v, 0.0) + 1e-6
    att = jnp.exp(-v)
    out_ref[0] = m * att
    out_ref[1] = (v * att) * att


def _dense_transform(mean, var, W_mean, b_mean, W_var, b_var):
    return pl.pallas_call(
        _dense_body,
        grid=(_N // _ROW_BLK,),
        in_specs=[
            pl.BlockSpec((_ROW_BLK, _D), lambda i: (i, 0)),
            pl.BlockSpec((_ROW_BLK, _D), lambda i: (i, 0)),
            pl.BlockSpec((_D, _D), lambda i: (0, 0)),
            pl.BlockSpec((1, _D), lambda i: (0, 0)),
            pl.BlockSpec((_D, _D), lambda i: (0, 0)),
            pl.BlockSpec((1, _D), lambda i: (0, 0)),
        ],
        out_specs=pl.BlockSpec((2, _ROW_BLK, _D), lambda i: (0, i, 0)),
        out_shape=jax.ShapeDtypeStruct((2, _N, _D), jnp.float32),
    )(mean, var, W_mean, b_mean.reshape(1, _D), W_var, b_var.reshape(1, _D))


def _sc_agg_body(x_hbm, dst_hbm, src_hbm, w_hbm, z_hbm, m_out, v_out,
                 srcs, dsts, ws, rows0, rows1, rowst, acc, sem0, sem1):
    sid = lax.axis_index("s")
    cid = lax.axis_index("c")

    pltpu.sync_copy(z_hbm.at[pl.ds(sid * _RPT, _RPT)],
                    acc.at[pl.ds(sid * _RPT, _RPT)])

    @pl.when(sid == 0)
    def _():
        pltpu.sync_copy(z_hbm.at[pl.ds(_NS * _RPT, _RREM)],
                        acc.at[pl.ds(_NS * _RPT, _RREM)])

    plsc.subcore_barrier()

    ebase = sid * _EPT
    xoff = cid * _N
    woff = cid * _E

    def issue(ci, buf, sem):
        pltpu.async_copy(x_hbm.at[srcs.at[pl.ds(ci * _CB, _CB)]], buf, sem)

    def drain(buf, sem):
        pltpu.make_async_copy(x_hbm.at[pl.ds(0, _CB)], buf, sem).wait()

    def process(ci, buf):
        base = ci * _CB

        @plsc.parallel_loop(0, _CB, unroll=4)
        def _(e):
            wv = plsc.load_gather(ws, [jnp.full((_L,), base + e, jnp.int32)])
            for j in range(_D // _L):
                sl = pl.ds(j * _L, _L)
                buf[e, sl] = buf[e, sl] * wv

        pltpu.sync_copy(buf, acc.at[dsts.at[pl.ds(base, _CB)]], add=True)

    for s in range(_NSUP):
        slen = _SUP if s < _NSUP - 1 else _EPT - (_NSUP - 1) * _SUP
        nfull = slen // _CB
        stail = slen - nfull * _CB
        sb = ebase + s * _SUP

        pltpu.sync_copy(src_hbm.at[pl.ds(sb, slen)], srcs.at[pl.ds(0, slen)])
        pltpu.sync_copy(dst_hbm.at[pl.ds(sb, slen)], dsts.at[pl.ds(0, slen)])
        pltpu.sync_copy(w_hbm.at[pl.ds(woff + sb, slen)],
                        ws.at[pl.ds(0, slen)])

        @plsc.parallel_loop(0, slen // _L, unroll=4)
        def _(i):
            sl = pl.ds(i * _L, _L)
            srcs[sl] = srcs[sl] + xoff

        issue(0, rows0, sem0)

        def ring_body(i, carry, nfull=nfull):
            g = i * 2
            issue(g + 1, rows1, sem1)
            drain(rows0, sem0)
            process(g, rows0)

            @pl.when(g + 2 < nfull)
            def _():
                issue(g + 2, rows0, sem0)

            drain(rows1, sem1)
            process(g + 1, rows1)
            return carry

        lax.fori_loop(0, nfull // 2, ring_body, 0)

        if stail:
            tb = nfull * _CB
            pltpu.async_copy(
                x_hbm.at[srcs.at[pl.ds(tb, stail)]], rowst, sem0).wait()

            @plsc.parallel_loop(0, stail, unroll=4)
            def _(e):
                wv = plsc.load_gather(
                    ws, [jnp.full((_L,), tb + e, jnp.int32)])
                for j in range(_D // _L):
                    sl = pl.ds(j * _L, _L)
                    rowst[e, sl] = rowst[e, sl] * wv
            pltpu.sync_copy(rowst, acc.at[dsts.at[pl.ds(tb, stail)]],
                            add=True)

    plsc.subcore_barrier()

    @pl.when(cid == 0)
    def _():
        pltpu.sync_copy(acc.at[pl.ds(sid * _RPT, _RPT)],
                        m_out.at[pl.ds(sid * _RPT, _RPT)])

    @pl.when((cid == 0) & (sid == 0))
    def _():
        pltpu.sync_copy(acc.at[pl.ds(_NS * _RPT, _RREM)],
                        m_out.at[pl.ds(_NS * _RPT, _RREM)])

    @pl.when(cid == 1)
    def _():
        pltpu.sync_copy(acc.at[pl.ds(sid * _RPT, _RPT)],
                        v_out.at[pl.ds(sid * _RPT, _RPT)])

    @pl.when((cid == 1) & (sid == 0))
    def _():
        pltpu.sync_copy(acc.at[pl.ds(_NS * _RPT, _RREM)],
                        v_out.at[pl.ds(_NS * _RPT, _RREM)])


@functools.lru_cache(maxsize=1)
def _make_sc_agg():
    return functools.partial(
        pl.kernel,
        out_type=(
            jax.ShapeDtypeStruct((_N, _D), jnp.float32),
            jax.ShapeDtypeStruct((_N, _D), jnp.float32),
        ),
        mesh=plsc.VectorSubcoreMesh(
            core_axis_name="c", subcore_axis_name="s",
            num_cores=_NC, num_subcores=_NS),
        compiler_params=pltpu.CompilerParams(needs_layout_passes=False),
        scratch_types=[
            pltpu.VMEM((_SUP,), jnp.int32),
            pltpu.VMEM((_SUP,), jnp.int32),
            pltpu.VMEM((_SUP,), jnp.float32),
            pltpu.VMEM((_CB, _D), jnp.float32),
            pltpu.VMEM((_CB, _D), jnp.float32),
            pltpu.VMEM((max(_TAIL, _L), _D), jnp.float32),
            pltpu.VMEM_SHARED((_N, _D), jnp.float32),
            pltpu.SemaphoreType.DMA,
            pltpu.SemaphoreType.DMA,
        ],
    )(_sc_agg_body)


def kernel(mean, var, edge_index, adj_w0, adj_w1, W_mean, b_mean, W_var,
           b_var):
    x2 = _dense_transform(mean, var, W_mean, b_mean, W_var, b_var)
    x2 = x2.reshape(2 * _N, _D)
    dst = edge_index[0]
    src = edge_index[1]
    w = jnp.concatenate([adj_w0, adj_w1])
    z = jnp.zeros((_N, _D), jnp.float32)
    m_out, v_out = _make_sc_agg()(x2, dst, src, w, z)
    return (m_out, v_out)

# --- scband reference (transcript-rebuilt; emitter-appended) ---
"""Pipeline reference for scband-robust-gcnconv-18047452578188 (READ-ONLY COPY).

The authoritative reference and input builder live on the scoring server;
editing this copy changes nothing except your own understanding.
"""

import jax, jax.numpy as jnp
import numpy as np

N = 10000
E = 320000
D = 128


def setup_inputs(seed: int = 0) -> dict:
    key = jax.random.key(seed)
    ks = jax.random.split(key, 9)
    return {
        "mean": jax.random.normal(ks[0], (N, D), dtype=jnp.float32),
        "var": jax.random.uniform(ks[1], (N, D), dtype=jnp.float32),
        "edge_index": jax.random.randint(ks[2], (2, E), 0, N, dtype=jnp.int32),
        "adj_w0": jax.random.uniform(ks[3], (E,), dtype=jnp.float32),
        "adj_w1": jax.random.uniform(ks[4], (E,), dtype=jnp.float32),
        "W_mean": jax.random.normal(ks[5], (D, D), dtype=jnp.float32) / np.sqrt(D),
        "b_mean": jnp.zeros((D,), dtype=jnp.float32),
        "W_var": jax.random.normal(ks[6], (D, D), dtype=jnp.float32) / np.sqrt(D),
        "b_var": jnp.zeros((D,), dtype=jnp.float32),
    }


def reference(mean, var, edge_index, adj_w0, adj_w1, W_mean, b_mean, W_var, b_var):
    # RobustGCNConv, non-initial branch, eval mode (dropout is identity).
    m = jax.nn.elu(mean @ W_mean + b_mean)          # act0 = F.elu
    v = jax.nn.relu(var @ W_var + b_var) + 1e-06    # act1 = F.relu
    att = jnp.exp(-v)
    m = m * att
    v = v * att * att
    # Sparse matmul adj @ x: out[dst] += w_e * x[src]
    dst = edge_index[0]
    src = edge_index[1]
    m_out = jax.ops.segment_sum(adj_w0[:, None] * m[src], dst, num_segments=N)
    v_out = jax.ops.segment_sum(adj_w1[:, None] * v[src], dst, num_segments=N)
    return (m_out, v_out)

if __name__ == "__main__":
    import jax
    _d = setup_inputs()
    print(jax.jit(kernel)(*tuple(_d.values())))

</pallas_src>

<mosaic_0001>
#map = affine_map<(d0, d1) -> (0, 0)>
#map1 = affine_map<(d0, d1) -> (0)>
module attributes {stable_mosaic.version = 14 : i64} {
  func.func @_sc_agg_body(%arg0: i32, %arg1: i32, %arg2: memref<20000x128xf32, #tpu.memory_space<hbm>>, %arg3: memref<320000xi32, #tpu.memory_space<hbm>>, %arg4: memref<320000xi32, #tpu.memory_space<hbm>>, %arg5: memref<640000xf32, #tpu.memory_space<hbm>>, %arg6: memref<10000x128xf32, #tpu.memory_space<hbm>>, %arg7: memref<10000x128xf32, #tpu.memory_space<hbm>>, %arg8: memref<10000x128xf32, #tpu.memory_space<hbm>>, %arg9: memref<4096xi32, #tpu.memory_space<vmem>>, %arg10: memref<4096xi32, #tpu.memory_space<vmem>>, %arg11: memref<4096xf32, #tpu.memory_space<vmem>>, %arg12: memref<128x128xf32, #tpu.memory_space<vmem>>, %arg13: memref<128x128xf32, #tpu.memory_space<vmem>>, %arg14: memref<32x128xf32, #tpu.memory_space<vmem>>, %arg15: memref<10000x128xf32, #tpu.memory_space<vmem_shared>>, %arg16: memref<!tpu.dma_semaphore, #tpu.memory_space<semaphore_mem>>, %arg17: memref<!tpu.dma_semaphore, #tpu.memory_space<semaphore_mem>>) attributes {dimension_semantics = [#tpu.dimension_semantics<core_parallel>, #tpu.dimension_semantics<subcore_parallel>], iteration_bounds = array<i64: 2, 16>, scalar_prefetch = 0 : i64, scratch_operands = 9 : i64, tpu.core_type = #tpu.core_type<sc_vector_subcore>, window_params = [{transform_indices = #map}, {transform_indices = #map1}, {transform_indices = #map1}, {transform_indices = #map1}, {transform_indices = #map}, {transform_indices = #map}, {transform_indices = #map}]} {
    %mul3A = arith.constant 624 : i32
    %mul3A_0 = arith.muli %arg1, %mul3A : i32
    %mul3A_1 = arith.constant 624 : i32
    %mul3A_2 = arith.muli %arg1, %mul3A_1 : i32
    "tpu.region"() ({
      %run_scoped3A = tpu.sem_alloc : memref<!tpu.dma_semaphore, #tpu.memory_space<semaphore_mem>>
      %dma_start3A_130 = arith.constant 0 : i32
      %dma_start3A_131 = tpu.memref_slice %arg15[%mul3A_2, %dma_start3A_130] : memref<10000x128xf32, #tpu.memory_space<vmem_shared>> -> memref<624x128xf32, #tpu.memory_space<vmem_shared>>
      %dma_start3A_132 = arith.constant 0 : i32
      %dma_start3A_133 = tpu.memref_slice %arg6[%mul3A_0, %dma_start3A_132] : memref<10000x128xf32, #tpu.memory_space<hbm>> -> memref<624x128xf32, #tpu.memory_space<hbm>>
      tpu.enqueue_dma source(%dma_start3A_133 : memref<624x128xf32, #tpu.memory_space<hbm>>) target(%dma_start3A_131 : memref<624x128xf32, #tpu.memory_space<vmem_shared>>) target_semaphore(%run_scoped3A : memref<!tpu.dma_semaphore, #tpu.memory_space<semaphore_mem>>)
      %dma_wait3A_134 = arith.constant 0 : i32
      %dma_wait3A_135 = tpu.memref_slice %arg15[%mul3A_2, %dma_wait3A_134] : memref<10000x128xf32, #tpu.memory_space<vmem_shared>> -> memref<624x128xf32, #tpu.memory_space<vmem_shared>>
      %dma_wait3A_136 = arith.constant 0 : i32
      %dma_wait3A_137 = tpu.memref_slice %arg6[%mul3A_0, %dma_wait3A_136] : memref<10000x128xf32, #tpu.memory_space<hbm>> -> memref<624x128xf32, #tpu.memory_space<hbm>>
      tpu.wait_dma2 semaphore(%run_scoped3A : memref<!tpu.dma_semaphore, #tpu.memory_space<semaphore_mem>>) src(%dma_wait3A_137 : memref<624x128xf32, #tpu.memory_space<hbm>>) dst(%dma_wait3A_135 : memref<624x128xf32, #tpu.memory_space<vmem_shared>>)
      tpu.yield
    }) : () -> ()
    %eq3A = arith.constant 0 : i32
    %eq3A_3 = arith.cmpi eq, %arg1, %eq3A : i32
    %convert_element_type3A = arith.extui %eq3A_3 : i1 to i32
    %cond3A = arith.constant 0 : i32
    %cond3A_4 = arith.cmpi ne, %convert_element_type3A, %cond3A : i32
    scf.if %cond3A_4 {
      "tpu.region"() ({
        %run_scoped3A = tpu.sem_alloc : memref<!tpu.dma_semaphore, #tpu.memory_space<semaphore_mem>>
        %dma_start3A_130 = arith.constant 9984 : i32
        %dma_start3A_131 = arith.constant 0 : i32
        %dma_start3A_132 = tpu.memref_slice %arg15[%dma_start3A_130, %dma_start3A_131] : memref<10000x128xf32, #tpu.memory_space<vmem_shared>> -> memref<16x128xf32, #tpu.memory_space<vmem_shared>>
        %dma_start3A_133 = arith.constant 9984 : i32
        %dma_start3A_134 = arith.constant 0 : i32
        %dma_start3A_135 = tpu.memref_slice %arg6[%dma_start3A_133, %dma_start3A_134] : memref<10000x128xf32, #tpu.memory_space<hbm>> -> memref<16x128xf32, #tpu.memory_space<hbm>>
        tpu.enqueue_dma source(%dma_start3A_135 : memref<16x128xf32, #tpu.memory_space<hbm>>) target(%dma_start3A_132 : memref<16x128xf32, #tpu.memory_space<vmem_shared>>) target_semaphore(%run_scoped3A : memref<!tpu.dma_semaphore, #tpu.memory_space<semaphore_mem>>)
        %dma_wait3A_136 = arith.constant 9984 : i32
        %dma_wait3A_137 = arith.constant 0 : i32
        %dma_wait3A_138 = tpu.memref_slice %arg15[%dma_wait3A_136, %dma_wait3A_137] : memref<10000x128xf32, #tpu.memory_space<vmem_shared>> -> memref<16x128xf32, #tpu.memory_space<vmem_shared>>
        %dma_wait3A_139 = arith.constant 9984 : i32
        %dma_wait3A_140 = arith.constant 0 : i32
        %dma_wait3A_141 = tpu.memref_slice %arg6[%dma_wait3A_139, %dma_wait3A_140] : memref<10000x128xf32, #tpu.memory_space<hbm>> -> memref<16x128xf32, #tpu.memory_space<hbm>>
        tpu.wait_dma2 semaphore(%run_scoped3A : memref<!tpu.dma_semaphore, #tpu.memory_space<semaphore_mem>>) src(%dma_wait3A_141 : memref<16x128xf32, #tpu.memory_space<hbm>>) dst(%dma_wait3A_138 : memref<16x128xf32, #tpu.memory_space<vmem_shared>>)
        tpu.yield
      }) : () -> ()
    } else {
    }
    %barrier3A = arith.constant 0 : index
    tpu.barrier barrier_id(%barrier3A)
    %mul3A_5 = arith.constant 20000 : i32
    %mul3A_6 = arith.muli %arg1, %mul3A_5 : i32
    %mul3A_7 = arith.constant 10000 : i32
    %mul3A_8 = arith.muli %arg0, %mul3A_7 : i32
    %mul3A_9 = arith.constant 320000 : i32
    %mul3A_10 = arith.muli %arg0, %mul3A_9 : i32
    %add3A = arith.constant 0 : i32
    %add3A_11 = arith.addi %mul3A_6, %add3A : i32
    "tpu.region"() ({
      %run_scoped3A = tpu.sem_alloc : memref<!tpu.dma_semaphore, #tpu.memory_space<semaphore_mem>>
      %dma_start3A_130 = arith.constant 0 : i32
      %dma_start3A_131 = tpu.memref_slice %arg9[%dma_start3A_130] : memref<4096xi32, #tpu.memory_space<vmem>> -> memref<4096xi32, #tpu.memory_space<vmem>>
      %dma_start3A_132 = tpu.memref_slice %arg4[%add3A_11] : memref<320000xi32, #tpu.memory_space<hbm>> -> memref<4096xi32, #tpu.memory_space<hbm>>
      %dma_start3A_133 = arith.constant 0 : i32
      %dma_start3A_134 = tpu.memref_slice %arg9[%dma_start3A_133] : memref<4096xi32, #tpu.memory_space<vmem>> -> memref<4096xi32, #tpu.memory_space<vmem>>
      %dma_start3A_135 = tpu.memref_slice %arg4[%add3A_11] : memref<320000xi32, #tpu.memory_space<hbm>> -> memref<4096xi32, #tpu.memory_space<hbm>>
      tpu.enqueue_dma source(%dma_start3A_135 : memref<4096xi32, #tpu.memory_space<hbm>>) target(%dma_start3A_134 : memref<4096xi32, #tpu.memory_space<vmem>>) target_semaphore(%run_scoped3A : memref<!tpu.dma_semaphore, #tpu.memory_space<semaphore_mem>>)
      %dma_wait3A_136 = arith.constant 0 : i32
      %dma_wait3A_137 = tpu.memref_slice %arg9[%dma_wait3A_136] : memref<4096xi32, #tpu.memory_space<vmem>> -> memref<4096xi32, #tpu.memory_space<vmem>>
      %dma_wait3A_138 = tpu.memref_slice %arg4[%add3A_11] : memref<320000xi32, #tpu.memory_space<hbm>> -> memref<4096xi32, #tpu.memory_space<hbm>>
      %dma_wait3A_139 = arith.constant 0 : i32
      %dma_wait3A_140 = tpu.memref_slice %arg9[%dma_wait3A_139] : memref<4096xi32, #tpu.memory_space<vmem>> -> memref<4096xi32, #tpu.memory_space<vmem>>
      %dma_wait3A_141 = tpu.memref_slice %arg4[%add3A_11] : memref<320000xi32, #tpu.memory_space<hbm>> -> memref<4096xi32, #tpu.memory_space<hbm>>
      tpu.wait_dma2 semaphore(%run_scoped3A : memref<!tpu.dma_semaphore, #tpu.memory_space<semaphore_mem>>) src(%dma_wait3A_141 : memref<4096xi32, #tpu.memory_space<hbm>>) dst(%dma_wait3A_140 : memref<4096xi32, #tpu.memory_space<vmem>>)
      tpu.yield
    }) : () -> ()
    "tpu.region"() ({
      %run_scoped3A = tpu.sem_alloc : memref<!tpu.dma_semaphore, #tpu.memory_space<semaphore_mem>>
      %dma_start3A_130 = arith.constant 0 : i32
      %dma_start3A_131 = tpu.memref_slice %arg10[%dma_start3A_130] : memref<4096xi32, #tpu.memory_space<vmem>> -> memref<4096xi32, #tpu.memory_space<vmem>>
      %dma_start3A_132 = tpu.memref_slice %arg3[%add3A_11] : memref<320000xi32, #tpu.memory_space<hbm>> -> memref<4096xi32, #tpu.memory_space<hbm>>
      %dma_start3A_133 = arith.constant 0 : i32
      %dma_start3A_134 = tpu.memref_slice %arg10[%dma_start3A_133] : memref<4096xi32, #tpu.memory_space<vmem>> -> memref<4096xi32, #tpu.memory_space<vmem>>
      %dma_start3A_135 = tpu.memref_slice %arg3[%add3A_11] : memref<320000xi32, #tpu.memory_space<hbm>> -> memref<4096xi32, #tpu.memory_space<hbm>>
      tpu.enqueue_dma source(%dma_start3A_135 : memref<4096xi32, #tpu.memory_space<hbm>>) target(%dma_start3A_134 : memref<4096xi32, #tpu.memory_space<vmem>>) target_semaphore(%run_scoped3A : memref<!tpu.dma_semaphore, #tpu.memory_space<semaphore_mem>>)
      %dma_wait3A_136 = arith.constant 0 : i32
      %dma_wait3A_137 = tpu.memref_slice %arg10[%dma_wait3A_136] : memref<4096xi32, #tpu.memory_space<vmem>> -> memref<4096xi32, #tpu.memory_space<vmem>>
      %dma_wait3A_138 = tpu.memref_slice %arg3[%add3A_11] : memref<320000xi32, #tpu.memory_space<hbm>> -> memref<4096xi32, #tpu.memory_space<hbm>>
      %dma_wait3A_139 = arith.constant 0 : i32
      %dma_wait3A_140 = tpu.memref_slice %arg10[%dma_wait3A_139] : memref<4096xi32, #tpu.memory_space<vmem>> -> memref<4096xi32, #tpu.memory_space<vmem>>
      %dma_wait3A_141 = tpu.memref_slice %arg3[%add3A_11] : memref<320000xi32, #tpu.memory_space<hbm>> -> memref<4096xi32, #tpu.memory_space<hbm>>
      tpu.wait_dma2 semaphore(%run_scoped3A : memref<!tpu.dma_semaphore, #tpu.memory_space<semaphore_mem>>) src(%dma_wait3A_141 : memref<4096xi32, #tpu.memory_space<hbm>>) dst(%dma_wait3A_140 : memref<4096xi32, #tpu.memory_space<vmem>>)
      tpu.yield
    }) : () -> ()
    %add3A_12 = arith.addi %mul3A_10, %add3A_11 : i32
    "tpu.region"() ({
      %run_scoped3A = tpu.sem_alloc : memref<!tpu.dma_semaphore, #tpu.memory_space<semaphore_mem>>
      %dma_start3A_130 = arith.constant 0 : i32
      %dma_start3A_131 = tpu.memref_slice %arg11[%dma_start3A_130] : memref<4096xf32, #tpu.memory_space<vmem>> -> memref<4096xf32, #tpu.memory_space<vmem>>
      %dma_start3A_132 = tpu.memref_slice %arg5[%add3A_12] : memref<640000xf32, #tpu.memory_space<hbm>> -> memref<4096xf32, #tpu.memory_space<hbm>>
      %dma_start3A_133 = arith.constant 0 : i32
      %dma_start3A_134 = tpu.memref_slice %arg11[%dma_start3A_133] : memref<4096xf32, #tpu.memory_space<vmem>> -> memref<4096xf32, #tpu.memory_space<vmem>>
      %dma_start3A_135 = tpu.memref_slice %arg5[%add3A_12] : memref<640000xf32, #tpu.memory_space<hbm>> -> memref<4096xf32, #tpu.memory_space<hbm>>
      tpu.enqueue_dma source(%dma_start3A_135 : memref<4096xf32, #tpu.memory_space<hbm>>) target(%dma_start3A_134 : memref<4096xf32, #tpu.memory_space<vmem>>) target_semaphore(%run_scoped3A : memref<!tpu.dma_semaphore, #tpu.memory_space<semaphore_mem>>)
      %dma_wait3A_136 = arith.constant 0 : i32
      %dma_wait3A_137 = tpu.memref_slice %arg11[%dma_wait3A_136] : memref<4096xf32, #tpu.memory_space<vmem>> -> memref<4096xf32, #tpu.memory_space<vmem>>
      %dma_wait3A_138 = tpu.memref_slice %arg5[%add3A_12] : memref<640000xf32, #tpu.memory_space<hbm>> -> memref<4096xf32, #tpu.memory_space<hbm>>
      %dma_wait3A_139 = arith.constant 0 : i32
      %dma_wait3A_140 = tpu.memref_slice %arg11[%dma_wait3A_139] : memref<4096xf32, #tpu.memory_space<vmem>> -> memref<4096xf32, #tpu.memory_space<vmem>>
      %dma_wait3A_141 = tpu.memref_slice %arg5[%add3A_12] : memref<640000xf32, #tpu.memory_space<hbm>> -> memref<4096xf32, #tpu.memory_space<hbm>>
      tpu.wait_dma2 semaphore(%run_scoped3A : memref<!tpu.dma_semaphore, #tpu.memory_space<semaphore_mem>>) src(%dma_wait3A_141 : memref<4096xf32, #tpu.memory_space<hbm>>) dst(%dma_wait3A_140 : memref<4096xf32, #tpu.memory_space<vmem>>)
      tpu.yield
    }) : () -> ()
    %parallel_loop3A = arith.constant 0 : i32
    %parallel_loop3A_13 = arith.constant 256 : i32
    %parallel_loop3A_14 = arith.constant 1 : i32
    scf.for %parallel_loop3A_130 = %parallel_loop3A to %parallel_loop3A_13 step %parallel_loop3A_14  : i32 {
      %parallel_loop3A_131 = arith.constant 16 : i32
      %parallel_loop3A_132 = arith.muli %parallel_loop3A_130, %parallel_loop3A_131 : i32
      %parallel_loop3A_133 = arith.index_cast %parallel_loop3A_132 : i32 to index
      %parallel_loop3A_134 = tpu.vector_load %arg9[%parallel_loop3A_133] {strides = array<i32>} : memref<4096xi32, #tpu.memory_space<vmem>>, vector<16xi32>,
      %parallel_loop3A_135 = vector.broadcast %mul3A_8 : i32 to vector<16xi32>
      %parallel_loop3A_136 = arith.addi %parallel_loop3A_134, %parallel_loop3A_135 : vector<16xi32>
      %parallel_loop3A_137 = arith.index_cast %parallel_loop3A_132 : i32 to index
      %parallel_loop3A_138 = tpu.vector_load %arg9[%parallel_loop3A_137] {strides = array<i32>} : memref<4096xi32, #tpu.memory_space<vmem>>, vector<16xi32>,
      tpu.vector_store %arg9[%parallel_loop3A_137], %parallel_loop3A_136 {strides = array<i32>} : memref<4096xi32, #tpu.memory_space<vmem>>, vector<16xi32>,
    } {sc.loop_unroll_factor = 4 : i64, sc.parallel_access}
    %dma_start3A = arith.constant 0 : i32
    %dma_start3A_15 = tpu.memref_slice %arg9[%dma_start3A] : memref<4096xi32, #tpu.memory_space<vmem>> -> memref<128xi32, #tpu.memory_space<vmem>>
    %dma_start3A_16 = arith.constant 0 : i32
    %dma_start3A_17 = arith.constant 0 : i32
    %dma_start3A_18 = tpu.memref_slice %arg2[%dma_start3A_16, %dma_start3A_17] : memref<20000x128xf32, #tpu.memory_space<hbm>> -> memref<20000x128xf32, #tpu.memory_space<hbm>>
    tpu.enqueue_indirect_dma source(%dma_start3A_18 : memref<20000x128xf32, #tpu.memory_space<hbm>>) target(%arg12 : memref<128x128xf32, #tpu.memory_space<vmem>>) offsets(%dma_start3A_15 : memref<128xi32, #tpu.memory_space<vmem>>) semaphore(%arg16 : memref<!tpu.dma_semaphore, #tpu.memory_space<semaphore_mem>>)
    %scan3A = arith.constant 0 : i32
    %scan3A_19 = arith.constant 0 : i32
    %scan3A_20 = arith.constant 16 : i32
    %scan3A_21 = arith.addi %scan3A_19, %scan3A_20 : i32
    %scan3A_22 = arith.constant 1 : i32
    scf.for %scan3A_130 = %scan3A_19 to %scan3A_21 step %scan3A_22  : i32 {
      %mul3A_131 = arith.constant 2 : i32
      %mul3A_132 = arith.muli %scan3A_130, %mul3A_131 : i32
      %add3A_133 = arith.constant 1 : i32
      %add3A_134 = arith.addi %mul3A_132, %add3A_133 : i32
      %mul3A_135 = arith.constant 128 : i32
      %mul3A_136 = arith.muli %add3A_134, %mul3A_135 : i32
      %dma_start3A_137 = tpu.memref_slice %arg9[%mul3A_136] : memref<4096xi32, #tpu.memory_space<vmem>> -> memref<128xi32, #tpu.memory_space<vmem>>
      %dma_start3A_138 = arith.constant 0 : i32
      %dma_start3A_139 = arith.constant 0 : i32
      %dma_start3A_140 = tpu.memref_slice %arg2[%dma_start3A_138, %dma_start3A_139] : memref<20000x128xf32, #tpu.memory_space<hbm>> -> memref<20000x128xf32, #tpu.memory_space<hbm>>
      tpu.enqueue_indirect_dma source(%dma_start3A_140 : memref<20000x128xf32, #tpu.memory_space<hbm>>) target(%arg13 : memref<128x128xf32, #tpu.memory_space<vmem>>) offsets(%dma_start3A_137 : memref<128xi32, #tpu.memory_space<vmem>>) semaphore(%arg17 : memref<!tpu.dma_semaphore, #tpu.memory_space<semaphore_mem>>)
      %dma_wait3A_141 = arith.constant 0 : i32
      %dma_wait3A_142 = arith.constant 0 : i32
      %dma_wait3A_143 = tpu.memref_slice %arg2[%dma_wait3A_141, %dma_wait3A_142] : memref<20000x128xf32, #tpu.memory_space<hbm>> -> memref<128x128xf32, #tpu.memory_space<hbm>>
      %dma_wait3A_144 = arith.constant 0 : i32
      %dma_wait3A_145 = arith.constant 0 : i32
      %dma_wait3A_146 = tpu.memref_slice %arg2[%dma_wait3A_144, %dma_wait3A_145] : memref<20000x128xf32, #tpu.memory_space<hbm>> -> memref<128x128xf32, #tpu.memory_space<hbm>>
      tpu.wait_dma2 semaphore(%arg16 : memref<!tpu.dma_semaphore, #tpu.memory_space<semaphore_mem>>) src(%dma_wait3A_146 : memref<128x128xf32, #tpu.memory_space<hbm>>) dst(%arg12 : memref<128x128xf32, #tpu.memory_space<vmem>>)
      %mul3A_147 = arith.constant 128 : i32
      %mul3A_148 = arith.muli %mul3A_132, %mul3A_147 : i32
      %parallel_loop3A_149 = arith.constant 0 : i32
      %parallel_loop3A_150 = arith.constant 128 : i32
      %parallel_loop3A_151 = arith.constant 1 : i32
      scf.for %parallel_loop3A_171 = %parallel_loop3A_149 to %parallel_loop3A_150 step %parallel_loop3A_151  : i32 {
        %parallel_loop3A_172 = arith.addi %mul3A_148, %parallel_loop3A_171 : i32
        %parallel_loop3A_173 = vector.broadcast %parallel_loop3A_172 : i32 to vector<16xi32>
        %parallel_loop3A_174 = tpu.vector_load_idx %arg11[%parallel_loop3A_173] : memref<4096xf32, #tpu.memory_space<vmem>>[vector<16xi32>], vector<16xf32>,
        %parallel_loop3A_175 = arith.index_cast %parallel_loop3A_171 : i32 to index
        %parallel_loop3A_176 = arith.constant 0 : index
        %parallel_loop3A_177 = tpu.vector_load %arg12[%parallel_loop3A_175, %parallel_loop3A_176] {strides = array<i32>} : memref<128x128xf32, #tpu.memory_space<vmem>>, vector<16xf32>,
        %parallel_loop3A_178 = arith.mulf %parallel_loop3A_177, %parallel_loop3A_174 : vector<16xf32>
        %parallel_loop3A_179 = arith.index_cast %parallel_loop3A_171 : i32 to index
        %parallel_loop3A_180 = arith.constant 0 : index
        %parallel_loop3A_181 = tpu.vector_load %arg12[%parallel_loop3A_179, %parallel_loop3A_180] {strides = array<i32>} : memref<128x128xf32, #tpu.memory_space<vmem>>, vector<16xf32>,
        tpu.vector_store %arg12[%parallel_loop3A_179, %parallel_loop3A_180], %parallel_loop3A_178 {strides = array<i32>} : memref<128x128xf32, #tpu.memory_space<vmem>>, vector<16xf32>,
        %parallel_loop3A_182 = arith.index_cast %parallel_loop3A_171 : i32 to index
        %parallel_loop3A_183 = arith.constant 16 : index
        %parallel_loop3A_184 = tpu.vector_load %arg12[%parallel_loop3A_182, %parallel_loop3A_183] {strides = array<i32>} : memref<128x128xf32, #tpu.memory_space<vmem>>, vector<16xf32>,
        %parallel_loop3A_185 = arith.mulf %parallel_loop3A_184, %parallel_loop3A_174 : vector<16xf32>
        %parallel_loop3A_186 = arith.index_cast %parallel_loop3A_171 : i32 to index
        %parallel_loop3A_187 = arith.constant 16 : index
        %parallel_loop3A_188 = tpu.vector_load %arg12[%parallel_loop3A_186, %parallel_loop3A_187] {strides = array<i32>} : memref<128x128xf32, #tpu.memory_space<vmem>>, vector<16xf32>,
        tpu.vector_store %arg12[%parallel_loop3A_186, %parallel_loop3A_187], %parallel_loop3A_185 {strides = array<i32>} : memref<128x128xf32, #tpu.memory_space<vmem>>, vector<16xf32>,
        %parallel_loop3A_189 = arith.index_cast %parallel_loop3A_171 : i32 to index
        %parallel_loop3A_190 = arith.constant 32 : index
        %parallel_loop3A_191 = tpu.vector_load %arg12[%parallel_loop3A_189, %parallel_loop3A_190] {strides = array<i32>} : memref<128x128xf32, #tpu.memory_space<vmem>>, vector<16xf32>,
        %parallel_loop3A_192 = arith.mulf %parallel_loop3A_191, %parallel_loop3A_174 : vector<16xf32>
        %parallel_loop3A_193 = arith.index_cast %parallel_loop3A_171 : i32 to index
        %parallel_loop3A_194 = arith.constant 32 : index
        %parallel_loop3A_195 = tpu.vector_load %arg12[%parallel_loop3A_193, %parallel_loop3A_194] {strides = array<i32>} : memref<128x128xf32, #tpu.memory_space<vmem>>, vector<16xf32>,
        tpu.vector_store %arg12[%parallel_loop3A_193, %parallel_loop3A_194], %parallel_loop3A_192 {strides = array<i32>} : memref<128x128xf32, #tpu.memory_space<vmem>>, vector<16xf32>,
        %parallel_loop3A_196 = arith.index_cast %parallel_loop3A_171 : i32 to index
        %parallel_loop3A_197 = arith.constant 48 : index
        %parallel_loop3A_198 = tpu.vector_load %arg12[%parallel_loop3A_196, %parallel_loop3A_197] {strides = array<i32>} : memref<128x128xf32, #tpu.memory_space<vmem>>, vector<16xf32>,
        %parallel_loop3A_199 = arith.mulf %parallel_loop3A_198, %parallel_loop3A_174 : vector<16xf32>
        %parallel_loop3A_200 = arith.index_cast %parallel_loop3A_171 : i32 to index
        %parallel_loop3A_201 = arith.constant 48 : index
        %parallel_loop3A_202 = tpu.vector_load %arg12[%parallel_loop3A_200, %parallel_loop3A_201] {strides = array<i32>} : memref<128x128xf32, #tpu.memory_space<vmem>>, vector<16xf32>,
        tpu.vector_store %arg12[%parallel_loop3A_200, %parallel_loop3A_201], %parallel_loop3A_199 {strides = array<i32>} : memref<128x128xf32, #tpu.memory_space<vmem>>, vector<16xf32>,
        %parallel_loop3A_203 = arith.index_cast %parallel_loop3A_171 : i32 to index
        %parallel_loop3A_204 = arith.constant 64 : index
        %parallel_loop3A_205 = tpu.vector_load %arg12[%parallel_loop3A_203, %parallel_loop3A_204] {strides = array<i32>} : memref<128x128xf32, #tpu.memory_space<vmem>>, vector<16xf32>,
        %parallel_loop3A_206 = arith.mulf %parallel_loop3A_205, %parallel_loop3A_174 : vector<16xf32>
        %parallel_loop3A_207 = arith.index_cast %parallel_loop3A_171 : i32 to index
        %parallel_loop3A_208 = arith.constant 64 : index
        %parallel_loop3A_209 = tpu.vector_load %arg12[%parallel_loop3A_207, %parallel_loop3A_208] {strides = array<i32>} : memref<128x128xf32, #tpu.memory_space<vmem>>, vector<16xf32>,
        tpu.vector_store %arg12[%parallel_loop3A_207, %parallel_loop3A_208], %parallel_loop3A_206 {strides = array<i32>} : memref<128x128xf32, #tpu.memory_space<vmem>>, vector<16xf32>,
        %parallel_loop3A_210 = arith.index_cast %parallel_loop3A_171 : i32 to index
        %parallel_loop3A_211 = arith.constant 80 : index
        %parallel_loop3A_212 = tpu.vector_load %arg12[%parallel_loop3A_210, %parallel_loop3A_211] {strides = array<i32>} : memref<128x128xf32, #tpu.memory_space<vmem>>, vector<16xf32>,
        %parallel_loop3A_213 = arith.mulf %parallel_loop3A_212, %parallel_loop3A_174 : vector<16xf32>
        %parallel_loop3A_214 = arith.index_cast %parallel_loop3A_171 : i32 to index
        %parallel_loop3A_215 = arith.constant 80 : index
        %parallel_loop3A_216 = tpu.vector_load %arg12[%parallel_loop3A_214, %parallel_loop3A_215] {strides = array<i32>} : memref<128x128xf32, #tpu.memory_space<vmem>>, vector<16xf32>,
        tpu.vector_store %arg12[%parallel_loop3A_214, %parallel_loop3A_215], %parallel_loop3A_213 {strides = array<i32>} : memref<128x128xf32, #tpu.memory_space<vmem>>, vector<16xf32>,
        %parallel_loop3A_217 = arith.index_cast %parallel_loop3A_171 : i32 to index
        %parallel_loop3A_218 = arith.constant 96 : index
        %parallel_loop3A_219 = tpu.vector_load %arg12[%parallel_loop3A_217, %parallel_loop3A_218] {strides = array<i32>} : memref<128x128xf32, #tpu.memory_space<vmem>>, vector<16xf32>,
        %parallel_loop3A_220 = arith.mulf %parallel_loop3A_219, %parallel_loop3A_174 : vector<16xf32>
        %parallel_loop3A_221 = arith.index_cast %parallel_loop3A_171 : i32 to index
        %parallel_loop3A_222 = arith.constant 96 : index
        %parallel_loop3A_223 = tpu.vector_load %arg12[%parallel_loop3A_221, %parallel_loop3A_222] {strides = array<i32>} : memref<128x128xf32, #tpu.memory_space<vmem>>, vector<16xf32>,
        tpu.vector_store %arg12[%parallel_loop3A_221, %parallel_loop3A_222], %parallel_loop3A_220 {strides = array<i32>} : memref<128x128xf32, #tpu.memory_space<vmem>>, vector<16xf32>,
        %parallel_loop3A_224 = arith.index_cast %parallel_loop3A_171 : i32 to index
        %parallel_loop3A_225 = arith.constant 112 : index
        %parallel_loop3A_226 = tpu.vector_load %arg12[%parallel_loop3A_224, %parallel_loop3A_225] {strides = array<i32>} : memref<128x128xf32, #tpu.memory_space<vmem>>, vector<16xf32>,
        %parallel_loop3A_227 = arith.mulf %parallel_loop3A_226, %parallel_loop3A_174 : vector<16xf32>
        %parallel_loop3A_228 = arith.index_cast %parallel_loop3A_171 : i32 to index
        %parallel_loop3A_229 = arith.constant 112 : index
        %parallel_loop3A_230 = tpu.vector_load %arg12[%parallel_loop3A_228, %parallel_loop3A_229] {strides = array<i32>} : memref<128x128xf32, #tpu.memory_space<vmem>>, vector<16xf32>,
        tpu.vector_store %arg12[%parallel_loop3A_228, %parallel_loop3A_229], %parallel_loop3A_227 {strides = array<i32>} : memref<128x128xf32, #tpu.memory_space<vmem>>, vector<16xf32>,
      } {sc.loop_unroll_factor = 4 : i64, sc.parallel_access}
      "tpu.region"() ({
        %run_scoped3A = tpu.sem_alloc : memref<!tpu.dma_semaphore, #tpu.memory_space<semaphore_mem>>
        %dma_start3A_171 = tpu.memref_slice %arg10[%mul3A_148] : memref<4096xi32, #tpu.memory_space<vmem>> -> memref<128xi32, #tpu.memory_space<vmem>>
        %dma_start3A_172 = arith.constant 0 : i32
        %dma_start3A_173 = arith.constant 0 : i32
        %dma_start3A_174 = tpu.memref_slice %arg15[%dma_start3A_172, %dma_start3A_173] : memref<10000x128xf32, #tpu.memory_space<vmem_shared>> -> memref<10000x128xf32, #tpu.memory_space<vmem_shared>>
        tpu.enqueue_indirect_dma source(%arg12 : memref<128x128xf32, #tpu.memory_space<vmem>>) target(%dma_start3A_174 : memref<10000x128xf32, #tpu.memory_space<vmem_shared>>) offsets(%dma_start3A_171 : memref<128xi32, #tpu.memory_space<vmem>>) semaphore(%run_scoped3A : memref<!tpu.dma_semaphore, #tpu.memory_space<semaphore_mem>>) {add = true}
        %dma_wait3A_175 = tpu.memref_slice %arg10[%mul3A_148] : memref<4096xi32, #tpu.memory_space<vmem>> -> memref<128xi32, #tpu.memory_space<vmem>>
        %dma_wait3A_176 = arith.constant 0 : i32
        %dma_wait3A_177 = arith.constant 0 : i32
        %dma_wait3A_178 = tpu.memref_slice %arg15[%dma_wait3A_176, %dma_wait3A_177] : memref<10000x128xf32, #tpu.memory_space<vmem_shared>> -> memref<10000x128xf32, #tpu.memory_space<vmem_shared>>
        tpu.wait_indirect_dma semaphore(%run_scoped3A : memref<!tpu.dma_semaphore, #tpu.memory_space<semaphore_mem>>) src(%arg12 : memref<128x128xf32, #tpu.memory_space<vmem>>) dst(%dma_wait3A_178 : memref<10000x128xf32, #tpu.memory_space<vmem_shared>>)
        tpu.yield
      }) : () -> ()
      %add3A_152 = arith.constant 2 : i32
      %add3A_153 = arith.addi %mul3A_132, %add3A_152 : i32
      %lt3A = arith.constant 32 : i32
      %lt3A_154 = arith.cmpi slt, %add3A_153, %lt3A : i32
      %convert_element_type3A_155 = arith.extui %lt3A_154 : i1 to i32
      %cond3A_156 = arith.constant 0 : i32
      %cond3A_157 = arith.cmpi ne, %convert_element_type3A_155, %cond3A_156 : i32
      scf.if %cond3A_157 {
        %add3A_171 = arith.constant 2 : i32
        %add3A_172 = arith.addi %mul3A_132, %add3A_171 : i32
        %mul3A_173 = arith.constant 128 : i32
        %mul3A_174 = arith.muli %add3A_172, %mul3A_173 : i32
        %dma_start3A_175 = tpu.memref_slice %arg9[%mul3A_174] : memref<4096xi32, #tpu.memory_space<vmem>> -> memref<128xi32, #tpu.memory_space<vmem>>
        %dma_start3A_176 = arith.constant 0 : i32
        %dma_start3A_177 = arith.constant 0 : i32
        %dma_start3A_178 = tpu.memref_slice %arg2[%dma_start3A_176, %dma_start3A_177] : memref<20000x128xf32, #tpu.memory_space<hbm>> -> memref<20000x128xf32, #tpu.memory_space<hbm>>
        tpu.enqueue_indirect_dma source(%dma_start3A_178 : memref<20000x128xf32, #tpu.memory_space<hbm>>) target(%arg12 : memref<128x128xf32, #tpu.memory_space<vmem>>) offsets(%dma_start3A_175 : memref<128xi32, #tpu.memory_space<vmem>>) semaphore(%arg16 : memref<!tpu.dma_semaphore, #tpu.memory_space<semaphore_mem>>)
      } else {
      }
      %dma_wait3A_158 = arith.constant 0 : i32
      %dma_wait3A_159 = arith.constant 0 : i32
      %dma_wait3A_160 = tpu.memref_slice %arg2[%dma_wait3A_158, %dma_wait3A_159] : memref<20000x128xf32, #tpu.memory_space<hbm>> -> memref<128x128xf32, #tpu.memory_space<hbm>>
      %dma_wait3A_161 = arith.constant 0 : i32
      %dma_wait3A_162 = arith.constant 0 : i32
      %dma_wait3A_163 = tpu.memref_slice %arg2[%dma_wait3A_161, %dma_wait3A_162] : memref<20000x128xf32, #tpu.memory_space<hbm>> -> memref<128x128xf32, #tpu.memory_space<hbm>>
      tpu.wait_dma2 semaphore(%arg17 : memref<!tpu.dma_semaphore, #tpu.memory_space<semaphore_mem>>) src(%dma_wait3A_163 : memref<128x128xf32, #tpu.memory_space<hbm>>) dst(%arg13 : memref<128x128xf32, #tpu.memory_space<vmem>>)
      %add3A_164 = arith.constant 1 : i32
      %add3A_165 = arith.addi %mul3A_132, %add3A_164 : i32
      %mul3A_166 = arith.constant 128 : i32
      %mul3A_167 = arith.muli %add3A_165, %mul3A_166 : i32
      %parallel_loop3A_168 = arith.constant 0 : i32
      %parallel_loop3A_169 = arith.constant 128 : i32
      %parallel_loop3A_170 = arith.constant 1 : i32
      scf.for %parallel_loop3A_171 = %parallel_loop3A_168 to %parallel_loop3A_169 step %parallel_loop3A_170  : i32 {
        %parallel_loop3A_172 = arith.addi %mul3A_167, %parallel_loop3A_171 : i32
        %parallel_loop3A_173 = vector.broadcast %parallel_loop3A_172 : i32 to vector<16xi32>
        %parallel_loop3A_174 = tpu.vector_load_idx %arg11[%parallel_loop3A_173] : memref<4096xf32, #tpu.memory_space<vmem>>[vector<16xi32>], vector<16xf32>,
        %parallel_loop3A_175 = arith.index_cast %parallel_loop3A_171 : i32 to index
        %parallel_loop3A_176 = arith.constant 0 : index
        %parallel_loop3A_177 = tpu.vector_load %arg13[%parallel_loop3A_175, %parallel_loop3A_176] {strides = array<i32>} : memref<128x128xf32, #tpu.memory_space<vmem>>, vector<16xf32>,
        %parallel_loop3A_178 = arith.mulf %parallel_loop3A_177, %parallel_loop3A_174 : vector<16xf32>
        %parallel_loop3A_179 = arith.index_cast %parallel_loop3A_171 : i32 to index
        %parallel_loop3A_180 = arith.constant 0 : index
        %parallel_loop3A_181 = tpu.vector_load %arg13[%parallel_loop3A_179, %parallel_loop3A_180] {strides = array<i32>} : memref<128x128xf32, #tpu.memory_space<vmem>>, vector<16xf32>,
        tpu.vector_store %arg13[%parallel_loop3A_179, %parallel_loop3A_180], %parallel_loop3A_178 {strides = array<i32>} : memref<128x128xf32, #tpu.memory_space<vmem>>, vector<16xf32>,
        %parallel_loop3A_182 = arith.index_cast %parallel_loop3A_171 : i32 to index
        %parallel_loop3A_183 = arith.constant 16 : index
        %parallel_loop3A_184 = tpu.vector_load %arg13[%parallel_loop3A_182, %parallel_loop3A_183] {strides = array<i32>} : memref<128x128xf32, #tpu.memory_space<vmem>>, vector<16xf32>,
        %parallel_loop3A_185 = arith.mulf %parallel_loop3A_184, %parallel_loop3A_174 : vector<16xf32>
        %parallel_loop3A_186 = arith.index_cast %parallel_loop3A_171 : i32 to index
        %parallel_loop3A_187 = arith.constant 16 : index
        %parallel_loop3A_188 = tpu.vector_load %arg13[%parallel_loop3A_186, %parallel_loop3A_187] {strides = array<i32>} : memref<128x128xf32, #tpu.memory_space<vmem>>, vector<16xf32>,
        tpu.vector_store %arg13[%parallel_loop3A_186, %parallel_loop3A_187], %parallel_loop3A_185 {strides = array<i32>} : memref<128x128xf32, #tpu.memory_space<vmem>>, vector<16xf32>,
        %parallel_loop3A_189 = arith.index_cast %parallel_loop3A_171 : i32 to index
        %parallel_loop3A_190 = arith.constant 32 : index
        %parallel_loop3A_191 = tpu.vector_load %arg13[%parallel_loop3A_189, %parallel_loop3A_190] {strides = array<i32>} : memref<128x128xf32, #tpu.memory_space<vmem>>, vector<16xf32>,
        %parallel_loop3A_192 = arith.mulf %parallel_loop3A_191, %parallel_loop3A_174 : vector<16xf32>
        %parallel_loop3A_193 = arith.index_cast %parallel_loop3A_171 : i32 to index
        %parallel_loop3A_194 = arith.constant 32 : index
        %parallel_loop3A_195 = tpu.vector_load %arg13[%parallel_loop3A_193, %parallel_loop3A_194] {strides = array<i32>} : memref<128x128xf32, #tpu.memory_space<vmem>>, vector<16xf32>,
        tpu.vector_store %arg13[%parallel_loop3A_193, %parallel_loop3A_194], %parallel_loop3A_192 {strides = array<i32>} : memref<128x128xf32, #tpu.memory_space<vmem>>, vector<16xf32>,
        %parallel_loop3A_196 = arith.index_cast %parallel_loop3A_171 : i32 to index
        %parallel_loop3A_197 = arith.constant 48 : index
        %parallel_loop3A_198 = tpu.vector_load %arg13[%parallel_loop3A_196, %parallel_loop3A_197] {strides = array<i32>} : memref<128x128xf32, #tpu.memory_space<vmem>>, vector<16xf32>,
        %parallel_loop3A_199 = arith.mulf %parallel_loop3A_198, %parallel_loop3A_174 : vector<16xf32>
        %parallel_loop3A_200 = arith.index_cast %parallel_loop3A_171 : i32 to index
        %parallel_loop3A_201 = arith.constant 48 : index
        %parallel_loop3A_202 = tpu.vector_load %arg13[%parallel_loop3A_200, %parallel_loop3A_201] {strides = array<i32>} : memref<128x128xf32, #tpu.memory_space<vmem>>, vector<16xf32>,
        tpu.vector_store %arg13[%parallel_loop3A_200, %parallel_loop3A_201], %parallel_loop3A_199 {strides = array<i32>} : memref<128x128xf32, #tpu.memory_space<vmem>>, vector<16xf32>,
        %parallel_loop3A_203 = arith.index_cast %parallel_loop3A_171 : i32 to index
        %parallel_loop3A_204 = arith.constant 64 : index
        %parallel_loop3A_205 = tpu.vector_load %arg13[%parallel_loop3A_203, %parallel_loop3A_204] {strides = array<i32>} : memref<128x128xf32, #tpu.memory_space<vmem>>, vector<16xf32>,
        %parallel_loop3A_206 = arith.mulf %parallel_loop3A_205, %parallel_loop3A_174 : vector<16xf32>
        %parallel_loop3A_207 = arith.index_cast %parallel_loop3A_171 : i32 to index
        %parallel_loop3A_208 = arith.constant 64 : index
        %parallel_loop3A_209 = tpu.vector_load %arg13[%parallel_loop3A_207, %parallel_loop3A_208] {strides = array<i32>} : memref<128x128xf32, #tpu.memory_space<vmem>>, vector<16xf32>,
        tpu.vector_store %arg13[%parallel_loop3A_207, %parallel_loop3A_208], %parallel_loop3A_206 {strides = array<i32>} : memref<128x128xf32, #tpu.memory_space<vmem>>, vector<16xf32>,
        %parallel_loop3A_210 = arith.index_cast %parallel_loop3A_171 : i32 to index
        %parallel_loop3A_211 = arith.constant 80 : index
        %parallel_loop3A_212 = tpu.vector_load %arg13[%parallel_loop3A_210, %parallel_loop3A_211] {strides = array<i32>} : memref<128x128xf32, #tpu.memory_space<vmem>>, vector<16xf32>,
        %parallel_loop3A_213 = arith.mulf %parallel_loop3A_212, %parallel_loop3A_174 : vector<16xf32>
        %parallel_loop3A_214 = arith.index_cast %parallel_loop3A_171 : i32 to index
        %parallel_loop3A_215 = arith.constant 80 : index
        %parallel_loop3A_216 = tpu.vector_load %arg13[%parallel_loop3A_214, %parallel_loop3A_215] {strides = array<i32>} : memref<128x128xf32, #tpu.memory_space<vmem>>, vector<16xf32>,
        tpu.vector_store %arg13[%parallel_loop3A_214, %parallel_loop3A_215], %parallel_loop3A_213 {strides = array<i32>} : memref<128x128xf32, #tpu.memory_space<vmem>>, vector<16xf32>,
        %parallel_loop3A_217 = arith.index_cast %parallel_loop3A_171 : i32 to index
        %parallel_loop3A_218 = arith.constant 96 : index
        %parallel_loop3A_219 = tpu.vector_load %arg13[%parallel_loop3A_217, %parallel_loop3A_218] {strides = array<i32>} : memref<128x128xf32, #tpu.memory_space<vmem>>, vector<16xf32>,
        %parallel_loop3A_220 = arith.mulf %parallel_loop3A_219, %parallel_loop3A_174 : vector<16xf32>
        %parallel_loop3A_221 = arith.index_cast %parallel_loop3A_171 : i32 to index
        %parallel_loop3A_222 = arith.constant 96 : index
        %parallel_loop3A_223 = tpu.vector_load %arg13[%parallel_loop3A_221, %parallel_loop3A_222] {strides = array<i32>} : memref<128x128xf32, #tpu.memory_space<vmem>>, vector<16xf32>,
        tpu.vector_store %arg13[%parallel_loop3A_221, %parallel_loop3A_222], %parallel_loop3A_220 {strides = array<i32>} : memref<128x128xf32, #tpu.memory_space<vmem>>, vector<16xf32>,
        %parallel_loop3A_224 = arith.index_cast %parallel_loop3A_171 : i32 to index
        %parallel_loop3A_225 = arith.constant 112 : index
        %parallel_loop3A_226 = tpu.vector_load %arg13[%parallel_loop3A_224, %parallel_loop3A_225] {strides = array<i32>} : memref<128x128xf32, #tpu.memory_space<vmem>>, vector<16xf32>,
        %parallel_loop3A_227 = arith.mulf %parallel_loop3A_226, %parallel_loop3A_174 : vector<16xf32>
        %parallel_loop3A_228 = arith.index_cast %parallel_loop3A_171 : i32 to index
        %parallel_loop3A_229 = arith.constant 112 : index
        %parallel_loop3A_230 = tpu.vector_load %arg13[%parallel_loop3A_228, %parallel_loop3A_229] {strides = array<i32>} : memref<128x128xf32, #tpu.memory_space<vmem>>, vector<16xf32>,
        tpu.vector_store %arg13[%parallel_loop3A_228, %parallel_loop3A_229], %parallel_loop3A_227 {strides = array<i32>} : memref<128x128xf32, #tpu.memory_space<vmem>>, vector<16xf32>,
      } {sc.loop_unroll_factor = 4 : i64, sc.parallel_access}
      "tpu.region"() ({
        %run_scoped3A = tpu.sem_alloc : memref<!tpu.dma_semaphore, #tpu.memory_space<semaphore_mem>>
        %dma_start3A_171 = tpu.memref_slice %arg10[%mul3A_167] : memref<4096xi32, #tpu.memory_space<vmem>> -> memref<128xi32, #tpu.memory_space<vmem>>
        %dma_start3A_172 = arith.constant 0 : i32
        %dma_start3A_173 = arith.constant 0 : i32
        %dma_start3A_174 = tpu.memref_slice %arg15[%dma_start3A_172, %dma_start3A_173] : memref<10000x128xf32, #tpu.memory_space<vmem_shared>> -> memref<10000x128xf32, #tpu.memory_space<vmem_shared>>
        tpu.enqueue_indirect_dma source(%arg13 : memref<128x128xf32, #tpu.memory_space<vmem>>) target(%dma_start3A_174 : memref<10000x128xf32, #tpu.memory_space<vmem_shared>>) offsets(%dma_start3A_171 : memref<128xi32, #tpu.memory_space<vmem>>) semaphore(%run_scoped3A : memref<!tpu.dma_semaphore, #tpu.memory_space<semaphore_mem>>) {add = true}
        %dma_wait3A_175 = tpu.memref_slice %arg10[%mul3A_167] : memref<4096xi32, #tpu.memory_space<vmem>> -> memref<128xi32, #tpu.memory_space<vmem>>
        %dma_wait3A_176 = arith.constant 0 : i32
        %dma_wait3A_177 = arith.constant 0 : i32
        %dma_wait3A_178 = tpu.memref_slice %arg15[%dma_wait3A_176, %dma_wait3A_177] : memref<10000x128xf32, #tpu.memory_space<vmem_shared>> -> memref<10000x128xf32, #tpu.memory_space<vmem_shared>>
        tpu.wait_indirect_dma semaphore(%run_scoped3A : memref<!tpu.dma_semaphore, #tpu.memory_space<semaphore_mem>>) src(%arg13 : memref<128x128xf32, #tpu.memory_space<vmem>>) dst(%dma_wait3A_178 : memref<10000x128xf32, #tpu.memory_space<vmem_shared>>)
        tpu.yield
      }) : () -> ()
    }
    %scan3A_23 = arith.constant 16 : i32
    %add3A_24 = arith.constant 4096 : i32
    %add3A_25 = arith.addi %mul3A_6, %add3A_24 : i32
    "tpu.region"() ({
      %run_scoped3A = tpu.sem_alloc : memref<!tpu.dma_semaphore, #tpu.memory_space<semaphore_mem>>
      %dma_start3A_130 = arith.constant 0 : i32
      %dma_start3A_131 = tpu.memref_slice %arg9[%dma_start3A_130] : memref<4096xi32, #tpu.memory_space<vmem>> -> memref<4096xi32, #tpu.memory_space<vmem>>
      %dma_start3A_132 = tpu.memref_slice %arg4[%add3A_25] : memref<320000xi32, #tpu.memory_space<hbm>> -> memref<4096xi32, #tpu.memory_space<hbm>>
      %dma_start3A_133 = arith.constant 0 : i32
      %dma_start3A_134 = tpu.memref_slice %arg9[%dma_start3A_133] : memref<4096xi32, #tpu.memory_space<vmem>> -> memref<4096xi32, #tpu.memory_space<vmem>>
      %dma_start3A_135 = tpu.memref_slice %arg4[%add3A_25] : memref<320000xi32, #tpu.memory_space<hbm>> -> memref<4096xi32, #tpu.memory_space<hbm>>
      tpu.enqueue_dma source(%dma_start3A_135 : memref<4096xi32, #tpu.memory_space<hbm>>) target(%dma_start3A_134 : memref<4096xi32, #tpu.memory_space<vmem>>) target_semaphore(%run_scoped3A : memref<!tpu.dma_semaphore, #tpu.memory_space<semaphore_mem>>)
      %dma_wait3A_136 = arith.constant 0 : i32
      %dma_wait3A_137 = tpu.memref_slice %arg9[%dma_wait3A_136] : memref<4096xi32, #tpu.memory_space<vmem>> -> memref<4096xi32, #tpu.memory_space<vmem>>
      %dma_wait3A_138 = tpu.memref_slice %arg4[%add3A_25] : memref<320000xi32, #tpu.memory_space<hbm>> -> memref<4096xi32, #tpu.memory_space<hbm>>
      %dma_wait3A_139 = arith.constant 0 : i32
      %dma_wait3A_140 = tpu.memref_slice %arg9[%dma_wait3A_139] : memref<4096xi32, #tpu.memory_space<vmem>> -> memref<4096xi32, #tpu.memory_space<vmem>>
      %dma_wait3A_141 = tpu.memref_slice %arg4[%add3A_25] : memref<320000xi32, #tpu.memory_space<hbm>> -> memref<4096xi32, #tpu.memory_space<hbm>>
      tpu.wait_dma2 semaphore(%run_scoped3A : memref<!tpu.dma_semaphore, #tpu.memory_space<semaphore_mem>>) src(%dma_wait3A_141 : memref<4096xi32, #tpu.memory_space<hbm>>) dst(%dma_wait3A_140 : memref<4096xi32, #tpu.memory_space<vmem>>)
      tpu.yield
    }) : () -> ()
    "tpu.region"() ({
      %run_scoped3A = tpu.sem_alloc : memref<!tpu.dma_semaphore, #tpu.memory_space<semaphore_mem>>
      %dma_start3A_130 = arith.constant 0 : i32
      %dma_start3A_131 = tpu.memref_slice %arg10[%dma_start3A_130] : memref<4096xi32, #tpu.memory_space<vmem>> -> memref<4096xi32, #tpu.memory_space<vmem>>
      %dma_start3A_132 = tpu.memref_slice %arg3[%add3A_25] : memref<320000xi32, #tpu.memory_space<hbm>> -> memref<4096xi32, #tpu.memory_space<hbm>>
      %dma_start3A_133 = arith.constant 0 : i32
      %dma_start3A_134 = tpu.memref_slice %arg10[%dma_start3A_133] : memref<4096xi32, #tpu.memory_space<vmem>> -> memref<4096xi32, #tpu.memory_space<vmem>>
      %dma_start3A_135 = tpu.memref_slice %arg3[%add3A_25] : memref<320000xi32, #tpu.memory_space<hbm>> -> memref<4096xi32, #tpu.memory_space<hbm>>
      tpu.enqueue_dma source(%dma_start3A_135 : memref<4096xi32, #tpu.memory_space<hbm>>) target(%dma_start3A_134 : memref<4096xi32, #tpu.memory_space<vmem>>) target_semaphore(%run_scoped3A : memref<!tpu.dma_semaphore, #tpu.memory_space<semaphore_mem>>)
      %dma_wait3A_136 = arith.constant 0 : i32
      %dma_wait3A_137 = tpu.memref_slice %arg10[%dma_wait3A_136] : memref<4096xi32, #tpu.memory_space<vmem>> -> memref<4096xi32, #tpu.memory_space<vmem>>
      %dma_wait3A_138 = tpu.memref_slice %arg3[%add3A_25] : memref<320000xi32, #tpu.memory_space<hbm>> -> memref<4096xi32, #tpu.memory_space<hbm>>
      %dma_wait3A_139 = arith.constant 0 : i32
      %dma_wait3A_140 = tpu.memref_slice %arg10[%dma_wait3A_139] : memref<4096xi32, #tpu.memory_space<vmem>> -> memref<4096xi32, #tpu.memory_space<vmem>>
      %dma_wait3A_141 = tpu.memref_slice %arg3[%add3A_25] : memref<320000xi32, #tpu.memory_space<hbm>> -> memref<4096xi32, #tpu.memory_space<hbm>>
      tpu.wait_dma2 semaphore(%run_scoped3A : memref<!tpu.dma_semaphore, #tpu.memory_space<semaphore_mem>>) src(%dma_wait3A_141 : memref<4096xi32, #tpu.memory_space<hbm>>) dst(%dma_wait3A_140 : memref<4096xi32, #tpu.memory_space<vmem>>)
      tpu.yield
    }) : () -> ()
    %add3A_26 = arith.addi %mul3A_10, %add3A_25 : i32
    "tpu.region"() ({
      %run_scoped3A = tpu.sem_alloc : memref<!tpu.dma_semaphore, #tpu.memory_space<semaphore_mem>>
      %dma_start3A_130 = arith.constant 0 : i32
      %dma_start3A_131 = tpu.memref_slice %arg11[%dma_start3A_130] : memref<4096xf32, #tpu.memory_space<vmem>> -> memref<4096xf32, #tpu.memory_space<vmem>>
      %dma_start3A_132 = tpu.memref_slice %arg5[%add3A_26] : memref<640000xf32, #tpu.memory_space<hbm>> -> memref<4096xf32, #tpu.memory_space<hbm>>
      %dma_start3A_133 = arith.constant 0 : i32
      %dma_start3A_134 = tpu.memref_slice %arg11[%dma_start3A_133] : memref<4096xf32, #tpu.memory_space<vmem>> -> memref<4096xf32, #tpu.memory_space<vmem>>
      %dma_start3A_135 = tpu.memref_slice %arg5[%add3A_26] : memref<640000xf32, #tpu.memory_space<hbm>> -> memref<4096xf32, #tpu.memory_space<hbm>>
      tpu.enqueue_dma source(%dma_start3A_135 : memref<4096xf32, #tpu.memory_space<hbm>>) target(%dma_start3A_134 : memref<4096xf32, #tpu.memory_space<vmem>>) target_semaphore(%run_scoped3A : memref<!tpu.dma_semaphore, #tpu.memory_space<semaphore_mem>>)
      %dma_wait3A_136 = arith.constant 0 : i32
      %dma_wait3A_137 = tpu.memref_slice %arg11[%dma_wait3A_136] : memref<4096xf32, #tpu.memory_space<vmem>> -> memref<4096xf32, #tpu.memory_space<vmem>>
      %dma_wait3A_138 = tpu.memref_slice %arg5[%add3A_26] : memref<640000xf32, #tpu.memory_space<hbm>> -> memref<4096xf32, #tpu.memory_space<hbm>>
      %dma_wait3A_139 = arith.constant 0 : i32
      %dma_wait3A_140 = tpu.memref_slice %arg11[%dma_wait3A_139] : memref<4096xf32, #tpu.memory_space<vmem>> -> memref<4096xf32, #tpu.memory_space<vmem>>
      %dma_wait3A_141 = tpu.memref_slice %arg5[%add3A_26] : memref<640000xf32, #tpu.memory_space<hbm>> -> memref<4096xf32, #tpu.memory_space<hbm>>
      tpu.wait_dma2 semaphore(%run_scoped3A : memref<!tpu.dma_semaphore, #tpu.memory_space<semaphore_mem>>) src(%dma_wait3A_141 : memref<4096xf32, #tpu.memory_space<hbm>>) dst(%dma_wait3A_140 : memref<4096xf32, #tpu.memory_space<vmem>>)
      tpu.yield
    }) : () -> ()
    %parallel_loop3A_27 = arith.constant 0 : i32
    %parallel_loop3A_28 = arith.constant 256 : i32
    %parallel_loop3A_29 = arith.constant 1 : i32
    scf.for %parallel_loop3A_130 = %parallel_loop3A_27 to %parallel_loop3A_28 step %parallel_loop3A_29  : i32 {
      %parallel_loop3A_131 = arith.constant 16 : i32
      %parallel_loop3A_132 = arith.muli %parallel_loop3A_130, %parallel_loop3A_131 : i32
      %parallel_loop3A_133 = arith.index_cast %parallel_loop3A_132 : i32 to index
      %parallel_loop3A_134 = tpu.vector_load %arg9[%parallel_loop3A_133] {strides = array<i32>} : memref<4096xi32, #tpu.memory_space<vmem>>, vector<16xi32>,
      %parallel_loop3A_135 = vector.broadcast %mul3A_8 : i32 to vector<16xi32>
      %parallel_loop3A_136 = arith.addi %parallel_loop3A_134, %parallel_loop3A_135 : vector<16xi32>
      %parallel_loop3A_137 = arith.index_cast %parallel_loop3A_132 : i32 to index
      %parallel_loop3A_138 = tpu.vector_load %arg9[%parallel_loop3A_137] {strides = array<i32>} : memref<4096xi32, #tpu.memory_space<vmem>>, vector<16xi32>,
      tpu.vector_store %arg9[%parallel_loop3A_137], %parallel_loop3A_136 {strides = array<i32>} : memref<4096xi32, #tpu.memory_space<vmem>>, vector<16xi32>,
    } {sc.loop_unroll_factor = 4 : i64, sc.parallel_access}
    %dma_start3A_30 = arith.constant 0 : i32
    %dma_start3A_31 = tpu.memref_slice %arg9[%dma_start3A_30] : memref<4096xi32, #tpu.memory_space<vmem>> -> memref<128xi32, #tpu.memory_space<vmem>>
    %dma_start3A_32 = arith.constant 0 : i32
    %dma_start3A_33 = arith.constant 0 : i32
    %dma_start3A_34 = tpu.memref_slice %arg2[%dma_start3A_32, %dma_start3A_33] : memref<20000x128xf32, #tpu.memory_space<hbm>> -> memref<20000x128xf32, #tpu.memory_space<hbm>>
    tpu.enqueue_indirect_dma source(%dma_start3A_34 : memref<20000x128xf32, #tpu.memory_space<hbm>>) target(%arg12 : memref<128x128xf32, #tpu.memory_space<vmem>>) offsets(%dma_start3A_31 : memref<128xi32, #tpu.memory_space<vmem>>) semaphore(%arg16 : memref<!tpu.dma_semaphore, #tpu.memory_space<semaphore_mem>>)
    %scan3A_35 = arith.constant 0 : i32
    %scan3A_36 = arith.constant 0 : i32
    %scan3A_37 = arith.constant 16 : i32
    %scan3A_38 = arith.addi %scan3A_36, %scan3A_37 : i32
    %scan3A_39 = arith.constant 1 : i32
    scf.for %scan3A_130 = %scan3A_36 to %scan3A_38 step %scan3A_39  : i32 {
      %mul3A_131 = arith.constant 2 : i32
      %mul3A_132 = arith.muli %scan3A_130, %mul3A_131 : i32
      %add3A_133 = arith.constant 1 : i32
      %add3A_134 = arith.addi %mul3A_132, %add3A_133 : i32
      %mul3A_135 = arith.constant 128 : i32
      %mul3A_136 = arith.muli %add3A_134, %mul3A_135 : i32
      %dma_start3A_137 = tpu.memref_slice %arg9[%mul3A_136] : memref<4096xi32, #tpu.memory_space<vmem>> -> memref<128xi32, #tpu.memory_space<vmem>>
      %dma_start3A_138 = arith.constant 0 : i32
      %dma_start3A_139 = arith.constant 0 : i32
      %dma_start3A_140 = tpu.memref_slice %arg2[%dma_start3A_138, %dma_start3A_139] : memref<20000x128xf32, #tpu.memory_space<hbm>> -> memref<20000x128xf32, #tpu.memory_space<hbm>>
      tpu.enqueue_indirect_dma source(%dma_start3A_140 : memref<20000x128xf32, #tpu.memory_space<hbm>>) target(%arg13 : memref<128x128xf32, #tpu.memory_space<vmem>>) offsets(%dma_start3A_137 : memref<128xi32, #tpu.memory_space<vmem>>) semaphore(%arg17 : memref<!tpu.dma_semaphore, #tpu.memory_space<semaphore_mem>>)
      %dma_wait3A_141 = arith.constant 0 : i32
      %dma_wait3A_142 = arith.constant 0 : i32
      %dma_wait3A_143 = tpu.memref_slice %arg2[%dma_wait3A_141, %dma_wait3A_142] : memref<20000x128xf32, #tpu.memory_space<hbm>> -> memref<128x128xf32, #tpu.memory_space<hbm>>
      %dma_wait3A_144 = arith.constant 0 : i32
      %dma_wait3A_145 = arith.constant 0 : i32
      %dma_wait3A_146 = tpu.memref_slice %arg2[%dma_wait3A_144, %dma_wait3A_145] : memref<20000x128xf32, #tpu.memory_space<hbm>> -> memref<128x128xf32, #tpu.memory_space<hbm>>
      tpu.wait_dma2 semaphore(%arg16 : memref<!tpu.dma_semaphore, #tpu.memory_space<semaphore_mem>>) src(%dma_wait3A_146 : memref<128x128xf32, #tpu.memory_space<hbm>>) dst(%arg12 : memref<128x128xf32, #tpu.memory_space<vmem>>)
      %mul3A_147 = arith.constant 128 : i32
      %mul3A_148 = arith.muli %mul3A_132, %mul3A_147 : i32
      %parallel_loop3A_149 = arith.constant 0 : i32
      %parallel_loop3A_150 = arith.constant 128 : i32
      %parallel_loop3A_151 = arith.constant 1 : i32
      scf.for %parallel_loop3A_171 = %parallel_loop3A_149 to %parallel_loop3A_150 step %parallel_loop3A_151  : i32 {
        %parallel_loop3A_172 = arith.addi %mul3A_148, %parallel_loop3A_171 : i32
        %parallel_loop3A_173 = vector.broadcast %parallel_loop3A_172 : i32 to vector<16xi32>
        %parallel_loop3A_174 = tpu.vector_load_idx %arg11[%parallel_loop3A_173] : memref<4096xf32, #tpu.memory_space<vmem>>[vector<16xi32>], vector<16xf32>,
        %parallel_loop3A_175 = arith.index_cast %parallel_loop3A_171 : i32 to index
        %parallel_loop3A_176 = arith.constant 0 : index
        %parallel_loop3A_177 = tpu.vector_load %arg12[%parallel_loop3A_175, %parallel_loop3A_176] {strides = array<i32>} : memref<128x128xf32, #tpu.memory_space<vmem>>, vector<16xf32>,
        %parallel_loop3A_178 = arith.mulf %parallel_loop3A_177, %parallel_loop3A_174 : vector<16xf32>
        %parallel_loop3A_179 = arith.index_cast %parallel_loop3A_171 : i32 to index
        %parallel_loop3A_180 = arith.constant 0 : index
        %parallel_loop3A_181 = tpu.vector_load %arg12[%parallel_loop3A_179, %parallel_loop3A_180] {strides = array<i32>} : memref<128x128xf32, #tpu.memory_space<vmem>>, vector<16xf32>,
        tpu.vector_store %arg12[%parallel_loop3A_179, %parallel_loop3A_180], %parallel_loop3A_178 {strides = array<i32>} : memref<128x128xf32, #tpu.memory_space<vmem>>, vector<16xf32>,
        %parallel_loop3A_182 = arith.index_cast %parallel_loop3A_171 : i32 to index
        %parallel_loop3A_183 = arith.constant 16 : index
        %parallel_loop3A_184 = tpu.vector_load %arg12[%parallel_loop3A_182, %parallel_loop3A_183] {strides = array<i32>} : memref<128x128xf32, #tpu.memory_space<vmem>>, vector<16xf32>,
        %parallel_loop3A_185 = arith.mulf %parallel_loop3A_184, %parallel_loop3A_174 : vector<16xf32>
        %parallel_loop3A_186 = arith.index_cast %parallel_loop3A_171 : i32 to index
        %parallel_loop3A_187 = arith.constant 16 : index
        %parallel_loop3A_188 = tpu.vector_load %arg12[%parallel_loop3A_186, %parallel_loop3A_187] {strides = array<i32>} : memref<128x128xf32, #tpu.memory_space<vmem>>, vector<16xf32>,
        tpu.vector_store %arg12[%parallel_loop3A_186, %parallel_loop3A_187], %parallel_loop3A_185 {strides = array<i32>} : memref<128x128xf32, #tpu.memory_space<vmem>>, vector<16xf32>,
        %parallel_loop3A_189 = arith.index_cast %parallel_loop3A_171 : i32 to index
        %parallel_loop3A_190 = arith.constant 32 : index
        %parallel_loop3A_191 = tpu.vector_load %arg12[%parallel_loop3A_189, %parallel_loop3A_190] {strides = array<i32>} : memref<128x128xf32, #tpu.memory_space<vmem>>, vector<16xf32>,
        %parallel_loop3A_192 = arith.mulf %parallel_loop3A_191, %parallel_loop3A_174 : vector<16xf32>
        %parallel_loop3A_193 = arith.index_cast %parallel_loop3A_171 : i32 to index
        %parallel_loop3A_194 = arith.constant 32 : index
        %parallel_loop3A_195 = tpu.vector_load %arg12[%parallel_loop3A_193, %parallel_loop3A_194] {strides = array<i32>} : memref<128x128xf32, #tpu.memory_space<vmem>>, vector<16xf32>,
        tpu.vector_store %arg12[%parallel_loop3A_193, %parallel_loop3A_194], %parallel_loop3A_192 {strides = array<i32>} : memref<128x128xf32, #tpu.memory_space<vmem>>, vector<16xf32>,
        %parallel_loop3A_196 = arith.index_cast %parallel_loop3A_171 : i32 to index
        %parallel_loop3A_197 = arith.constant 48 : index
        %parallel_loop3A_198 = tpu.vector_load %arg12[%parallel_loop3A_196, %parallel_loop3A_197] {strides = array<i32>} : memref<128x128xf32, #tpu.memory_space<vmem>>, vector<16xf32>,
        %parallel_loop3A_199 = arith.mulf %parallel_loop3A_198, %parallel_loop3A_174 : vector<16xf32>
        %parallel_loop3A_200 = arith.index_cast %parallel_loop3A_171 : i32 to index
        %parallel_loop3A_201 = arith.constant 48 : index
        %parallel_loop3A_202 = tpu.vector_load %arg12[%parallel_loop3A_200, %parallel_loop3A_201] {strides = array<i32>} : memref<128x128xf32, #tpu.memory_space<vmem>>, vector<16xf32>,
        tpu.vector_store %arg12[%parallel_loop3A_200, %parallel_loop3A_201], %parallel_loop3A_199 {strides = array<i32>} : memref<128x128xf32, #tpu.memory_space<vmem>>, vector<16xf32>,
        %parallel_loop3A_203 = arith.index_cast %parallel_loop3A_171 : i32 to index
        %parallel_loop3A_204 = arith.constant 64 : index
        %parallel_loop3A_205 = tpu.vector_load %arg12[%parallel_loop3A_203, %parallel_loop3A_204] {strides = array<i32>} : memref<128x128xf32, #tpu.memory_space<vmem>>, vector<16xf32>,
        %parallel_loop3A_206 = arith.mulf %parallel_loop3A_205, %parallel_loop3A_174 : vector<16xf32>
        %parallel_loop3A_207 = arith.index_cast %parallel_loop3A_171 : i32 to index
        %parallel_loop3A_208 = arith.constant 64 : index
        %parallel_loop3A_209 = tpu.vector_load %arg12[%parallel_loop3A_207, %parallel_loop3A_208] {strides = array<i32>} : memref<128x128xf32, #tpu.memory_space<vmem>>, vector<16xf32>,
        tpu.vector_store %arg12[%parallel_loop3A_207, %parallel_loop3A_208], %parallel_loop3A_206 {strides = array<i32>} : memref<128x128xf32, #tpu.memory_space<vmem>>, vector<16xf32>,
        %parallel_loop3A_210 = arith.index_cast %parallel_loop3A_171 : i32 to index
        %parallel_loop3A_211 = arith.constant 80 : index
        %parallel_loop3A_212 = tpu.vector_load %arg12[%parallel_loop3A_210, %parallel_loop3A_211] {strides = array<i32>} : memref<128x128xf32, #tpu.memory_space<vmem>>, vector<16xf32>,
        %parallel_loop3A_213 = arith.mulf %parallel_loop3A_212, %parallel_loop3A_174 : vector<16xf32>
        %parallel_loop3A_214 = arith.index_cast %parallel_loop3A_171 : i32 to index
        %parallel_loop3A_215 = arith.constant 80 : index
        %parallel_loop3A_216 = tpu.vector_load %arg12[%parallel_loop3A_214, %parallel_loop3A_215] {strides = array<i32>} : memref<128x128xf32, #tpu.memory_space<vmem>>, vector<16xf32>,
        tpu.vector_store %arg12[%parallel_loop3A_214, %parallel_loop3A_215], %parallel_loop3A_213 {strides = array<i32>} : memref<128x128xf32, #tpu.memory_space<vmem>>, vector<16xf32>,
        %parallel_loop3A_217 = arith.index_cast %parallel_loop3A_171 : i32 to index
        %parallel_loop3A_218 = arith.constant 96 : index
        %parallel_loop3A_219 = tpu.vector_load %arg12[%parallel_loop3A_217, %parallel_loop3A_218] {strides = array<i32>} : memref<128x128xf32, #tpu.memory_space<vmem>>, vector<16xf32>,
        %parallel_loop3A_220 = arith.mulf %parallel_loop3A_219, %parallel_loop3A_174 : vector<16xf32>
        %parallel_loop3A_221 = arith.index_cast %parallel_loop3A_171 : i32 to index
        %parallel_loop3A_222 = arith.constant 96 : index
        %parallel_loop3A_223 = tpu.vector_load %arg12[%parallel_loop3A_221, %parallel_loop3A_222] {strides = array<i32>} : memref<128x128xf32, #tpu.memory_space<vmem>>, vector<16xf32>,
        tpu.vector_store %arg12[%parallel_loop3A_221, %parallel_loop3A_222], %parallel_loop3A_220 {strides = array<i32>} : memref<128x128xf32, #tpu.memory_space<vmem>>, vector<16xf32>,
        %parallel_loop3A_224 = arith.index_cast %parallel_loop3A_171 : i32 to index
        %parallel_loop3A_225 = arith.constant 112 : index
        %parallel_loop3A_226 = tpu.vector_load %arg12[%parallel_loop3A_224, %parallel_loop3A_225] {strides = array<i32>} : memref<128x128xf32, #tpu.memory_space<vmem>>, vector<16xf32>,
        %parallel_loop3A_227 = arith.mulf %parallel_loop3A_226, %parallel_loop3A_174 : vector<16xf32>
        %parallel_loop3A_228 = arith.index_cast %parallel_loop3A_171 : i32 to index
        %parallel_loop3A_229 = arith.constant 112 : index
        %parallel_loop3A_230 = tpu.vector_load %arg12[%parallel_loop3A_228, %parallel_loop3A_229] {strides = array<i32>} : memref<128x128xf32, #tpu.memory_space<vmem>>, vector<16xf32>,
        tpu.vector_store %arg12[%parallel_loop3A_228, %parallel_loop3A_229], %parallel_loop3A_227 {strides = array<i32>} : memref<128x128xf32, #tpu.memory_space<vmem>>, vector<16xf32>,
      } {sc.loop_unroll_factor = 4 : i64, sc.parallel_access}
      "tpu.region"() ({
        %run_scoped3A = tpu.sem_alloc : memref<!tpu.dma_semaphore, #tpu.memory_space<semaphore_mem>>
        %dma_start3A_171 = tpu.memref_slice %arg10[%mul3A_148] : memref<4096xi32, #tpu.memory_space<vmem>> -> memref<128xi32, #tpu.memory_space<vmem>>
        %dma_start3A_172 = arith.constant 0 : i32
        %dma_start3A_173 = arith.constant 0 : i32
        %dma_start3A_174 = tpu.memref_slice %arg15[%dma_start3A_172, %dma_start3A_173] : memref<10000x128xf32, #tpu.memory_space<vmem_shared>> -> memref<10000x128xf32, #tpu.memory_space<vmem_shared>>
        tpu.enqueue_indirect_dma source(%arg12 : memref<128x128xf32, #tpu.memory_space<vmem>>) target(%dma_start3A_174 : memref<10000x128xf32, #tpu.memory_space<vmem_shared>>) offsets(%dma_start3A_171 : memref<128xi32, #tpu.memory_space<vmem>>) semaphore(%run_scoped3A : memref<!tpu.dma_semaphore, #tpu.memory_space<semaphore_mem>>) {add = true}
        %dma_wait3A_175 = tpu.memref_slice %arg10[%mul3A_148] : memref<4096xi32, #tpu.memory_space<vmem>> -> memref<128xi32, #tpu.memory_space<vmem>>
        %dma_wait3A_176 = arith.constant 0 : i32
        %dma_wait3A_177 = arith.constant 0 : i32
        %dma_wait3A_178 = tpu.memref_slice %arg15[%dma_wait3A_176, %dma_wait3A_177] : memref<10000x128xf32, #tpu.memory_space<vmem_shared>> -> memref<10000x128xf32, #tpu.memory_space<vmem_shared>>
        tpu.wait_indirect_dma semaphore(%run_scoped3A : memref<!tpu.dma_semaphore, #tpu.memory_space<semaphore_mem>>) src(%arg12 : memref<128x128xf32, #tpu.memory_space<vmem>>) dst(%dma_wait3A_178 : memref<10000x128xf32, #tpu.memory_space<vmem_shared>>)
        tpu.yield
      }) : () -> ()
      %add3A_152 = arith.constant 2 : i32
      %add3A_153 = arith.addi %mul3A_132, %add3A_152 : i32
      %lt3A = arith.constant 32 : i32
      %lt3A_154 = arith.cmpi slt, %add3A_153, %lt3A : i32
      %convert_element_type3A_155 = arith.extui %lt3A_154 : i1 to i32
      %cond3A_156 = arith.constant 0 : i32
      %cond3A_157 = arith.cmpi ne, %convert_element_type3A_155, %cond3A_156 : i32
      scf.if %cond3A_157 {
        %add3A_171 = arith.constant 2 : i32
        %add3A_172 = arith.addi %mul3A_132, %add3A_171 : i32
        %mul3A_173 = arith.constant 128 : i32
        %mul3A_174 = arith.muli %add3A_172, %mul3A_173 : i32
        %dma_start3A_175 = tpu.memref_slice %arg9[%mul3A_174] : memref<4096xi32, #tpu.memory_space<vmem>> -> memref<128xi32, #tpu.memory_space<vmem>>
        %dma_start3A_176 = arith.constant 0 : i32
        %dma_start3A_177 = arith.constant 0 : i32
        %dma_start3A_178 = tpu.memref_slice %arg2[%dma_start3A_176, %dma_start3A_177] : memref<20000x128xf32, #tpu.memory_space<hbm>> -> memref<20000x128xf32, #tpu.memory_space<hbm>>
        tpu.enqueue_indirect_dma source(%dma_start3A_178 : memref<20000x128xf32, #tpu.memory_space<hbm>>) target(%arg12 : memref<128x128xf32, #tpu.memory_space<vmem>>) offsets(%dma_start3A_175 : memref<128xi32, #tpu.memory_space<vmem>>) semaphore(%arg16 : memref<!tpu.dma_semaphore, #tpu.memory_space<semaphore_mem>>)
      } else {
      }
      %dma_wait3A_158 = arith.constant 0 : i32
      %dma_wait3A_159 = arith.constant 0 : i32
      %dma_wait3A_160 = tpu.memref_slice %arg2[%dma_wait3A_158, %dma_wait3A_159] : memref<20000x128xf32, #tpu.memory_space<hbm>> -> memref<128x128xf32, #tpu.memory_space<hbm>>
      %dma_wait3A_161 = arith.constant 0 : i32
      %dma_wait3A_162 = arith.constant 0 : i32
      %dma_wait3A_163 = tpu.memref_slice %arg2[%dma_wait3A_161, %dma_wait3A_162] : memref<20000x128xf32, #tpu.memory_space<hbm>> -> memref<128x128xf32, #tpu.memory_space<hbm>>
      tpu.wait_dma2 semaphore(%arg17 : memref<!tpu.dma_semaphore, #tpu.memory_space<semaphore_mem>>) src(%dma_wait3A_163 : memref<128x128xf32, #tpu.memory_space<hbm>>) dst(%arg13 : memref<128x128xf32, #tpu.memory_space<vmem>>)
      %add3A_164 = arith.constant 1 : i32
      %add3A_165 = arith.addi %mul3A_132, %add3A_164 : i32
      %mul3A_166 = arith.constant 128 : i32
      %mul3A_167 = arith.muli %add3A_165, %mul3A_166 : i32
      %parallel_loop3A_168 = arith.constant 0 : i32
      %parallel_loop3A_169 = arith.constant 128 : i32
      %parallel_loop3A_170 = arith.constant 1 : i32
      scf.for %parallel_loop3A_171 = %parallel_loop3A_168 to %parallel_loop3A_169 step %parallel_loop3A_170  : i32 {
        %parallel_loop3A_172 = arith.addi %mul3A_167, %parallel_loop3A_171 : i32
        %parallel_loop3A_173 = vector.broadcast %parallel_loop3A_172 : i32 to vector<16xi32>
        %parallel_loop3A_174 = tpu.vector_load_idx %arg11[%parallel_loop3A_173] : memref<4096xf32, #tpu.memory_space<vmem>>[vector<16xi32>], vector<16xf32>,
        %parallel_loop3A_175 = arith.index_cast %parallel_loop3A_171 : i32 to index
        %parallel_loop3A_176 = arith.constant 0 : index
        %parallel_loop3A_177 = tpu.vector_load %arg13[%parallel_loop3A_175, %parallel_loop3A_176] {strides = array<i32>} : memref<128x128xf32, #tpu.memory_space<vmem>>, vector<16xf32>,
        %parallel_loop3A_178 = arith.mulf %parallel_loop3A_177, %parallel_loop3A_174 : vector<16xf32>
        %parallel_loop3A_179 = arith.index_cast %parallel_loop3A_171 : i32 to index
        %parallel_loop3A_180 = arith.constant 0 : index
        %parallel_loop3A_181 = tpu.vector_load %arg13[%parallel_loop3A_179, %parallel_loop3A_180] {strides = array<i32>} : memref<128x128xf32, #tpu.memory_space<vmem>>, vector<16xf32>,
        tpu.vector_store %arg13[%parallel_loop3A_179, %parallel_loop3A_180], %parallel_loop3A_178 {strides = array<i32>} : memref<128x128xf32, #tpu.memory_space<vmem>>, vector<16xf32>,
        %parallel_loop3A_182 = arith.index_cast %parallel_loop3A_171 : i32 to index
        %parallel_loop3A_183 = arith.constant 16 : index
        %parallel_loop3A_184 = tpu.vector_load %arg13[%parallel_loop3A_182, %parallel_loop3A_183] {strides = array<i32>} : memref<128x128xf32, #tpu.memory_space<vmem>>, vector<16xf32>,
        %parallel_loop3A_185 = arith.mulf %parallel_loop3A_184, %parallel_loop3A_174 : vector<16xf32>
        %parallel_loop3A_186 = arith.index_cast %parallel_loop3A_171 : i32 to index
        %parallel_loop3A_187 = arith.constant 16 : index
        %parallel_loop3A_188 = tpu.vector_load %arg13[%parallel_loop3A_186, %parallel_loop3A_187] {strides = array<i32>} : memref<128x128xf32, #tpu.memory_space<vmem>>, vector<16xf32>,
        tpu.vector_store %arg13[%parallel_loop3A_186, %parallel_loop3A_187], %parallel_loop3A_185 {strides = array<i32>} : memref<128x128xf32, #tpu.memory_space<vmem>>, vector<16xf32>,
        %parallel_loop3A_189 = arith.index_cast %parallel_loop3A_171 : i32 to index
        %parallel_loop3A_190 = arith.constant 32 : index
        %parallel_loop3A_191 = tpu.vector_load %arg13[%parallel_loop3A_189, %parallel_loop3A_190] {strides = array<i32>} : memref<128x128xf32, #tpu.memory_space<vmem>>, vector<16xf32>,
        %parallel_loop3A_192 = arith.mulf %parallel_loop3A_191, %parallel_loop3A_174 : vector<16xf32>
        %parallel_loop3A_193 = arith.index_cast %parallel_loop3A_171 : i32 to index
        %parallel_loop3A_194 = arith.constant 32 : index
        %parallel_loop3A_195 = tpu.vector_load %arg13[%parallel_loop3A_193, %parallel_loop3A_194] {strides = array<i32>} : memref<128x128xf32, #tpu.memory_space<vmem>>, vector<16xf32>,
        tpu.vector_store %arg13[%parallel_loop3A_193, %parallel_loop3A_194], %parallel_loop3A_192 {strides = array<i32>} : memref<128x128xf32, #tpu.memory_space<vmem>>, vector<16xf32>,
        %parallel_loop3A_196 = arith.index_cast %parallel_loop3A_171 : i32 to index
        %parallel_loop3A_197 = arith.constant 48 : index
        %parallel_loop3A_198 = tpu.vector_load %arg13[%parallel_loop3A_196, %parallel_loop3A_197] {strides = array<i32>} : memref<128x128xf32, #tpu.memory_space<vmem>>, vector<16xf32>,
        %parallel_loop3A_199 = arith.mulf %parallel_loop3A_198, %parallel_loop3A_174 : vector<16xf32>
        %parallel_loop3A_200 = arith.index_cast %parallel_loop3A_171 : i32 to index
        %parallel_loop3A_201 = arith.constant 48 : index
        %parallel_loop3A_202 = tpu.vector_load %arg13[%parallel_loop3A_200, %parallel_loop3A_201] {strides = array<i32>} : memref<128x128xf32, #tpu.memory_space<vmem>>, vector<16xf32>,
        tpu.vector_store %arg13[%parallel_loop3A_200, %parallel_loop3A_201], %parallel_loop3A_199 {strides = array<i32>} : memref<128x128xf32, #tpu.memory_space<vmem>>, vector<16xf32>,
        %parallel_loop3A_203 = arith.index_cast %parallel_loop3A_171 : i32 to index
        %parallel_loop3A_204 = arith.constant 64 : index
        %parallel_loop3A_205 = tpu.vector_load %arg13[%parallel_loop3A_203, %parallel_loop3A_204] {strides = array<i32>} : memref<128x128xf32, #tpu.memory_space<vmem>>, vector<16xf32>,
        %parallel_loop3A_206 = arith.mulf %parallel_loop3A_205, %parallel_loop3A_174 : vector<16xf32>
        %parallel_loop3A_207 = arith.index_cast %parallel_loop3A_171 : i32 to index
        %parallel_loop3A_208 = arith.constant 64 : index
        %parallel_loop3A_209 = tpu.vector_load %arg13[%parallel_loop3A_207, %parallel_loop3A_208] {strides = array<i32>} : memref<128x128xf32, #tpu.memory_space<vmem>>, vector<16xf32>,
        tpu.vector_store %arg13[%parallel_loop3A_207, %parallel_loop3A_208], %parallel_loop3A_206 {strides = array<i32>} : memref<128x128xf32, #tpu.memory_space<vmem>>, vector<16xf32>,
        %parallel_loop3A_210 = arith.index_cast %parallel_loop3A_171 : i32 to index
        %parallel_loop3A_211 = arith.constant 80 : index
        %parallel_loop3A_212 = tpu.vector_load %arg13[%parallel_loop3A_210, %parallel_loop3A_211] {strides = array<i32>} : memref<128x128xf32, #tpu.memory_space<vmem>>, vector<16xf32>,
        %parallel_loop3A_213 = arith.mulf %parallel_loop3A_212, %parallel_loop3A_174 : vector<16xf32>
        %parallel_loop3A_214 = arith.index_cast %parallel_loop3A_171 : i32 to index
        %parallel_loop3A_215 = arith.constant 80 : index
        %parallel_loop3A_216 = tpu.vector_load %arg13[%parallel_loop3A_214, %parallel_loop3A_215] {strides = array<i32>} : memref<128x128xf32, #tpu.memory_space<vmem>>, vector<16xf32>,
        tpu.vector_store %arg13[%parallel_loop3A_214, %parallel_loop3A_215], %parallel_loop3A_213 {strides = array<i32>} : memref<128x128xf32, #tpu.memory_space<vmem>>, vector<16xf32>,
        %parallel_loop3A_217 = arith.index_cast %parallel_loop3A_171 : i32 to index
        %parallel_loop3A_218 = arith.constant 96 : index
        %parallel_loop3A_219 = tpu.vector_load %arg13[%parallel_loop3A_217, %parallel_loop3A_218] {strides = array<i32>} : memref<128x128xf32, #tpu.memory_space<vmem>>, vector<16xf32>,
        %parallel_loop3A_220 = arith.mulf %parallel_loop3A_219, %parallel_loop3A_174 : vector<16xf32>
        %parallel_loop3A_221 = arith.index_cast %parallel_loop3A_171 : i32 to index
        %parallel_loop3A_222 = arith.constant 96 : index
        %parallel_loop3A_223 = tpu.vector_load %arg13[%parallel_loop3A_221, %parallel_loop3A_222] {strides = array<i32>} : memref<128x128xf32, #tpu.memory_space<vmem>>, vector<16xf32>,
        tpu.vector_store %arg13[%parallel_loop3A_221, %parallel_loop3A_222], %parallel_loop3A_220 {strides = array<i32>} : memref<128x128xf32, #tpu.memory_space<vmem>>, vector<16xf32>,
        %parallel_loop3A_224 = arith.index_cast %parallel_loop3A_171 : i32 to index
        %parallel_loop3A_225 = arith.constant 112 : index
        %parallel_loop3A_226 = tpu.vector_load %arg13[%parallel_loop3A_224, %parallel_loop3A_225] {strides = array<i32>} : memref<128x128xf32, #tpu.memory_space<vmem>>, vector<16xf32>,
        %parallel_loop3A_227 = arith.mulf %parallel_loop3A_226, %parallel_loop3A_174 : vector<16xf32>
        %parallel_loop3A_228 = arith.index_cast %parallel_loop3A_171 : i32 to index
        %parallel_loop3A_229 = arith.constant 112 : index
        %parallel_loop3A_230 = tpu.vector_load %arg13[%parallel_loop3A_228, %parallel_loop3A_229] {strides = array<i32>} : memref<128x128xf32, #tpu.memory_space<vmem>>, vector<16xf32>,
        tpu.vector_store %arg13[%parallel_loop3A_228, %parallel_loop3A_229], %parallel_loop3A_227 {strides = array<i32>} : memref<128x128xf32, #tpu.memory_space<vmem>>, vector<16xf32>,
      } {sc.loop_unroll_factor = 4 : i64, sc.parallel_access}
      "tpu.region"() ({
        %run_scoped3A = tpu.sem_alloc : memref<!tpu.dma_semaphore, #tpu.memory_space<semaphore_mem>>
        %dma_start3A_171 = tpu.memref_slice %arg10[%mul3A_167] : memref<4096xi32, #tpu.memory_space<vmem>> -> memref<128xi32, #tpu.memory_space<vmem>>
        %dma_start3A_172 = arith.constant 0 : i32
        %dma_start3A_173 = arith.constant 0 : i32
        %dma_start3A_174 = tpu.memref_slice %arg15[%dma_start3A_172, %dma_start3A_173] : memref<10000x128xf32, #tpu.memory_space<vmem_shared>> -> memref<10000x128xf32, #tpu.memory_space<vmem_shared>>
        tpu.enqueue_indirect_dma source(%arg13 : memref<128x128xf32, #tpu.memory_space<vmem>>) target(%dma_start3A_174 : memref<10000x128xf32, #tpu.memory_space<vmem_shared>>) offsets(%dma_start3A_171 : memref<128xi32, #tpu.memory_space<vmem>>) semaphore(%run_scoped3A : memref<!tpu.dma_semaphore, #tpu.memory_space<semaphore_mem>>) {add = true}
        %dma_wait3A_175 = tpu.memref_slice %arg10[%mul3A_167] : memref<4096xi32, #tpu.memory_space<vmem>> -> memref<128xi32, #tpu.memory_space<vmem>>
        %dma_wait3A_176 = arith.constant 0 : i32
        %dma_wait3A_177 = arith.constant 0 : i32
        %dma_wait3A_178 = tpu.memref_slice %arg15[%dma_wait3A_176, %dma_wait3A_177] : memref<10000x128xf32, #tpu.memory_space<vmem_shared>> -> memref<10000x128xf32, #tpu.memory_space<vmem_shared>>
        tpu.wait_indirect_dma semaphore(%run_scoped3A : memref<!tpu.dma_semaphore, #tpu.memory_space<semaphore_mem>>) src(%arg13 : memref<128x128xf32, #tpu.memory_space<vmem>>) dst(%dma_wait3A_178 : memref<10000x128xf32, #tpu.memory_space<vmem_shared>>)
        tpu.yield
      }) : () -> ()
    }
    %scan3A_40 = arith.constant 16 : i32
    %add3A_41 = arith.constant 8192 : i32
    %add3A_42 = arith.addi %mul3A_6, %add3A_41 : i32
    "tpu.region"() ({
      %run_scoped3A = tpu.sem_alloc : memref<!tpu.dma_semaphore, #tpu.memory_space<semaphore_mem>>
      %dma_start3A_130 = arith.constant 0 : i32
      %dma_start3A_131 = tpu.memref_slice %arg9[%dma_start3A_130] : memref<4096xi32, #tpu.memory_space<vmem>> -> memref<4096xi32, #tpu.memory_space<vmem>>
      %dma_start3A_132 = tpu.memref_slice %arg4[%add3A_42] : memref<320000xi32, #tpu.memory_space<hbm>> -> memref<4096xi32, #tpu.memory_space<hbm>>
      %dma_start3A_133 = arith.constant 0 : i32
      %dma_start3A_134 = tpu.memref_slice %arg9[%dma_start3A_133] : memref<4096xi32, #tpu.memory_space<vmem>> -> memref<4096xi32, #tpu.memory_space<vmem>>
      %dma_start3A_135 = tpu.memref_slice %arg4[%add3A_42] : memref<320000xi32, #tpu.memory_space<hbm>> -> memref<4096xi32, #tpu.memory_space<hbm>>
      tpu.enqueue_dma source(%dma_start3A_135 : memref<4096xi32, #tpu.memory_space<hbm>>) target(%dma_start3A_134 : memref<4096xi32, #tpu.memory_space<vmem>>) target_semaphore(%run_scoped3A : memref<!tpu.dma_semaphore, #tpu.memory_space<semaphore_mem>>)
      %dma_wait3A_136 = arith.constant 0 : i32
      %dma_wait3A_137 = tpu.memref_slice %arg9[%dma_wait3A_136] : memref<4096xi32, #tpu.memory_space<vmem>> -> memref<4096xi32, #tpu.memory_space<vmem>>
      %dma_wait3A_138 = tpu.memref_slice %arg4[%add3A_42] : memref<320000xi32, #tpu.memory_space<hbm>> -> memref<4096xi32, #tpu.memory_space<hbm>>
      %dma_wait3A_139 = arith.constant 0 : i32
      %dma_wait3A_140 = tpu.memref_slice %arg9[%dma_wait3A_139] : memref<4096xi32, #tpu.memory_space<vmem>> -> memref<4096xi32, #tpu.memory_space<vmem>>
      %dma_wait3A_141 = tpu.memref_slice %arg4[%add3A_42] : memref<320000xi32, #tpu.memory_space<hbm>> -> memref<4096xi32, #tpu.memory_space<hbm>>
      tpu.wait_dma2 semaphore(%run_scoped3A : memref<!tpu.dma_semaphore, #tpu.memory_space<semaphore_mem>>) src(%dma_wait3A_141 : memref<4096xi32, #tpu.memory_space<hbm>>) dst(%dma_wait3A_140 : memref<4096xi32, #tpu.memory_space<vmem>>)
      tpu.yield
    }) : () -> ()
    "tpu.region"() ({
      %run_scoped3A = tpu.sem_alloc : memref<!tpu.dma_semaphore, #tpu.memory_space<semaphore_mem>>
      %dma_start3A_130 = arith.constant 0 : i32
      %dma_start3A_131 = tpu.memref_slice %arg10[%dma_start3A_130] : memref<4096xi32, #tpu.memory_space<vmem>> -> memref<4096xi32, #tpu.memory_space<vmem>>
      %dma_start3A_132 = tpu.memref_slice %arg3[%add3A_42] : memref<320000xi32, #tpu.memory_space<hbm>> -> memref<4096xi32, #tpu.memory_space<hbm>>
      %dma_start3A_133 = arith.constant 0 : i32
      %dma_start3A_134 = tpu.memref_slice %arg10[%dma_start3A_133] : memref<4096xi32, #tpu.memory_space<vmem>> -> memref<4096xi32, #tpu.memory_space<vmem>>
      %dma_start3A_135 = tpu.memref_slice %arg3[%add3A_42] : memref<320000xi32, #tpu.memory_space<hbm>> -> memref<4096xi32, #tpu.memory_space<hbm>>
      tpu.enqueue_dma source(%dma_start3A_135 : memref<4096xi32, #tpu.memory_space<hbm>>) target(%dma_start3A_134 : memref<4096xi32, #tpu.memory_space<vmem>>) target_semaphore(%run_scoped3A : memref<!tpu.dma_semaphore, #tpu.memory_space<semaphore_mem>>)
      %dma_wait3A_136 = arith.constant 0 : i32
      %dma_wait3A_137 = tpu.memref_slice %arg10[%dma_wait3A_136] : memref<4096xi32, #tpu.memory_space<vmem>> -> memref<4096xi32, #tpu.memory_space<vmem>>
      %dma_wait3A_138 = tpu.memref_slice %arg3[%add3A_42] : memref<320000xi32, #tpu.memory_space<hbm>> -> memref<4096xi32, #tpu.memory_space<hbm>>
      %dma_wait3A_139 = arith.constant 0 : i32
      %dma_wait3A_140 = tpu.memref_slice %arg10[%dma_wait3A_139] : memref<4096xi32, #tpu.memory_space<vmem>> -> memref<4096xi32, #tpu.memory_space<vmem>>
      %dma_wait3A_141 = tpu.memref_slice %arg3[%add3A_42] : memref<320000xi32, #tpu.memory_space<hbm>> -> memref<4096xi32, #tpu.memory_space<hbm>>
      tpu.wait_dma2 semaphore(%run_scoped3A : memref<!tpu.dma_semaphore, #tpu.memory_space<semaphore_mem>>) src(%dma_wait3A_141 : memref<4096xi32, #tpu.memory_space<hbm>>) dst(%dma_wait3A_140 : memref<4096xi32, #tpu.memory_space<vmem>>)
      tpu.yield
    }) : () -> ()
    %add3A_43 = arith.addi %mul3A_10, %add3A_42 : i32
    "tpu.region"() ({
      %run_scoped3A = tpu.sem_alloc : memref<!tpu.dma_semaphore, #tpu.memory_space<semaphore_mem>>
      %dma_start3A_130 = arith.constant 0 : i32
      %dma_start3A_131 = tpu.memref_slice %arg11[%dma_start3A_130] : memref<4096xf32, #tpu.memory_space<vmem>> -> memref<4096xf32, #tpu.memory_space<vmem>>
      %dma_start3A_132 = tpu.memref_slice %arg5[%add3A_43] : memref<640000xf32, #tpu.memory_space<hbm>> -> memref<4096xf32, #tpu.memory_space<hbm>>
      %dma_start3A_133 = arith.constant 0 : i32
      %dma_start3A_134 = tpu.memref_slice %arg11[%dma_start3A_133] : memref<4096xf32, #tpu.memory_space<vmem>> -> memref<4096xf32, #tpu.memory_space<vmem>>
      %dma_start3A_135 = tpu.memref_slice %arg5[%add3A_43] : memref<640000xf32, #tpu.memory_space<hbm>> -> memref<4096xf32, #tpu.memory_space<hbm>>
      tpu.enqueue_dma source(%dma_start3A_135 : memref<4096xf32, #tpu.memory_space<hbm>>) target(%dma_start3A_134 : memref<4096xf32, #tpu.memory_space<vmem>>) target_semaphore(%run_scoped3A : memref<!tpu.dma_semaphore, #tpu.memory_space<semaphore_mem>>)
      %dma_wait3A_136 = arith.constant 0 : i32
      %dma_wait3A_137 = tpu.memref_slice %arg11[%dma_wait3A_136] : memref<4096xf32, #tpu.memory_space<vmem>> -> memref<4096xf32, #tpu.memory_space<vmem>>
      %dma_wait3A_138 = tpu.memref_slice %arg5[%add3A_43] : memref<640000xf32, #tpu.memory_space<hbm>> -> memref<4096xf32, #tpu.memory_space<hbm>>
      %dma_wait3A_139 = arith.constant 0 : i32
      %dma_wait3A_140 = tpu.memref_slice %arg11[%dma_wait3A_139] : memref<4096xf32, #tpu.memory_space<vmem>> -> memref<4096xf32, #tpu.memory_space<vmem>>
      %dma_wait3A_141 = tpu.memref_slice %arg5[%add3A_43] : memref<640000xf32, #tpu.memory_space<hbm>> -> memref<4096xf32, #tpu.memory_space<hbm>>
      tpu.wait_dma2 semaphore(%run_scoped3A : memref<!tpu.dma_semaphore, #tpu.memory_space<semaphore_mem>>) src(%dma_wait3A_141 : memref<4096xf32, #tpu.memory_space<hbm>>) dst(%dma_wait3A_140 : memref<4096xf32, #tpu.memory_space<vmem>>)
      tpu.yield
    }) : () -> ()
    %parallel_loop3A_44 = arith.constant 0 : i32
    %parallel_loop3A_45 = arith.constant 256 : i32
    %parallel_loop3A_46 = arith.constant 1 : i32
    scf.for %parallel_loop3A_130 = %parallel_loop3A_44 to %parallel_loop3A_45 step %parallel_loop3A_46  : i32 {
      %parallel_loop3A_131 = arith.constant 16 : i32
      %parallel_loop3A_132 = arith.muli %parallel_loop3A_130, %parallel_loop3A_131 : i32
      %parallel_loop3A_133 = arith.index_cast %parallel_loop3A_132 : i32 to index
      %parallel_loop3A_134 = tpu.vector_load %arg9[%parallel_loop3A_133] {strides = array<i32>} : memref<4096xi32, #tpu.memory_space<vmem>>, vector<16xi32>,
      %parallel_loop3A_135 = vector.broadcast %mul3A_8 : i32 to vector<16xi32>
      %parallel_loop3A_136 = arith.addi %parallel_loop3A_134, %parallel_loop3A_135 : vector<16xi32>
      %parallel_loop3A_137 = arith.index_cast %parallel_loop3A_132 : i32 to index
      %parallel_loop3A_138 = tpu.vector_load %arg9[%parallel_loop3A_137] {strides = array<i32>} : memref<4096xi32, #tpu.memory_space<vmem>>, vector<16xi32>,
      tpu.vector_store %arg9[%parallel_loop3A_137], %parallel_loop3A_136 {strides = array<i32>} : memref<4096xi32, #tpu.memory_space<vmem>>, vector<16xi32>,
    } {sc.loop_unroll_factor = 4 : i64, sc.parallel_access}
    %dma_start3A_47 = arith.constant 0 : i32
    %dma_start3A_48 = tpu.memref_slice %arg9[%dma_start3A_47] : memref<4096xi32, #tpu.memory_space<vmem>> -> memref<128xi32, #tpu.memory_space<vmem>>
    %dma_start3A_49 = arith.constant 0 : i32
    %dma_start3A_50 = arith.constant 0 : i32
    %dma_start3A_51 = tpu.memref_slice %arg2[%dma_start3A_49, %dma_start3A_50] : memref<20000x128xf32, #tpu.memory_space<hbm>> -> memref<20000x128xf32, #tpu.memory_space<hbm>>
    tpu.enqueue_indirect_dma source(%dma_start3A_51 : memref<20000x128xf32, #tpu.memory_space<hbm>>) target(%arg12 : memref<128x128xf32, #tpu.memory_space<vmem>>) offsets(%dma_start3A_48 : memref<128xi32, #tpu.memory_space<vmem>>) semaphore(%arg16 : memref<!tpu.dma_semaphore, #tpu.memory_space<semaphore_mem>>)
    %scan3A_52 = arith.constant 0 : i32
    %scan3A_53 = arith.constant 0 : i32
    %scan3A_54 = arith.constant 16 : i32
    %scan3A_55 = arith.addi %scan3A_53, %scan3A_54 : i32
    %scan3A_56 = arith.constant 1 : i32
    scf.for %scan3A_130 = %scan3A_53 to %scan3A_55 step %scan3A_56  : i32 {
      %mul3A_131 = arith.constant 2 : i32
      %mul3A_132 = arith.muli %scan3A_130, %mul3A_131 : i32
      %add3A_133 = arith.constant 1 : i32
      %add3A_134 = arith.addi %mul3A_132, %add3A_133 : i32
      %mul3A_135 = arith.constant 128 : i32
      %mul3A_136 = arith.muli %add3A_134, %mul3A_135 : i32
      %dma_start3A_137 = tpu.memref_slice %arg9[%mul3A_136] : memref<4096xi32, #tpu.memory_space<vmem>> -> memref<128xi32, #tpu.memory_space<vmem>>
      %dma_start3A_138 = arith.constant 0 : i32
      %dma_start3A_139 = arith.constant 0 : i32
      %dma_start3A_140 = tpu.memref_slice %arg2[%dma_start3A_138, %dma_start3A_139] : memref<20000x128xf32, #tpu.memory_space<hbm>> -> memref<20000x128xf32, #tpu.memory_space<hbm>>
      tpu.enqueue_indirect_dma source(%dma_start3A_140 : memref<20000x128xf32, #tpu.memory_space<hbm>>) target(%arg13 : memref<128x128xf32, #tpu.memory_space<vmem>>) offsets(%dma_start3A_137 : memref<128xi32, #tpu.memory_space<vmem>>) semaphore(%arg17 : memref<!tpu.dma_semaphore, #tpu.memory_space<semaphore_mem>>)
      %dma_wait3A_141 = arith.constant 0 : i32
      %dma_wait3A_142 = arith.constant 0 : i32
      %dma_wait3A_143 = tpu.memref_slice %arg2[%dma_wait3A_141, %dma_wait3A_142] : memref<20000x128xf32, #tpu.memory_space<hbm>> -> memref<128x128xf32, #tpu.memory_space<hbm>>
      %dma_wait3A_144 = arith.constant 0 : i32
      %dma_wait3A_145 = arith.constant 0 : i32
      %dma_wait3A_146 = tpu.memref_slice %arg2[%dma_wait3A_144, %dma_wait3A_145] : memref<20000x128xf32, #tpu.memory_space<hbm>> -> memref<128x128xf32, #tpu.memory_space<hbm>>
      tpu.wait_dma2 semaphore(%arg16 : memref<!tpu.dma_semaphore, #tpu.memory_space<semaphore_mem>>) src(%dma_wait3A_146 : memref<128x128xf32, #tpu.memory_space<hbm>>) dst(%arg12 : memref<128x128xf32, #tpu.memory_space<vmem>>)
      %mul3A_147 = arith.constant 128 : i32
      %mul3A_148 = arith.muli %mul3A_132, %mul3A_147 : i32
      %parallel_loop3A_149 = arith.constant 0 : i32
      %parallel_loop3A_150 = arith.constant 128 : i32
      %parallel_loop3A_151 = arith.constant 1 : i32
      scf.for %parallel_loop3A_171 = %parallel_loop3A_149 to %parallel_loop3A_150 step %parallel_loop3A_151  : i32 {
        %parallel_loop3A_172 = arith.addi %mul3A_148, %parallel_loop3A_171 : i32
        %parallel_loop3A_173 = vector.broadcast %parallel_loop3A_172 : i32 to vector<16xi32>
        %parallel_loop3A_174 = tpu.vector_load_idx %arg11[%parallel_loop3A_173] : memref<4096xf32, #tpu.memory_space<vmem>>[vector<16xi32>], vector<16xf32>,
        %parallel_loop3A_175 = arith.index_cast %parallel_loop3A_171 : i32 to index
        %parallel_loop3A_176 = arith.constant 0 : index
        %parallel_loop3A_177 = tpu.vector_load %arg12[%parallel_loop3A_175, %parallel_loop3A_176] {strides = array<i32>} : memref<128x128xf32, #tpu.memory_space<vmem>>, vector<16xf32>,
        %parallel_loop3A_178 = arith.mulf %parallel_loop3A_177, %parallel_loop3A_174 : vector<16xf32>
        %parallel_loop3A_179 = arith.index_cast %parallel_loop3A_171 : i32 to index
        %parallel_loop3A_180 = arith.constant 0 : index
        %parallel_loop3A_181 = tpu.vector_load %arg12[%parallel_loop3A_179, %parallel_loop3A_180] {strides = array<i32>} : memref<128x128xf32, #tpu.memory_space<vmem>>, vector<16xf32>,
        tpu.vector_store %arg12[%parallel_loop3A_179, %parallel_loop3A_180], %parallel_loop3A_178 {strides = array<i32>} : memref<128x128xf32, #tpu.memory_space<vmem>>, vector<16xf32>,
        %parallel_loop3A_182 = arith.index_cast %parallel_loop3A_171 : i32 to index
        %parallel_loop3A_183 = arith.constant 16 : index
        %parallel_loop3A_184 = tpu.vector_load %arg12[%parallel_loop3A_182, %parallel_loop3A_183] {strides = array<i32>} : memref<128x128xf32, #tpu.memory_space<vmem>>, vector<16xf32>,
        %parallel_loop3A_185 = arith.mulf %parallel_loop3A_184, %parallel_loop3A_174 : vector<16xf32>
        %parallel_loop3A_186 = arith.index_cast %parallel_loop3A_171 : i32 to index
        %parallel_loop3A_187 = arith.constant 16 : index
        %parallel_loop3A_188 = tpu.vector_load %arg12[%parallel_loop3A_186, %parallel_loop3A_187] {strides = array<i32>} : memref<128x128xf32, #tpu.memory_space<vmem>>, vector<16xf32>,
        tpu.vector_store %arg12[%parallel_loop3A_186, %parallel_loop3A_187], %parallel_loop3A_185 {strides = array<i32>} : memref<128x128xf32, #tpu.memory_space<vmem>>, vector<16xf32>,
        %parallel_loop3A_189 = arith.index_cast %parallel_loop3A_171 : i32 to index
        %parallel_loop3A_190 = arith.constant 32 : index
        %parallel_loop3A_191 = tpu.vector_load %arg12[%parallel_loop3A_189, %parallel_loop3A_190] {strides = array<i32>} : memref<128x128xf32, #tpu.memory_space<vmem>>, vector<16xf32>,
        %parallel_loop3A_192 = arith.mulf %parallel_loop3A_191, %parallel_loop3A_174 : vector<16xf32>
        %parallel_loop3A_193 = arith.index_cast %parallel_loop3A_171 : i32 to index
        %parallel_loop3A_194 = arith.constant 32 : index
        %parallel_loop3A_195 = tpu.vector_load %arg12[%parallel_loop3A_193, %parallel_loop3A_194] {strides = array<i32>} : memref<128x128xf32, #tpu.memory_space<vmem>>, vector<16xf32>,
        tpu.vector_store %arg12[%parallel_loop3A_193, %parallel_loop3A_194], %parallel_loop3A_192 {strides = array<i32>} : memref<128x128xf32, #tpu.memory_space<vmem>>, vector<16xf32>,
        %parallel_loop3A_196 = arith.index_cast %parallel_loop3A_171 : i32 to index
        %parallel_loop3A_197 = arith.constant 48 : index
        %parallel_loop3A_198 = tpu.vector_load %arg12[%parallel_loop3A_196, %parallel_loop3A_197] {strides = array<i32>} : memref<128x128xf32, #tpu.memory_space<vmem>>, vector<16xf32>,
        %parallel_loop3A_199 = arith.mulf %parallel_loop3A_198, %parallel_loop3A_174 : vector<16xf32>
        %parallel_loop3A_200 = arith.index_cast %parallel_loop3A_171 : i32 to index
        %parallel_loop3A_201 = arith.constant 48 : index
        %parallel_loop3A_202 = tpu.vector_load %arg12[%parallel_loop3A_200, %parallel_loop3A_201] {strides = array<i32>} : memref<128x128xf32, #tpu.memory_space<vmem>>, vector<16xf32>,
        tpu.vector_store %arg12[%parallel_loop3A_200, %parallel_loop3A_201], %parallel_loop3A_199 {strides = array<i32>} : memref<128x128xf32, #tpu.memory_space<vmem>>, vector<16xf32>,
        %parallel_loop3A_203 = arith.index_cast %parallel_loop3A_171 : i32 to index
        %parallel_loop3A_204 = arith.constant 64 : index
        %parallel_loop3A_205 = tpu.vector_load %arg12[%parallel_loop3A_203, %parallel_loop3A_204] {strides = array<i32>} : memref<128x128xf32, #tpu.memory_space<vmem>>, vector<16xf32>,
        %parallel_loop3A_206 = arith.mulf %parallel_loop3A_205, %parallel_loop3A_174 : vector<16xf32>
        %parallel_loop3A_207 = arith.index_cast %parallel_loop3A_171 : i32 to index
        %parallel_loop3A_208 = arith.constant 64 : index
        %parallel_loop3A_209 = tpu.vector_load %arg12[%parallel_loop3A_207, %parallel_loop3A_208] {strides = array<i32>} : memref<128x128xf32, #tpu.memory_space<vmem>>, vector<16xf32>,
        tpu.vector_store %arg12[%parallel_loop3A_207, %parallel_loop3A_208], %parallel_loop3A_206 {strides = array<i32>} : memref<128x128xf32, #tpu.memory_space<vmem>>, vector<16xf32>,
        %parallel_loop3A_210 = arith.index_cast %parallel_loop3A_171 : i32 to index
        %parallel_loop3A_211 = arith.constant 80 : index
        %parallel_loop3A_212 = tpu.vector_load %arg12[%parallel_loop3A_210, %parallel_loop3A_211] {strides = array<i32>} : memref<128x128xf32, #tpu.memory_space<vmem>>, vector<16xf32>,
        %parallel_loop3A_213 = arith.mulf %parallel_loop3A_212, %parallel_loop3A_174 : vector<16xf32>
        %parallel_loop3A_214 = arith.index_cast %parallel_loop3A_171 : i32 to index
        %parallel_loop3A_215 = arith.constant 80 : index
        %parallel_loop3A_216 = tpu.vector_load %arg12[%parallel_loop3A_214, %parallel_loop3A_215] {strides = array<i32>} : memref<128x128xf32, #tpu.memory_space<vmem>>, vector<16xf32>,
        tpu.vector_store %arg12[%parallel_loop3A_214, %parallel_loop3A_215], %parallel_loop3A_213 {strides = array<i32>} : memref<128x128xf32, #tpu.memory_space<vmem>>, vector<16xf32>,
        %parallel_loop3A_217 = arith.index_cast %parallel_loop3A_171 : i32 to index
        %parallel_loop3A_218 = arith.constant 96 : index
        %parallel_loop3A_219 = tpu.vector_load %arg12[%parallel_loop3A_217, %parallel_loop3A_218] {strides = array<i32>} : memref<128x128xf32, #tpu.memory_space<vmem>>, vector<16xf32>,
        %parallel_loop3A_220 = arith.mulf %parallel_loop3A_219, %parallel_loop3A_174 : vector<16xf32>
        %parallel_loop3A_221 = arith.index_cast %parallel_loop3A_171 : i32 to index
        %parallel_loop3A_222 = arith.constant 96 : index
        %parallel_loop3A_223 = tpu.vector_load %arg12[%parallel_loop3A_221, %parallel_loop3A_222] {strides = array<i32>} : memref<128x128xf32, #tpu.memory_space<vmem>>, vector<16xf32>,
        tpu.vector_store %arg12[%parallel_loop3A_221, %parallel_loop3A_222], %parallel_loop3A_220 {strides = array<i32>} : memref<128x128xf32, #tpu.memory_space<vmem>>, vector<16xf32>,
        %parallel_loop3A_224 = arith.index_cast %parallel_loop3A_171 : i32 to index
        %parallel_loop3A_225 = arith.constant 112 : index
        %parallel_loop3A_226 = tpu.vector_load %arg12[%parallel_loop3A_224, %parallel_loop3A_225] {strides = array<i32>} : memref<128x128xf32, #tpu.memory_space<vmem>>, vector<16xf32>,
        %parallel_loop3A_227 = arith.mulf %parallel_loop3A_226, %parallel_loop3A_174 : vector<16xf32>
        %parallel_loop3A_228 = arith.index_cast %parallel_loop3A_171 : i32 to index
        %parallel_loop3A_229 = arith.constant 112 : index
        %parallel_loop3A_230 = tpu.vector_load %arg12[%parallel_loop3A_228, %parallel_loop3A_229] {strides = array<i32>} : memref<128x128xf32, #tpu.memory_space<vmem>>, vector<16xf32>,
        tpu.vector_store %arg12[%parallel_loop3A_228, %parallel_loop3A_229], %parallel_loop3A_227 {strides = array<i32>} : memref<128x128xf32, #tpu.memory_space<vmem>>, vector<16xf32>,
      } {sc.loop_unroll_factor = 4 : i64, sc.parallel_access}
      "tpu.region"() ({
        %run_scoped3A = tpu.sem_alloc : memref<!tpu.dma_semaphore, #tpu.memory_space<semaphore_mem>>
        %dma_start3A_171 = tpu.memref_slice %arg10[%mul3A_148] : memref<4096xi32, #tpu.memory_space<vmem>> -> memref<128xi32, #tpu.memory_space<vmem>>
        %dma_start3A_172 = arith.constant 0 : i32
        %dma_start3A_173 = arith.constant 0 : i32
        %dma_start3A_174 = tpu.memref_slice %arg15[%dma_start3A_172, %dma_start3A_173] : memref<10000x128xf32, #tpu.memory_space<vmem_shared>> -> memref<10000x128xf32, #tpu.memory_space<vmem_shared>>
        tpu.enqueue_indirect_dma source(%arg12 : memref<128x128xf32, #tpu.memory_space<vmem>>) target(%dma_start3A_174 : memref<10000x128xf32, #tpu.memory_space<vmem_shared>>) offsets(%dma_start3A_171 : memref<128xi32, #tpu.memory_space<vmem>>) semaphore(%run_scoped3A : memref<!tpu.dma_semaphore, #tpu.memory_space<semaphore_mem>>) {add = true}
        %dma_wait3A_175 = tpu.memref_slice %arg10[%mul3A_148] : memref<4096xi32, #tpu.memory_space<vmem>> -> memref<128xi32, #tpu.memory_space<vmem>>
        %dma_wait3A_176 = arith.constant 0 : i32
        %dma_wait3A_177 = arith.constant 0 : i32
        %dma_wait3A_178 = tpu.memref_slice %arg15[%dma_wait3A_176, %dma_wait3A_177] : memref<10000x128xf32, #tpu.memory_space<vmem_shared>> -> memref<10000x128xf32, #tpu.memory_space<vmem_shared>>
        tpu.wait_indirect_dma semaphore(%run_scoped3A : memref<!tpu.dma_semaphore, #tpu.memory_space<semaphore_mem>>) src(%arg12 : memref<128x128xf32, #tpu.memory_space<vmem>>) dst(%dma_wait3A_178 : memref<10000x128xf32, #tpu.memory_space<vmem_shared>>)
        tpu.yield
      }) : () -> ()
      %add3A_152 = arith.constant 2 : i32
      %add3A_153 = arith.addi %mul3A_132, %add3A_152 : i32
      %lt3A = arith.constant 32 : i32
      %lt3A_154 = arith.cmpi slt, %add3A_153, %lt3A : i32
      %convert_element_type3A_155 = arith.extui %lt3A_154 : i1 to i32
      %cond3A_156 = arith.constant 0 : i32
      %cond3A_157 = arith.cmpi ne, %convert_element_type3A_155, %cond3A_156 : i32
      scf.if %cond3A_157 {
        %add3A_171 = arith.constant 2 : i32
        %add3A_172 = arith.addi %mul3A_132, %add3A_171 : i32
        %mul3A_173 = arith.constant 128 : i32
        %mul3A_174 = arith.muli %add3A_172, %mul3A_173 : i32
        %dma_start3A_175 = tpu.memref_slice %arg9[%mul3A_174] : memref<4096xi32, #tpu.memory_space<vmem>> -> memref<128xi32, #tpu.memory_space<vmem>>
        %dma_start3A_176 = arith.constant 0 : i32
        %dma_start3A_177 = arith.constant 0 : i32
        %dma_start3A_178 = tpu.memref_slice %arg2[%dma_start3A_176, %dma_start3A_177] : memref<20000x128xf32, #tpu.memory_space<hbm>> -> memref<20000x128xf32, #tpu.memory_space<hbm>>
        tpu.enqueue_indirect_dma source(%dma_start3A_178 : memref<20000x128xf32, #tpu.memory_space<hbm>>) target(%arg12 : memref<128x128xf32, #tpu.memory_space<vmem>>) offsets(%dma_start3A_175 : memref<128xi32, #tpu.memory_space<vmem>>) semaphore(%arg16 : memref<!tpu.dma_semaphore, #tpu.memory_space<semaphore_mem>>)
      } else {
      }
      %dma_wait3A_158 = arith.constant 0 : i32
      %dma_wait3A_159 = arith.constant 0 : i32
      %dma_wait3A_160 = tpu.memref_slice %arg2[%dma_wait3A_158, %dma_wait3A_159] : memref<20000x128xf32, #tpu.memory_space<hbm>> -> memref<128x128xf32, #tpu.memory_space<hbm>>
      %dma_wait3A_161 = arith.constant 0 : i32
      %dma_wait3A_162 = arith.constant 0 : i32
      %dma_wait3A_163 = tpu.memref_slice %arg2[%dma_wait3A_161, %dma_wait3A_162] : memref<20000x128xf32, #tpu.memory_space<hbm>> -> memref<128x128xf32, #tpu.memory_space<hbm>>
      tpu.wait_dma2 semaphore(%arg17 : memref<!tpu.dma_semaphore, #tpu.memory_space<semaphore_mem>>) src(%dma_wait3A_163 : memref<128x128xf32, #tpu.memory_space<hbm>>) dst(%arg13 : memref<128x128xf32, #tpu.memory_space<vmem>>)
      %add3A_164 = arith.constant 1 : i32
      %add3A_165 = arith.addi %mul3A_132, %add3A_164 : i32
      %mul3A_166 = arith.constant 128 : i32
      %mul3A_167 = arith.muli %add3A_165, %mul3A_166 : i32
      %parallel_loop3A_168 = arith.constant 0 : i32
      %parallel_loop3A_169 = arith.constant 128 : i32
      %parallel_loop3A_170 = arith.constant 1 : i32
      scf.for %parallel_loop3A_171 = %parallel_loop3A_168 to %parallel_loop3A_169 step %parallel_loop3A_170  : i32 {
        %parallel_loop3A_172 = arith.addi %mul3A_167, %parallel_loop3A_171 : i32
        %parallel_loop3A_173 = vector.broadcast %parallel_loop3A_172 : i32 to vector<16xi32>
        %parallel_loop3A_174 = tpu.vector_load_idx %arg11[%parallel_loop3A_173] : memref<4096xf32, #tpu.memory_space<vmem>>[vector<16xi32>], vector<16xf32>,
        %parallel_loop3A_175 = arith.index_cast %parallel_loop3A_171 : i32 to index
        %parallel_loop3A_176 = arith.constant 0 : index
        %parallel_loop3A_177 = tpu.vector_load %arg13[%parallel_loop3A_175, %parallel_loop3A_176] {strides = array<i32>} : memref<128x128xf32, #tpu.memory_space<vmem>>, vector<16xf32>,
        %parallel_loop3A_178 = arith.mulf %parallel_loop3A_177, %parallel_loop3A_174 : vector<16xf32>
        %parallel_loop3A_179 = arith.index_cast %parallel_loop3A_171 : i32 to index
        %parallel_loop3A_180 = arith.constant 0 : index
        %parallel_loop3A_181 = tpu.vector_load %arg13[%parallel_loop3A_179, %parallel_loop3A_180] {strides = array<i32>} : memref<128x128xf32, #tpu.memory_space<vmem>>, vector<16xf32>,
        tpu.vector_store %arg13[%parallel_loop3A_179, %parallel_loop3A_180], %parallel_loop3A_178 {strides = array<i32>} : memref<128x128xf32, #tpu.memory_space<vmem>>, vector<16xf32>,
        %parallel_loop3A_182 = arith.index_cast %parallel_loop3A_171 : i32 to index
        %parallel_loop3A_183 = arith.constant 16 : index
        %parallel_loop3A_184 = tpu.vector_load %arg13[%parallel_loop3A_182, %parallel_loop3A_183] {strides = array<i32>} : memref<128x128xf32, #tpu.memory_space<vmem>>, vector<16xf32>,
        %parallel_loop3A_185 = arith.mulf %parallel_loop3A_184, %parallel_loop3A_174 : vector<16xf32>
        %parallel_loop3A_186 = arith.index_cast %parallel_loop3A_171 : i32 to index
        %parallel_loop3A_187 = arith.constant 16 : index
        %parallel_loop3A_188 = tpu.vector_load %arg13[%parallel_loop3A_186, %parallel_loop3A_187] {strides = array<i32>} : memref<128x128xf32, #tpu.memory_space<vmem>>, vector<16xf32>,
        tpu.vector_store %arg13[%parallel_loop3A_186, %parallel_loop3A_187], %parallel_loop3A_185 {strides = array<i32>} : memref<128x128xf32, #tpu.memory_space<vmem>>, vector<16xf32>,
        %parallel_loop3A_189 = arith.index_cast %parallel_loop3A_171 : i32 to index
        %parallel_loop3A_190 = arith.constant 32 : index
        %parallel_loop3A_191 = tpu.vector_load %arg13[%parallel_loop3A_189, %parallel_loop3A_190] {strides = array<i32>} : memref<128x128xf32, #tpu.memory_space<vmem>>, vector<16xf32>,
        %parallel_loop3A_192 = arith.mulf %parallel_loop3A_191, %parallel_loop3A_174 : vector<16xf32>
        %parallel_loop3A_193 = arith.index_cast %parallel_loop3A_171 : i32 to index
        %parallel_loop3A_194 = arith.constant 32 : index
        %parallel_loop3A_195 = tpu.vector_load %arg13[%parallel_loop3A_193, %parallel_loop3A_194] {strides = array<i32>} : memref<128x128xf32, #tpu.memory_space<vmem>>, vector<16xf32>,
        tpu.vector_store %arg13[%parallel_loop3A_193, %parallel_loop3A_194], %parallel_loop3A_192 {strides = array<i32>} : memref<128x128xf32, #tpu.memory_space<vmem>>, vector<16xf32>,
        %parallel_loop3A_196 = arith.index_cast %parallel_loop3A_171 : i32 to index
        %parallel_loop3A_197 = arith.constant 48 : index
        %parallel_loop3A_198 = tpu.vector_load %arg13[%parallel_loop3A_196, %parallel_loop3A_197] {strides = array<i32>} : memref<128x128xf32, #tpu.memory_space<vmem>>, vector<16xf32>,
        %parallel_loop3A_199 = arith.mulf %parallel_loop3A_198, %parallel_loop3A_174 : vector<16xf32>
        %parallel_loop3A_200 = arith.index_cast %parallel_loop3A_171 : i32 to index
        %parallel_loop3A_201 = arith.constant 48 : index
        %parallel_loop3A_202 = tpu.vector_load %arg13[%parallel_loop3A_200, %parallel_loop3A_201] {strides = array<i32>} : memref<128x128xf32, #tpu.memory_space<vmem>>, vector<16xf32>,
        tpu.vector_store %arg13[%parallel_loop3A_200, %parallel_loop3A_201], %parallel_loop3A_199 {strides = array<i32>} : memref<128x128xf32, #tpu.memory_space<vmem>>, vector<16xf32>,
        %parallel_loop3A_203 = arith.index_cast %parallel_loop3A_171 : i32 to index
        %parallel_loop3A_204 = arith.constant 64 : index
        %parallel_loop3A_205 = tpu.vector_load %arg13[%parallel_loop3A_203, %parallel_loop3A_204] {strides = array<i32>} : memref<128x128xf32, #tpu.memory_space<vmem>>, vector<16xf32>,
        %parallel_loop3A_206 = arith.mulf %parallel_loop3A_205, %parallel_loop3A_174 : vector<16xf32>
        %parallel_loop3A_207 = arith.index_cast %parallel_loop3A_171 : i32 to index
        %parallel_loop3A_208 = arith.constant 64 : index
        %parallel_loop3A_209 = tpu.vector_load %arg13[%parallel_loop3A_207, %parallel_loop3A_208] {strides = array<i32>} : memref<128x128xf32, #tpu.memory_space<vmem>>, vector<16xf32>,
        tpu.vector_store %arg13[%parallel_loop3A_207, %parallel_loop3A_208], %parallel_loop3A_206 {strides = array<i32>} : memref<128x128xf32, #tpu.memory_space<vmem>>, vector<16xf32>,
        %parallel_loop3A_210 = arith.index_cast %parallel_loop3A_171 : i32 to index
        %parallel_loop3A_211 = arith.constant 80 : index
        %parallel_loop3A_212 = tpu.vector_load %arg13[%parallel_loop3A_210, %parallel_loop3A_211] {strides = array<i32>} : memref<128x128xf32, #tpu.memory_space<vmem>>, vector<16xf32>,
        %parallel_loop3A_213 = arith.mulf %parallel_loop3A_212, %parallel_loop3A_174 : vector<16xf32>
        %parallel_loop3A_214 = arith.index_cast %parallel_loop3A_171 : i32 to index
        %parallel_loop3A_215 = arith.constant 80 : index
        %parallel_loop3A_216 = tpu.vector_load %arg13[%parallel_loop3A_214, %parallel_loop3A_215] {strides = array<i32>} : memref<128x128xf32, #tpu.memory_space<vmem>>, vector<16xf32>,
        tpu.vector_store %arg13[%parallel_loop3A_214, %parallel_loop3A_215], %parallel_loop3A_213 {strides = array<i32>} : memref<128x128xf32, #tpu.memory_space<vmem>>, vector<16xf32>,
        %parallel_loop3A_217 = arith.index_cast %parallel_loop3A_171 : i32 to index
        %parallel_loop3A_218 = arith.constant 96 : index
        %parallel_loop3A_219 = tpu.vector_load %arg13[%parallel_loop3A_217, %parallel_loop3A_218] {strides = array<i32>} : memref<128x128xf32, #tpu.memory_space<vmem>>, vector<16xf32>,
        %parallel_loop3A_220 = arith.mulf %parallel_loop3A_219, %parallel_loop3A_174 : vector<16xf32>
        %parallel_loop3A_221 = arith.index_cast %parallel_loop3A_171 : i32 to index
        %parallel_loop3A_222 = arith.constant 96 : index
        %parallel_loop3A_223 = tpu.vector_load %arg13[%parallel_loop3A_221, %parallel_loop3A_222] {strides = array<i32>} : memref<128x128xf32, #tpu.memory_space<vmem>>, vector<16xf32>,
        tpu.vector_store %arg13[%parallel_loop3A_221, %parallel_loop3A_222], %parallel_loop3A_220 {strides = array<i32>} : memref<128x128xf32, #tpu.memory_space<vmem>>, vector<16xf32>,
        %parallel_loop3A_224 = arith.index_cast %parallel_loop3A_171 : i32 to index
        %parallel_loop3A_225 = arith.constant 112 : index
        %parallel_loop3A_226 = tpu.vector_load %arg13[%parallel_loop3A_224, %parallel_loop3A_225] {strides = array<i32>} : memref<128x128xf32, #tpu.memory_space<vmem>>, vector<16xf32>,
        %parallel_loop3A_227 = arith.mulf %parallel_loop3A_226, %parallel_loop3A_174 : vector<16xf32>
        %parallel_loop3A_228 = arith.index_cast %parallel_loop3A_171 : i32 to index
        %parallel_loop3A_229 = arith.constant 112 : index
        %parallel_loop3A_230 = tpu.vector_load %arg13[%parallel_loop3A_228, %parallel_loop3A_229] {strides = array<i32>} : memref<128x128xf32, #tpu.memory_space<vmem>>, vector<16xf32>,
        tpu.vector_store %arg13[%parallel_loop3A_228, %parallel_loop3A_229], %parallel_loop3A_227 {strides = array<i32>} : memref<128x128xf32, #tpu.memory_space<vmem>>, vector<16xf32>,
      } {sc.loop_unroll_factor = 4 : i64, sc.parallel_access}
      "tpu.region"() ({
        %run_scoped3A = tpu.sem_alloc : memref<!tpu.dma_semaphore, #tpu.memory_space<semaphore_mem>>
        %dma_start3A_171 = tpu.memref_slice %arg10[%mul3A_167] : memref<4096xi32, #tpu.memory_space<vmem>> -> memref<128xi32, #tpu.memory_space<vmem>>
        %dma_start3A_172 = arith.constant 0 : i32
        %dma_start3A_173 = arith.constant 0 : i32
        %dma_start3A_174 = tpu.memref_slice %arg15[%dma_start3A_172, %dma_start3A_173] : memref<10000x128xf32, #tpu.memory_space<vmem_shared>> -> memref<10000x128xf32, #tpu.memory_space<vmem_shared>>
        tpu.enqueue_indirect_dma source(%arg13 : memref<128x128xf32, #tpu.memory_space<vmem>>) target(%dma_start3A_174 : memref<10000x128xf32, #tpu.memory_space<vmem_shared>>) offsets(%dma_start3A_171 : memref<128xi32, #tpu.memory_space<vmem>>) semaphore(%run_scoped3A : memref<!tpu.dma_semaphore, #tpu.memory_space<semaphore_mem>>) {add = true}
        %dma_wait3A_175 = tpu.memref_slice %arg10[%mul3A_167] : memref<4096xi32, #tpu.memory_space<vmem>> -> memref<128xi32, #tpu.memory_space<vmem>>
        %dma_wait3A_176 = arith.constant 0 : i32
        %dma_wait3A_177 = arith.constant 0 : i32
        %dma_wait3A_178 = tpu.memref_slice %arg15[%dma_wait3A_176, %dma_wait3A_177] : memref<10000x128xf32, #tpu.memory_space<vmem_shared>> -> memref<10000x128xf32, #tpu.memory_space<vmem_shared>>
        tpu.wait_indirect_dma semaphore(%run_scoped3A : memref<!tpu.dma_semaphore, #tpu.memory_space<semaphore_mem>>) src(%arg13 : memref<128x128xf32, #tpu.memory_space<vmem>>) dst(%dma_wait3A_178 : memref<10000x128xf32, #tpu.memory_space<vmem_shared>>)
        tpu.yield
      }) : () -> ()
    }
    %scan3A_57 = arith.constant 16 : i32
    %add3A_58 = arith.constant 12288 : i32
    %add3A_59 = arith.addi %mul3A_6, %add3A_58 : i32
    "tpu.region"() ({
      %run_scoped3A = tpu.sem_alloc : memref<!tpu.dma_semaphore, #tpu.memory_space<semaphore_mem>>
      %dma_start3A_130 = arith.constant 0 : i32
      %dma_start3A_131 = tpu.memref_slice %arg9[%dma_start3A_130] : memref<4096xi32, #tpu.memory_space<vmem>> -> memref<4096xi32, #tpu.memory_space<vmem>>
      %dma_start3A_132 = tpu.memref_slice %arg4[%add3A_59] : memref<320000xi32, #tpu.memory_space<hbm>> -> memref<4096xi32, #tpu.memory_space<hbm>>
      %dma_start3A_133 = arith.constant 0 : i32
      %dma_start3A_134 = tpu.memref_slice %arg9[%dma_start3A_133] : memref<4096xi32, #tpu.memory_space<vmem>> -> memref<4096xi32, #tpu.memory_space<vmem>>
      %dma_start3A_135 = tpu.memref_slice %arg4[%add3A_59] : memref<320000xi32, #tpu.memory_space<hbm>> -> memref<4096xi32, #tpu.memory_space<hbm>>
      tpu.enqueue_dma source(%dma_start3A_135 : memref<4096xi32, #tpu.memory_space<hbm>>) target(%dma_start3A_134 : memref<4096xi32, #tpu.memory_space<vmem>>) target_semaphore(%run_scoped3A : memref<!tpu.dma_semaphore, #tpu.memory_space<semaphore_mem>>)
      %dma_wait3A_136 = arith.constant 0 : i32
      %dma_wait3A_137 = tpu.memref_slice %arg9[%dma_wait3A_136] : memref<4096xi32, #tpu.memory_space<vmem>> -> memref<4096xi32, #tpu.memory_space<vmem>>
      %dma_wait3A_138 = tpu.memref_slice %arg4[%add3A_59] : memref<320000xi32, #tpu.memory_space<hbm>> -> memref<4096xi32, #tpu.memory_space<hbm>>
      %dma_wait3A_139 = arith.constant 0 : i32
      %dma_wait3A_140 = tpu.memref_slice %arg9[%dma_wait3A_139] : memref<4096xi32, #tpu.memory_space<vmem>> -> memref<4096xi32, #tpu.memory_space<vmem>>
      %dma_wait3A_141 = tpu.memref_slice %arg4[%add3A_59] : memref<320000xi32, #tpu.memory_space<hbm>> -> memref<4096xi32, #tpu.memory_space<hbm>>
      tpu.wait_dma2 semaphore(%run_scoped3A : memref<!tpu.dma_semaphore, #tpu.memory_space<semaphore_mem>>) src(%dma_wait3A_141 : memref<4096xi32, #tpu.memory_space<hbm>>) dst(%dma_wait3A_140 : memref<4096xi32, #tpu.memory_space<vmem>>)
      tpu.yield
    }) : () -> ()
    "tpu.region"() ({
      %run_scoped3A = tpu.sem_alloc : memref<!tpu.dma_semaphore, #tpu.memory_space<semaphore_mem>>
      %dma_start3A_130 = arith.constant 0 : i32
      %dma_start3A_131 = tpu.memref_slice %arg10[%dma_start3A_130] : memref<4096xi32, #tpu.memory_space<vmem>> -> memref<4096xi32, #tpu.memory_space<vmem>>
      %dma_start3A_132 = tpu.memref_slice %arg3[%add3A_59] : memref<320000xi32, #tpu.memory_space<hbm>> -> memref<4096xi32, #tpu.memory_space<hbm>>
      %dma_start3A_133 = arith.constant 0 : i32
      %dma_start3A_134 = tpu.memref_slice %arg10[%dma_start3A_133] : memref<4096xi32, #tpu.memory_space<vmem>> -> memref<4096xi32, #tpu.memory_space<vmem>>
      %dma_start3A_135 = tpu.memref_slice %arg3[%add3A_59] : memref<320000xi32, #tpu.memory_space<hbm>> -> memref<4096xi32, #tpu.memory_space<hbm>>
      tpu.enqueue_dma source(%dma_start3A_135 : memref<4096xi32, #tpu.memory_space<hbm>>) target(%dma_start3A_134 : memref<4096xi32, #tpu.memory_space<vmem>>) target_semaphore(%run_scoped3A : memref<!tpu.dma_semaphore, #tpu.memory_space<semaphore_mem>>)
      %dma_wait3A_136 = arith.constant 0 : i32
      %dma_wait3A_137 = tpu.memref_slice %arg10[%dma_wait3A_136] : memref<4096xi32, #tpu.memory_space<vmem>> -> memref<4096xi32, #tpu.memory_space<vmem>>
      %dma_wait3A_138 = tpu.memref_slice %arg3[%add3A_59] : memref<320000xi32, #tpu.memory_space<hbm>> -> memref<4096xi32, #tpu.memory_space<hbm>>
      %dma_wait3A_139 = arith.constant 0 : i32
      %dma_wait3A_140 = tpu.memref_slice %arg10[%dma_wait3A_139] : memref<4096xi32, #tpu.memory_space<vmem>> -> memref<4096xi32, #tpu.memory_space<vmem>>
      %dma_wait3A_141 = tpu.memref_slice %arg3[%add3A_59] : memref<320000xi32, #tpu.memory_space<hbm>> -> memref<4096xi32, #tpu.memory_space<hbm>>
      tpu.wait_dma2 semaphore(%run_scoped3A : memref<!tpu.dma_semaphore, #tpu.memory_space<semaphore_mem>>) src(%dma_wait3A_141 : memref<4096xi32, #tpu.memory_space<hbm>>) dst(%dma_wait3A_140 : memref<4096xi32, #tpu.memory_space<vmem>>)
      tpu.yield
    }) : () -> ()
    %add3A_60 = arith.addi %mul3A_10, %add3A_59 : i32
    "tpu.region"() ({
      %run_scoped3A = tpu.sem_alloc : memref<!tpu.dma_semaphore, #tpu.memory_space<semaphore_mem>>
      %dma_start3A_130 = arith.constant 0 : i32
      %dma_start3A_131 = tpu.memref_slice %arg11[%dma_start3A_130] : memref<4096xf32, #tpu.memory_space<vmem>> -> memref<4096xf32, #tpu.memory_space<vmem>>
      %dma_start3A_132 = tpu.memref_slice %arg5[%add3A_60] : memref<640000xf32, #tpu.memory_space<hbm>> -> memref<4096xf32, #tpu.memory_space<hbm>>
      %dma_start3A_133 = arith.constant 0 : i32
      %dma_start3A_134 = tpu.memref_slice %arg11[%dma_start3A_133] : memref<4096xf32, #tpu.memory_space<vmem>> -> memref<4096xf32, #tpu.memory_space<vmem>>
      %dma_start3A_135 = tpu.memref_slice %arg5[%add3A_60] : memref<640000xf32, #tpu.memory_space<hbm>> -> memref<4096xf32, #tpu.memory_space<hbm>>
      tpu.enqueue_dma source(%dma_start3A_135 : memref<4096xf32, #tpu.memory_space<hbm>>) target(%dma_start3A_134 : memref<4096xf32, #tpu.memory_space<vmem>>) target_semaphore(%run_scoped3A : memref<!tpu.dma_semaphore, #tpu.memory_space<semaphore_mem>>)
      %dma_wait3A_136 = arith.constant 0 : i32
      %dma_wait3A_137 = tpu.memref_slice %arg11[%dma_wait3A_136] : memref<4096xf32, #tpu.memory_space<vmem>> -> memref<4096xf32, #tpu.memory_space<vmem>>
      %dma_wait3A_138 = tpu.memref_slice %arg5[%add3A_60] : memref<640000xf32, #tpu.memory_space<hbm>> -> memref<4096xf32, #tpu.memory_space<hbm>>
      %dma_wait3A_139 = arith.constant 0 : i32
      %dma_wait3A_140 = tpu.memref_slice %arg11[%dma_wait3A_139] : memref<4096xf32, #tpu.memory_space<vmem>> -> memref<4096xf32, #tpu.memory_space<vmem>>
      %dma_wait3A_141 = tpu.memref_slice %arg5[%add3A_60] : memref<640000xf32, #tpu.memory_space<hbm>> -> memref<4096xf32, #tpu.memory_space<hbm>>
      tpu.wait_dma2 semaphore(%run_scoped3A : memref<!tpu.dma_semaphore, #tpu.memory_space<semaphore_mem>>) src(%dma_wait3A_141 : memref<4096xf32, #tpu.memory_space<hbm>>) dst(%dma_wait3A_140 : memref<4096xf32, #tpu.memory_space<vmem>>)
      tpu.yield
    }) : () -> ()
    %parallel_loop3A_61 = arith.constant 0 : i32
    %parallel_loop3A_62 = arith.constant 256 : i32
    %parallel_loop3A_63 = arith.constant 1 : i32
    scf.for %parallel_loop3A_130 = %parallel_loop3A_61 to %parallel_loop3A_62 step %parallel_loop3A_63  : i32 {
      %parallel_loop3A_131 = arith.constant 16 : i32
      %parallel_loop3A_132 = arith.muli %parallel_loop3A_130, %parallel_loop3A_131 : i32
      %parallel_loop3A_133 = arith.index_cast %parallel_loop3A_132 : i32 to index
      %parallel_loop3A_134 = tpu.vector_load %arg9[%parallel_loop3A_133] {strides = array<i32>} : memref<4096xi32, #tpu.memory_space<vmem>>, vector<16xi32>,
      %parallel_loop3A_135 = vector.broadcast %mul3A_8 : i32 to vector<16xi32>
      %parallel_loop3A_136 = arith.addi %parallel_loop3A_134, %parallel_loop3A_135 : vector<16xi32>
      %parallel_loop3A_137 = arith.index_cast %parallel_loop3A_132 : i32 to index
      %parallel_loop3A_138 = tpu.vector_load %arg9[%parallel_loop3A_137] {strides = array<i32>} : memref<4096xi32, #tpu.memory_space<vmem>>, vector<16xi32>,
      tpu.vector_store %arg9[%parallel_loop3A_137], %parallel_loop3A_136 {strides = array<i32>} : memref<4096xi32, #tpu.memory_space<vmem>>, vector<16xi32>,
    } {sc.loop_unroll_factor = 4 : i64, sc.parallel_access}
    %dma_start3A_64 = arith.constant 0 : i32
    %dma_start3A_65 = tpu.memref_slice %arg9[%dma_start3A_64] : memref<4096xi32, #tpu.memory_space<vmem>> -> memref<128xi32, #tpu.memory_space<vmem>>
    %dma_start3A_66 = arith.constant 0 : i32
    %dma_start3A_67 = arith.constant 0 : i32
    %dma_start3A_68 = tpu.memref_slice %arg2[%dma_start3A_66, %dma_start3A_67] : memref<20000x128xf32, #tpu.memory_space<hbm>> -> memref<20000x128xf32, #tpu.memory_space<hbm>>
    tpu.enqueue_indirect_dma source(%dma_start3A_68 : memref<20000x128xf32, #tpu.memory_space<hbm>>) target(%arg12 : memref<128x128xf32, #tpu.memory_space<vmem>>) offsets(%dma_start3A_65 : memref<128xi32, #tpu.memory_space<vmem>>) semaphore(%arg16 : memref<!tpu.dma_semaphore, #tpu.memory_space<semaphore_mem>>)
    %scan3A_69 = arith.constant 0 : i32
    %scan3A_70 = arith.constant 0 : i32
    %scan3A_71 = arith.constant 16 : i32
    %scan3A_72 = arith.addi %scan3A_70, %scan3A_71 : i32
    %scan3A_73 = arith.constant 1 : i32
    scf.for %scan3A_130 = %scan3A_70 to %scan3A_72 step %scan3A_73  : i32 {
      %mul3A_131 = arith.constant 2 : i32
      %mul3A_132 = arith.muli %scan3A_130, %mul3A_131 : i32
      %add3A_133 = arith.constant 1 : i32
      %add3A_134 = arith.addi %mul3A_132, %add3A_133 : i32
      %mul3A_135 = arith.constant 128 : i32
      %mul3A_136 = arith.muli %add3A_134, %mul3A_135 : i32
      %dma_start3A_137 = tpu.memref_slice %arg9[%mul3A_136] : memref<4096xi32, #tpu.memory_space<vmem>> -> memref<128xi32, #tpu.memory_space<vmem>>
      %dma_start3A_138 = arith.constant 0 : i32
      %dma_start3A_139 = arith.constant 0 : i32
      %dma_start3A_140 = tpu.memref_slice %arg2[%dma_start3A_138, %dma_start3A_139] : memref<20000x128xf32, #tpu.memory_space<hbm>> -> memref<20000x128xf32, #tpu.memory_space<hbm>>
      tpu.enqueue_indirect_dma source(%dma_start3A_140 : memref<20000x128xf32, #tpu.memory_space<hbm>>) target(%arg13 : memref<128x128xf32, #tpu.memory_space<vmem>>) offsets(%dma_start3A_137 : memref<128xi32, #tpu.memory_space<vmem>>) semaphore(%arg17 : memref<!tpu.dma_semaphore, #tpu.memory_space<semaphore_mem>>)
      %dma_wait3A_141 = arith.constant 0 : i32
      %dma_wait3A_142 = arith.constant 0 : i32
      %dma_wait3A_143 = tpu.memref_slice %arg2[%dma_wait3A_141, %dma_wait3A_142] : memref<20000x128xf32, #tpu.memory_space<hbm>> -> memref<128x128xf32, #tpu.memory_space<hbm>>
      %dma_wait3A_144 = arith.constant 0 : i32
      %dma_wait3A_145 = arith.constant 0 : i32
      %dma_wait3A_146 = tpu.memref_slice %arg2[%dma_wait3A_144, %dma_wait3A_145] : memref<20000x128xf32, #tpu.memory_space<hbm>> -> memref<128x128xf32, #tpu.memory_space<hbm>>
      tpu.wait_dma2 semaphore(%arg16 : memref<!tpu.dma_semaphore, #tpu.memory_space<semaphore_mem>>) src(%dma_wait3A_146 : memref<128x128xf32, #tpu.memory_space<hbm>>) dst(%arg12 : memref<128x128xf32, #tpu.memory_space<vmem>>)
      %mul3A_147 = arith.constant 128 : i32
      %mul3A_148 = arith.muli %mul3A_132, %mul3A_147 : i32
      %parallel_loop3A_149 = arith.constant 0 : i32
      %parallel_loop3A_150 = arith.constant 128 : i32
      %parallel_loop3A_151 = arith.constant 1 : i32
      scf.for %parallel_loop3A_171 = %parallel_loop3A_149 to %parallel_loop3A_150 step %parallel_loop3A_151  : i32 {
        %parallel_loop3A_172 = arith.addi %mul3A_148, %parallel_loop3A_171 : i32
        %parallel_loop3A_173 = vector.broadcast %parallel_loop3A_172 : i32 to vector<16xi32>
        %parallel_loop3A_174 = tpu.vector_load_idx %arg11[%parallel_loop3A_173] : memref<4096xf32, #tpu.memory_space<vmem>>[vector<16xi32>], vector<16xf32>,
        %parallel_loop3A_175 = arith.index_cast %parallel_loop3A_171 : i32 to index
        %parallel_loop3A_176 = arith.constant 0 : index
        %parallel_loop3A_177 = tpu.vector_load %arg12[%parallel_loop3A_175, %parallel_loop3A_176] {strides = array<i32>} : memref<128x128xf32, #tpu.memory_space<vmem>>, vector<16xf32>,
        %parallel_loop3A_178 = arith.mulf %parallel_loop3A_177, %parallel_loop3A_174 : vector<16xf32>
        %parallel_loop3A_179 = arith.index_cast %parallel_loop3A_171 : i32 to index
        %parallel_loop3A_180 = arith.constant 0 : index
        %parallel_loop3A_181 = tpu.vector_load %arg12[%parallel_loop3A_179, %parallel_loop3A_180] {strides = array<i32>} : memref<128x128xf32, #tpu.memory_space<vmem>>, vector<16xf32>,
        tpu.vector_store %arg12[%parallel_loop3A_179, %parallel_loop3A_180], %parallel_loop3A_178 {strides = array<i32>} : memref<128x128xf32, #tpu.memory_space<vmem>>, vector<16xf32>,
        %parallel_loop3A_182 = arith.index_cast %parallel_loop3A_171 : i32 to index
        %parallel_loop3A_183 = arith.constant 16 : index
        %parallel_loop3A_184 = tpu.vector_load %arg12[%parallel_loop3A_182, %parallel_loop3A_183] {strides = array<i32>} : memref<128x128xf32, #tpu.memory_space<vmem>>, vector<16xf32>,
        %parallel_loop3A_185 = arith.mulf %parallel_loop3A_184, %parallel_loop3A_174 : vector<16xf32>
        %parallel_loop3A_186 = arith.index_cast %parallel_loop3A_171 : i32 to index
        %parallel_loop3A_187 = arith.constant 16 : index
        %parallel_loop3A_188 = tpu.vector_load %arg12[%parallel_loop3A_186, %parallel_loop3A_187] {strides = array<i32>} : memref<128x128xf32, #tpu.memory_space<vmem>>, vector<16xf32>,
        tpu.vector_store %arg12[%parallel_loop3A_186, %parallel_loop3A_187], %parallel_loop3A_185 {strides = array<i32>} : memref<128x128xf32, #tpu.memory_space<vmem>>, vector<16xf32>,
        %parallel_loop3A_189 = arith.index_cast %parallel_loop3A_171 : i32 to index
        %parallel_loop3A_190 = arith.constant 32 : index
        %parallel_loop3A_191 = tpu.vector_load %arg12[%parallel_loop3A_189, %parallel_loop3A_190] {strides = array<i32>} : memref<128x128xf32, #tpu.memory_space<vmem>>, vector<16xf32>,
        %parallel_loop3A_192 = arith.mulf %parallel_loop3A_191, %parallel_loop3A_174 : vector<16xf32>
        %parallel_loop3A_193 = arith.index_cast %parallel_loop3A_171 : i32 to index
        %parallel_loop3A_194 = arith.constant 32 : index
        %parallel_loop3A_195 = tpu.vector_load %arg12[%parallel_loop3A_193, %parallel_loop3A_194] {strides = array<i32>} : memref<128x128xf32, #tpu.memory_space<vmem>>, vector<16xf32>,
        tpu.vector_store %arg12[%parallel_loop3A_193, %parallel_loop3A_194], %parallel_loop3A_192 {strides = array<i32>} : memref<128x128xf32, #tpu.memory_space<vmem>>, vector<16xf32>,
        %parallel_loop3A_196 = arith.index_cast %parallel_loop3A_171 : i32 to index
        %parallel_loop3A_197 = arith.constant 48 : index
        %parallel_loop3A_198 = tpu.vector_load %arg12[%parallel_loop3A_196, %parallel_loop3A_197] {strides = array<i32>} : memref<128x128xf32, #tpu.memory_space<vmem>>, vector<16xf32>,
        %parallel_loop3A_199 = arith.mulf %parallel_loop3A_198, %parallel_loop3A_174 : vector<16xf32>
        %parallel_loop3A_200 = arith.index_cast %parallel_loop3A_171 : i32 to index
        %parallel_loop3A_201 = arith.constant 48 : index
        %parallel_loop3A_202 = tpu.vector_load %arg12[%parallel_loop3A_200, %parallel_loop3A_201] {strides = array<i32>} : memref<128x128xf32, #tpu.memory_space<vmem>>, vector<16xf32>,
        tpu.vector_store %arg12[%parallel_loop3A_200, %parallel_loop3A_201], %parallel_loop3A_199 {strides = array<i32>} : memref<128x128xf32, #tpu.memory_space<vmem>>, vector<16xf32>,
        %parallel_loop3A_203 = arith.index_cast %parallel_loop3A_171 : i32 to index
        %parallel_loop3A_204 = arith.constant 64 : index
        %parallel_loop3A_205 = tpu.vector_load %arg12[%parallel_loop3A_203, %parallel_loop3A_204] {strides = array<i32>} : memref<128x128xf32, #tpu.memory_space<vmem>>, vector<16xf32>,
        %parallel_loop3A_206 = arith.mulf %parallel_loop3A_205, %parallel_loop3A_174 : vector<16xf32>
        %parallel_loop3A_207 = arith.index_cast %parallel_loop3A_171 : i32 to index
        %parallel_loop3A_208 = arith.constant 64 : index
        %parallel_loop3A_209 = tpu.vector_load %arg12[%parallel_loop3A_207, %parallel_loop3A_208] {strides = array<i32>} : memref<128x128xf32, #tpu.memory_space<vmem>>, vector<16xf32>,
        tpu.vector_store %arg12[%parallel_loop3A_207, %parallel_loop3A_208], %parallel_loop3A_206 {strides = array<i32>} : memref<128x128xf32, #tpu.memory_space<vmem>>, vector<16xf32>,
        %parallel_loop3A_210 = arith.index_cast %parallel_loop3A_171 : i32 to index
        %parallel_loop3A_211 = arith.constant 80 : index
        %parallel_loop3A_212 = tpu.vector_load %arg12[%parallel_loop3A_210, %parallel_loop3A_211] {strides = array<i32>} : memref<128x128xf32, #tpu.memory_space<vmem>>, vector<16xf32>,
        %parallel_loop3A_213 = arith.mulf %parallel_loop3A_212, %parallel_loop3A_174 : vector<16xf32>
        %parallel_loop3A_214 = arith.index_cast %parallel_loop3A_171 : i32 to index
        %parallel_loop3A_215 = arith.constant 80 : index
        %parallel_loop3A_216 = tpu.vector_load %arg12[%parallel_loop3A_214, %parallel_loop3A_215] {strides = array<i32>} : memref<128x128xf32, #tpu.memory_space<vmem>>, vector<16xf32>,
        tpu.vector_store %arg12[%parallel_loop3A_214, %parallel_loop3A_215], %parallel_loop3A_213 {strides = array<i32>} : memref<128x128xf32, #tpu.memory_space<vmem>>, vector<16xf32>,
        %parallel_loop3A_217 = arith.index_cast %parallel_loop3A_171 : i32 to index
        %parallel_loop3A_218 = arith.constant 96 : index
        %parallel_loop3A_219 = tpu.vector_load %arg12[%parallel_loop3A_217, %parallel_loop3A_218] {strides = array<i32>} : memref<128x128xf32, #tpu.memory_space<vmem>>, vector<16xf32>,
        %parallel_loop3A_220 = arith.mulf %parallel_loop3A_219, %parallel_loop3A_174 : vector<16xf32>
        %parallel_loop3A_221 = arith.index_cast %parallel_loop3A_171 : i32 to index
        %parallel_loop3A_222 = arith.constant 96 : index
        %parallel_loop3A_223 = tpu.vector_load %arg12[%parallel_loop3A_221, %parallel_loop3A_222] {strides = array<i32>} : memref<128x128xf32, #tpu.memory_space<vmem>>, vector<16xf32>,
        tpu.vector_store %arg12[%parallel_loop3A_221, %parallel_loop3A_222], %parallel_loop3A_220 {strides = array<i32>} : memref<128x128xf32, #tpu.memory_space<vmem>>, vector<16xf32>,
        %parallel_loop3A_224 = arith.index_cast %parallel_loop3A_171 : i32 to index
        %parallel_loop3A_225 = arith.constant 112 : index
        %parallel_loop3A_226 = tpu.vector_load %arg12[%parallel_loop3A_224, %parallel_loop3A_225] {strides = array<i32>} : memref<128x128xf32, #tpu.memory_space<vmem>>, vector<16xf32>,
        %parallel_loop3A_227 = arith.mulf %parallel_loop3A_226, %parallel_loop3A_174 : vector<16xf32>
        %parallel_loop3A_228 = arith.index_cast %parallel_loop3A_171 : i32 to index
        %parallel_loop3A_229 = arith.constant 112 : index
        %parallel_loop3A_230 = tpu.vector_load %arg12[%parallel_loop3A_228, %parallel_loop3A_229] {strides = array<i32>} : memref<128x128xf32, #tpu.memory_space<vmem>>, vector<16xf32>,
        tpu.vector_store %arg12[%parallel_loop3A_228, %parallel_loop3A_229], %parallel_loop3A_227 {strides = array<i32>} : memref<128x128xf32, #tpu.memory_space<vmem>>, vector<16xf32>,
      } {sc.loop_unroll_factor = 4 : i64, sc.parallel_access}
      "tpu.region"() ({
        %run_scoped3A = tpu.sem_alloc : memref<!tpu.dma_semaphore, #tpu.memory_space<semaphore_mem>>
        %dma_start3A_171 = tpu.memref_slice %arg10[%mul3A_148] : memref<4096xi32, #tpu.memory_space<vmem>> -> memref<128xi32, #tpu.memory_space<vmem>>
        %dma_start3A_172 = arith.constant 0 : i32
        %dma_start3A_173 = arith.constant 0 : i32
        %dma_start3A_174 = tpu.memref_slice %arg15[%dma_start3A_172, %dma_start3A_173] : memref<10000x128xf32, #tpu.memory_space<vmem_shared>> -> memref<10000x128xf32, #tpu.memory_space<vmem_shared>>
        tpu.enqueue_indirect_dma source(%arg12 : memref<128x128xf32, #tpu.memory_space<vmem>>) target(%dma_start3A_174 : memref<10000x128xf32, #tpu.memory_space<vmem_shared>>) offsets(%dma_start3A_171 : memref<128xi32, #tpu.memory_space<vmem>>) semaphore(%run_scoped3A : memref<!tpu.dma_semaphore, #tpu.memory_space<semaphore_mem>>) {add = true}
        %dma_wait3A_175 = tpu.memref_slice %arg10[%mul3A_148] : memref<4096xi32, #tpu.memory_space<vmem>> -> memref<128xi32, #tpu.memory_space<vmem>>
        %dma_wait3A_176 = arith.constant 0 : i32
        %dma_wait3A_177 = arith.constant 0 : i32
        %dma_wait3A_178 = tpu.memref_slice %arg15[%dma_wait3A_176, %dma_wait3A_177] : memref<10000x128xf32, #tpu.memory_space<vmem_shared>> -> memref<10000x128xf32, #tpu.memory_space<vmem_shared>>
        tpu.wait_indirect_dma semaphore(%run_scoped3A : memref<!tpu.dma_semaphore, #tpu.memory_space<semaphore_mem>>) src(%arg12 : memref<128x128xf32, #tpu.memory_space<vmem>>) dst(%dma_wait3A_178 : memref<10000x128xf32, #tpu.memory_space<vmem_shared>>)
        tpu.yield
      }) : () -> ()
      %add3A_152 = arith.constant 2 : i32
      %add3A_153 = arith.addi %mul3A_132, %add3A_152 : i32
      %lt3A = arith.constant 32 : i32
      %lt3A_154 = arith.cmpi slt, %add3A_153, %lt3A : i32
      %convert_element_type3A_155 = arith.extui %lt3A_154 : i1 to i32
      %cond3A_156 = arith.constant 0 : i32
      %cond3A_157 = arith.cmpi ne, %convert_element_type3A_155, %cond3A_156 : i32
      scf.if %cond3A_157 {
        %add3A_171 = arith.constant 2 : i32
        %add3A_172 = arith.addi %mul3A_132, %add3A_171 : i32
        %mul3A_173 = arith.constant 128 : i32
        %mul3A_174 = arith.muli %add3A_172, %mul3A_173 : i32
        %dma_start3A_175 = tpu.memref_slice %arg9[%mul3A_174] : memref<4096xi32, #tpu.memory_space<vmem>> -> memref<128xi32, #tpu.memory_space<vmem>>
        %dma_start3A_176 = arith.constant 0 : i32
        %dma_start3A_177 = arith.constant 0 : i32
        %dma_start3A_178 = tpu.memref_slice %arg2[%dma_start3A_176, %dma_start3A_177] : memref<20000x128xf32, #tpu.memory_space<hbm>> -> memref<20000x128xf32, #tpu.memory_space<hbm>>
        tpu.enqueue_indirect_dma source(%dma_start3A_178 : memref<20000x128xf32, #tpu.memory_space<hbm>>) target(%arg12 : memref<128x128xf32, #tpu.memory_space<vmem>>) offsets(%dma_start3A_175 : memref<128xi32, #tpu.memory_space<vmem>>) semaphore(%arg16 : memref<!tpu.dma_semaphore, #tpu.memory_space<semaphore_mem>>)
      } else {
      }
      %dma_wait3A_158 = arith.constant 0 : i32
      %dma_wait3A_159 = arith.constant 0 : i32
      %dma_wait3A_160 = tpu.memref_slice %arg2[%dma_wait3A_158, %dma_wait3A_159] : memref<20000x128xf32, #tpu.memory_space<hbm>> -> memref<128x128xf32, #tpu.memory_space<hbm>>
      %dma_wait3A_161 = arith.constant 0 : i32
      %dma_wait3A_162 = arith.constant 0 : i32
      %dma_wait3A_163 = tpu.memref_slice %arg2[%dma_wait3A_161, %dma_wait3A_162] : memref<20000x128xf32, #tpu.memory_space<hbm>> -> memref<128x128xf32, #tpu.memory_space<hbm>>
      tpu.wait_dma2 semaphore(%arg17 : memref<!tpu.dma_semaphore, #tpu.memory_space<semaphore_mem>>) src(%dma_wait3A_163 : memref<128x128xf32, #tpu.memory_space<hbm>>) dst(%arg13 : memref<128x128xf32, #tpu.memory_space<vmem>>)
      %add3A_164 = arith.constant 1 : i32
      %add3A_165 = arith.addi %mul3A_132, %add3A_164 : i32
      %mul3A_166 = arith.constant 128 : i32
      %mul3A_167 = arith.muli %add3A_165, %mul3A_166 : i32
      %parallel_loop3A_168 = arith.constant 0 : i32
      %parallel_loop3A_169 = arith.constant 128 : i32
      %parallel_loop3A_170 = arith.constant 1 : i32
      scf.for %parallel_loop3A_171 = %parallel_loop3A_168 to %parallel_loop3A_169 step %parallel_loop3A_170  : i32 {
        %parallel_loop3A_172 = arith.addi %mul3A_167, %parallel_loop3A_171 : i32
        %parallel_loop3A_173 = vector.broadcast %parallel_loop3A_172 : i32 to vector<16xi32>
        %parallel_loop3A_174 = tpu.vector_load_idx %arg11[%parallel_loop3A_173] : memref<4096xf32, #tpu.memory_space<vmem>>[vector<16xi32>], vector<16xf32>,
        %parallel_loop3A_175 = arith.index_cast %parallel_loop3A_171 : i32 to index
        %parallel_loop3A_176 = arith.constant 0 : index
        %parallel_loop3A_177 = tpu.vector_load %arg13[%parallel_loop3A_175, %parallel_loop3A_176] {strides = array<i32>} : memref<128x128xf32, #tpu.memory_space<vmem>>, vector<16xf32>,
        %parallel_loop3A_178 = arith.mulf %parallel_loop3A_177, %parallel_loop3A_174 : vector<16xf32>
        %parallel_loop3A_179 = arith.index_cast %parallel_loop3A_171 : i32 to index
        %parallel_loop3A_180 = arith.constant 0 : index
        %parallel_loop3A_181 = tpu.vector_load %arg13[%parallel_loop3A_179, %parallel_loop3A_180] {strides = array<i32>} : memref<128x128xf32, #tpu.memory_space<vmem>>, vector<16xf32>,
        tpu.vector_store %arg13[%parallel_loop3A_179, %parallel_loop3A_180], %parallel_loop3A_178 {strides = array<i32>} : memref<128x128xf32, #tpu.memory_space<vmem>>, vector<16xf32>,
        %parallel_loop3A_182 = arith.index_cast %parallel_loop3A_171 : i32 to index
        %parallel_loop3A_183 = arith.constant 16 : index
        %parallel_loop3A_184 = tpu.vector_load %arg13[%parallel_loop3A_182, %parallel_loop3A_183] {strides = array<i32>} : memref<128x128xf32, #tpu.memory_space<vmem>>, vector<16xf32>,
        %parallel_loop3A_185 = arith.mulf %parallel_loop3A_184, %parallel_loop3A_174 : vector<16xf32>
        %parallel_loop3A_186 = arith.index_cast %parallel_loop3A_171 : i32 to index
        %parallel_loop3A_187 = arith.constant 16 : index
        %parallel_loop3A_188 = tpu.vector_load %arg13[%parallel_loop3A_186, %parallel_loop3A_187] {strides = array<i32>} : memref<128x128xf32, #tpu.memory_space<vmem>>, vector<16xf32>,
        tpu.vector_store %arg13[%parallel_loop3A_186, %parallel_loop3A_187], %parallel_loop3A_185 {strides = array<i32>} : memref<128x128xf32, #tpu.memory_space<vmem>>, vector<16xf32>,
        %parallel_loop3A_189 = arith.index_cast %parallel_loop3A_171 : i32 to index
        %parallel_loop3A_190 = arith.constant 32 : index
        %parallel_loop3A_191 = tpu.vector_load %arg13[%parallel_loop3A_189, %parallel_loop3A_190] {strides = array<i32>} : memref<128x128xf32, #tpu.memory_space<vmem>>, vector<16xf32>,
        %parallel_loop3A_192 = arith.mulf %parallel_loop3A_191, %parallel_loop3A_174 : vector<16xf32>
        %parallel_loop3A_193 = arith.index_cast %parallel_loop3A_171 : i32 to index
        %parallel_loop3A_194 = arith.constant 32 : index
        %parallel_loop3A_195 = tpu.vector_load %arg13[%parallel_loop3A_193, %parallel_loop3A_194] {strides = array<i32>} : memref<128x128xf32, #tpu.memory_space<vmem>>, vector<16xf32>,
        tpu.vector_store %arg13[%parallel_loop3A_193, %parallel_loop3A_194], %parallel_loop3A_192 {strides = array<i32>} : memref<128x128xf32, #tpu.memory_space<vmem>>, vector<16xf32>,
        %parallel_loop3A_196 = arith.index_cast %parallel_loop3A_171 : i32 to index
        %parallel_loop3A_197 = arith.constant 48 : index
        %parallel_loop3A_198 = tpu.vector_load %arg13[%parallel_loop3A_196, %parallel_loop3A_197] {strides = array<i32>} : memref<128x128xf32, #tpu.memory_space<vmem>>, vector<16xf32>,
        %parallel_loop3A_199 = arith.mulf %parallel_loop3A_198, %parallel_loop3A_174 : vector<16xf32>
        %parallel_loop3A_200 = arith.index_cast %parallel_loop3A_171 : i32 to index
        %parallel_loop3A_201 = arith.constant 48 : index
        %parallel_loop3A_202 = tpu.vector_load %arg13[%parallel_loop3A_200, %parallel_loop3A_201] {strides = array<i32>} : memref<128x128xf32, #tpu.memory_space<vmem>>, vector<16xf32>,
        tpu.vector_store %arg13[%parallel_loop3A_200, %parallel_loop3A_201], %parallel_loop3A_199 {strides = array<i32>} : memref<128x128xf32, #tpu.memory_space<vmem>>, vector<16xf32>,
        %parallel_loop3A_203 = arith.index_cast %parallel_loop3A_171 : i32 to index
        %parallel_loop3A_204 = arith.constant 64 : index
        %parallel_loop3A_205 = tpu.vector_load %arg13[%parallel_loop3A_203, %parallel_loop3A_204] {strides = array<i32>} : memref<128x128xf32, #tpu.memory_space<vmem>>, vector<16xf32>,
        %parallel_loop3A_206 = arith.mulf %parallel_loop3A_205, %parallel_loop3A_174 : vector<16xf32>
        %parallel_loop3A_207 = arith.index_cast %parallel_loop3A_171 : i32 to index
        %parallel_loop3A_208 = arith.constant 64 : index
        %parallel_loop3A_209 = tpu.vector_load %arg13[%parallel_loop3A_207, %parallel_loop3A_208] {strides = array<i32>} : memref<128x128xf32, #tpu.memory_space<vmem>>, vector<16xf32>,
        tpu.vector_store %arg13[%parallel_loop3A_207, %parallel_loop3A_208], %parallel_loop3A_206 {strides = array<i32>} : memref<128x128xf32, #tpu.memory_space<vmem>>, vector<16xf32>,
        %parallel_loop3A_210 = arith.index_cast %parallel_loop3A_171 : i32 to index
        %parallel_loop3A_211 = arith.constant 80 : index
        %parallel_loop3A_212 = tpu.vector_load %arg13[%parallel_loop3A_210, %parallel_loop3A_211] {strides = array<i32>} : memref<128x128xf32, #tpu.memory_space<vmem>>, vector<16xf32>,
        %parallel_loop3A_213 = arith.mulf %parallel_loop3A_212, %parallel_loop3A_174 : vector<16xf32>
        %parallel_loop3A_214 = arith.index_cast %parallel_loop3A_171 : i32 to index
        %parallel_loop3A_215 = arith.constant 80 : index
        %parallel_loop3A_216 = tpu.vector_load %arg13[%parallel_loop3A_214, %parallel_loop3A_215] {strides = array<i32>} : memref<128x128xf32, #tpu.memory_space<vmem>>, vector<16xf32>,
        tpu.vector_store %arg13[%parallel_loop3A_214, %parallel_loop3A_215], %parallel_loop3A_213 {strides = array<i32>} : memref<128x128xf32, #tpu.memory_space<vmem>>, vector<16xf32>,
        %parallel_loop3A_217 = arith.index_cast %parallel_loop3A_171 : i32 to index
        %parallel_loop3A_218 = arith.constant 96 : index
        %parallel_loop3A_219 = tpu.vector_load %arg13[%parallel_loop3A_217, %parallel_loop3A_218] {strides = array<i32>} : memref<128x128xf32, #tpu.memory_space<vmem>>, vector<16xf32>,
        %parallel_loop3A_220 = arith.mulf %parallel_loop3A_219, %parallel_loop3A_174 : vector<16xf32>
        %parallel_loop3A_221 = arith.index_cast %parallel_loop3A_171 : i32 to index
        %parallel_loop3A_222 = arith.constant 96 : index
        %parallel_loop3A_223 = tpu.vector_load %arg13[%parallel_loop3A_221, %parallel_loop3A_222] {strides = array<i32>} : memref<128x128xf32, #tpu.memory_space<vmem>>, vector<16xf32>,
        tpu.vector_store %arg13[%parallel_loop3A_221, %parallel_loop3A_222], %parallel_loop3A_220 {strides = array<i32>} : memref<128x128xf32, #tpu.memory_space<vmem>>, vector<16xf32>,
        %parallel_loop3A_224 = arith.index_cast %parallel_loop3A_171 : i32 to index
        %parallel_loop3A_225 = arith.constant 112 : index
        %parallel_loop3A_226 = tpu.vector_load %arg13[%parallel_loop3A_224, %parallel_loop3A_225] {strides = array<i32>} : memref<128x128xf32, #tpu.memory_space<vmem>>, vector<16xf32>,
        %parallel_loop3A_227 = arith.mulf %parallel_loop3A_226, %parallel_loop3A_174 : vector<16xf32>
        %parallel_loop3A_228 = arith.index_cast %parallel_loop3A_171 : i32 to index
        %parallel_loop3A_229 = arith.constant 112 : index
        %parallel_loop3A_230 = tpu.vector_load %arg13[%parallel_loop3A_228, %parallel_loop3A_229] {strides = array<i32>} : memref<128x128xf32, #tpu.memory_space<vmem>>, vector<16xf32>,
        tpu.vector_store %arg13[%parallel_loop3A_228, %parallel_loop3A_229], %parallel_loop3A_227 {strides = array<i32>} : memref<128x128xf32, #tpu.memory_space<vmem>>, vector<16xf32>,
      } {sc.loop_unroll_factor = 4 : i64, sc.parallel_access}
      "tpu.region"() ({
        %run_scoped3A = tpu.sem_alloc : memref<!tpu.dma_semaphore, #tpu.memory_space<semaphore_mem>>
        %dma_start3A_171 = tpu.memref_slice %arg10[%mul3A_167] : memref<4096xi32, #tpu.memory_space<vmem>> -> memref<128xi32, #tpu.memory_space<vmem>>
        %dma_start3A_172 = arith.constant 0 : i32
        %dma_start3A_173 = arith.constant 0 : i32
        %dma_start3A_174 = tpu.memref_slice %arg15[%dma_start3A_172, %dma_start3A_173] : memref<10000x128xf32, #tpu.memory_space<vmem_shared>> -> memref<10000x128xf32, #tpu.memory_space<vmem_shared>>
        tpu.enqueue_indirect_dma source(%arg13 : memref<128x128xf32, #tpu.memory_space<vmem>>) target(%dma_start3A_174 : memref<10000x128xf32, #tpu.memory_space<vmem_shared>>) offsets(%dma_start3A_171 : memref<128xi32, #tpu.memory_space<vmem>>) semaphore(%run_scoped3A : memref<!tpu.dma_semaphore, #tpu.memory_space<semaphore_mem>>) {add = true}
        %dma_wait3A_175 = tpu.memref_slice %arg10[%mul3A_167] : memref<4096xi32, #tpu.memory_space<vmem>> -> memref<128xi32, #tpu.memory_space<vmem>>
        %dma_wait3A_176 = arith.constant 0 : i32
        %dma_wait3A_177 = arith.constant 0 : i32
        %dma_wait3A_178 = tpu.memref_slice %arg15[%dma_wait3A_176, %dma_wait3A_177] : memref<10000x128xf32, #tpu.memory_space<vmem_shared>> -> memref<10000x128xf32, #tpu.memory_space<vmem_shared>>
        tpu.wait_indirect_dma semaphore(%run_scoped3A : memref<!tpu.dma_semaphore, #tpu.memory_space<semaphore_mem>>) src(%arg13 : memref<128x128xf32, #tpu.memory_space<vmem>>) dst(%dma_wait3A_178 : memref<10000x128xf32, #tpu.memory_space<vmem_shared>>)
        tpu.yield
      }) : () -> ()
    }
    %scan3A_74 = arith.constant 16 : i32
    %add3A_75 = arith.constant 16384 : i32
    %add3A_76 = arith.addi %mul3A_6, %add3A_75 : i32
    "tpu.region"() ({
      %run_scoped3A = tpu.sem_alloc : memref<!tpu.dma_semaphore, #tpu.memory_space<semaphore_mem>>
      %dma_start3A_130 = arith.constant 0 : i32
      %dma_start3A_131 = tpu.memref_slice %arg9[%dma_start3A_130] : memref<4096xi32, #tpu.memory_space<vmem>> -> memref<3616xi32, #tpu.memory_space<vmem>>
      %dma_start3A_132 = tpu.memref_slice %arg4[%add3A_76] : memref<320000xi32, #tpu.memory_space<hbm>> -> memref<3616xi32, #tpu.memory_space<hbm>>
      %dma_start3A_133 = arith.constant 0 : i32
      %dma_start3A_134 = tpu.memref_slice %arg9[%dma_start3A_133] : memref<4096xi32, #tpu.memory_space<vmem>> -> memref<3616xi32, #tpu.memory_space<vmem>>
      %dma_start3A_135 = tpu.memref_slice %arg4[%add3A_76] : memref<320000xi32, #tpu.memory_space<hbm>> -> memref<3616xi32, #tpu.memory_space<hbm>>
      tpu.enqueue_dma source(%dma_start3A_135 : memref<3616xi32, #tpu.memory_space<hbm>>) target(%dma_start3A_134 : memref<3616xi32, #tpu.memory_space<vmem>>) target_semaphore(%run_scoped3A : memref<!tpu.dma_semaphore, #tpu.memory_space<semaphore_mem>>)
      %dma_wait3A_136 = arith.constant 0 : i32
      %dma_wait3A_137 = tpu.memref_slice %arg9[%dma_wait3A_136] : memref<4096xi32, #tpu.memory_space<vmem>> -> memref<3616xi32, #tpu.memory_space<vmem>>
      %dma_wait3A_138 = tpu.memref_slice %arg4[%add3A_76] : memref<320000xi32, #tpu.memory_space<hbm>> -> memref<3616xi32, #tpu.memory_space<hbm>>
      %dma_wait3A_139 = arith.constant 0 : i32
      %dma_wait3A_140 = tpu.memref_slice %arg9[%dma_wait3A_139] : memref<4096xi32, #tpu.memory_space<vmem>> -> memref<3616xi32, #tpu.memory_space<vmem>>
      %dma_wait3A_141 = tpu.memref_slice %arg4[%add3A_76] : memref<320000xi32, #tpu.memory_space<hbm>> -> memref<3616xi32, #tpu.memory_space<hbm>>
      tpu.wait_dma2 semaphore(%run_scoped3A : memref<!tpu.dma_semaphore, #tpu.memory_space<semaphore_mem>>) src(%dma_wait3A_141 : memref<3616xi32, #tpu.memory_space<hbm>>) dst(%dma_wait3A_140 : memref<3616xi32, #tpu.memory_space<vmem>>)
      tpu.yield
    }) : () -> ()
    "tpu.region"() ({
      %run_scoped3A = tpu.sem_alloc : memref<!tpu.dma_semaphore, #tpu.memory_space<semaphore_mem>>
      %dma_start3A_130 = arith.constant 0 : i32
      %dma_start3A_131 = tpu.memref_slice %arg10[%dma_start3A_130] : memref<4096xi32, #tpu.memory_space<vmem>> -> memref<3616xi32, #tpu.memory_space<vmem>>
      %dma_start3A_132 = tpu.memref_slice %arg3[%add3A_76] : memref<320000xi32, #tpu.memory_space<hbm>> -> memref<3616xi32, #tpu.memory_space<hbm>>
      %dma_start3A_133 = arith.constant 0 : i32
      %dma_start3A_134 = tpu.memref_slice %arg10[%dma_start3A_133] : memref<4096xi32, #tpu.memory_space<vmem>> -> memref<3616xi32, #tpu.memory_space<vmem>>
      %dma_start3A_135 = tpu.memref_slice %arg3[%add3A_76] : memref<320000xi32, #tpu.memory_space<hbm>> -> memref<3616xi32, #tpu.memory_space<hbm>>
      tpu.enqueue_dma source(%dma_start3A_135 : memref<3616xi32, #tpu.memory_space<hbm>>) target(%dma_start3A_134 : memref<3616xi32, #tpu.memory_space<vmem>>) target_semaphore(%run_scoped3A : memref<!tpu.dma_semaphore, #tpu.memory_space<semaphore_mem>>)
      %dma_wait3A_136 = arith.constant 0 : i32
      %dma_wait3A_137 = tpu.memref_slice %arg10[%dma_wait3A_136] : memref<4096xi32, #tpu.memory_space<vmem>> -> memref<3616xi32, #tpu.memory_space<vmem>>
      %dma_wait3A_138 = tpu.memref_slice %arg3[%add3A_76] : memref<320000xi32, #tpu.memory_space<hbm>> -> memref<3616xi32, #tpu.memory_space<hbm>>
      %dma_wait3A_139 = arith.constant 0 : i32
      %dma_wait3A_140 = tpu.memref_slice %arg10[%dma_wait3A_139] : memref<4096xi32, #tpu.memory_space<vmem>> -> memref<3616xi32, #tpu.memory_space<vmem>>
      %dma_wait3A_141 = tpu.memref_slice %arg3[%add3A_76] : memref<320000xi32, #tpu.memory_space<hbm>> -> memref<3616xi32, #tpu.memory_space<hbm>>
      tpu.wait_dma2 semaphore(%run_scoped3A : memref<!tpu.dma_semaphore, #tpu.memory_space<semaphore_mem>>) src(%dma_wait3A_141 : memref<3616xi32, #tpu.memory_space<hbm>>) dst(%dma_wait3A_140 : memref<3616xi32, #tpu.memory_space<vmem>>)
      tpu.yield
    }) : () -> ()
    %add3A_77 = arith.addi %mul3A_10, %add3A_76 : i32
    "tpu.region"() ({
      %run_scoped3A = tpu.sem_alloc : memref<!tpu.dma_semaphore, #tpu.memory_space<semaphore_mem>>
      %dma_start3A_130 = arith.constant 0 : i32
      %dma_start3A_131 = tpu.memref_slice %arg11[%dma_start3A_130] : memref<4096xf32, #tpu.memory_space<vmem>> -> memref<3616xf32, #tpu.memory_space<vmem>>
      %dma_start3A_132 = tpu.memref_slice %arg5[%add3A_77] : memref<640000xf32, #tpu.memory_space<hbm>> -> memref<3616xf32, #tpu.memory_space<hbm>>
      %dma_start3A_133 = arith.constant 0 : i32
      %dma_start3A_134 = tpu.memref_slice %arg11[%dma_start3A_133] : memref<4096xf32, #tpu.memory_space<vmem>> -> memref<3616xf32, #tpu.memory_space<vmem>>
      %dma_start3A_135 = tpu.memref_slice %arg5[%add3A_77] : memref<640000xf32, #tpu.memory_space<hbm>> -> memref<3616xf32, #tpu.memory_space<hbm>>
      tpu.enqueue_dma source(%dma_start3A_135 : memref<3616xf32, #tpu.memory_space<hbm>>) target(%dma_start3A_134 : memref<3616xf32, #tpu.memory_space<vmem>>) target_semaphore(%run_scoped3A : memref<!tpu.dma_semaphore, #tpu.memory_space<semaphore_mem>>)
      %dma_wait3A_136 = arith.constant 0 : i32
      %dma_wait3A_137 = tpu.memref_slice %arg11[%dma_wait3A_136] : memref<4096xf32, #tpu.memory_space<vmem>> -> memref<3616xf32, #tpu.memory_space<vmem>>
      %dma_wait3A_138 = tpu.memref_slice %arg5[%add3A_77] : memref<640000xf32, #tpu.memory_space<hbm>> -> memref<3616xf32, #tpu.memory_space<hbm>>
      %dma_wait3A_139 = arith.constant 0 : i32
      %dma_wait3A_140 = tpu.memref_slice %arg11[%dma_wait3A_139] : memref<4096xf32, #tpu.memory_space<vmem>> -> memref<3616xf32, #tpu.memory_space<vmem>>
      %dma_wait3A_141 = tpu.memref_slice %arg5[%add3A_77] : memref<640000xf32, #tpu.memory_space<hbm>> -> memref<3616xf32, #tpu.memory_space<hbm>>
      tpu.wait_dma2 semaphore(%run_scoped3A : memref<!tpu.dma_semaphore, #tpu.memory_space<semaphore_mem>>) src(%dma_wait3A_141 : memref<3616xf32, #tpu.memory_space<hbm>>) dst(%dma_wait3A_140 : memref<3616xf32, #tpu.memory_space<vmem>>)
      tpu.yield
    }) : () -> ()
    %parallel_loop3A_78 = arith.constant 0 : i32
    %parallel_loop3A_79 = arith.constant 226 : i32
    %parallel_loop3A_80 = arith.constant 1 : i32
    scf.for %parallel_loop3A_130 = %parallel_loop3A_78 to %parallel_loop3A_79 step %parallel_loop3A_80  : i32 {
      %parallel_loop3A_131 = arith.constant 16 : i32
      %parallel_loop3A_132 = arith.muli %parallel_loop3A_130, %parallel_loop3A_131 : i32
      %parallel_loop3A_133 = arith.index_cast %parallel_loop3A_132 : i32 to index
      %parallel_loop3A_134 = tpu.vector_load %arg9[%parallel_loop3A_133] {strides = array<i32>} : memref<4096xi32, #tpu.memory_space<vmem>>, vector<16xi32>,
      %parallel_loop3A_135 = vector.broadcast %mul3A_8 : i32 to vector<16xi32>
      %parallel_loop3A_136 = arith.addi %parallel_loop3A_134, %parallel_loop3A_135 : vector<16xi32>
      %parallel_loop3A_137 = arith.index_cast %parallel_loop3A_132 : i32 to index
      %parallel_loop3A_138 = tpu.vector_load %arg9[%parallel_loop3A_137] {strides = array<i32>} : memref<4096xi32, #tpu.memory_space<vmem>>, vector<16xi32>,
      tpu.vector_store %arg9[%parallel_loop3A_137], %parallel_loop3A_136 {strides = array<i32>} : memref<4096xi32, #tpu.memory_space<vmem>>, vector<16xi32>,
    } {sc.loop_unroll_factor = 4 : i64, sc.parallel_access}
    %dma_start3A_81 = arith.constant 0 : i32
    %dma_start3A_82 = tpu.memref_slice %arg9[%dma_start3A_81] : memref<4096xi32, #tpu.memory_space<vmem>> -> memref<128xi32, #tpu.memory_space<vmem>>
    %dma_start3A_83 = arith.constant 0 : i32
    %dma_start3A_84 = arith.constant 0 : i32
    %dma_start3A_85 = tpu.memref_slice %arg2[%dma_start3A_83, %dma_start3A_84] : memref<20000x128xf32, #tpu.memory_space<hbm>> -> memref<20000x128xf32, #tpu.memory_space<hbm>>
    tpu.enqueue_indirect_dma source(%dma_start3A_85 : memref<20000x128xf32, #tpu.memory_space<hbm>>) target(%arg12 : memref<128x128xf32, #tpu.memory_space<vmem>>) offsets(%dma_start3A_82 : memref<128xi32, #tpu.memory_space<vmem>>) semaphore(%arg16 : memref<!tpu.dma_semaphore, #tpu.memory_space<semaphore_mem>>)
    %scan3A_86 = arith.constant 0 : i32
    %scan3A_87 = arith.constant 0 : i32
    %scan3A_88 = arith.constant 14 : i32
    %scan3A_89 = arith.addi %scan3A_87, %scan3A_88 : i32
    %scan3A_90 = arith.constant 1 : i32
    scf.for %scan3A_130 = %scan3A_87 to %scan3A_89 step %scan3A_90  : i32 {
      %mul3A_131 = arith.constant 2 : i32
      %mul3A_132 = arith.muli %scan3A_130, %mul3A_131 : i32
      %add3A_133 = arith.constant 1 : i32
      %add3A_134 = arith.addi %mul3A_132, %add3A_133 : i32
      %mul3A_135 = arith.constant 128 : i32
      %mul3A_136 = arith.muli %add3A_134, %mul3A_135 : i32
      %dma_start3A_137 = tpu.memref_slice %arg9[%mul3A_136] : memref<4096xi32, #tpu.memory_space<vmem>> -> memref<128xi32, #tpu.memory_space<vmem>>
      %dma_start3A_138 = arith.constant 0 : i32
      %dma_start3A_139 = arith.constant 0 : i32
      %dma_start3A_140 = tpu.memref_slice %arg2[%dma_start3A_138, %dma_start3A_139] : memref<20000x128xf32, #tpu.memory_space<hbm>> -> memref<20000x128xf32, #tpu.memory_space<hbm>>
      tpu.enqueue_indirect_dma source(%dma_start3A_140 : memref<20000x128xf32, #tpu.memory_space<hbm>>) target(%arg13 : memref<128x128xf32, #tpu.memory_space<vmem>>) offsets(%dma_start3A_137 : memref<128xi32, #tpu.memory_space<vmem>>) semaphore(%arg17 : memref<!tpu.dma_semaphore, #tpu.memory_space<semaphore_mem>>)
      %dma_wait3A_141 = arith.constant 0 : i32
      %dma_wait3A_142 = arith.constant 0 : i32
      %dma_wait3A_143 = tpu.memref_slice %arg2[%dma_wait3A_141, %dma_wait3A_142] : memref<20000x128xf32, #tpu.memory_space<hbm>> -> memref<128x128xf32, #tpu.memory_space<hbm>>
      %dma_wait3A_144 = arith.constant 0 : i32
      %dma_wait3A_145 = arith.constant 0 : i32
      %dma_wait3A_146 = tpu.memref_slice %arg2[%dma_wait3A_144, %dma_wait3A_145] : memref<20000x128xf32, #tpu.memory_space<hbm>> -> memref<128x128xf32, #tpu.memory_space<hbm>>
      tpu.wait_dma2 semaphore(%arg16 : memref<!tpu.dma_semaphore, #tpu.memory_space<semaphore_mem>>) src(%dma_wait3A_146 : memref<128x128xf32, #tpu.memory_space<hbm>>) dst(%arg12 : memref<128x128xf32, #tpu.memory_space<vmem>>)
      %mul3A_147 = arith.constant 128 : i32
      %mul3A_148 = arith.muli %mul3A_132, %mul3A_147 : i32
      %parallel_loop3A_149 = arith.constant 0 : i32
      %parallel_loop3A_150 = arith.constant 128 : i32
      %parallel_loop3A_151 = arith.constant 1 : i32
      scf.for %parallel_loop3A_171 = %parallel_loop3A_149 to %parallel_loop3A_150 step %parallel_loop3A_151  : i32 {
        %parallel_loop3A_172 = arith.addi %mul3A_148, %parallel_loop3A_171 : i32
        %parallel_loop3A_173 = vector.broadcast %parallel_loop3A_172 : i32 to vector<16xi32>
        %parallel_loop3A_174 = tpu.vector_load_idx %arg11[%parallel_loop3A_173] : memref<4096xf32, #tpu.memory_space<vmem>>[vector<16xi32>], vector<16xf32>,
        %parallel_loop3A_175 = arith.index_cast %parallel_loop3A_171 : i32 to index
        %parallel_loop3A_176 = arith.constant 0 : index
        %parallel_loop3A_177 = tpu.vector_load %arg12[%parallel_loop3A_175, %parallel_loop3A_176] {strides = array<i32>} : memref<128x128xf32, #tpu.memory_space<vmem>>, vector<16xf32>,
        %parallel_loop3A_178 = arith.mulf %parallel_loop3A_177, %parallel_loop3A_174 : vector<16xf32>
        %parallel_loop3A_179 = arith.index_cast %parallel_loop3A_171 : i32 to index
        %parallel_loop3A_180 = arith.constant 0 : index
        %parallel_loop3A_181 = tpu.vector_load %arg12[%parallel_loop3A_179, %parallel_loop3A_180] {strides = array<i32>} : memref<128x128xf32, #tpu.memory_space<vmem>>, vector<16xf32>,
        tpu.vector_store %arg12[%parallel_loop3A_179, %parallel_loop3A_180], %parallel_loop3A_178 {strides = array<i32>} : memref<128x128xf32, #tpu.memory_space<vmem>>, vector<16xf32>,
        %parallel_loop3A_182 = arith.index_cast %parallel_loop3A_171 : i32 to index
        %parallel_loop3A_183 = arith.constant 16 : index
        %parallel_loop3A_184 = tpu.vector_load %arg12[%parallel_loop3A_182, %parallel_loop3A_183] {strides = array<i32>} : memref<128x128xf32, #tpu.memory_space<vmem>>, vector<16xf32>,
        %parallel_loop3A_185 = arith.mulf %parallel_loop3A_184, %parallel_loop3A_174 : vector<16xf32>
        %parallel_loop3A_186 = arith.index_cast %parallel_loop3A_171 : i32 to index
        %parallel_loop3A_187 = arith.constant 16 : index
        %parallel_loop3A_188 = tpu.vector_load %arg12[%parallel_loop3A_186, %parallel_loop3A_187] {strides = array<i32>} : memref<128x128xf32, #tpu.memory_space<vmem>>, vector<16xf32>,
        tpu.vector_store %arg12[%parallel_loop3A_186, %parallel_loop3A_187], %parallel_loop3A_185 {strides = array<i32>} : memref<128x128xf32, #tpu.memory_space<vmem>>, vector<16xf32>,
        %parallel_loop3A_189 = arith.index_cast %parallel_loop3A_171 : i32 to index
        %parallel_loop3A_190 = arith.constant 32 : index
        %parallel_loop3A_191 = tpu.vector_load %arg12[%parallel_loop3A_189, %parallel_loop3A_190] {strides = array<i32>} : memref<128x128xf32, #tpu.memory_space<vmem>>, vector<16xf32>,
        %parallel_loop3A_192 = arith.mulf %parallel_loop3A_191, %parallel_loop3A_174 : vector<16xf32>
        %parallel_loop3A_193 = arith.index_cast %parallel_loop3A_171 : i32 to index
        %parallel_loop3A_194 = arith.constant 32 : index
        %parallel_loop3A_195 = tpu.vector_load %arg12[%parallel_loop3A_193, %parallel_loop3A_194] {strides = array<i32>} : memref<128x128xf32, #tpu.memory_space<vmem>>, vector<16xf32>,
        tpu.vector_store %arg12[%parallel_loop3A_193, %parallel_loop3A_194], %parallel_loop3A_192 {strides = array<i32>} : memref<128x128xf32, #tpu.memory_space<vmem>>, vector<16xf32>,
        %parallel_loop3A_196 = arith.index_cast %parallel_loop3A_171 : i32 to index
        %parallel_loop3A_197 = arith.constant 48 : index
        %parallel_loop3A_198 = tpu.vector_load %arg12[%parallel_loop3A_196, %parallel_loop3A_197] {strides = array<i32>} : memref<128x128xf32, #tpu.memory_space<vmem>>, vector<16xf32>,
        %parallel_loop3A_199 = arith.mulf %parallel_loop3A_198, %parallel_loop3A_174 : vector<16xf32>
        %parallel_loop3A_200 = arith.index_cast %parallel_loop3A_171 : i32 to index
        %parallel_loop3A_201 = arith.constant 48 : index
        %parallel_loop3A_202 = tpu.vector_load %arg12[%parallel_loop3A_200, %parallel_loop3A_201] {strides = array<i32>} : memref<128x128xf32, #tpu.memory_space<vmem>>, vector<16xf32>,
        tpu.vector_store %arg12[%parallel_loop3A_200, %parallel_loop3A_201], %parallel_loop3A_199 {strides = array<i32>} : memref<128x128xf32, #tpu.memory_space<vmem>>, vector<16xf32>,
        %parallel_loop3A_203 = arith.index_cast %parallel_loop3A_171 : i32 to index
        %parallel_loop3A_204 = arith.constant 64 : index
        %parallel_loop3A_205 = tpu.vector_load %arg12[%parallel_loop3A_203, %parallel_loop3A_204] {strides = array<i32>} : memref<128x128xf32, #tpu.memory_space<vmem>>, vector<16xf32>,
        %parallel_loop3A_206 = arith.mulf %parallel_loop3A_205, %parallel_loop3A_174 : vector<16xf32>
        %parallel_loop3A_207 = arith.index_cast %parallel_loop3A_171 : i32 to index
        %parallel_loop3A_208 = arith.constant 64 : index
        %parallel_loop3A_209 = tpu.vector_load %arg12[%parallel_loop3A_207, %parallel_loop3A_208] {strides = array<i32>} : memref<128x128xf32, #tpu.memory_space<vmem>>, vector<16xf32>,
        tpu.vector_store %arg12[%parallel_loop3A_207, %parallel_loop3A_208], %parallel_loop3A_206 {strides = array<i32>} : memref<128x128xf32, #tpu.memory_space<vmem>>, vector<16xf32>,
        %parallel_loop3A_210 = arith.index_cast %parallel_loop3A_171 : i32 to index
        %parallel_loop3A_211 = arith.constant 80 : index
        %parallel_loop3A_212 = tpu.vector_load %arg12[%parallel_loop3A_210, %parallel_loop3A_211] {strides = array<i32>} : memref<128x128xf32, #tpu.memory_space<vmem>>, vector<16xf32>,
        %parallel_loop3A_213 = arith.mulf %parallel_loop3A_212, %parallel_loop3A_174 : vector<16xf32>
        %parallel_loop3A_214 = arith.index_cast %parallel_loop3A_171 : i32 to index
        %parallel_loop3A_215 = arith.constant 80 : index
        %parallel_loop3A_216 = tpu.vector_load %arg12[%parallel_loop3A_214, %parallel_loop3A_215] {strides = array<i32>} : memref<128x128xf32, #tpu.memory_space<vmem>>, vector<16xf32>,
        tpu.vector_store %arg12[%parallel_loop3A_214, %parallel_loop3A_215], %parallel_loop3A_213 {strides = array<i32>} : memref<128x128xf32, #tpu.memory_space<vmem>>, vector<16xf32>,
        %parallel_loop3A_217 = arith.index_cast %parallel_loop3A_171 : i32 to index
        %parallel_loop3A_218 = arith.constant 96 : index
        %parallel_loop3A_219 = tpu.vector_load %arg12[%parallel_loop3A_217, %parallel_loop3A_218] {strides = array<i32>} : memref<128x128xf32, #tpu.memory_space<vmem>>, vector<16xf32>,
        %parallel_loop3A_220 = arith.mulf %parallel_loop3A_219, %parallel_loop3A_174 : vector<16xf32>
        %parallel_loop3A_221 = arith.index_cast %parallel_loop3A_171 : i32 to index
        %parallel_loop3A_222 = arith.constant 96 : index
        %parallel_loop3A_223 = tpu.vector_load %arg12[%parallel_loop3A_221, %parallel_loop3A_222] {strides = array<i32>} : memref<128x128xf32, #tpu.memory_space<vmem>>, vector<16xf32>,
        tpu.vector_store %arg12[%parallel_loop3A_221, %parallel_loop3A_222], %parallel_loop3A_220 {strides = array<i32>} : memref<128x128xf32, #tpu.memory_space<vmem>>, vector<16xf32>,
        %parallel_loop3A_224 = arith.index_cast %parallel_loop3A_171 : i32 to index
        %parallel_loop3A_225 = arith.constant 112 : index
        %parallel_loop3A_226 = tpu.vector_load %arg12[%parallel_loop3A_224, %parallel_loop3A_225] {strides = array<i32>} : memref<128x128xf32, #tpu.memory_space<vmem>>, vector<16xf32>,
        %parallel_loop3A_227 = arith.mulf %parallel_loop3A_226, %parallel_loop3A_174 : vector<16xf32>
        %parallel_loop3A_228 = arith.index_cast %parallel_loop3A_171 : i32 to index
        %parallel_loop3A_229 = arith.constant 112 : index
        %parallel_loop3A_230 = tpu.vector_load %arg12[%parallel_loop3A_228, %parallel_loop3A_229] {strides = array<i32>} : memref<128x128xf32, #tpu.memory_space<vmem>>, vector<16xf32>,
        tpu.vector_store %arg12[%parallel_loop3A_228, %parallel_loop3A_229], %parallel_loop3A_227 {strides = array<i32>} : memref<128x128xf32, #tpu.memory_space<vmem>>, vector<16xf32>,
      } {sc.loop_unroll_factor = 4 : i64, sc.parallel_access}
      "tpu.region"() ({
        %run_scoped3A = tpu.sem_alloc : memref<!tpu.dma_semaphore, #tpu.memory_space<semaphore_mem>>
        %dma_start3A_171 = tpu.memref_slice %arg10[%mul3A_148] : memref<4096xi32, #tpu.memory_space<vmem>> -> memref<128xi32, #tpu.memory_space<vmem>>
        %dma_start3A_172 = arith.constant 0 : i32
        %dma_start3A_173 = arith.constant 0 : i32
        %dma_start3A_174 = tpu.memref_slice %arg15[%dma_start3A_172, %dma_start3A_173] : memref<10000x128xf32, #tpu.memory_space<vmem_shared>> -> memref<10000x128xf32, #tpu.memory_space<vmem_shared>>
        tpu.enqueue_indirect_dma source(%arg12 : memref<128x128xf32, #tpu.memory_space<vmem>>) target(%dma_start3A_174 : memref<10000x128xf32, #tpu.memory_space<vmem_shared>>) offsets(%dma_start3A_171 : memref<128xi32, #tpu.memory_space<vmem>>) semaphore(%run_scoped3A : memref<!tpu.dma_semaphore, #tpu.memory_space<semaphore_mem>>) {add = true}
        %dma_wait3A_175 = tpu.memref_slice %arg10[%mul3A_148] : memref<4096xi32, #tpu.memory_space<vmem>> -> memref<128xi32, #tpu.memory_space<vmem>>
        %dma_wait3A_176 = arith.constant 0 : i32
        %dma_wait3A_177 = arith.constant 0 : i32
        %dma_wait3A_178 = tpu.memref_slice %arg15[%dma_wait3A_176, %dma_wait3A_177] : memref<10000x128xf32, #tpu.memory_space<vmem_shared>> -> memref<10000x128xf32, #tpu.memory_space<vmem_shared>>
        tpu.wait_indirect_dma semaphore(%run_scoped3A : memref<!tpu.dma_semaphore, #tpu.memory_space<semaphore_mem>>) src(%arg12 : memref<128x128xf32, #tpu.memory_space<vmem>>) dst(%dma_wait3A_178 : memref<10000x128xf32, #tpu.memory_space<vmem_shared>>)
        tpu.yield
      }) : () -> ()
      %add3A_152 = arith.constant 2 : i32
      %add3A_153 = arith.addi %mul3A_132, %add3A_152 : i32
      %lt3A = arith.constant 28 : i32
      %lt3A_154 = arith.cmpi slt, %add3A_153, %lt3A : i32
      %convert_element_type3A_155 = arith.extui %lt3A_154 : i1 to i32
      %cond3A_156 = arith.constant 0 : i32
      %cond3A_157 = arith.cmpi ne, %convert_element_type3A_155, %cond3A_156 : i32
      scf.if %cond3A_157 {
        %add3A_171 = arith.constant 2 : i32
        %add3A_172 = arith.addi %mul3A_132, %add3A_171 : i32
        %mul3A_173 = arith.constant 128 : i32
        %mul3A_174 = arith.muli %add3A_172, %mul3A_173 : i32
        %dma_start3A_175 = tpu.memref_slice %arg9[%mul3A_174] : memref<4096xi32, #tpu.memory_space<vmem>> -> memref<128xi32, #tpu.memory_space<vmem>>
        %dma_start3A_176 = arith.constant 0 : i32
        %dma_start3A_177 = arith.constant 0 : i32
        %dma_start3A_178 = tpu.memref_slice %arg2[%dma_start3A_176, %dma_start3A_177] : memref<20000x128xf32, #tpu.memory_space<hbm>> -> memref<20000x128xf32, #tpu.memory_space<hbm>>
        tpu.enqueue_indirect_dma source(%dma_start3A_178 : memref<20000x128xf32, #tpu.memory_space<hbm>>) target(%arg12 : memref<128x128xf32, #tpu.memory_space<vmem>>) offsets(%dma_start3A_175 : memref<128xi32, #tpu.memory_space<vmem>>) semaphore(%arg16 : memref<!tpu.dma_semaphore, #tpu.memory_space<semaphore_mem>>)
      } else {
      }
      %dma_wait3A_158 = arith.constant 0 : i32
      %dma_wait3A_159 = arith.constant 0 : i32
      %dma_wait3A_160 = tpu.memref_slice %arg2[%dma_wait3A_158, %dma_wait3A_159] : memref<20000x128xf32, #tpu.memory_space<hbm>> -> memref<128x128xf32, #tpu.memory_space<hbm>>
      %dma_wait3A_161 = arith.constant 0 : i32
      %dma_wait3A_162 = arith.constant 0 : i32
      %dma_wait3A_163 = tpu.memref_slice %arg2[%dma_wait3A_161, %dma_wait3A_162] : memref<20000x128xf32, #tpu.memory_space<hbm>> -> memref<128x128xf32, #tpu.memory_space<hbm>>
      tpu.wait_dma2 semaphore(%arg17 : memref<!tpu.dma_semaphore, #tpu.memory_space<semaphore_mem>>) src(%dma_wait3A_163 : memref<128x128xf32, #tpu.memory_space<hbm>>) dst(%arg13 : memref<128x128xf32, #tpu.memory_space<vmem>>)
      %add3A_164 = arith.constant 1 : i32
      %add3A_165 = arith.addi %mul3A_132, %add3A_164 : i32
      %mul3A_166 = arith.constant 128 : i32
      %mul3A_167 = arith.muli %add3A_165, %mul3A_166 : i32
      %parallel_loop3A_168 = arith.constant 0 : i32
      %parallel_loop3A_169 = arith.constant 128 : i32
      %parallel_loop3A_170 = arith.constant 1 : i32
      scf.for %parallel_loop3A_171 = %parallel_loop3A_168 to %parallel_loop3A_169 step %parallel_loop3A_170  : i32 {
        %parallel_loop3A_172 = arith.addi %mul3A_167, %parallel_loop3A_171 : i32
        %parallel_loop3A_173 = vector.broadcast %parallel_loop3A_172 : i32 to vector<16xi32>
        %parallel_loop3A_174 = tpu.vector_load_idx %arg11[%parallel_loop3A_173] : memref<4096xf32, #tpu.memory_space<vmem>>[vector<16xi32>], vector<16xf32>,
        %parallel_loop3A_175 = arith.index_cast %parallel_loop3A_171 : i32 to index
        %parallel_loop3A_176 = arith.constant 0 : index
        %parallel_loop3A_177 = tpu.vector_load %arg13[%parallel_loop3A_175, %parallel_loop3A_176] {strides = array<i32>} : memref<128x128xf32, #tpu.memory_space<vmem>>, vector<16xf32>,
        %parallel_loop3A_178 = arith.mulf %parallel_loop3A_177, %parallel_loop3A_174 : vector<16xf32>
        %parallel_loop3A_179 = arith.index_cast %parallel_loop3A_171 : i32 to index
        %parallel_loop3A_180 = arith.constant 0 : index
        %parallel_loop3A_181 = tpu.vector_load %arg13[%parallel_loop3A_179, %parallel_loop3A_180] {strides = array<i32>} : memref<128x128xf32, #tpu.memory_space<vmem>>, vector<16xf32>,
        tpu.vector_store %arg13[%parallel_loop3A_179, %parallel_loop3A_180], %parallel_loop3A_178 {strides = array<i32>} : memref<128x128xf32, #tpu.memory_space<vmem>>, vector<16xf32>,
        %parallel_loop3A_182 = arith.index_cast %parallel_loop3A_171 : i32 to index
        %parallel_loop3A_183 = arith.constant 16 : index
        %parallel_loop3A_184 = tpu.vector_load %arg13[%parallel_loop3A_182, %parallel_loop3A_183] {strides = array<i32>} : memref<128x128xf32, #tpu.memory_space<vmem>>, vector<16xf32>,
        %parallel_loop3A_185 = arith.mulf %parallel_loop3A_184, %parallel_loop3A_174 : vector<16xf32>
        %parallel_loop3A_186 = arith.index_cast %parallel_loop3A_171 : i32 to index
        %parallel_loop3A_187 = arith.constant 16 : index
        %parallel_loop3A_188 = tpu.vector_load %arg13[%parallel_loop3A_186, %parallel_loop3A_187] {strides = array<i32>} : memref<128x128xf32, #tpu.memory_space<vmem>>, vector<16xf32>,
        tpu.vector_store %arg13[%parallel_loop3A_186, %parallel_loop3A_187], %parallel_loop3A_185 {strides = array<i32>} : memref<128x128xf32, #tpu.memory_space<vmem>>, vector<16xf32>,
        %parallel_loop3A_189 = arith.index_cast %parallel_loop3A_171 : i32 to index
        %parallel_loop3A_190 = arith.constant 32 : index
        %parallel_loop3A_191 = tpu.vector_load %arg13[%parallel_loop3A_189, %parallel_loop3A_190] {strides = array<i32>} : memref<128x128xf32, #tpu.memory_space<vmem>>, vector<16xf32>,
        %parallel_loop3A_192 = arith.mulf %parallel_loop3A_191, %parallel_loop3A_174 : vector<16xf32>
        %parallel_loop3A_193 = arith.index_cast %parallel_loop3A_171 : i32 to index
        %parallel_loop3A_194 = arith.constant 32 : index
        %parallel_loop3A_195 = tpu.vector_load %arg13[%parallel_loop3A_193, %parallel_loop3A_194] {strides = array<i32>} : memref<128x128xf32, #tpu.memory_space<vmem>>, vector<16xf32>,
        tpu.vector_store %arg13[%parallel_loop3A_193, %parallel_loop3A_194], %parallel_loop3A_192 {strides = array<i32>} : memref<128x128xf32, #tpu.memory_space<vmem>>, vector<16xf32>,
        %parallel_loop3A_196 = arith.index_cast %parallel_loop3A_171 : i32 to index
        %parallel_loop3A_197 = arith.constant 48 : index
        %parallel_loop3A_198 = tpu.vector_load %arg13[%parallel_loop3A_196, %parallel_loop3A_197] {strides = array<i32>} : memref<128x128xf32, #tpu.memory_space<vmem>>, vector<16xf32>,
        %parallel_loop3A_199 = arith.mulf %parallel_loop3A_198, %parallel_loop3A_174 : vector<16xf32>
        %parallel_loop3A_200 = arith.index_cast %parallel_loop3A_171 : i32 to index
        %parallel_loop3A_201 = arith.constant 48 : index
        %parallel_loop3A_202 = tpu.vector_load %arg13[%parallel_loop3A_200, %parallel_loop3A_201] {strides = array<i32>} : memref<128x128xf32, #tpu.memory_space<vmem>>, vector<16xf32>,
        tpu.vector_store %arg13[%parallel_loop3A_200, %parallel_loop3A_201], %parallel_loop3A_199 {strides = array<i32>} : memref<128x128xf32, #tpu.memory_space<vmem>>, vector<16xf32>,
        %parallel_loop3A_203 = arith.index_cast %parallel_loop3A_171 : i32 to index
        %parallel_loop3A_204 = arith.constant 64 : index
        %parallel_loop3A_205 = tpu.vector_load %arg13[%parallel_loop3A_203, %parallel_loop3A_204] {strides = array<i32>} : memref<128x128xf32, #tpu.memory_space<vmem>>, vector<16xf32>,
        %parallel_loop3A_206 = arith.mulf %parallel_loop3A_205, %parallel_loop3A_174 : vector<16xf32>
        %parallel_loop3A_207 = arith.index_cast %parallel_loop3A_171 : i32 to index
        %parallel_loop3A_208 = arith.constant 64 : index
        %parallel_loop3A_209 = tpu.vector_load %arg13[%parallel_loop3A_207, %parallel_loop3A_208] {strides = array<i32>} : memref<128x128xf32, #tpu.memory_space<vmem>>, vector<16xf32>,
        tpu.vector_store %arg13[%parallel_loop3A_207, %parallel_loop3A_208], %parallel_loop3A_206 {strides = array<i32>} : memref<128x128xf32, #tpu.memory_space<vmem>>, vector<16xf32>,
        %parallel_loop3A_210 = arith.index_cast %parallel_loop3A_171 : i32 to index
        %parallel_loop3A_211 = arith.constant 80 : index
        %parallel_loop3A_212 = tpu.vector_load %arg13[%parallel_loop3A_210, %parallel_loop3A_211] {strides = array<i32>} : memref<128x128xf32, #tpu.memory_space<vmem>>, vector<16xf32>,
        %parallel_loop3A_213 = arith.mulf %parallel_loop3A_212, %parallel_loop3A_174 : vector<16xf32>
        %parallel_loop3A_214 = arith.index_cast %parallel_loop3A_171 : i32 to index
        %parallel_loop3A_215 = arith.constant 80 : index
        %parallel_loop3A_216 = tpu.vector_load %arg13[%parallel_loop3A_214, %parallel_loop3A_215] {strides = array<i32>} : memref<128x128xf32, #tpu.memory_space<vmem>>, vector<16xf32>,
        tpu.vector_store %arg13[%parallel_loop3A_214, %parallel_loop3A_215], %parallel_loop3A_213 {strides = array<i32>} : memref<128x128xf32, #tpu.memory_space<vmem>>, vector<16xf32>,
        %parallel_loop3A_217 = arith.index_cast %parallel_loop3A_171 : i32 to index
        %parallel_loop3A_218 = arith.constant 96 : index
        %parallel_loop3A_219 = tpu.vector_load %arg13[%parallel_loop3A_217, %parallel_loop3A_218] {strides = array<i32>} : memref<128x128xf32, #tpu.memory_space<vmem>>, vector<16xf32>,
        %parallel_loop3A_220 = arith.mulf %parallel_loop3A_219, %parallel_loop3A_174 : vector<16xf32>
        %parallel_loop3A_221 = arith.index_cast %parallel_loop3A_171 : i32 to index
        %parallel_loop3A_222 = arith.constant 96 : index
        %parallel_loop3A_223 = tpu.vector_load %arg13[%parallel_loop3A_221, %parallel_loop3A_222] {strides = array<i32>} : memref<128x128xf32, #tpu.memory_space<vmem>>, vector<16xf32>,
        tpu.vector_store %arg13[%parallel_loop3A_221, %parallel_loop3A_222], %parallel_loop3A_220 {strides = array<i32>} : memref<128x128xf32, #tpu.memory_space<vmem>>, vector<16xf32>,
        %parallel_loop3A_224 = arith.index_cast %parallel_loop3A_171 : i32 to index
        %parallel_loop3A_225 = arith.constant 112 : index
        %parallel_loop3A_226 = tpu.vector_load %arg13[%parallel_loop3A_224, %parallel_loop3A_225] {strides = array<i32>} : memref<128x128xf32, #tpu.memory_space<vmem>>, vector<16xf32>,
        %parallel_loop3A_227 = arith.mulf %parallel_loop3A_226, %parallel_loop3A_174 : vector<16xf32>
        %parallel_loop3A_228 = arith.index_cast %parallel_loop3A_171 : i32 to index
        %parallel_loop3A_229 = arith.constant 112 : index
        %parallel_loop3A_230 = tpu.vector_load %arg13[%parallel_loop3A_228, %parallel_loop3A_229] {strides = array<i32>} : memref<128x128xf32, #tpu.memory_space<vmem>>, vector<16xf32>,
        tpu.vector_store %arg13[%parallel_loop3A_228, %parallel_loop3A_229], %parallel_loop3A_227 {strides = array<i32>} : memref<128x128xf32, #tpu.memory_space<vmem>>, vector<16xf32>,
      } {sc.loop_unroll_factor = 4 : i64, sc.parallel_access}
      "tpu.region"() ({
        %run_scoped3A = tpu.sem_alloc : memref<!tpu.dma_semaphore, #tpu.memory_space<semaphore_mem>>
        %dma_start3A_171 = tpu.memref_slice %arg10[%mul3A_167] : memref<4096xi32, #tpu.memory_space<vmem>> -> memref<128xi32, #tpu.memory_space<vmem>>
        %dma_start3A_172 = arith.constant 0 : i32
        %dma_start3A_173 = arith.constant 0 : i32
        %dma_start3A_174 = tpu.memref_slice %arg15[%dma_start3A_172, %dma_start3A_173] : memref<10000x128xf32, #tpu.memory_space<vmem_shared>> -> memref<10000x128xf32, #tpu.memory_space<vmem_shared>>
        tpu.enqueue_indirect_dma source(%arg13 : memref<128x128xf32, #tpu.memory_space<vmem>>) target(%dma_start3A_174 : memref<10000x128xf32, #tpu.memory_space<vmem_shared>>) offsets(%dma_start3A_171 : memref<128xi32, #tpu.memory_space<vmem>>) semaphore(%run_scoped3A : memref<!tpu.dma_semaphore, #tpu.memory_space<semaphore_mem>>) {add = true}
        %dma_wait3A_175 = tpu.memref_slice %arg10[%mul3A_167] : memref<4096xi32, #tpu.memory_space<vmem>> -> memref<128xi32, #tpu.memory_space<vmem>>
        %dma_wait3A_176 = arith.constant 0 : i32
        %dma_wait3A_177 = arith.constant 0 : i32
        %dma_wait3A_178 = tpu.memref_slice %arg15[%dma_wait3A_176, %dma_wait3A_177] : memref<10000x128xf32, #tpu.memory_space<vmem_shared>> -> memref<10000x128xf32, #tpu.memory_space<vmem_shared>>
        tpu.wait_indirect_dma semaphore(%run_scoped3A : memref<!tpu.dma_semaphore, #tpu.memory_space<semaphore_mem>>) src(%arg13 : memref<128x128xf32, #tpu.memory_space<vmem>>) dst(%dma_wait3A_178 : memref<10000x128xf32, #tpu.memory_space<vmem_shared>>)
        tpu.yield
      }) : () -> ()
    }
    %scan3A_91 = arith.constant 14 : i32
    %dma_start3A_92 = arith.constant 3584 : i32
    %dma_start3A_93 = tpu.memref_slice %arg9[%dma_start3A_92] : memref<4096xi32, #tpu.memory_space<vmem>> -> memref<32xi32, #tpu.memory_space<vmem>>
    %dma_start3A_94 = arith.constant 0 : i32
    %dma_start3A_95 = arith.constant 0 : i32
    %dma_start3A_96 = tpu.memref_slice %arg2[%dma_start3A_94, %dma_start3A_95] : memref<20000x128xf32, #tpu.memory_space<hbm>> -> memref<20000x128xf32, #tpu.memory_space<hbm>>
    tpu.enqueue_indirect_dma source(%dma_start3A_96 : memref<20000x128xf32, #tpu.memory_space<hbm>>) target(%arg14 : memref<32x128xf32, #tpu.memory_space<vmem>>) offsets(%dma_start3A_93 : memref<32xi32, #tpu.memory_space<vmem>>) semaphore(%arg16 : memref<!tpu.dma_semaphore, #tpu.memory_space<semaphore_mem>>)
    %dma_wait3A = arith.constant 3584 : i32
    %dma_wait3A_97 = tpu.memref_slice %arg9[%dma_wait3A] : memref<4096xi32, #tpu.memory_space<vmem>> -> memref<32xi32, #tpu.memory_space<vmem>>
    %dma_wait3A_98 = arith.constant 0 : i32
    %dma_wait3A_99 = arith.constant 0 : i32
    %dma_wait3A_100 = tpu.memref_slice %arg2[%dma_wait3A_98, %dma_wait3A_99] : memref<20000x128xf32, #tpu.memory_space<hbm>> -> memref<20000x128xf32, #tpu.memory_space<hbm>>
    tpu.wait_indirect_dma semaphore(%arg16 : memref<!tpu.dma_semaphore, #tpu.memory_space<semaphore_mem>>) src(%dma_wait3A_100 : memref<20000x128xf32, #tpu.memory_space<hbm>>) dst(%arg14 : memref<32x128xf32, #tpu.memory_space<vmem>>)
    %parallel_loop3A_101 = arith.constant 0 : i32
    %parallel_loop3A_102 = arith.constant 32 : i32
    %parallel_loop3A_103 = arith.constant 1 : i32
    scf.for %parallel_loop3A_130 = %parallel_loop3A_101 to %parallel_loop3A_102 step %parallel_loop3A_103  : i32 {
      %parallel_loop3A_131 = arith.constant 3584 : i32
      %parallel_loop3A_132 = arith.addi %parallel_loop3A_131, %parallel_loop3A_130 : i32
      %parallel_loop3A_133 = vector.broadcast %parallel_loop3A_132 : i32 to vector<16xi32>
      %parallel_loop3A_134 = tpu.vector_load_idx %arg11[%parallel_loop3A_133] : memref<4096xf32, #tpu.memory_space<vmem>>[vector<16xi32>], vector<16xf32>,
      %parallel_loop3A_135 = arith.index_cast %parallel_loop3A_130 : i32 to index
      %parallel_loop3A_136 = arith.constant 0 : index
      %parallel_loop3A_137 = tpu.vector_load %arg14[%parallel_loop3A_135, %parallel_loop3A_136] {strides = array<i32>} : memref<32x128xf32, #tpu.memory_space<vmem>>, vector<16xf32>,
      %parallel_loop3A_138 = arith.mulf %parallel_loop3A_137, %parallel_loop3A_134 : vector<16xf32>
      %parallel_loop3A_139 = arith.index_cast %parallel_loop3A_130 : i32 to index
      %parallel_loop3A_140 = arith.constant 0 : index
      %parallel_loop3A_141 = tpu.vector_load %arg14[%parallel_loop3A_139, %parallel_loop3A_140] {strides = array<i32>} : memref<32x128xf32, #tpu.memory_space<vmem>>, vector<16xf32>,
      tpu.vector_store %arg14[%parallel_loop3A_139, %parallel_loop3A_140], %parallel_loop3A_138 {strides = array<i32>} : memref<32x128xf32, #tpu.memory_space<vmem>>, vector<16xf32>,
      %parallel_loop3A_142 = arith.index_cast %parallel_loop3A_130 : i32 to index
      %parallel_loop3A_143 = arith.constant 16 : index
      %parallel_loop3A_144 = tpu.vector_load %arg14[%parallel_loop3A_142, %parallel_loop3A_143] {strides = array<i32>} : memref<32x128xf32, #tpu.memory_space<vmem>>, vector<16xf32>,
      %parallel_loop3A_145 = arith.mulf %parallel_loop3A_144, %parallel_loop3A_134 : vector<16xf32>
      %parallel_loop3A_146 = arith.index_cast %parallel_loop3A_130 : i32 to index
      %parallel_loop3A_147 = arith.constant 16 : index
      %parallel_loop3A_148 = tpu.vector_load %arg14[%parallel_loop3A_146, %parallel_loop3A_147] {strides = array<i32>} : memref<32x128xf32, #tpu.memory_space<vmem>>, vector<16xf32>,
      tpu.vector_store %arg14[%parallel_loop3A_146, %parallel_loop3A_147], %parallel_loop3A_145 {strides = array<i32>} : memref<32x128xf32, #tpu.memory_space<vmem>>, vector<16xf32>,
      %parallel_loop3A_149 = arith.index_cast %parallel_loop3A_130 : i32 to index
      %parallel_loop3A_150 = arith.constant 32 : index
      %parallel_loop3A_151 = tpu.vector_load %arg14[%parallel_loop3A_149, %parallel_loop3A_150] {strides = array<i32>} : memref<32x128xf32, #tpu.memory_space<vmem>>, vector<16xf32>,
      %parallel_loop3A_152 = arith.mulf %parallel_loop3A_151, %parallel_loop3A_134 : vector<16xf32>
      %parallel_loop3A_153 = arith.index_cast %parallel_loop3A_130 : i32 to index
      %parallel_loop3A_154 = arith.constant 32 : index
      %parallel_loop3A_155 = tpu.vector_load %arg14[%parallel_loop3A_153, %parallel_loop3A_154] {strides = array<i32>} : memref<32x128xf32, #tpu.memory_space<vmem>>, vector<16xf32>,
      tpu.vector_store %arg14[%parallel_loop3A_153, %parallel_loop3A_154], %parallel_loop3A_152 {strides = array<i32>} : memref<32x128xf32, #tpu.memory_space<vmem>>, vector<16xf32>,
      %parallel_loop3A_156 = arith.index_cast %parallel_loop3A_130 : i32 to index
      %parallel_loop3A_157 = arith.constant 48 : index
      %parallel_loop3A_158 = tpu.vector_load %arg14[%parallel_loop3A_156, %parallel_loop3A_157] {strides = array<i32>} : memref<32x128xf32, #tpu.memory_space<vmem>>, vector<16xf32>,
      %parallel_loop3A_159 = arith.mulf %parallel_loop3A_158, %parallel_loop3A_134 : vector<16xf32>
      %parallel_loop3A_160 = arith.index_cast %parallel_loop3A_130 : i32 to index
      %parallel_loop3A_161 = arith.constant 48 : index
      %parallel_loop3A_162 = tpu.vector_load %arg14[%parallel_loop3A_160, %parallel_loop3A_161] {strides = array<i32>} : memref<32x128xf32, #tpu.memory_space<vmem>>, vector<16xf32>,
      tpu.vector_store %arg14[%parallel_loop3A_160, %parallel_loop3A_161], %parallel_loop3A_159 {strides = array<i32>} : memref<32x128xf32, #tpu.memory_space<vmem>>, vector<16xf32>,
      %parallel_loop3A_163 = arith.index_cast %parallel_loop3A_130 : i32 to index
      %parallel_loop3A_164 = arith.constant 64 : index
      %parallel_loop3A_165 = tpu.vector_load %arg14[%parallel_loop3A_163, %parallel_loop3A_164] {strides = array<i32>} : memref<32x128xf32, #tpu.memory_space<vmem>>, vector<16xf32>,
      %parallel_loop3A_166 = arith.mulf %parallel_loop3A_165, %parallel_loop3A_134 : vector<16xf32>
      %parallel_loop3A_167 = arith.index_cast %parallel_loop3A_130 : i32 to index
      %parallel_loop3A_168 = arith.constant 64 : index
      %parallel_loop3A_169 = tpu.vector_load %arg14[%parallel_loop3A_167, %parallel_loop3A_168] {strides = array<i32>} : memref<32x128xf32, #tpu.memory_space<vmem>>, vector<16xf32>,
      tpu.vector_store %arg14[%parallel_loop3A_167, %parallel_loop3A_168], %parallel_loop3A_166 {strides = array<i32>} : memref<32x128xf32, #tpu.memory_space<vmem>>, vector<16xf32>,
      %parallel_loop3A_170 = arith.index_cast %parallel_loop3A_130 : i32 to index
      %parallel_loop3A_171 = arith.constant 80 : index
      %parallel_loop3A_172 = tpu.vector_load %arg14[%parallel_loop3A_170, %parallel_loop3A_171] {strides = array<i32>} : memref<32x128xf32, #tpu.memory_space<vmem>>, vector<16xf32>,
      %parallel_loop3A_173 = arith.mulf %parallel_loop3A_172, %parallel_loop3A_134 : vector<16xf32>
      %parallel_loop3A_174 = arith.index_cast %parallel_loop3A_130 : i32 to index
      %parallel_loop3A_175 = arith.constant 80 : index
      %parallel_loop3A_176 = tpu.vector_load %arg14[%parallel_loop3A_174, %parallel_loop3A_175] {strides = array<i32>} : memref<32x128xf32, #tpu.memory_space<vmem>>, vector<16xf32>,
      tpu.vector_store %arg14[%parallel_loop3A_174, %parallel_loop3A_175], %parallel_loop3A_173 {strides = array<i32>} : memref<32x128xf32, #tpu.memory_space<vmem>>, vector<16xf32>,
      %parallel_loop3A_177 = arith.index_cast %parallel_loop3A_130 : i32 to index
      %parallel_loop3A_178 = arith.constant 96 : index
      %parallel_loop3A_179 = tpu.vector_load %arg14[%parallel_loop3A_177, %parallel_loop3A_178] {strides = array<i32>} : memref<32x128xf32, #tpu.memory_space<vmem>>, vector<16xf32>,
      %parallel_loop3A_180 = arith.mulf %parallel_loop3A_179, %parallel_loop3A_134 : vector<16xf32>
      %parallel_loop3A_181 = arith.index_cast %parallel_loop3A_130 : i32 to index
      %parallel_loop3A_182 = arith.constant 96 : index
      %parallel_loop3A_183 = tpu.vector_load %arg14[%parallel_loop3A_181, %parallel_loop3A_182] {strides = array<i32>} : memref<32x128xf32, #tpu.memory_space<vmem>>, vector<16xf32>,
      tpu.vector_store %arg14[%parallel_loop3A_181, %parallel_loop3A_182], %parallel_loop3A_180 {strides = array<i32>} : memref<32x128xf32, #tpu.memory_space<vmem>>, vector<16xf32>,
      %parallel_loop3A_184 = arith.index_cast %parallel_loop3A_130 : i32 to index
      %parallel_loop3A_185 = arith.constant 112 : index
      %parallel_loop3A_186 = tpu.vector_load %arg14[%parallel_loop3A_184, %parallel_loop3A_185] {strides = array<i32>} : memref<32x128xf32, #tpu.memory_space<vmem>>, vector<16xf32>,
      %parallel_loop3A_187 = arith.mulf %parallel_loop3A_186, %parallel_loop3A_134 : vector<16xf32>
      %parallel_loop3A_188 = arith.index_cast %parallel_loop3A_130 : i32 to index
      %parallel_loop3A_189 = arith.constant 112 : index
      %parallel_loop3A_190 = tpu.vector_load %arg14[%parallel_loop3A_188, %parallel_loop3A_189] {strides = array<i32>} : memref<32x128xf32, #tpu.memory_space<vmem>>, vector<16xf32>,
      tpu.vector_store %arg14[%parallel_loop3A_188, %parallel_loop3A_189], %parallel_loop3A_187 {strides = array<i32>} : memref<32x128xf32, #tpu.memory_space<vmem>>, vector<16xf32>,
    } {sc.loop_unroll_factor = 4 : i64, sc.parallel_access}
    "tpu.region"() ({
      %run_scoped3A = tpu.sem_alloc : memref<!tpu.dma_semaphore, #tpu.memory_space<semaphore_mem>>
      %dma_start3A_130 = arith.constant 3584 : i32
      %dma_start3A_131 = tpu.memref_slice %arg10[%dma_start3A_130] : memref<4096xi32, #tpu.memory_space<vmem>> -> memref<32xi32, #tpu.memory_space<vmem>>
      %dma_start3A_132 = arith.constant 0 : i32
      %dma_start3A_133 = arith.constant 0 : i32
      %dma_start3A_134 = tpu.memref_slice %arg15[%dma_start3A_132, %dma_start3A_133] : memref<10000x128xf32, #tpu.memory_space<vmem_shared>> -> memref<10000x128xf32, #tpu.memory_space<vmem_shared>>
      tpu.enqueue_indirect_dma source(%arg14 : memref<32x128xf32, #tpu.memory_space<vmem>>) target(%dma_start3A_134 : memref<10000x128xf32, #tpu.memory_space<vmem_shared>>) offsets(%dma_start3A_131 : memref<32xi32, #tpu.memory_space<vmem>>) semaphore(%run_scoped3A : memref<!tpu.dma_semaphore, #tpu.memory_space<semaphore_mem>>) {add = true}
      %dma_wait3A_135 = arith.constant 3584 : i32
      %dma_wait3A_136 = tpu.memref_slice %arg10[%dma_wait3A_135] : memref<4096xi32, #tpu.memory_space<vmem>> -> memref<32xi32, #tpu.memory_space<vmem>>
      %dma_wait3A_137 = arith.constant 0 : i32
      %dma_wait3A_138 = arith.constant 0 : i32
      %dma_wait3A_139 = tpu.memref_slice %arg15[%dma_wait3A_137, %dma_wait3A_138] : memref<10000x128xf32, #tpu.memory_space<vmem_shared>> -> memref<10000x128xf32, #tpu.memory_space<vmem_shared>>
      tpu.wait_indirect_dma semaphore(%run_scoped3A : memref<!tpu.dma_semaphore, #tpu.memory_space<semaphore_mem>>) src(%arg14 : memref<32x128xf32, #tpu.memory_space<vmem>>) dst(%dma_wait3A_139 : memref<10000x128xf32, #tpu.memory_space<vmem_shared>>)
      tpu.yield
    }) : () -> ()
    %barrier3A_104 = arith.constant 0 : index
    tpu.barrier barrier_id(%barrier3A_104)
    %eq3A_105 = arith.constant 0 : i32
    %eq3A_106 = arith.cmpi eq, %arg0, %eq3A_105 : i32
    %convert_element_type3A_107 = arith.extui %eq3A_106 : i1 to i32
    %cond3A_108 = arith.constant 0 : i32
    %cond3A_109 = arith.cmpi ne, %convert_element_type3A_107, %cond3A_108 : i32
    scf.if %cond3A_109 {
      %mul3A_130 = arith.constant 624 : i32
      %mul3A_131 = arith.muli %arg1, %mul3A_130 : i32
      %mul3A_132 = arith.constant 624 : i32
      %mul3A_133 = arith.muli %arg1, %mul3A_132 : i32
      "tpu.region"() ({
        %run_scoped3A = tpu.sem_alloc : memref<!tpu.dma_semaphore, #tpu.memory_space<semaphore_mem>>
        %dma_start3A_134 = arith.constant 0 : i32
        %dma_start3A_135 = tpu.memref_slice %arg7[%mul3A_133, %dma_start3A_134] : memref<10000x128xf32, #tpu.memory_space<hbm>> -> memref<624x128xf32, #tpu.memory_space<hbm>>
        %dma_start3A_136 = arith.constant 0 : i32
        %dma_start3A_137 = tpu.memref_slice %arg15[%mul3A_131, %dma_start3A_136] : memref<10000x128xf32, #tpu.memory_space<vmem_shared>> -> memref<624x128xf32, #tpu.memory_space<vmem_shared>>
        tpu.enqueue_dma source(%dma_start3A_137 : memref<624x128xf32, #tpu.memory_space<vmem_shared>>) target(%dma_start3A_135 : memref<624x128xf32, #tpu.memory_space<hbm>>) target_semaphore(%run_scoped3A : memref<!tpu.dma_semaphore, #tpu.memory_space<semaphore_mem>>)
        %dma_wait3A_138 = arith.constant 0 : i32
        %dma_wait3A_139 = tpu.memref_slice %arg7[%mul3A_133, %dma_wait3A_138] : memref<10000x128xf32, #tpu.memory_space<hbm>> -> memref<624x128xf32, #tpu.memory_space<hbm>>
        %dma_wait3A_140 = arith.constant 0 : i32
        %dma_wait3A_141 = tpu.memref_slice %arg15[%mul3A_131, %dma_wait3A_140] : memref<10000x128xf32, #tpu.memory_space<vmem_shared>> -> memref<624x128xf32, #tpu.memory_space<vmem_shared>>
        tpu.wait_dma2 semaphore(%run_scoped3A : memref<!tpu.dma_semaphore, #tpu.memory_space<semaphore_mem>>) src(%dma_wait3A_141 : memref<624x128xf32, #tpu.memory_space<vmem_shared>>) dst(%dma_wait3A_139 : memref<624x128xf32, #tpu.memory_space<hbm>>)
        tpu.yield
      }) : () -> ()
    } else {
    }
    %eq3A_110 = arith.constant 0 : i32
    %eq3A_111 = arith.cmpi eq, %arg0, %eq3A_110 : i32
    %eq3A_112 = arith.constant 0 : i32
    %eq3A_113 = arith.cmpi eq, %arg1, %eq3A_112 : i32
    %and3A = arith.andi %eq3A_111, %eq3A_113 : i1
    %convert_element_type3A_114 = arith.extui %and3A : i1 to i32
    %cond3A_115 = arith.constant 0 : i32
    %cond3A_116 = arith.cmpi ne, %convert_element_type3A_114, %cond3A_115 : i32
    scf.if %cond3A_116 {
      "tpu.region"() ({
        %run_scoped3A = tpu.sem_alloc : memref<!tpu.dma_semaphore, #tpu.memory_space<semaphore_mem>>
        %dma_start3A_130 = arith.constant 9984 : i32
        %dma_start3A_131 = arith.constant 0 : i32
        %dma_start3A_132 = tpu.memref_slice %arg7[%dma_start3A_130, %dma_start3A_131] : memref<10000x128xf32, #tpu.memory_space<hbm>> -> memref<16x128xf32, #tpu.memory_space<hbm>>
        %dma_start3A_133 = arith.constant 9984 : i32
        %dma_start3A_134 = arith.constant 0 : i32
        %dma_start3A_135 = tpu.memref_slice %arg15[%dma_start3A_133, %dma_start3A_134] : memref<10000x128xf32, #tpu.memory_space<vmem_shared>> -> memref<16x128xf32, #tpu.memory_space<vmem_shared>>
        tpu.enqueue_dma source(%dma_start3A_135 : memref<16x128xf32, #tpu.memory_space<vmem_shared>>) target(%dma_start3A_132 : memref<16x128xf32, #tpu.memory_space<hbm>>) target_semaphore(%run_scoped3A : memref<!tpu.dma_semaphore, #tpu.memory_space<semaphore_mem>>)
        %dma_wait3A_136 = arith.constant 9984 : i32
        %dma_wait3A_137 = arith.constant 0 : i32
        %dma_wait3A_138 = tpu.memref_slice %arg7[%dma_wait3A_136, %dma_wait3A_137] : memref<10000x128xf32, #tpu.memory_space<hbm>> -> memref<16x128xf32, #tpu.memory_space<hbm>>
        %dma_wait3A_139 = arith.constant 9984 : i32
        %dma_wait3A_140 = arith.constant 0 : i32
        %dma_wait3A_141 = tpu.memref_slice %arg15[%dma_wait3A_139, %dma_wait3A_140] : memref<10000x128xf32, #tpu.memory_space<vmem_shared>> -> memref<16x128xf32, #tpu.memory_space<vmem_shared>>
        tpu.wait_dma2 semaphore(%run_scoped3A : memref<!tpu.dma_semaphore, #tpu.memory_space<semaphore_mem>>) src(%dma_wait3A_141 : memref<16x128xf32, #tpu.memory_space<vmem_shared>>) dst(%dma_wait3A_138 : memref<16x128xf32, #tpu.memory_space<hbm>>)
        tpu.yield
      }) : () -> ()
    } else {
    }
    %eq3A_117 = arith.constant 1 : i32
    %eq3A_118 = arith.cmpi eq, %arg0, %eq3A_117 : i32
    %convert_element_type3A_119 = arith.extui %eq3A_118 : i1 to i32
    %cond3A_120 = arith.constant 0 : i32
    %cond3A_121 = arith.cmpi ne, %convert_element_type3A_119, %cond3A_120 : i32
    scf.if %cond3A_121 {
      %mul3A_130 = arith.constant 624 : i32
      %mul3A_131 = arith.muli %arg1, %mul3A_130 : i32
      %mul3A_132 = arith.constant 624 : i32
      %mul3A_133 = arith.muli %arg1, %mul3A_132 : i32
      "tpu.region"() ({
        %run_scoped3A = tpu.sem_alloc : memref<!tpu.dma_semaphore, #tpu.memory_space<semaphore_mem>>
        %dma_start3A_134 = arith.constant 0 : i32
        %dma_start3A_135 = tpu.memref_slice %arg8[%mul3A_133, %dma_start3A_134] : memref<10000x128xf32, #tpu.memory_space<hbm>> -> memref<624x128xf32, #tpu.memory_space<hbm>>
        %dma_start3A_136 = arith.constant 0 : i32
        %dma_start3A_137 = tpu.memref_slice %arg15[%mul3A_131, %dma_start3A_136] : memref<10000x128xf32, #tpu.memory_space<vmem_shared>> -> memref<624x128xf32, #tpu.memory_space<vmem_shared>>
        tpu.enqueue_dma source(%dma_start3A_137 : memref<624x128xf32, #tpu.memory_space<vmem_shared>>) target(%dma_start3A_135 : memref<624x128xf32, #tpu.memory_space<hbm>>) target_semaphore(%run_scoped3A : memref<!tpu.dma_semaphore, #tpu.memory_space<semaphore_mem>>)
        %dma_wait3A_138 = arith.constant 0 : i32
        %dma_wait3A_139 = tpu.memref_slice %arg8[%mul3A_133, %dma_wait3A_138] : memref<10000x128xf32, #tpu.memory_space<hbm>> -> memref<624x128xf32, #tpu.memory_space<hbm>>
        %dma_wait3A_140 = arith.constant 0 : i32
        %dma_wait3A_141 = tpu.memref_slice %arg15[%mul3A_131, %dma_wait3A_140] : memref<10000x128xf32, #tpu.memory_space<vmem_shared>> -> memref<624x128xf32, #tpu.memory_space<vmem_shared>>
        tpu.wait_dma2 semaphore(%run_scoped3A : memref<!tpu.dma_semaphore, #tpu.memory_space<semaphore_mem>>) src(%dma_wait3A_141 : memref<624x128xf32, #tpu.memory_space<vmem_shared>>) dst(%dma_wait3A_139 : memref<624x128xf32, #tpu.memory_space<hbm>>)
        tpu.yield
      }) : () -> ()
    } else {
    }
    %eq3A_122 = arith.constant 1 : i32
    %eq3A_123 = arith.cmpi eq, %arg0, %eq3A_122 : i32
    %eq3A_124 = arith.constant 0 : i32
    %eq3A_125 = arith.cmpi eq, %arg1, %eq3A_124 : i32
    %and3A_126 = arith.andi %eq3A_123, %eq3A_125 : i1
    %convert_element_type3A_127 = arith.extui %and3A_126 : i1 to i32
    %cond3A_128 = arith.constant 0 : i32
    %cond3A_129 = arith.cmpi ne, %convert_element_type3A_127, %cond3A_128 : i32
    scf.if %cond3A_129 {
      "tpu.region"() ({
        %run_scoped3A = tpu.sem_alloc : memref<!tpu.dma_semaphore, #tpu.memory_space<semaphore_mem>>
        %dma_start3A_130 = arith.constant 9984 : i32
        %dma_start3A_131 = arith.constant 0 : i32
        %dma_start3A_132 = tpu.memref_slice %arg8[%dma_start3A_130, %dma_start3A_131] : memref<10000x128xf32, #tpu.memory_space<hbm>> -> memref<16x128xf32, #tpu.memory_space<hbm>>
        %dma_start3A_133 = arith.constant 9984 : i32
        %dma_start3A_134 = arith.constant 0 : i32
        %dma_start3A_135 = tpu.memref_slice %arg15[%dma_start3A_133, %dma_start3A_134] : memref<10000x128xf32, #tpu.memory_space<vmem_shared>> -> memref<16x128xf32, #tpu.memory_space<vmem_shared>>
        tpu.enqueue_dma source(%dma_start3A_135 : memref<16x128xf32, #tpu.memory_space<vmem_shared>>) target(%dma_start3A_132 : memref<16x128xf32, #tpu.memory_space<hbm>>) target_semaphore(%run_scoped3A : memref<!tpu.dma_semaphore, #tpu.memory_space<semaphore_mem>>)
        %dma_wait3A_136 = arith.constant 9984 : i32
        %dma_wait3A_137 = arith.constant 0 : i32
        %dma_wait3A_138 = tpu.memref_slice %arg8[%dma_wait3A_136, %dma_wait3A_137] : memref<10000x128xf32, #tpu.memory_space<hbm>> -> memref<16x128xf32, #tpu.memory_space<hbm>>
        %dma_wait3A_139 = arith.constant 9984 : i32
        %dma_wait3A_140 = arith.constant 0 : i32
        %dma_wait3A_141 = tpu.memref_slice %arg15[%dma_wait3A_139, %dma_wait3A_140] : memref<10000x128xf32, #tpu.memory_space<vmem_shared>> -> memref<16x128xf32, #tpu.memory_space<vmem_shared>>
        tpu.wait_dma2 semaphore(%run_scoped3A : memref<!tpu.dma_semaphore, #tpu.memory_space<semaphore_mem>>) src(%dma_wait3A_141 : memref<16x128xf32, #tpu.memory_space<vmem_shared>>) dst(%dma_wait3A_138 : memref<16x128xf32, #tpu.memory_space<hbm>>)
        tpu.yield
      }) : () -> ()
    } else {
    }
    return
  }
}

module attributes {stable_mosaic.version = 14 : i64} {
  func.func @_dense_body(%arg0: i32, %arg1: memref<1000x128xf32, #tpu.memory_space<vmem>>, %arg2: memref<1000x128xf32, #tpu.memory_space<vmem>>, %arg3: memref<128x128xf32, #tpu.memory_space<vmem>>, %arg4: memref<1x128xf32, #tpu.memory_space<vmem>>, %arg5: memref<128x128xf32, #tpu.memory_space<vmem>>, %arg6: memref<1x128xf32, #tpu.memory_space<vmem>>, %arg7: memref<2x1000x128xf32, #tpu.memory_space<vmem>>) attributes {dimension_semantics = [#tpu.dimension_semantics<arbitrary>], iteration_bounds = array<i64: 10>, scalar_prefetch = 0 : i64, scratch_operands = 0 : i64, tpu.core_type = #tpu.core_type<tc>, window_params = [{transform_indices = @transform_0, window_bounds = array<i64: 1000, 128>}, {transform_indices = @transform_1, window_bounds = array<i64: 1000, 128>}, {pipeline_mode = #tpu.pipeline_mode<synchronous>, transform_indices = @transform_2, window_bounds = array<i64: 128, 128>}, {pipeline_mode = #tpu.pipeline_mode<synchronous>, transform_indices = @transform_3, window_bounds = array<i64: 1, 128>}, {pipeline_mode = #tpu.pipeline_mode<synchronous>, transform_indices = @transform_4, window_bounds = array<i64: 128, 128>}, {pipeline_mode = #tpu.pipeline_mode<synchronous>, transform_indices = @transform_5, window_bounds = array<i64: 1, 128>}, {transform_indices = @transform_6, window_bounds = array<i64: 2, 1000, 128>}]} {
    %get3A = arith.constant 0 : index
    %get3A_0 = arith.constant 0 : index
    %get3A_1 = vector.load %arg1[%get3A, %get3A_0] : memref<1000x128xf32, #tpu.memory_space<vmem>>, vector<1000x128xf32>
    %get3A_2 = arith.constant 0 : index
    %get3A_3 = arith.constant 0 : index
    %get3A_4 = vector.load %arg3[%get3A_2, %get3A_3] : memref<128x128xf32, #tpu.memory_space<vmem>>, vector<128x128xf32>
    %dot_general3A = arith.constant dense<0.000000e+00> : vector<1000x128xf32>
    %dot_general3A_5 = tpu.matmul %get3A_1, %get3A_4, %dot_general3A {dimension_numbers = #tpu.dot_dimension_numbers<[1], [0], [0], [1], [0, 0, 1, 1], [], []>, transpose_lhs_hint = false} : vector<1000x128xf32>, vector<128x128xf32>, vector<1000x128xf32> -> vector<1000x128xf32>
    %get3A_6 = arith.constant 0 : index
    %get3A_7 = arith.constant 0 : index
    %get3A_8 = vector.load %arg4[%get3A_6, %get3A_7] : memref<1x128xf32, #tpu.memory_space<vmem>>, vector<1x128xf32>
    %add3A = vector.broadcast %get3A_8 : vector<1x128xf32> to vector<1000x128xf32>
    %add3A_9 = arith.addf %dot_general3A_5, %add3A : vector<1000x128xf32>
    %gt3A = arith.constant 0.000000e+00 : f32
    %gt3A_10 = vector.broadcast %gt3A : f32 to vector<1000x128xf32>
    %gt3A_11 = arith.cmpf ogt, %add3A_9, %gt3A_10 : vector<1000x128xf32>
    %exp3A = math.exp %add3A_9 : vector<1000x128xf32>
    %sub3A = arith.constant 1.000000e+00 : f32
    %sub3A_12 = vector.broadcast %sub3A : f32 to vector<1000x128xf32>
    %sub3A_13 = arith.subf %exp3A, %sub3A_12 : vector<1000x128xf32>
    %select_n3A = arith.select %gt3A_11, %add3A_9, %sub3A_13 : vector<1000x128xi1>, vector<1000x128xf32>
    %get3A_14 = arith.constant 0 : index
    %get3A_15 = arith.constant 0 : index
    %get3A_16 = vector.load %arg2[%get3A_14, %get3A_15] : memref<1000x128xf32, #tpu.memory_space<vmem>>, vector<1000x128xf32>
    %get3A_17 = arith.constant 0 : index
    %get3A_18 = arith.constant 0 : index
    %get3A_19 = vector.load %arg5[%get3A_17, %get3A_18] : memref<128x128xf32, #tpu.memory_space<vmem>>, vector<128x128xf32>
    %dot_general3A_20 = arith.constant dense<0.000000e+00> : vector<1000x128xf32>
    %dot_general3A_21 = tpu.matmul %get3A_16, %get3A_19, %dot_general3A_20 {dimension_numbers = #tpu.dot_dimension_numbers<[1], [0], [0], [1], [0, 0, 1, 1], [], []>, transpose_lhs_hint = false} : vector<1000x128xf32>, vector<128x128xf32>, vector<1000x128xf32> -> vector<1000x128xf32>
    %get3A_22 = arith.constant 0 : index
    %get3A_23 = arith.constant 0 : index
    %get3A_24 = vector.load %arg6[%get3A_22, %get3A_23] : memref<1x128xf32, #tpu.memory_space<vmem>>, vector<1x128xf32>
    %add3A_25 = vector.broadcast %get3A_24 : vector<1x128xf32> to vector<1000x128xf32>
    %add3A_26 = arith.addf %dot_general3A_21, %add3A_25 : vector<1000x128xf32>
    %max3A = arith.constant 0.000000e+00 : f32
    %max3A_27 = vector.broadcast %max3A : f32 to vector<1000x128xf32>
    %max3A_28 = arith.maximumf %add3A_26, %max3A_27 : vector<1000x128xf32>
    %add3A_29 = arith.constant 9.99999997E-7 : f32
    %add3A_30 = vector.broadcast %add3A_29 : f32 to vector<1000x128xf32>
    %add3A_31 = arith.addf %max3A_28, %add3A_30 : vector<1000x128xf32>
    %neg3A = arith.constant 0.000000e+00 : f32
    %neg3A_32 = vector.broadcast %neg3A : f32 to vector<1000x128xf32>
    %neg3A_33 = arith.subf %neg3A_32, %add3A_31 : vector<1000x128xf32>
    %exp3A_34 = math.exp %neg3A_33 : vector<1000x128xf32>
    %mul3A = arith.mulf %select_n3A, %exp3A_34 : vector<1000x128xf32>
    %swap3A = arith.constant 0 : index
    %swap3A_35 = arith.constant 0 : index
    %swap3A_36 = arith.constant 0 : index
    %swap3A_37 = vector.load %arg7[%swap3A, %swap3A_35, %swap3A_36] : memref<2x1000x128xf32, #tpu.memory_space<vmem>>, vector<1x1000x128xf32>
    %swap3A_38 = vector.shape_cast %swap3A_37 : vector<1x1000x128xf32> to vector<1000x128xf32>
    %swap3A_39 = vector.shape_cast %mul3A : vector<1000x128xf32> to vector<1x1000x128xf32>
    tpu.vector_store %arg7[%swap3A, %swap3A_35, %swap3A_36], %swap3A_39 {strides = array<i32>} : memref<2x1000x128xf32, #tpu.memory_space<vmem>>, vector<1x1000x128xf32>,
    %mul3A_40 = arith.mulf %add3A_31, %exp3A_34 : vector<1000x128xf32>
    %mul3A_41 = arith.mulf %mul3A_40, %exp3A_34 : vector<1000x128xf32>
    %swap3A_42 = arith.constant 1 : index
    %swap3A_43 = arith.constant 0 : index
    %swap3A_44 = arith.constant 0 : index
    %swap3A_45 = vector.load %arg7[%swap3A_42, %swap3A_43, %swap3A_44] : memref<2x1000x128xf32, #tpu.memory_space<vmem>>, vector<1x1000x128xf32>
    %swap3A_46 = vector.shape_cast %swap3A_45 : vector<1x1000x128xf32> to vector<1000x128xf32>
    %swap3A_47 = vector.shape_cast %mul3A_41 : vector<1000x128xf32> to vector<1x1000x128xf32>
    tpu.vector_store %arg7[%swap3A_42, %swap3A_43, %swap3A_44], %swap3A_47 {strides = array<i32>} : memref<2x1000x128xf32, #tpu.memory_space<vmem>>, vector<1x1000x128xf32>,
    return
  }
  func.func @transform_0(%arg0: i32) -> (i32, i32) {
    %c0_i32 = arith.constant 0 : i32
    %c0_i32_0 = arith.constant 0 : i32
    return %arg0, %c0_i32 : i32, i32
  }
  func.func @transform_1(%arg0: i32) -> (i32, i32) {
    %c0_i32 = arith.constant 0 : i32
    %c0_i32_0 = arith.constant 0 : i32
    return %arg0, %c0_i32 : i32, i32
  }
  func.func @transform_2(%arg0: i32) -> (i32, i32) {
    %c0_i32 = arith.constant 0 : i32
    %c0_i32_0 = arith.constant 0 : i32
    %c0_i32_1 = arith.constant 0 : i32
    return %c0_i32, %c0_i32_0 : i32, i32
  }
  func.func @transform_3(%arg0: i32) -> (i32, i32) {
    %c0_i32 = arith.constant 0 : i32
    %c0_i32_0 = arith.constant 0 : i32
    %c0_i32_1 = arith.constant 0 : i32
    return %c0_i32, %c0_i32_0 : i32, i32
  }
  func.func @transform_4(%arg0: i32) -> (i32, i32) {
    %c0_i32 = arith.constant 0 : i32
    %c0_i32_0 = arith.constant 0 : i32
    %c0_i32_1 = arith.constant 0 : i32
    return %c0_i32, %c0_i32_0 : i32, i32
  }
  func.func @transform_5(%arg0: i32) -> (i32, i32) {
    %c0_i32 = arith.constant 0 : i32
    %c0_i32_0 = arith.constant 0 : i32
    %c0_i32_1 = arith.constant 0 : i32
    return %c0_i32, %c0_i32_0 : i32, i32
  }
  func.func @transform_6(%arg0: i32) -> (i32, i32, i32) {
    %c0_i32 = arith.constant 0 : i32
    %c0_i32_0 = arith.constant 0 : i32
    %c0_i32_1 = arith.constant 0 : i32
    return %c0_i32, %arg0, %c0_i32_0 : i32, i32, i32
  }
}

</mosaic_0001>

<sc_bundles>
// kernel: kernel.4.cloned.1.call-start
scs
__scs_entry_jumppad:
0x0: {  	(pc) =	sbr.rel $0x88, $3  }
0x1: {  	(tag) =	ssettag $0x0;
	lr =	simm.s32 $0x1  }
0x2: {  	[smem:$0x3F98] =	sst lr;
	_ =	strace $0xD0000000  }
0x3: {  	_ = 	snop  }
0x4: {  	_ = 	snop  }
0x5: {  	_ = 	snop  }
0x6: {  	_ = 	snop  }
0x7: {  	_ = 	snop  }
__scs_overlays_trampoline_lowered:
0x8: {  	[smem:$0x3FA7] =	sst s0  }
0x9: {  	[smem:$0x3FA8] =	sst s1  }
0xa: {  	[smem:$0x3FA9] =	sst s2  }
0xb: {  	[smem:$0x3FAA] =	sst s3  }
0xc: {  	[smem:$0x3FAB] =	sst s4  }
0xd: {  	[smem:$0x3FAC] =	sst s5  }
0xe: {  	[smem:$0x3FAD] =	sst s6  }
0xf: {  	[smem:$0x3FAE] =	sst s7  }
0x10: {  	[smem:$0x3FAF] =	sst s8  }
0x11: {  	[smem:$0x3FB0] =	sst s9;
	s0 =	simm.s32 @!p0 $0x0  }
0x12: {  	s1 =	sld [smem:$0x3F96];
	s0 =	simm.s32 @p0 $0x1  }
0x13: {  	[smem:$0x3FB1] =	sst s0;
	s0 =	simm.s32 @!p1 $0x0  }
0x14: {  	s2 =	sld [smem:$0x3F95];
	s0 =	simm.s32 @p1 $0x1  }
0x15: {  	[smem:$0x3FB2] =	sst s0;
	s0 =	simm.s32 @!p2 $0x0  }
0x16: {  	s3 =	sld [smem:$0x3FDB];
	s0 =	simm.s32 @p2 $0x1  }
0x17: {  	s4 =	simm.s32 $0x1BF5;
	[smem:$0x3FB4] =	sst s0  }
0x18: {  	s0 =	sld [smem:$0x3F97];
	_ =	swait.ge [sflag:s4], $0x0  }
0x19: {  	s7 =	sld [smem:$0x3F98]  }
0x1a: {  	s8 =	sadd.s32 $0xFFFFE003, lr  }
0x1b: {  	s9 =	sadd.s32 $0xFFFFFEF7, lr;
	s5 =	simm.s32 $0xFFFFFFFF;
	p2 =	slt.u32 s8, $0xFFFFF086  }
0x1c: {  	p1 =	slt.u32 s9, $0xF7A;
	s5 =	simm.s32 @!p2 $0x0  }
0x1d: {  	s5 =	simm.s32 @p1 $0x1;
	p0 =	seq.s32 s7, s2  }
0x1e: {  	s7 =	smul.u32 @!p0 $0xF7A, s2;
	p2 =	seq.s32 @!p0 s5, $0x0  }
0x1f: {  	s9 =	smul.u32 $0xF7A, s1;
	s8 =	simm.s32 @!p0 $0x1BF5;
	p2 =	por !p2, p0  }
0x20: {  	[sflag:s8] =	ssyncset.s32 @!p0 $0xFFFFF086;
	s6 =	sadd.s32 @!p0 s3, s7;
	s7 =	simm.s32 @!p0 $0x108  }
0x21: {  	s3 =	sadd.s32 s3, s9;
	s6 =	sadd.s32 @!p0 $0x88, s6;
	s7 =	simm.s32 @p2 $0x1082  }
0x22: {  	[simem:s7], [sflag:s8] =	dma.local @!p0 [hbm:s6], $0xF7A  }
0x23: {  	s9 =	sor.u32 $0xD0000000, s2;
	s6 =	simm.s32 $0x108;
	_ =	swait.ge @!p0 [sflag:s8], $0x0  }
0x24: {  	s3 =	sadd.s32 $0x88, s3;
	s6 =	simm.s32 @!p1 $0x1082;
	[sflag:s4] =	ssyncset.s32 $0xFFFFF086  }
0x25: {  	[simem:s6], [sflag:s4] =	dma.local [hbm:s3], $0xF7A  }
0x26: {  	[smem:$0x3F98] =	sst s1;
	(tag) =	ssettag s2;
	_ =	strace s9  }
0x27: {  	s1 =	sld [smem:$0x3FA8]  }
0x28: {  	s2 =	sld [smem:$0x3FA9]  }
0x29: {  	s4 =	sld [smem:$0x3FAB]  }
0x2a: {  	p0 =	seq.s32 s5, $0x0;
	s5 =	sld [smem:$0x3FAC]  }
0x2b: {  	s6 =	sld [smem:$0x3FAD]  }
0x2c: {  	s7 =	sld [smem:$0x3FAE]  }
0x2d: {  	s3 =	simm.s32 $0x108;
	s8 =	sld [smem:$0x3FAF]  }
0x2e: {  	s3 =	simm.s32 @!p0 $0x1082;
	s9 =	sld [smem:$0x3FB0]  }
0x2f: {  	lr =	sadd.s32 s0, s3;
	s0 =	sld [smem:$0x3FA7]  }
0x30: {  	s3 =	sld [smem:$0x3FAA]  }
0x31: {  	[smem:$0x3FB3] =	sst s10  }
0x32: {  	s10 =	sld [smem:$0x3FB1];
	_ =	sdelay $0x3  }
0x33: {  	p0 =	seq.s32 s10, $0x1;
	s10 =	sld [smem:$0x3FB3];
	_ =	sdelay $0x3  }
0x34: {  	[smem:$0x3FB3] =	sst s10  }
0x35: {  	s10 =	sld [smem:$0x3FB2];
	_ =	sdelay $0x3  }
0x36: {  	p1 =	seq.s32 s10, $0x1;
	s10 =	sld [smem:$0x3FB3];
	_ =	sdelay $0x3  }
0x37: {  	[smem:$0x3FB3] =	sst s10  }
0x38: {  	s10 =	sld [smem:$0x3FB4]  }
0x39: {  	_ = 	snop;
	(pc) =	sbr.ind lr, $3  }
0x3a: {  	_ = 	snop  }
0x3b: {  	_ = 	snop  }
0x3c: {  	p2 =	seq.s32 s10, $0x1;
	s10 =	sld [smem:$0x3FB3]  }
0x3d: {  	_ =	shalt  }
0x3e: {  	_ =	shalt  }
0x3f: {  	_ =	shalt  }
0x40: {  	_ =	shalt  }
0x41: {  	_ =	shalt  }
0x42: {  	_ =	shalt  }
0x43: {  	_ =	shalt  }
0x44: {  	_ =	shalt  }
0x45: {  	_ =	shalt  }
0x46: {  	_ =	shalt  }
0x47: {  	_ =	shalt  }
0x48: {  	_ =	shalt  }
0x49: {  	_ =	shalt  }
0x4a: {  	_ =	shalt  }
0x4b: {  	_ =	shalt  }
0x4c: {  	_ =	shalt  }
0x4d: {  	_ =	shalt  }
0x4e: {  	_ =	shalt  }
0x4f: {  	_ =	shalt  }
0x50: {  	_ =	shalt  }
0x51: {  	_ =	shalt  }
0x52: {  	_ =	shalt  }
0x53: {  	_ =	shalt  }
0x54: {  	_ =	shalt  }
0x55: {  	_ =	shalt  }
0x56: {  	_ =	shalt  }
0x57: {  	_ =	shalt  }
0x58: {  	_ =	shalt  }
0x59: {  	_ =	shalt  }
0x5a: {  	_ =	shalt  }
0x5b: {  	_ =	shalt  }
0x5c: {  	_ =	shalt  }
0x5d: {  	_ =	shalt  }
0x5e: {  	_ =	shalt  }
0x5f: {  	_ =	shalt  }
0x60: {  	_ =	shalt  }
0x61: {  	_ =	shalt  }
0x62: {  	_ =	shalt  }
0x63: {  	_ =	shalt  }
0x64: {  	_ =	shalt  }
0x65: {  	_ =	shalt  }
0x66: {  	_ =	shalt  }
0x67: {  	_ =	shalt  }
0x68: {  	_ =	shalt  }
0x69: {  	_ =	shalt  }
0x6a: {  	_ =	shalt  }
0x6b: {  	_ =	shalt  }
0x6c: {  	_ =	shalt  }
0x6d: {  	_ =	shalt  }
0x6e: {  	_ =	shalt  }
0x6f: {  	_ =	shalt  }
0x70: {  	_ =	shalt  }
0x71: {  	_ =	shalt  }
0x72: {  	_ =	shalt  }
0x73: {  	_ =	shalt  }
0x74: {  	_ =	shalt  }
0x75: {  	_ =	shalt  }
0x76: {  	_ =	shalt  }
0x77: {  	_ =	shalt  }
0x78: {  	_ =	shalt  }
0x79: {  	_ =	shalt  }
0x7a: {  	_ =	shalt  }
0x7b: {  	_ =	shalt  }
0x7c: {  	_ =	shalt  }
0x7d: {  	_ =	shalt  }
0x7e: {  	_ =	shalt  }
0x7f: {  	_ =	shalt  }
0x80: {  	_ =	shalt  }
0x81: {  	_ =	shalt  }
0x82: {  	_ =	shalt  }
0x83: {  	_ =	shalt  }
0x84: {  	_ =	shalt  }
0x85: {  	_ =	shalt  }
0x86: {  	_ =	shalt  }
0x87: {  	_ =	shalt  }
.Lfunc_end0:
.L_simem_size_0:
called_computation_lowered:
.L_overlay_start_0:
0x88: {  	s2 =	sld [smem:$0x3FD9]  }
0x89: {  	s3 =	sld [smem:$0x3FFE];
	_ =	sdelay $0x1  }
0x8a: {  	s1 =	srdreg.scid  }
0x8b: {  	s0 =	sand.u32 $0x1, s1  }
0x8c: {  	s14 =	sshll.u32 s0, $0xA;
	s2 =	sadd.s32 s3, s2  }
0x8d: {  	s2 =	sadd.s32 s2, s14  }
0x8e: {  	[smem:$0x3FBF] =	sst s2  }
0x8f: {  	_ = 	snop  }
0x90: {  	s2 =	sld [smem:$0x3FD0];
	_ =	sdelay $0x2  }
0x91: {  	s15 =	simm.s32 $0xA;
	s4 =	simm.s32 $0x10  }
0x92: {  	[smem:s4], [sflag:s15] =	dma.local [hbm:s2], $0x1  }
0x93: {  	_ =	swait.eq [sflag:s15], $0x1  }
0x94: {  	[sflag:s15] =	ssyncset.done $0x0  }
0x95: {  	s16 =	sld [smem:$0x10];
	[sflag:s15] =	ssyncadd.s32 $0xFFFFFFFF  }
0x96: {  	s17 =	sld [smem:$0x11];
	(tm) =	ssettm $0x1  }
0x97: {  	s18 =	sld [smem:$0x3FFB];
	_ =	sdelay $0x3  }
0x98: {  	_ =	strace s18  }
0x99: {  	s4 =	sld [smem:$0x3FFC];
	_ =	sdelay $0x3  }
0x9a: {  	_ =	strace s4  }
0x9b: {  	s4 =	sld [smem:$0x3FFD];
	_ =	sdelay $0x3  }
0x9c: {  	_ =	strace s4  }
0x9d: {  	_ =	strace $0x8FFFFFFF  }
0x9e: {  	s19 =	sld [smem:$0x3FDB];
	_ =	sdelay $0x1  }
0x9f: {  	s5 =	simm.s32 $_scs_section_size  }
0xa0: {  	s6 =	simm.s32 $_size__tile_overlayer_lowered;
	s7 =	simm.s32 $_tile_overlayer_lowered  }
0xa1: {  	s22 =	simm.s32 $0x1BFF;
	s21 =	sshll.u32 s7, $0x1;
	s4 =	sadd.s32 s5, s19  }
0xa2: {  	s8 =	simm.s32 $0x0;
	s20 =	sshll.u32 s6, $0x1;
	s6 =	sadd.s32 s21, s4  }
0xa3: {  	[timem:s8], [sflag:s22] =	dma.local [hbm:s6], s20  }
0xa4: {  	_ =	swait.ge [sflag:s22], s20  }
0xa5: {  	s5 =	ssub.s32 $0x0, s20;
	[sflag:s22] =	ssyncset.done $0x0  }
0xa6: {  	[sflag:s22] =	ssyncadd.s32 s5;
	_ =	sdelay $0x1  }
0xa7: {  	s23 =	simm.s32 $0x1B8B  }
0xa8: {  	_ =	swait.ge [sflag:s23], $0x1  }
0xa9: {  	[sflag:s23] =	ssyncset.done $0x0  }
0xaa: {  	s25 =	simm.s32 $0x1B8E;
	s24 =	sld [smem:$0x3FFE];
	[sflag:s23] =	ssyncadd.s32 $0xFFFFFFFF  }
0xab: {  	s26 =	simm.s32 $execute0_lowered;
	[smem:$0x3FD2] =	sst s25  }
0xac: {  	s6 =	sshll.u32 s26, $0x1;
	_ =	strace $0x80000046;
	[dreg:$0x1] =	wrdreg $0xFFFFFFFF  }
0xad: {  	s28 =	simm.s32 $_size_execute0_lowered;
	s4 =	sadd.s32 s4, s6;
	[dreg:$0x0] =	wrdreg $0x0  }
0xae: {  	s6 =	sshll.u32 s28, $0x1;
	[dreg:$0x2] =	wrdreg s4  }
0xaf: {  	[dreg:$0x3] =	wrdreg s6  }
0xb0: {  	[dreg:$0x4] =	wrdreg $0xC0  }
0xb1: {  	_ =	task [dreg:s8], $0x5FFFF  }
0xb2: {  	[dreg:$0x1] =	wrdreg $0xFFFFFFFF  }
0xb3: {  	[dreg:$0x0] =	wrdreg $0x60  }
0xb4: {  	[dreg:$0x2] =	wrdreg s24  }
0xb5: {  	[dreg:$0x3] =	wrdreg s16  }
0xb6: {  	[dreg:$0x4] =	wrdreg s17  }
0xb7: {  	[dreg:$0x5] =	wrdreg $0xC0000  }
0xb8: {  	[dreg:$0x6] =	wrdreg $0x9  }
0xb9: {  	_ =	task.clear_ibuf [dreg:s8], $0x7FFFF;
	_ =	strace $0x90000046  }
0xba: {  	s29 =	simm.s32 $0x9;
	_ =	strace $0x80000048  }
0xbb: {  	_ =	swait.ge [sflag:s29], $0x1  }
0xbc: {  	[sflag:s29] =	ssyncadd.s32 $0xFFFFFFFF  }
0xbd: {  	_ =	strace $0x90000048  }
0xbe: {  	_ =	sfence  }
0xbf: {  	s30 =	sld [smem:$0x0];
	_ =	sdelay $0x2  }
0xc0: {  	s31 =	sshll.u32 s1, $0xD;
	s1 =	sshrl.u32 s1, $0x2  }
0xc1: {  	s3 =	sand.u32 $0x4000, s31;
	s1 =	sadd.s32 s1, s30  }
0xc2: {  	s0 =	sor.u32 s3, s0;
	s1 =	sshll.u32 s1, $0x11  }
0xc3: {  	s0 =	sor.u32 s1, s0  }
0xc4: {  	s0 =	sadd.s32 $0x8F2B, s0  }
0xc5: {  	[sflag:s0] =	ssyncadd.remote.s32 $0x1  }
0xc6: {  	_ =	sfence.sel $0xFFFF  }
0xc7: {  	[dreg:$0x0] =	wrdreg $0xFFFFFFFF;
	(pc) =	sbr.abs _section_cstart, $3  }
0xc8: {  	[dreg:$0x1] =	wrdreg $0xFFFFFFFF  }
0xc9: {  	_ =	task.clear_ibuf [dreg:s8], $0x2FFFF;
	_ =	strace $0x9FFFFFFF  }
0xca: {  	(tm) =	ssettm $0x7FFFFFFF  }
0xcb: {  	_ =	shalt  }
tec
execute0_lowered:
.L_overlay_start_1:
0x0: {  	(tag) =	ssettag $0x1  }
0x1: {  	s4 =	rddreg [dreg:$0x0]  }
0x2: {  	s3 =	rddreg [dreg:$0x1]  }
0x3: {  	s0 =	rddreg [dreg:$0x2]  }
0x4: {  	s1 =	rddreg [dreg:$0x3]  }
0x5: {  	s5 =	srdreg.scid;
	s2 =	simm.s32 $0x0;
	s6 =	stileid.u32  }
0x6: {  	s30 =	simm.s32 $0x3;
	s31 =	simm.s32 $0x1000;
	s5 =	sand.u32 $0x1, s5  }
0x7: {  	[smem:$0x7FF] =	sst s2;
	s8 =	smul.u32 $0x4E20, s6;
	s9 =	sadd.s32 $0xAA00, s4  }
0x8: {  	s10 =	sadd.s32 $0xC00, s4;
	s23 =	sadd.s32 $0x14800, s4;
	s26 =	smul.u32 $0x4E000, s6  }
0x9: {  	p0 =	sne.s32 s6, $0x0;
	s29 =	sadd.s32 $0x138000, s1;
	s7 =	ssub.s32 $0x2, s5  }
0xa: {  	s13 =	smul.u32 $0x4E200, s5;
	p2 =	seq.s32 s5, $0x1;
	p3 =	sne.s32 s5, $0x0  }
0xb: {  	s11 =	sshrl.u32 s7, $0x1;
	s15 =	sshrl.u32 s8, $0x3;
	s12 =	sadd.s32 $0x1000, s8  }
0xc: {  	s18 =	sadd.s32 $0x2000, s8;
	p4 =	sne.s32 @p2 s6, $0x0;
	s7 =	ssub.s32 s7, s11  }
0xd: {  	s14 =	sadd.s32 s10, s15;
	s16 =	sshrl.u32 s12, $0x3;
	s11 =	sadd.s32 s9, s15  }
0xe: {  	s19 =	sshrl.u32 s18, $0x3;
	s15 =	sadd.s32 $0x3000, s8;
	[dreg:$0x5] =	wrdreg s14  }
0xf: {  	s24 =	sadd.s32 s13, s12;
	p4 =	por p4, !p2;
	[dreg:$0x6] =	wrdreg s11  }
0x10: {  	s17 =	sadd.s32 s10, s16;
	s14 =	sadd.s32 s9, s16;
	s16 =	sadd.s32 s10, s19  }
0x11: {  	s20 =	sshrl.u32 s15, $0x3;
	s11 =	sadd.s32 s13, s18;
	[dreg:$0x7] =	wrdreg s17  }
0x12: {  	s25 =	sadd.s32 s13, s15;
	s28 =	smax.u32 s7, $0x1;
	[dreg:$0x8] =	wrdreg s14  }
0x13: {  	s7 =	simm.s32 $0x2;
	[dreg:$0x9] =	wrdreg s16;
	s17 =	sadd.s32 $0x4000, s8  }
0x14: {  	s14 =	sadd.s32 s9, s19;
	s21 =	sadd.s32 s10, s20;
	s16 =	sadd.s32 s9, s20  }
0x15: {  	s8 =	sadd.s32 s8, s13;
	s11 =	sshrl.u32 s11, $0x3;
	[dreg:$0xa] =	wrdreg s14  }
0x16: {  	s12 =	sshrl.u32 s25, $0x3;
	s19 =	sshrl.u32 s26, $0x2;
	[dreg:$0xb] =	wrdreg s21  }
0x17: {  	s26 =	sadd.s32 $0x27000, s0;
	s22 =	sshrl.u32 s17, $0x3;
	[dreg:$0xc] =	wrdreg s16  }
0x18: {  	s13 =	sadd.s32 s13, s17;
	s8 =	sshrl.u32 s8, $0x3;
	s16 =	sor.u32 s6, s5  }
0x19: {  	s17 =	smul.u32 $0x2700, s6;
	s6 =	sshll.u32 s6, $0x6;
	s18 =	sadd.s32 s19, s1  }
0x1a: {  	s10 =	sadd.s32 s10, s22;
	s9 =	sadd.s32 s9, s22;
	s8 =	sadd.s32 s23, s8  }
0x1b: {  	s13 =	sshrl.u32 s13, $0x3;
	p1 =	sne.s32 s16, $0x0;
	[dreg:$0xd] =	wrdreg s10  }
0x1c: {  	s22 =	smul.u32 $0x2710, s5;
	s5 =	simm.s32 $0x7000;
	[dreg:$0xe] =	wrdreg s9  }
0x1d: {  	s10 =	sshrl.u32 s24, $0x3;
	[dreg:$0xf] =	wrdreg s8;
	s8 =	sadd.s32 s23, s11  }
0x1e: {  	s15 =	sadd.s32 s23, s13;
	s20 =	sadd.s32 s17, s4;
	s24 =	sadd.s32 $0x27000, s3  }
0x1f: {  	s25 =	sadd.s32 s0, s17;
	s0 =	simm.s32 $0x2000;
	[dreg:$0x11] =	wrdreg s8  }
0x20: {  	s9 =	simm.s32 $0x0;
	s10 =	sadd.s32 s23, s10;
	[dreg:$0x13] =	wrdreg s15  }
0x21: {  	s8 =	sadd.s32 s23, s12;
	s21 =	sadd.s32 $0x76400, s20;
	[dreg:$0x10] =	wrdreg s10  }
0x22: {  	s20 =	sor.u32 $0x1C03, s6;
	s23 =	sadd.s32 s3, s17;
	[dreg:$0x12] =	wrdreg s8  }
0x23: {  	s3 =	simm.s32 $0x80;
	s6 =	simm.s32 $0x1;
	_ =	strace $0x80000047  }
0x24: {  	[dreg:$0x14] =	wrdreg s21;
	s21 =	sadd.s32 $0x28200, s4;
	s4 =	sadd.s32 $0x9D400, s4  }
0x25: {  	v0 =	vmov s22;
	s8 =	simm.s32 $0x20;
	[dreg:$0x15] =	wrdreg s4;
	s4 =	simm.s32 $0x3000  }
.LBB2_1:
0x26: {  	s10 =	sshrl.u32 s18, $0x3;
	s11 =	rddreg [dreg:$0x14]  }
0x27: {  	[spmem:s10], [sflag:s20] =	dma.local [hbm:s11], $0x2700  }
0x28: {  	_ =	swait.ge [sflag:s30], $0x2700  }
0x29: {  	[sflag:s30] =	ssyncset.done $0x0  }
0x2a: {  	s10 =	sshrl.u32 @!p0 s29, $0x3;
	s11 =	rddreg [dreg:$0x15];
	[sflag:s30] =	ssyncadd.s32 $0xFFFFD900  }
0x2b: {  	[spmem:s10], [sflag:s20] =	dma.local @!p0 [hbm:s11], $0x100  }
0x2c: {  	s10 =	simm.s32 @!p0 $0x3  }
0x2d: {  	_ =	swait.ge @!p0 [sflag:s10], $0x100  }
0x2e: {  	[sflag:s10] =	ssyncset.done @!p0 $0x0  }
0x2f: {  	[sflag:s10] =	ssyncadd.s32 @!p0 $0xFFFFFF00  }
0x30: {  	[bflag:$0x0] =	sbarrier.arrive $0xFFFF  }
0x31: {  	s17 =	rddreg [dreg:$0x5]  }
0x32: {  	[tilespmem:s2], [sflag:$0x3] =	stream.linear.gather [hbm4b:s17+s2], $0x1000, $0x38;
	[tilespmem:$0x1F880] =	vst v63  }
0x33: {  	_ =	swait.ge [sflag:s30], $0x1000  }
0x34: {  	[sflag:s30] =	ssyncset.done $0x0  }
0x35: {  	s19 =	rddreg [dreg:$0x6];
	[sflag:s30] =	ssyncadd.s32 $0xFFFFF000  }
0x36: {  	[tilespmem:s31], [sflag:$0x3] =	stream.linear.gather [hbm4b:s19+s2], $0x1000, $0x38;
	[tilespmem:$0x1F880] =	vst v63  }
0x37: {  	_ =	swait.ge [sflag:s30], $0x1000  }
0x38: {  	[sflag:s30] =	ssyncset.done $0x0  }
0x39: {  	s22 =	rddreg [dreg:$0xf];
	[sflag:s30] =	ssyncadd.s32 $0xFFFFF000  }
0x3a: {  	[tilespmem:s0], [sflag:$0x3] =	stream.linear.gather [hbm4b:s22+s2], $0x1000, $0x38;
	[tilespmem:$0x1F880] =	vst v63  }
0x3b: {  	_ =	swait.ge [sflag:s30], $0x1000  }
0x3c: {  	[sflag:s30] =	ssyncset.done $0x0  }
0x3d: {  	[sflag:s30] =	ssyncadd.s32 $0xFFFFF000  }
0x3e: {  	v1 =	vld [tilespmem:s8+$0xFFFFFFE0]  }
0x3f: {  	v3 =	vld [tilespmem:s8+$0x0]  }
0x40: {  	v2 =	vld [tilespmem:s8+$0x10]  }
0x41: {  	v4 =	vld [tilespmem:s8+$0xFFFFFFF0];
	_ =	sdelay $0x1  }
0x42: {  	s10 =	simm.s32 $0x60;
	v5 =	vadd.s32 v0, v1  }
0x43: {  	v1 =	vld [tilespmem:s10+$0xFFFFFFE0];
	v6 =	vadd.s32 v0, v3;
	[tilespmem:s8+$0xFFFFFFE0] =	vst v5  }
0x44: {  	v3 =	vld [tilespmem:s10+$0x0];
	v5 =	vadd.s32 v0, v2;
	[tilespmem:s8+$0x0] =	vst v6  }
0x45: {  	s12 =	simm.s32 $0x20;
	s11 =	simm.s32 $0x4;
	v4 =	vadd.s32 v0, v4;
	v2 =	vld [tilespmem:s10+$0x10];
	[tilespmem:s8+$0x10] =	vst v5  }
.LBB2_2:
0x46: {  	s11 =	sadd.s32 $0x4, s11  }
0x47: {  	v5 =	vld [tilespmem:s10+$0xFFFFFFF0];
	[tilespmem:s12+$0xFFFFFFF0] =	vst v4;
	s12 =	smov.u32 s10;
	p5 =	slt.u32 s11, $0xFC  }
.Ltmp0:
0x48: {  	(pc) =	sbr.rel @p5 .LBB2_2-.Ltmp0, $4  }
0x49: {  	s10 =	sadd.s32 $0x40, s10;
	v4 =	vadd.s32 v0, v1  }
0x4a: {  	v1 =	vld [tilespmem:s10+$0xFFFFFFE0];
	[tilespmem:s12+$0xFFFFFFE0] =	vst v4;
	v4 =	vadd.s32 v0, v2  }
0x4b: {  	v2 =	vld [tilespmem:s10+$0x10];
	v6 =	vadd.s32 v0, v3;
	[tilespmem:s12+$0x10] =	vst v4  }
0x4c: {  	v3 =	vld [tilespmem:s10+$0x0];
	v4 =	vadd.s32 v0, v5;
	[tilespmem:s12+$0x0] =	vst v6  }
0x4d: {  	v5 =	vld [tilespmem:s10+$0xFFFFFFF0];
	_ =	sdelay $0x1  }
0x4e: {  	[tilespmem:s12+$0xFFFFFFF0] =	vst v4;
	v1 =	vadd.s32 v0, v1  }
0x4f: {  	[tilespmem:s10+$0xFFFFFFE0] =	vst v1;
	v1 =	vadd.s32 v0, v2  }
0x50: {  	v2 =	vadd.s32 v0, v3;
	[tilespmem:s10+$0x10] =	vst v1  }
0x51: {  	v1 =	vadd.s32 v0, v5;
	[tilespmem:s10+$0x0] =	vst v2  }
0x52: {  	s11 =	simm.s32 $0x0;
	[tilespmem:s10+$0xFFFFFFF0] =	vst v1;
	s10 =	simm.s32 $0x0  }
0x53: {  	[tilespmem:s4], [sflag:$0x1] =	stream.indirect.gather [hbm4b:s21+s3], $0x80, s10, s3, $0xb8;
	[tilespmem:$0x1F880] =	vst v63  }
.LBB2_4:
0x54: {  	s15 =	sadd.s32 $0xFFFFFFFC, s10  }
0x55: {  	s13 =	sshll.u32 s11, $0x8;
	s12 =	sadd.s32 $0x6, s15  }
0x56: {  	s22 =	sadd.s32 $0x4, s15;
	v1 =	vmov s12;
	s12 =	sor.u32 $0x80, s13  }
0x57: {  	v2 =	vmov s22;
	[tilespmem:s5], [sflag:$0x2] =	stream.indirect.gather [hbm4b:s21+s3], $0x80, s12, s3, $0xb8;
	[tilespmem:$0x1F880] =	vst v63  }
0x58: {  	v2 =	vand.u32 $0xFFFFFFFC, v2;
	_ =	swait.ge [sflag:s6], $0x4000  }
0x59: {  	v1 =	vand.u32 $0xFFFFFFFE, v1;
	v2 =	vbroadcast v2, $0x0;
	[sflag:s6] =	ssyncset.done $0x0  }
0x5a: {  	s14 =	simm.s32 $0x3100;
	v1 =	vbroadcast v1, $0x0;
	[sflag:s6] =	ssyncadd.s32 $0xFFFFC000  }
0x5b: {  	v3 =	vld [tilespmem:s14+$0x70]  }
0x5c: {  	v5 =	vld [tilespmem:s14+$0xFFFFFF00]  }
0x5d: {  	s16 =	sadd.s32 $0x5, s15;
	v6 =	vld [tilespmem:s14+$0xFFFFFF10]  }
0x5e: {  	v4 =	vmov s16;
	v7 =	vld [tilespmem:s14+$0xFFFFFF20]  }
0x5f: {  	v4 =	vand.u32 $0xFFFFFFFD, v4;
	v2 =	vld.idx.msk [tilespmem:v2+s0+$0x0], $0xffff  }
0x60: {  	v4 =	vbroadcast v4, $0x0;
	v1 =	vld.idx.msk [tilespmem:v1+s0+$0x0], $0xffff  }
0x61: {  	v8 =	vld [tilespmem:s14+$0xFFFFFF30]  }
0x62: {  	v9 =	vld [tilespmem:s14+$0xFFFFFF40]  }
0x63: {  	v10 =	vld [tilespmem:s14+$0xFFFFFF50]  }
0x64: {  	v11 =	vld [tilespmem:s14+$0xFFFFFF60];
	v5 =	vmul.f32 v5, v2  }
0x65: {  	v13 =	vld [tilespmem:s14+$0xFFFFFFD0];
	v3 =	vmul.f32 v3, v1  }
0x66: {  	v4 =	vld.idx.msk [tilespmem:v4+s0+$0x0], $0xffff;
	[tilespmem:s14+$0xFFFFFF00] =	vst v5;
	v5 =	vmul.f32 v6, v2  }
0x67: {  	v6 =	vld [tilespmem:s14+$0xFFFFFF70];
	[tilespmem:s14+$0x70] =	vst v3;
	v3 =	vmul.f32 v7, v2  }
0x68: {  	s15 =	sadd.s32 $0x7, s15;
	v7 =	vld [tilespmem:s14+$0xFFFFFF80];
	[tilespmem:s14+$0xFFFFFF10] =	vst v5;
	v5 =	vmul.f32 v8, v2  }
0x69: {  	v12 =	vmov s15;
	v8 =	vld [tilespmem:s14+$0xFFFFFF90];
	[tilespmem:s14+$0xFFFFFF20] =	vst v3;
	v3 =	vmul.f32 v9, v2  }
0x6a: {  	v9 =	vld [tilespmem:s14+$0xFFFFFFA0];
	[tilespmem:s14+$0xFFFFFF30] =	vst v5;
	v5 =	vmul.f32 v10, v2  }
0x6b: {  	v10 =	vld [tilespmem:s14+$0xFFFFFFB0];
	[tilespmem:s14+$0xFFFFFF40] =	vst v3;
	v3 =	vmul.f32 v11, v2  }
0x6c: {  	v11 =	vld [tilespmem:s14+$0xFFFFFFC0];
	v6 =	vmul.f32 v6, v2;
	[tilespmem:s14+$0xFFFFFF50] =	vst v5  }
0x6d: {  	v14 =	vld [tilespmem:s14+$0xFFFFFFE0];
	v5 =	vmul.f32 v7, v4;
	[tilespmem:s14+$0xFFFFFF60] =	vst v3  }
0x6e: {  	v2 =	vld.idx.msk [tilespmem:v12+s0+$0x0], $0xffff;
	v3 =	vmul.f32 v8, v4;
	[tilespmem:s14+$0xFFFFFF70] =	vst v6  }
0x6f: {  	v8 =	vld [tilespmem:s14+$0xFFFFFFF0];
	[tilespmem:s14+$0xFFFFFF80] =	vst v5;
	v5 =	vmul.f32 v9, v4  }
0x70: {  	v7 =	vld [tilespmem:s14+$0x0];
	[tilespmem:s14+$0xFFFFFF90] =	vst v3;
	v3 =	vmul.f32 v10, v4  }
0x71: {  	v6 =	vld [tilespmem:s14+$0x10];
	v9 =	vmul.f32 v11, v4;
	[tilespmem:s14+$0xFFFFFFA0] =	vst v5  }
0x72: {  	v10 =	vmul.f32 v13, v4;
	v5 =	vld [tilespmem:s14+$0x20];
	[tilespmem:s14+$0xFFFFFFB0] =	vst v3  }
0x73: {  	[tilespmem:s14+$0xFFFFFFC0] =	vst v9;
	v3 =	vld [tilespmem:s14+$0x30];
	v9 =	vmul.f32 v14, v4  }
0x74: {  	s16 =	simm.s32 $0x0;
	s15 =	simm.s32 $0x3100;
	[tilespmem:s14+$0xFFFFFFD0] =	vst v10;
	v8 =	vmul.f32 v8, v4;
	v4 =	vld [tilespmem:s14+$0x40]  }
.LBB2_5:
0x75: {  	s17 =	sadd.s32 s16, s10;
	s16 =	sadd.s32 $0x4, s16;
	[tilespmem:s14+$0xFFFFFFE0] =	vst v9;
	v7 =	vmul.f32 v7, v1;
	v9 =	vld [tilespmem:s14+$0x50]  }
0x76: {  	s19 =	sadd.s32 $0x4, s17;
	s22 =	sadd.s32 $0x6, s17;
	p5 =	slt.u32 s16, $0x7C;
	[tilespmem:s14+$0xFFFFFFF0] =	vst v8;
	v6 =	vmul.f32 v6, v1;
	v8 =	vld [tilespmem:s14+$0x60]  }
0x77: {  	v10 =	vmov s19;
	s19 =	sadd.s32 $0x5, s17;
	v11 =	vmov s22;
	s17 =	sadd.s32 $0x7, s17;
	[tilespmem:s14+$0x0] =	vst v7;
	v5 =	vmul.f32 v5, v1;
	v7 =	vld [tilespmem:s14+$0x80]  }
0x78: {  	v10 =	vand.u32 $0xFFFFFFFC, v10;
	v12 =	vmov s19;
	v11 =	vand.u32 $0xFFFFFFFE, v11;
	[tilespmem:s14+$0x10] =	vst v6;
	v6 =	vld [tilespmem:s14+$0x90]  }
0x79: {  	v10 =	vbroadcast v10, $0x0;
	v12 =	vand.u32 $0xFFFFFFFD, v12;
	v11 =	vbroadcast v11, $0x0;
	[tilespmem:s14+$0x20] =	vst v5;
	v5 =	vld [tilespmem:s14+$0xA0]  }
0x7a: {  	v13 =	vmov s17;
	v3 =	vmul.f32 v3, v1;
	v12 =	vbroadcast v12, $0x0;
	v14 =	vld [tilespmem:s14+$0xB0]  }
0x7b: {  	v4 =	vmul.f32 v4, v1;
	v9 =	vmul.f32 v9, v1;
	v15 =	vld [tilespmem:s14+$0xC0]  }
0x7c: {  	[tilespmem:s14+$0x30] =	vst v3;
	v3 =	vmul.f32 v8, v1;
	v7 =	vmul.f32 v7, v2;
	v8 =	vld [tilespmem:s14+$0xD0]  }
0x7d: {  	[tilespmem:s14+$0x40] =	vst v4;
	v4 =	vmul.f32 v6, v2;
	v6 =	vld [tilespmem:s14+$0xE0]  }
0x7e: {  	[tilespmem:s14+$0x50] =	vst v9;
	v5 =	vmul.f32 v5, v2;
	v9 =	vld [tilespmem:s14+$0xF0]  }
0x7f: {  	s14 =	sadd.s32 $0x200, s14;
	v1 =	vld.idx.msk [tilespmem:v11+s0+$0x0], $0xffff;
	[tilespmem:s15+$0x60] =	vst v3;
	v3 =	vmul.f32 v14, v2  }
0x80: {  	v11 =	vld [tilespmem:s14+$0x70];
	[tilespmem:s15+$0x80] =	vst v7;
	v7 =	vmul.f32 v15, v2  }
0x81: {  	v10 =	vld.idx.msk [tilespmem:v10+s0+$0x0], $0xffff;
	[tilespmem:s15+$0x90] =	vst v4;
	v4 =	vmul.f32 v8, v2  }
0x82: {  	v8 =	vld.idx.msk [tilespmem:v12+s0+$0x0], $0xffff;
	[tilespmem:s15+$0xA0] =	vst v5;
	v5 =	vmul.f32 v6, v2  }
0x83: {  	[tilespmem:s15+$0xB0] =	vst v3;
	v3 =	vmul.f32 v9, v2;
	v2 =	vld.idx.msk [tilespmem:v13+s0+$0x0], $0xffff  }
0x84: {  	v6 =	vld [tilespmem:s14+$0xFFFFFF00];
	[tilespmem:s15+$0xC0] =	vst v7  }
0x85: {  	v7 =	vld [tilespmem:s14+$0xFFFFFF10];
	v9 =	vmul.f32 v11, v1;
	[tilespmem:s15+$0xD0] =	vst v4  }
0x86: {  	v4 =	vld [tilespmem:s14+$0xFFFFFF20];
	[tilespmem:s15+$0xE0] =	vst v5  }
0x87: {  	v5 =	vld [tilespmem:s14+$0xFFFFFF30];
	[tilespmem:s14+$0x70] =	vst v9  }
0x88: {  	v9 =	vld [tilespmem:s14+$0xFFFFFF40];
	[tilespmem:s15+$0xF0] =	vst v3;
	s15 =	smov.u32 s14  }
0x89: {  	v3 =	vmul.f32 v6, v10;
	v6 =	vld [tilespmem:s14+$0xFFFFFF50]  }
0x8a: {  	v7 =	vmul.f32 v7, v10;
	v11 =	vld [tilespmem:s14+$0xFFFFFF60]  }
0x8b: {  	[tilespmem:s14+$0xFFFFFF00] =	vst v3;
	v3 =	vmul.f32 v4, v10;
	v4 =	vld [tilespmem:s14+$0xFFFFFF70]  }
0x8c: {  	[tilespmem:s14+$0xFFFFFF10] =	vst v7;
	v5 =	vmul.f32 v5, v10;
	v7 =	vld [tilespmem:s14+$0xFFFFFF80]  }
0x8d: {  	[tilespmem:s14+$0xFFFFFF20] =	vst v3;
	v3 =	vmul.f32 v9, v10;
	v9 =	vld [tilespmem:s14+$0xFFFFFF90]  }
0x8e: {  	[tilespmem:s14+$0xFFFFFF30] =	vst v5;
	v5 =	vmul.f32 v6, v10;
	v6 =	vld [tilespmem:s14+$0xFFFFFFA0]  }
0x8f: {  	[tilespmem:s14+$0xFFFFFF40] =	vst v3;
	v3 =	vmul.f32 v11, v10;
	v11 =	vld [tilespmem:s14+$0xFFFFFFB0]  }
0x90: {  	[tilespmem:s14+$0xFFFFFF50] =	vst v5;
	v4 =	vmul.f32 v4, v10;
	v5 =	vld [tilespmem:s14+$0xFFFFFFC0]  }
0x91: {  	[tilespmem:s14+$0xFFFFFF60] =	vst v3;
	v3 =	vmul.f32 v7, v8;
	v10 =	vld [tilespmem:s14+$0xFFFFFFD0]  }
0x92: {  	[tilespmem:s14+$0xFFFFFF70] =	vst v4;
	v4 =	vmul.f32 v9, v8;
	v9 =	vld [tilespmem:s14+$0xFFFFFFE0]  }
0x93: {  	[tilespmem:s14+$0xFFFFFF80] =	vst v3;
	v3 =	vmul.f32 v6, v8;
	v12 =	vld [tilespmem:s14+$0xFFFFFFF0]  }
.Ltmp1:
0x94: {  	[tilespmem:s14+$0xFFFFFF90] =	vst v4;
	v4 =	vmul.f32 v11, v8;
	v7 =	vld [tilespmem:s14+$0x0];
	(pc) =	sbr.rel @p5 .LBB2_5-.Ltmp1, $4  }
0x95: {  	[tilespmem:s14+$0xFFFFFFA0] =	vst v3;
	v3 =	vmul.f32 v5, v8;
	v6 =	vld [tilespmem:s14+$0x10]  }
0x96: {  	[tilespmem:s14+$0xFFFFFFB0] =	vst v4;
	v4 =	vmul.f32 v10, v8;
	v5 =	vld [tilespmem:s14+$0x20]  }
0x97: {  	[tilespmem:s14+$0xFFFFFFC0] =	vst v3;
	v9 =	vmul.f32 v9, v8;
	v3 =	vld [tilespmem:s14+$0x30]  }
0x98: {  	[tilespmem:s14+$0xFFFFFFD0] =	vst v4;
	v8 =	vmul.f32 v12, v8;
	v4 =	vld [tilespmem:s14+$0x40]  }
0x99: {  	v10 =	vld [tilespmem:s14+$0x50];
	[tilespmem:s14+$0xFFFFFFE0] =	vst v9;
	v7 =	vmul.f32 v7, v1  }
0x9a: {  	v9 =	vld [tilespmem:s14+$0x60];
	[tilespmem:s14+$0xFFFFFFF0] =	vst v8;
	v6 =	vmul.f32 v6, v1  }
0x9b: {  	v8 =	vld [tilespmem:s14+$0x80];
	[tilespmem:s14+$0x0] =	vst v7;
	v5 =	vmul.f32 v5, v1  }
0x9c: {  	v7 =	vld [tilespmem:s14+$0x90];
	[tilespmem:s14+$0x10] =	vst v6;
	v3 =	vmul.f32 v3, v1  }
0x9d: {  	v6 =	vld [tilespmem:s14+$0xA0];
	[tilespmem:s14+$0x20] =	vst v5;
	v4 =	vmul.f32 v4, v1  }
0x9e: {  	v5 =	vld [tilespmem:s14+$0xB0];
	v10 =	vmul.f32 v10, v1;
	[tilespmem:s14+$0x30] =	vst v3  }
0x9f: {  	v11 =	vld [tilespmem:s14+$0xC0];
	v1 =	vmul.f32 v9, v1;
	[tilespmem:s14+$0x40] =	vst v4  }
0xa0: {  	v3 =	vld [tilespmem:s14+$0xD0];
	v4 =	vmul.f32 v8, v2;
	[tilespmem:s14+$0x50] =	vst v10  }
0xa1: {  	v8 =	vld [tilespmem:s14+$0xE0];
	v7 =	vmul.f32 v7, v2;
	[tilespmem:s15+$0x60] =	vst v1  }
0xa2: {  	v9 =	vld [tilespmem:s14+$0xF0];
	v1 =	vmul.f32 v6, v2;
	[tilespmem:s15+$0x80] =	vst v4  }
0xa3: {  	v4 =	vmul.f32 v5, v2;
	[tilespmem:s15+$0x90] =	vst v7  }
0xa4: {  	v5 =	vmul.f32 v11, v2;
	[tilespmem:s15+$0xA0] =	vst v1  }
0xa5: {  	v1 =	vmul.f32 v3, v2;
	[tilespmem:s15+$0xB0] =	vst v4  }
0xa6: {  	v3 =	vmul.f32 v8, v2;
	[tilespmem:s15+$0xC0] =	vst v5  }
0xa7: {  	v2 =	vmul.f32 v9, v2;
	[tilespmem:s15+$0xD0] =	vst v1  }
0xa8: {  	s14 =	sadd.s32 $0xFFFFFFFC, s10;
	[tilespmem:s15+$0xE0] =	vst v3  }
0xa9: {  	s13 =	sadd.s32 $0x1000, s13;
	p5 =	seq.s32 s11, $0xF;
	s17 =	sadd.s32 $0x86, s14;
	[tilespmem:s15+$0xF0] =	vst v2  }
0xaa: {  	v1 =	vmov s17;
	[spmem:s1] =	stream.indirect.scatter.add.f32 [tilespmem:s4], [sflag:$0x3], $0x80, s13, s3, $0xb8;
	[tilespmem:$0x1F880] =	vst v63  }
0xab: {  	s19 =	sadd.s32 $0x84, s14;
	v1 =	vand.u32 $0xFFFFFFFE, v1;
	s13 =	sshll.u32 @!p5 s11, $0x8;
	_ =	swait.ge [sflag:s30], $0x4000  }
0xac: {  	s16 =	simm.s32 @!p5 $0x3000;
	v2 =	vmov s19;
	v1 =	vbroadcast v1, $0x0;
	s13 =	sand.u32 @!p5 $0x3FFFFF00, s13;
	[sflag:s30] =	ssyncset.done $0x0  }
0xad: {  	s15 =	simm.s32 @!p5 $0x80;
	v2 =	vand.u32 $0xFFFFFFFC, v2;
	s13 =	sadd.s32 @!p5 $0x100, s13;
	[sflag:s30] =	ssyncadd.s32 $0xFFFFC000  }
0xae: {  	v2 =	vbroadcast v2, $0x0;
	[tilespmem:s16], [sflag:$0x1] =	stream.indirect.gather @!p5 [hbm4b:s21+s15], $0x80, s13, s15, $0xb8;
	[tilespmem:$0x1F880] =	vst v63  }
0xaf: {  	_ =	swait.ge [sflag:s7], $0x4000  }
0xb0: {  	[sflag:s7] =	ssyncset.done $0x0  }
0xb1: {  	[sflag:s7] =	ssyncadd.s32 $0xFFFFC000  }
0xb2: {  	s13 =	simm.s32 $0x7100;
	v1 =	vld.idx.msk [tilespmem:v1+s0+$0x0], $0xffff  }
0xb3: {  	s22 =	sadd.s32 $0x85, s14;
	v3 =	vld [tilespmem:s13+$0x70]  }
0xb4: {  	v4 =	vmov s22;
	v2 =	vld.idx.msk [tilespmem:v2+s0+$0x0], $0xffff  }
0xb5: {  	v4 =	vand.u32 $0xFFFFFFFD, v4;
	v5 =	vld [tilespmem:s13+$0xFFFFFF00]  }
0xb6: {  	v4 =	vbroadcast v4, $0x0;
	v6 =	vld [tilespmem:s13+$0xFFFFFF10]  }
0xb7: {  	v7 =	vld [tilespmem:s13+$0xFFFFFF20]  }
0xb8: {  	v8 =	vld [tilespmem:s13+$0xFFFFFF30]  }
0xb9: {  	v9 =	vld [tilespmem:s13+$0xFFFFFF40]  }
0xba: {  	v10 =	vld [tilespmem:s13+$0xFFFFFF50]  }
0xbb: {  	v11 =	vld [tilespmem:s13+$0xFFFFFF60];
	v5 =	vmul.f32 v5, v2  }
0xbc: {  	v4 =	vld.idx.msk [tilespmem:v4+s0+$0x0], $0xffff;
	v3 =	vmul.f32 v3, v1  }
0xbd: {  	v13 =	vld [tilespmem:s13+$0xFFFFFFD0];
	[tilespmem:s13+$0xFFFFFF00] =	vst v5;
	v5 =	vmul.f32 v6, v2  }
0xbe: {  	v6 =	vld [tilespmem:s13+$0xFFFFFF70];
	[tilespmem:s13+$0x70] =	vst v3;
	v3 =	vmul.f32 v7, v2  }
0xbf: {  	s14 =	sadd.s32 $0x87, s14;
	v7 =	vld [tilespmem:s13+$0xFFFFFF80];
	[tilespmem:s13+$0xFFFFFF10] =	vst v5;
	v5 =	vmul.f32 v8, v2  }
0xc0: {  	v12 =	vmov s14;
	v8 =	vld [tilespmem:s13+$0xFFFFFF90];
	[tilespmem:s13+$0xFFFFFF20] =	vst v3;
	v3 =	vmul.f32 v9, v2  }
0xc1: {  	v9 =	vld [tilespmem:s13+$0xFFFFFFA0];
	[tilespmem:s13+$0xFFFFFF30] =	vst v5;
	v5 =	vmul.f32 v10, v2  }
0xc2: {  	v10 =	vld [tilespmem:s13+$0xFFFFFFB0];
	[tilespmem:s13+$0xFFFFFF40] =	vst v3;
	v3 =	vmul.f32 v11, v2  }
0xc3: {  	v11 =	vld [tilespmem:s13+$0xFFFFFFC0];
	v6 =	vmul.f32 v6, v2;
	[tilespmem:s13+$0xFFFFFF50] =	vst v5  }
0xc4: {  	v14 =	vld [tilespmem:s13+$0xFFFFFFE0];
	v5 =	vmul.f32 v7, v4;
	[tilespmem:s13+$0xFFFFFF60] =	vst v3  }
0xc5: {  	v2 =	vld.idx.msk [tilespmem:v12+s0+$0x0], $0xffff;
	v3 =	vmul.f32 v8, v4;
	[tilespmem:s13+$0xFFFFFF70] =	vst v6  }
0xc6: {  	v8 =	vld [tilespmem:s13+$0xFFFFFFF0];
	[tilespmem:s13+$0xFFFFFF80] =	vst v5;
	v5 =	vmul.f32 v9, v4  }
0xc7: {  	v7 =	vld [tilespmem:s13+$0x0];
	[tilespmem:s13+$0xFFFFFF90] =	vst v3;
	v3 =	vmul.f32 v10, v4  }
0xc8: {  	v6 =	vld [tilespmem:s13+$0x10];
	v9 =	vmul.f32 v11, v4;
	[tilespmem:s13+$0xFFFFFFA0] =	vst v5  }
0xc9: {  	v10 =	vmul.f32 v13, v4;
	v5 =	vld [tilespmem:s13+$0x20];
	[tilespmem:s13+$0xFFFFFFB0] =	vst v3  }
0xca: {  	[tilespmem:s13+$0xFFFFFFC0] =	vst v9;
	v3 =	vld [tilespmem:s13+$0x30];
	v9 =	vmul.f32 v14, v4  }
0xcb: {  	s14 =	simm.s32 $0x7100;
	s15 =	simm.s32 $0x0;
	[tilespmem:s13+$0xFFFFFFD0] =	vst v10;
	v8 =	vmul.f32 v8, v4;
	v4 =	vld [tilespmem:s13+$0x40]  }
.LBB2_7:
0xcc: {  	s16 =	sadd.s32 s15, s10;
	s15 =	sadd.s32 $0x4, s15;
	[tilespmem:s13+$0xFFFFFFE0] =	vst v9;
	v7 =	vmul.f32 v7, v1;
	v9 =	vld [tilespmem:s13+$0x50]  }
0xcd: {  	s17 =	sadd.s32 $0x84, s16;
	s19 =	sadd.s32 $0x86, s16;
	p5 =	slt.u32 s15, $0x7C;
	[tilespmem:s13+$0xFFFFFFF0] =	vst v8;
	v6 =	vmul.f32 v6, v1;
	v8 =	vld [tilespmem:s13+$0x60]  }
0xce: {  	v10 =	vmov s17;
	s17 =	sadd.s32 $0x85, s16;
	v11 =	vmov s19;
	s16 =	sadd.s32 $0x87, s16;
	[tilespmem:s13+$0x0] =	vst v7;
	v5 =	vmul.f32 v5, v1;
	v7 =	vld [tilespmem:s13+$0x80]  }
0xcf: {  	v10 =	vand.u32 $0xFFFFFFFC, v10;
	v12 =	vmov s17;
	v11 =	vand.u32 $0xFFFFFFFE, v11;
	[tilespmem:s13+$0x10] =	vst v6;
	v6 =	vld [tilespmem:s13+$0x90]  }
0xd0: {  	v10 =	vbroadcast v10, $0x0;
	v12 =	vand.u32 $0xFFFFFFFD, v12;
	v11 =	vbroadcast v11, $0x0;
	[tilespmem:s13+$0x20] =	vst v5;
	v5 =	vld [tilespmem:s13+$0xA0]  }
0xd1: {  	v13 =	vmov s16;
	v3 =	vmul.f32 v3, v1;
	v12 =	vbroadcast v12, $0x0;
	v14 =	vld [tilespmem:s13+$0xB0]  }
0xd2: {  	v4 =	vmul.f32 v4, v1;
	v9 =	vmul.f32 v9, v1;
	v15 =	vld [tilespmem:s13+$0xC0]  }
0xd3: {  	[tilespmem:s13+$0x30] =	vst v3;
	v3 =	vmul.f32 v8, v1;
	v7 =	vmul.f32 v7, v2;
	v8 =	vld [tilespmem:s13+$0xD0]  }
0xd4: {  	[tilespmem:s13+$0x40] =	vst v4;
	v4 =	vmul.f32 v6, v2;
	v6 =	vld [tilespmem:s13+$0xE0]  }
0xd5: {  	[tilespmem:s13+$0x50] =	vst v9;
	v5 =	vmul.f32 v5, v2;
	v9 =	vld [tilespmem:s13+$0xF0]  }
0xd6: {  	s13 =	sadd.s32 $0x200, s13;
	v1 =	vld.idx.msk [tilespmem:v11+s0+$0x0], $0xffff;
	[tilespmem:s14+$0x60] =	vst v3;
	v3 =	vmul.f32 v14, v2  }
0xd7: {  	v11 =	vld [tilespmem:s13+$0x70];
	[tilespmem:s14+$0x80] =	vst v7;
	v7 =	vmul.f32 v15, v2  }
0xd8: {  	v10 =	vld.idx.msk [tilespmem:v10+s0+$0x0], $0xffff;
	[tilespmem:s14+$0x90] =	vst v4;
	v4 =	vmul.f32 v8, v2  }
0xd9: {  	v8 =	vld.idx.msk [tilespmem:v12+s0+$0x0], $0xffff;
	[tilespmem:s14+$0xA0] =	vst v5;
	v5 =	vmul.f32 v6, v2  }
0xda: {  	[tilespmem:s14+$0xB0] =	vst v3;
	v3 =	vmul.f32 v9, v2;
	v2 =	vld.idx.msk [tilespmem:v13+s0+$0x0], $0xffff  }
0xdb: {  	v6 =	vld [tilespmem:s13+$0xFFFFFF00];
	[tilespmem:s14+$0xC0] =	vst v7  }
0xdc: {  	v7 =	vld [tilespmem:s13+$0xFFFFFF10];
	v9 =	vmul.f32 v11, v1;
	[tilespmem:s14+$0xD0] =	vst v4  }
0xdd: {  	v4 =	vld [tilespmem:s13+$0xFFFFFF20];
	[tilespmem:s14+$0xE0] =	vst v5  }
0xde: {  	v5 =	vld [tilespmem:s13+$0xFFFFFF30];
	[tilespmem:s13+$0x70] =	vst v9  }
0xdf: {  	v9 =	vld [tilespmem:s13+$0xFFFFFF40];
	[tilespmem:s14+$0xF0] =	vst v3;
	s14 =	smov.u32 s13  }
0xe0: {  	v3 =	vmul.f32 v6, v10;
	v6 =	vld [tilespmem:s13+$0xFFFFFF50]  }
0xe1: {  	v7 =	vmul.f32 v7, v10;
	v11 =	vld [tilespmem:s13+$0xFFFFFF60]  }
0xe2: {  	[tilespmem:s13+$0xFFFFFF00] =	vst v3;
	v3 =	vmul.f32 v4, v10;
	v4 =	vld [tilespmem:s13+$0xFFFFFF70]  }
0xe3: {  	[tilespmem:s13+$0xFFFFFF10] =	vst v7;
	v5 =	vmul.f32 v5, v10;
	v7 =	vld [tilespmem:s13+$0xFFFFFF80]  }
0xe4: {  	[tilespmem:s13+$0xFFFFFF20] =	vst v3;
	v3 =	vmul.f32 v9, v10;
	v9 =	vld [tilespmem:s13+$0xFFFFFF90]  }
0xe5: {  	[tilespmem:s13+$0xFFFFFF30] =	vst v5;
	v5 =	vmul.f32 v6, v10;
	v6 =	vld [tilespmem:s13+$0xFFFFFFA0]  }
0xe6: {  	[tilespmem:s13+$0xFFFFFF40] =	vst v3;
	v3 =	vmul.f32 v11, v10;
	v11 =	vld [tilespmem:s13+$0xFFFFFFB0]  }
0xe7: {  	[tilespmem:s13+$0xFFFFFF50] =	vst v5;
	v4 =	vmul.f32 v4, v10;
	v5 =	vld [tilespmem:s13+$0xFFFFFFC0]  }
0xe8: {  	[tilespmem:s13+$0xFFFFFF60] =	vst v3;
	v3 =	vmul.f32 v7, v8;
	v10 =	vld [tilespmem:s13+$0xFFFFFFD0]  }
0xe9: {  	[tilespmem:s13+$0xFFFFFF70] =	vst v4;
	v4 =	vmul.f32 v9, v8;
	v9 =	vld [tilespmem:s13+$0xFFFFFFE0]  }
0xea: {  	[tilespmem:s13+$0xFFFFFF80] =	vst v3;
	v3 =	vmul.f32 v6, v8;
	v12 =	vld [tilespmem:s13+$0xFFFFFFF0]  }
.Ltmp2:
0xeb: {  	[tilespmem:s13+$0xFFFFFF90] =	vst v4;
	v4 =	vmul.f32 v11, v8;
	v7 =	vld [tilespmem:s13+$0x0];
	(pc) =	sbr.rel @p5 .LBB2_7-.Ltmp2, $4  }
0xec: {  	[tilespmem:s13+$0xFFFFFFA0] =	vst v3;
	v3 =	vmul.f32 v5, v8;
	v6 =	vld [tilespmem:s13+$0x10]  }
0xed: {  	[tilespmem:s13+$0xFFFFFFB0] =	vst v4;
	v4 =	vmul.f32 v10, v8;
	v5 =	vld [tilespmem:s13+$0x20]  }
0xee: {  	[tilespmem:s13+$0xFFFFFFC0] =	vst v3;
	v9 =	vmul.f32 v9, v8;
	v3 =	vld [tilespmem:s13+$0x30]  }
0xef: {  	[tilespmem:s13+$0xFFFFFFD0] =	vst v4;
	v8 =	vmul.f32 v12, v8;
	v4 =	vld [tilespmem:s13+$0x40]  }
0xf0: {  	v10 =	vld [tilespmem:s13+$0x50]  }
0xf1: {  	[tilespmem:s13+$0xFFFFFFE0] =	vst v9;
	v7 =	vmul.f32 v7, v1;
	v54 =	vld [tilespmem:s13+$0x60]  }
0xf2: {  	v55 =	vld [tilespmem:s13+$0x80];
	[tilespmem:s13+$0xFFFFFFF0] =	vst v8;
	v6 =	vmul.f32 v6, v1  }
0xf3: {  	v56 =	vld [tilespmem:s13+$0x90];
	[tilespmem:s13+$0x0] =	vst v7;
	v5 =	vmul.f32 v5, v1  }
0xf4: {  	v57 =	vld [tilespmem:s13+$0xA0];
	[tilespmem:s13+$0x10] =	vst v6;
	v3 =	vmul.f32 v3, v1  }
0xf5: {  	v58 =	vld [tilespmem:s13+$0xB0];
	[tilespmem:s13+$0x20] =	vst v5;
	v4 =	vmul.f32 v4, v1  }
0xf6: {  	v11 =	vld [tilespmem:s13+$0xC0];
	v10 =	vmul.f32 v10, v1;
	[tilespmem:s13+$0x30] =	vst v3  }
0xf7: {  	v60 =	vld [tilespmem:s13+$0xE0];
	v59 =	vmul.f32 v55, v2;
	[tilespmem:s13+$0x40] =	vst v4  }
0xf8: {  	v3 =	vld [tilespmem:s13+$0xD0];
	v7 =	vmul.f32 v56, v2;
	[tilespmem:s13+$0x50] =	vst v10  }
0xf9: {  	v61 =	vld [tilespmem:s13+$0xF0];
	v1 =	vmul.f32 v54, v1;
	[tilespmem:s14+$0x80] =	vst v59  }
0xfa: {  	v62 =	vmul.f32 v58, v2;
	[tilespmem:s14+$0x90] =	vst v7  }
0xfb: {  	[tilespmem:s14+$0x60] =	vst v1;
	v1 =	vmul.f32 v57, v2  }
0xfc: {  	v63 =	vmul.f32 v11, v2;
	[tilespmem:s14+$0xB0] =	vst v62  }
0xfd: {  	[tilespmem:s14+$0xA0] =	vst v1;
	v1 =	vmul.f32 v3, v2  }
0xfe: {  	[tilespmem:s14+$0xC0] =	vst v63;
	v3 =	vmul.f32 v60, v2  }
0xff: {  	s11 =	sadd.s32 $0x1, s11;
	v2 =	vmul.f32 v61, v2;
	[tilespmem:s14+$0xD0] =	vst v1  }
0x100: {  	p5 =	sne.s32 s11, $0x10;
	[tilespmem:s14+$0xE0] =	vst v3  }
.Ltmp3:
0x101: {  	s12 =	sadd.s32 $0x1000, s12;
	[tilespmem:s14+$0xF0] =	vst v2;
	(pc) =	sbr.rel @p5 .LBB2_4-.Ltmp3, $4  }
0x102: {  	[spmem:s1] =	stream.indirect.scatter.add.f32 [tilespmem:s5], [sflag:$0x3], $0x80, s12, s3, $0xb8;
	[tilespmem:$0x1F880] =	vst v63  }
0x103: {  	_ =	swait.ge [sflag:s30], $0x4000  }
0x104: {  	[sflag:s30] =	ssyncset.done $0x0  }
0x105: {  	s10 =	sadd.s32 $0x100, s10;
	[sflag:s30] =	ssyncadd.s32 $0xFFFFC000  }
0x106: {  	s10 =	rddreg [dreg:$0x7]  }
0x107: {  	[tilespmem:s2], [sflag:$0x3] =	stream.linear.gather [hbm4b:s10+s2], $0x1000, $0x38;
	[tilespmem:$0x1F880] =	vst v63  }
0x108: {  	_ =	swait.ge [sflag:s30], $0x1000  }
0x109: {  	[sflag:s30] =	ssyncset.done $0x0  }
0x10a: {  	s19 =	rddreg [dreg:$0x8];
	[sflag:s30] =	ssyncadd.s32 $0xFFFFF000  }
0x10b: {  	[tilespmem:s31], [sflag:$0x3] =	stream.linear.gather [hbm4b:s19+s2], $0x1000, $0x38;
	[tilespmem:$0x1F880] =	vst v63  }
0x10c: {  	_ =	swait.ge [sflag:s30], $0x1000  }
0x10d: {  	[sflag:s30] =	ssyncset.done $0x0  }
0x10e: {  	s22 =	rddreg [dreg:$0x10];
	[sflag:s30] =	ssyncadd.s32 $0xFFFFF000  }
0x10f: {  	[tilespmem:s0], [sflag:$0x3] =	stream.linear.gather [hbm4b:s22+s2], $0x1000, $0x38;
	[tilespmem:$0x1F880] =	vst v63  }
0x110: {  	_ =	swait.ge [sflag:s30], $0x1000  }
0x111: {  	[sflag:s30] =	ssyncset.done $0x0  }
0x112: {  	s11 =	simm.s32 $0x20;
	[sflag:s30] =	ssyncadd.s32 $0xFFFFF000  }
0x113: {  	v1 =	vld [tilespmem:s11+$0xFFFFFFE0]  }
0x114: {  	v3 =	vld [tilespmem:s11+$0x0]  }
0x115: {  	v2 =	vld [tilespmem:s11+$0x10]  }
0x116: {  	v4 =	vld [tilespmem:s11+$0xFFFFFFF0];
	_ =	sdelay $0x1  }
0x117: {  	s10 =	simm.s32 $0x60;
	v5 =	vadd.s32 v0, v1  }
0x118: {  	v1 =	vld [tilespmem:s10+$0xFFFFFFE0];
	v6 =	vadd.s32 v0, v3;
	[tilespmem:s11+$0xFFFFFFE0] =	vst v5  }
0x119: {  	v3 =	vld [tilespmem:s10+$0x0];
	v5 =	vadd.s32 v0, v2;
	[tilespmem:s11+$0x0] =	vst v6  }
0x11a: {  	s12 =	simm.s32 $0x4;
	v4 =	vadd.s32 v0, v4;
	v2 =	vld [tilespmem:s10+$0x10];
	[tilespmem:s11+$0x10] =	vst v5  }
.LBB2_10:
0x11b: {  	s12 =	sadd.s32 $0x4, s12  }
0x11c: {  	v5 =	vld [tilespmem:s10+$0xFFFFFFF0];
	[tilespmem:s11+$0xFFFFFFF0] =	vst v4;
	s11 =	smov.u32 s10;
	p5 =	slt.u32 s12, $0xFC  }
.Ltmp4:
0x11d: {  	(pc) =	sbr.rel @p5 .LBB2_10-.Ltmp4, $4  }
0x11e: {  	s10 =	sadd.s32 $0x40, s10;
	v4 =	vadd.s32 v0, v1  }
0x11f: {  	v1 =	vld [tilespmem:s10+$0xFFFFFFE0];
	[tilespmem:s11+$0xFFFFFFE0] =	vst v4;
	v4 =	vadd.s32 v0, v2  }
0x120: {  	v2 =	vld [tilespmem:s10+$0x10];
	v6 =	vadd.s32 v0, v3;
	[tilespmem:s11+$0x10] =	vst v4  }
0x121: {  	v3 =	vld [tilespmem:s10+$0x0];
	v4 =	vadd.s32 v0, v5;
	[tilespmem:s11+$0x0] =	vst v6  }
0x122: {  	v5 =	vld [tilespmem:s10+$0xFFFFFFF0];
	_ =	sdelay $0x1  }
0x123: {  	[tilespmem:s11+$0xFFFFFFF0] =	vst v4;
	v1 =	vadd.s32 v0, v1  }
0x124: {  	[tilespmem:s10+$0xFFFFFFE0] =	vst v1;
	v1 =	vadd.s32 v0, v2  }
0x125: {  	v2 =	vadd.s32 v0, v3;
	[tilespmem:s10+$0x10] =	vst v1  }
0x126: {  	v1 =	vadd.s32 v0, v5;
	[tilespmem:s10+$0x0] =	vst v2  }
0x127: {  	s11 =	simm.s32 $0x0;
	[tilespmem:s10+$0xFFFFFFF0] =	vst v1;
	s10 =	simm.s32 $0x0  }
0x128: {  	[tilespmem:s4], [sflag:$0x1] =	stream.indirect.gather [hbm4b:s21+s3], $0x80, s10, s3, $0xb8;
	[tilespmem:$0x1F880] =	vst v63  }
.LBB2_12:
0x129: {  	s15 =	sadd.s32 $0xFFFFFFFC, s10  }
0x12a: {  	s13 =	sshll.u32 s11, $0x8;
	s12 =	sadd.s32 $0x6, s15  }
0x12b: {  	s22 =	sadd.s32 $0x4, s15;
	v1 =	vmov s12;
	s12 =	sor.u32 $0x80, s13  }
0x12c: {  	v2 =	vmov s22;
	[tilespmem:s5], [sflag:$0x2] =	stream.indirect.gather [hbm4b:s21+s3], $0x80, s12, s3, $0xb8;
	[tilespmem:$0x1F880] =	vst v63  }
0x12d: {  	v2 =	vand.u32 $0xFFFFFFFC, v2;
	_ =	swait.ge [sflag:s6], $0x4000  }
0x12e: {  	v1 =	vand.u32 $0xFFFFFFFE, v1;
	v2 =	vbroadcast v2, $0x0;
	[sflag:s6] =	ssyncset.done $0x0  }
0x12f: {  	s14 =	simm.s32 $0x3100;
	v1 =	vbroadcast v1, $0x0;
	[sflag:s6] =	ssyncadd.s32 $0xFFFFC000  }
0x130: {  	v3 =	vld [tilespmem:s14+$0x70]  }
0x131: {  	v5 =	vld [tilespmem:s14+$0xFFFFFF00]  }
0x132: {  	s16 =	sadd.s32 $0x5, s15;
	v6 =	vld [tilespmem:s14+$0xFFFFFF10]  }
0x133: {  	v4 =	vmov s16;
	v7 =	vld [tilespmem:s14+$0xFFFFFF20]  }
0x134: {  	v4 =	vand.u32 $0xFFFFFFFD, v4;
	v2 =	vld.idx.msk [tilespmem:v2+s0+$0x0], $0xffff  }
0x135: {  	v4 =	vbroadcast v4, $0x0;
	v1 =	vld.idx.msk [tilespmem:v1+s0+$0x0], $0xffff  }
0x136: {  	v8 =	vld [tilespmem:s14+$0xFFFFFF30]  }
0x137: {  	v9 =	vld [tilespmem:s14+$0xFFFFFF40]  }
0x138: {  	v10 =	vld [tilespmem:s14+$0xFFFFFF50]  }
0x139: {  	v11 =	vld [tilespmem:s14+$0xFFFFFF60];
	v5 =	vmul.f32 v5, v2  }
0x13a: {  	v13 =	vld [tilespmem:s14+$0xFFFFFFD0];
	v3 =	vmul.f32 v3, v1  }
0x13b: {  	v4 =	vld.idx.msk [tilespmem:v4+s0+$0x0], $0xffff;
	[tilespmem:s14+$0xFFFFFF00] =	vst v5;
	v5 =	vmul.f32 v6, v2  }
0x13c: {  	v6 =	vld [tilespmem:s14+$0xFFFFFF70];
	[tilespmem:s14+$0x70] =	vst v3;
	v3 =	vmul.f32 v7, v2  }
0x13d: {  	s15 =	sadd.s32 $0x7, s15;
	v7 =	vld [tilespmem:s14+$0xFFFFFF80];
	[tilespmem:s14+$0xFFFFFF10] =	vst v5;
	v5 =	vmul.f32 v8, v2  }
0x13e: {  	v12 =	vmov s15;
	v8 =	vld [tilespmem:s14+$0xFFFFFF90];
	[tilespmem:s14+$0xFFFFFF20] =	vst v3;
	v3 =	vmul.f32 v9, v2  }
0x13f: {  	v9 =	vld [tilespmem:s14+$0xFFFFFFA0];
	[tilespmem:s14+$0xFFFFFF30] =	vst v5;
	v5 =	vmul.f32 v10, v2  }
0x140: {  	v10 =	vld [tilespmem:s14+$0xFFFFFFB0];
	[tilespmem:s14+$0xFFFFFF40] =	vst v3;
	v3 =	vmul.f32 v11, v2  }
0x141: {  	v11 =	vld [tilespmem:s14+$0xFFFFFFC0];
	v6 =	vmul.f32 v6, v2;
	[tilespmem:s14+$0xFFFFFF50] =	vst v5  }
0x142: {  	v14 =	vld [tilespmem:s14+$0xFFFFFFE0];
	v5 =	vmul.f32 v7, v4;
	[tilespmem:s14+$0xFFFFFF60] =	vst v3  }
0x143: {  	v2 =	vld.idx.msk [tilespmem:v12+s0+$0x0], $0xffff;
	v3 =	vmul.f32 v8, v4;
	[tilespmem:s14+$0xFFFFFF70] =	vst v6  }
0x144: {  	v8 =	vld [tilespmem:s14+$0xFFFFFFF0];
	[tilespmem:s14+$0xFFFFFF80] =	vst v5;
	v5 =	vmul.f32 v9, v4  }
0x145: {  	v7 =	vld [tilespmem:s14+$0x0];
	[tilespmem:s14+$0xFFFFFF90] =	vst v3;
	v3 =	vmul.f32 v10, v4  }
0x146: {  	v6 =	vld [tilespmem:s14+$0x10];
	v9 =	vmul.f32 v11, v4;
	[tilespmem:s14+$0xFFFFFFA0] =	vst v5  }
0x147: {  	v10 =	vmul.f32 v13, v4;
	v5 =	vld [tilespmem:s14+$0x20];
	[tilespmem:s14+$0xFFFFFFB0] =	vst v3  }
0x148: {  	[tilespmem:s14+$0xFFFFFFC0] =	vst v9;
	v3 =	vld [tilespmem:s14+$0x30];
	v9 =	vmul.f32 v14, v4  }
0x149: {  	s16 =	simm.s32 $0x0;
	s15 =	simm.s32 $0x3100;
	[tilespmem:s14+$0xFFFFFFD0] =	vst v10;
	v8 =	vmul.f32 v8, v4;
	v4 =	vld [tilespmem:s14+$0x40]  }
.LBB2_13:
0x14a: {  	s17 =	sadd.s32 s16, s10;
	s16 =	sadd.s32 $0x4, s16;
	[tilespmem:s14+$0xFFFFFFE0] =	vst v9;
	v7 =	vmul.f32 v7, v1;
	v9 =	vld [tilespmem:s14+$0x50]  }
0x14b: {  	s19 =	sadd.s32 $0x4, s17;
	s22 =	sadd.s32 $0x6, s17;
	p5 =	slt.u32 s16, $0x7C;
	[tilespmem:s14+$0xFFFFFFF0] =	vst v8;
	v6 =	vmul.f32 v6, v1;
	v8 =	vld [tilespmem:s14+$0x60]  }
0x14c: {  	v10 =	vmov s19;
	s19 =	sadd.s32 $0x5, s17;
	v11 =	vmov s22;
	s17 =	sadd.s32 $0x7, s17;
	[tilespmem:s14+$0x0] =	vst v7;
	v5 =	vmul.f32 v5, v1;
	v7 =	vld [tilespmem:s14+$0x80]  }
0x14d: {  	v10 =	vand.u32 $0xFFFFFFFC, v10;
	v12 =	vmov s19;
	v11 =	vand.u32 $0xFFFFFFFE, v11;
	[tilespmem:s14+$0x10] =	vst v6;
	v6 =	vld [tilespmem:s14+$0x90]  }
0x14e: {  	v10 =	vbroadcast v10, $0x0;
	v12 =	vand.u32 $0xFFFFFFFD, v12;
	v11 =	vbroadcast v11, $0x0;
	[tilespmem:s14+$0x20] =	vst v5;
	v5 =	vld [tilespmem:s14+$0xA0]  }
0x14f: {  	v13 =	vmov s17;
	v3 =	vmul.f32 v3, v1;
	v12 =	vbroadcast v12, $0x0;
	v14 =	vld [tilespmem:s14+$0xB0]  }
0x150: {  	v4 =	vmul.f32 v4, v1;
	v9 =	vmul.f32 v9, v1;
	v15 =	vld [tilespmem:s14+$0xC0]  }
0x151: {  	[tilespmem:s14+$0x30] =	vst v3;
	v3 =	vmul.f32 v8, v1;
	v7 =	vmul.f32 v7, v2;
	v8 =	vld [tilespmem:s14+$0xD0]  }
0x152: {  	[tilespmem:s14+$0x40] =	vst v4;
	v4 =	vmul.f32 v6, v2;
	v6 =	vld [tilespmem:s14+$0xE0]  }
0x153: {  	[tilespmem:s14+$0x50] =	vst v9;
	v5 =	vmul.f32 v5, v2;
	v9 =	vld [tilespmem:s14+$0xF0]  }
0x154: {  	s14 =	sadd.s32 $0x200, s14;
	v1 =	vld.idx.msk [tilespmem:v11+s0+$0x0], $0xffff;
	[tilespmem:s15+$0x60] =	vst v3;
	v3 =	vmul.f32 v14, v2  }
0x155: {  	v11 =	vld [tilespmem:s14+$0x70];
	[tilespmem:s15+$0x80] =	vst v7;
	v7 =	vmul.f32 v15, v2  }
0x156: {  	v10 =	vld.idx.msk [tilespmem:v10+s0+$0x0], $0xffff;
	[tilespmem:s15+$0x90] =	vst v4;
	v4 =	vmul.f32 v8, v2  }
0x157: {  	v8 =	vld.idx.msk [tilespmem:v12+s0+$0x0], $0xffff;
	[tilespmem:s15+$0xA0] =	vst v5;
	v5 =	vmul.f32 v6, v2  }
0x158: {  	[tilespmem:s15+$0xB0] =	vst v3;
	v3 =	vmul.f32 v9, v2;
	v2 =	vld.idx.msk [tilespmem:v13+s0+$0x0], $0xffff  }
0x159: {  	v6 =	vld [tilespmem:s14+$0xFFFFFF00];
	[tilespmem:s15+$0xC0] =	vst v7  }
0x15a: {  	v7 =	vld [tilespmem:s14+$0xFFFFFF10];
	v9 =	vmul.f32 v11, v1;
	[tilespmem:s15+$0xD0] =	vst v4  }
0x15b: {  	v4 =	vld [tilespmem:s14+$0xFFFFFF20];
	[tilespmem:s15+$0xE0] =	vst v5  }
0x15c: {  	v5 =	vld [tilespmem:s14+$0xFFFFFF30];
	[tilespmem:s14+$0x70] =	vst v9  }
0x15d: {  	v9 =	vld [tilespmem:s14+$0xFFFFFF40];
	[tilespmem:s15+$0xF0] =	vst v3;
	s15 =	smov.u32 s14  }
0x15e: {  	v3 =	vmul.f32 v6, v10;
	v6 =	vld [tilespmem:s14+$0xFFFFFF50]  }
0x15f: {  	v7 =	vmul.f32 v7, v10;
	v11 =	vld [tilespmem:s14+$0xFFFFFF60]  }
0x160: {  	[tilespmem:s14+$0xFFFFFF00] =	vst v3;
	v3 =	vmul.f32 v4, v10;
	v4 =	vld [tilespmem:s14+$0xFFFFFF70]  }
0x161: {  	[tilespmem:s14+$0xFFFFFF10] =	vst v7;
	v5 =	vmul.f32 v5, v10;
	v7 =	vld [tilespmem:s14+$0xFFFFFF80]  }
0x162: {  	[tilespmem:s14+$0xFFFFFF20] =	vst v3;
	v3 =	vmul.f32 v9, v10;
	v9 =	vld [tilespmem:s14+$0xFFFFFF90]  }
0x163: {  	[tilespmem:s14+$0xFFFFFF30] =	vst v5;
	v5 =	vmul.f32 v6, v10;
	v6 =	vld [tilespmem:s14+$0xFFFFFFA0]  }
0x164: {  	[tilespmem:s14+$0xFFFFFF40] =	vst v3;
	v3 =	vmul.f32 v11, v10;
	v11 =	vld [tilespmem:s14+$0xFFFFFFB0]  }
0x165: {  	[tilespmem:s14+$0xFFFFFF50] =	vst v5;
	v4 =	vmul.f32 v4, v10;
	v5 =	vld [tilespmem:s14+$0xFFFFFFC0]  }
0x166: {  	[tilespmem:s14+$0xFFFFFF60] =	vst v3;
	v3 =	vmul.f32 v7, v8;
	v10 =	vld [tilespmem:s14+$0xFFFFFFD0]  }
0x167: {  	[tilespmem:s14+$0xFFFFFF70] =	vst v4;
	v4 =	vmul.f32 v9, v8;
	v9 =	vld [tilespmem:s14+$0xFFFFFFE0]  }
0x168: {  	[tilespmem:s14+$0xFFFFFF80] =	vst v3;
	v3 =	vmul.f32 v6, v8;
	v12 =	vld [tilespmem:s14+$0xFFFFFFF0]  }
.Ltmp5:
0x169: {  	[tilespmem:s14+$0xFFFFFF90] =	vst v4;
	v4 =	vmul.f32 v11, v8;
	v7 =	vld [tilespmem:s14+$0x0];
	(pc) =	sbr.rel @p5 .LBB2_13-.Ltmp5, $4  }
0x16a: {  	[tilespmem:s14+$0xFFFFFFA0] =	vst v3;
	v3 =	vmul.f32 v5, v8;
	v6 =	vld [tilespmem:s14+$0x10]  }
0x16b: {  	[tilespmem:s14+$0xFFFFFFB0] =	vst v4;
	v4 =	vmul.f32 v10, v8;
	v5 =	vld [tilespmem:s14+$0x20]  }
0x16c: {  	[tilespmem:s14+$0xFFFFFFC0] =	vst v3;
	v9 =	vmul.f32 v9, v8;
	v3 =	vld [tilespmem:s14+$0x30]  }
0x16d: {  	[tilespmem:s14+$0xFFFFFFD0] =	vst v4;
	v8 =	vmul.f32 v12, v8;
	v4 =	vld [tilespmem:s14+$0x40]  }
0x16e: {  	v10 =	vld [tilespmem:s14+$0x50];
	[tilespmem:s14+$0xFFFFFFE0] =	vst v9;
	v7 =	vmul.f32 v7, v1  }
0x16f: {  	v9 =	vld [tilespmem:s14+$0x60];
	[tilespmem:s14+$0xFFFFFFF0] =	vst v8;
	v6 =	vmul.f32 v6, v1  }
0x170: {  	v8 =	vld [tilespmem:s14+$0x80];
	[tilespmem:s14+$0x0] =	vst v7;
	v5 =	vmul.f32 v5, v1  }
0x171: {  	v7 =	vld [tilespmem:s14+$0x90];
	[tilespmem:s14+$0x10] =	vst v6;
	v3 =	vmul.f32 v3, v1  }
0x172: {  	v6 =	vld [tilespmem:s14+$0xA0];
	[tilespmem:s14+$0x20] =	vst v5;
	v4 =	vmul.f32 v4, v1  }
0x173: {  	v5 =	vld [tilespmem:s14+$0xB0];
	v10 =	vmul.f32 v10, v1;
	[tilespmem:s14+$0x30] =	vst v3  }
0x174: {  	v11 =	vld [tilespmem:s14+$0xC0];
	v1 =	vmul.f32 v9, v1;
	[tilespmem:s14+$0x40] =	vst v4  }
0x175: {  	v3 =	vld [tilespmem:s14+$0xD0];
	v4 =	vmul.f32 v8, v2;
	[tilespmem:s14+$0x50] =	vst v10  }
0x176: {  	v8 =	vld [tilespmem:s14+$0xE0];
	v7 =	vmul.f32 v7, v2;
	[tilespmem:s15+$0x60] =	vst v1  }
0x177: {  	v9 =	vld [tilespmem:s14+$0xF0];
	v1 =	vmul.f32 v6, v2;
	[tilespmem:s15+$0x80] =	vst v4  }
0x178: {  	v4 =	vmul.f32 v5, v2;
	[tilespmem:s15+$0x90] =	vst v7  }
0x179: {  	v5 =	vmul.f32 v11, v2;
	[tilespmem:s15+$0xA0] =	vst v1  }
0x17a: {  	v1 =	vmul.f32 v3, v2;
	[tilespmem:s15+$0xB0] =	vst v4  }
0x17b: {  	v3 =	vmul.f32 v8, v2;
	[tilespmem:s15+$0xC0] =	vst v5  }
0x17c: {  	v2 =	vmul.f32 v9, v2;
	[tilespmem:s15+$0xD0] =	vst v1  }
0x17d: {  	s14 =	sadd.s32 $0xFFFFFFFC, s10;
	[tilespmem:s15+$0xE0] =	vst v3  }
0x17e: {  	s13 =	sadd.s32 $0x1000, s13;
	p5 =	seq.s32 s11, $0xF;
	s17 =	sadd.s32 $0x86, s14;
	[tilespmem:s15+$0xF0] =	vst v2  }
0x17f: {  	v1 =	vmov s17;
	[spmem:s1] =	stream.indirect.scatter.add.f32 [tilespmem:s4], [sflag:$0x3], $0x80, s13, s3, $0xb8;
	[tilespmem:$0x1F880] =	vst v63  }
0x180: {  	s19 =	sadd.s32 $0x84, s14;
	v1 =	vand.u32 $0xFFFFFFFE, v1;
	s13 =	sshll.u32 @!p5 s11, $0x8;
	_ =	swait.ge [sflag:s30], $0x4000  }
0x181: {  	s16 =	simm.s32 @!p5 $0x3000;
	v2 =	vmov s19;
	v1 =	vbroadcast v1, $0x0;
	s13 =	sand.u32 @!p5 $0x3FFFFF00, s13;
	[sflag:s30] =	ssyncset.done $0x0  }
0x182: {  	s15 =	simm.s32 @!p5 $0x80;
	v2 =	vand.u32 $0xFFFFFFFC, v2;
	s13 =	sadd.s32 @!p5 $0x100, s13;
	[sflag:s30] =	ssyncadd.s32 $0xFFFFC000  }
0x183: {  	v2 =	vbroadcast v2, $0x0;
	[tilespmem:s16], [sflag:$0x1] =	stream.indirect.gather @!p5 [hbm4b:s21+s15], $0x80, s13, s15, $0xb8;
	[tilespmem:$0x1F880] =	vst v63  }
0x184: {  	_ =	swait.ge [sflag:s7], $0x4000  }
0x185: {  	[sflag:s7] =	ssyncset.done $0x0  }
0x186: {  	[sflag:s7] =	ssyncadd.s32 $0xFFFFC000  }
0x187: {  	s13 =	simm.s32 $0x7100;
	v1 =	vld.idx.msk [tilespmem:v1+s0+$0x0], $0xffff  }
0x188: {  	s22 =	sadd.s32 $0x85, s14;
	v3 =	vld [tilespmem:s13+$0x70]  }
0x189: {  	v4 =	vmov s22;
	v2 =	vld.idx.msk [tilespmem:v2+s0+$0x0], $0xffff  }
0x18a: {  	v4 =	vand.u32 $0xFFFFFFFD, v4;
	v5 =	vld [tilespmem:s13+$0xFFFFFF00]  }
0x18b: {  	v4 =	vbroadcast v4, $0x0;
	v6 =	vld [tilespmem:s13+$0xFFFFFF10]  }
0x18c: {  	v7 =	vld [tilespmem:s13+$0xFFFFFF20]  }
0x18d: {  	v8 =	vld [tilespmem:s13+$0xFFFFFF30]  }
0x18e: {  	v9 =	vld [tilespmem:s13+$0xFFFFFF40]  }
0x18f: {  	v10 =	vld [tilespmem:s13+$0xFFFFFF50]  }
0x190: {  	v11 =	vld [tilespmem:s13+$0xFFFFFF60];
	v5 =	vmul.f32 v5, v2  }
0x191: {  	v4 =	vld.idx.msk [tilespmem:v4+s0+$0x0], $0xffff;
	v3 =	vmul.f32 v3, v1  }
0x192: {  	v13 =	vld [tilespmem:s13+$0xFFFFFFD0];
	[tilespmem:s13+$0xFFFFFF00] =	vst v5;
	v5 =	vmul.f32 v6, v2  }
0x193: {  	v6 =	vld [tilespmem:s13+$0xFFFFFF70];
	[tilespmem:s13+$0x70] =	vst v3;
	v3 =	vmul.f32 v7, v2  }
0x194: {  	s14 =	sadd.s32 $0x87, s14;
	v7 =	vld [tilespmem:s13+$0xFFFFFF80];
	[tilespmem:s13+$0xFFFFFF10] =	vst v5;
	v5 =	vmul.f32 v8, v2  }
0x195: {  	v12 =	vmov s14;
	v8 =	vld [tilespmem:s13+$0xFFFFFF90];
	[tilespmem:s13+$0xFFFFFF20] =	vst v3;
	v3 =	vmul.f32 v9, v2  }
0x196: {  	v9 =	vld [tilespmem:s13+$0xFFFFFFA0];
	[tilespmem:s13+$0xFFFFFF30] =	vst v5;
	v5 =	vmul.f32 v10, v2  }
0x197: {  	v10 =	vld [tilespmem:s13+$0xFFFFFFB0];
	[tilespmem:s13+$0xFFFFFF40] =	vst v3;
	v3 =	vmul.f32 v11, v2  }
0x198: {  	v11 =	vld [tilespmem:s13+$0xFFFFFFC0];
	v6 =	vmul.f32 v6, v2;
	[tilespmem:s13+$0xFFFFFF50] =	vst v5  }
0x199: {  	v14 =	vld [tilespmem:s13+$0xFFFFFFE0];
	v5 =	vmul.f32 v7, v4;
	[tilespmem:s13+$0xFFFFFF60] =	vst v3  }
0x19a: {  	v2 =	vld.idx.msk [tilespmem:v12+s0+$0x0], $0xffff;
	v3 =	vmul.f32 v8, v4;
	[tilespmem:s13+$0xFFFFFF70] =	vst v6  }
0x19b: {  	v8 =	vld [tilespmem:s13+$0xFFFFFFF0];
	[tilespmem:s13+$0xFFFFFF80] =	vst v5;
	v5 =	vmul.f32 v9, v4  }
0x19c: {  	v7 =	vld [tilespmem:s13+$0x0];
	[tilespmem:s13+$0xFFFFFF90] =	vst v3;
	v3 =	vmul.f32 v10, v4  }
0x19d: {  	v6 =	vld [tilespmem:s13+$0x10];
	v9 =	vmul.f32 v11, v4;
	[tilespmem:s13+$0xFFFFFFA0] =	vst v5  }
0x19e: {  	v10 =	vmul.f32 v13, v4;
	v5 =	vld [tilespmem:s13+$0x20];
	[tilespmem:s13+$0xFFFFFFB0] =	vst v3  }
0x19f: {  	[tilespmem:s13+$0xFFFFFFC0] =	vst v9;
	v3 =	vld [tilespmem:s13+$0x30];
	v9 =	vmul.f32 v14, v4  }
0x1a0: {  	s14 =	simm.s32 $0x7100;
	s15 =	simm.s32 $0x0;
	[tilespmem:s13+$0xFFFFFFD0] =	vst v10;
	v8 =	vmul.f32 v8, v4;
	v4 =	vld [tilespmem:s13+$0x40]  }
.LBB2_15:
0x1a1: {  	s16 =	sadd.s32 s15, s10;
	s15 =	sadd.s32 $0x4, s15;
	[tilespmem:s13+$0xFFFFFFE0] =	vst v9;
	v7 =	vmul.f32 v7, v1;
	v9 =	vld [tilespmem:s13+$0x50]  }
0x1a2: {  	s17 =	sadd.s32 $0x84, s16;
	s19 =	sadd.s32 $0x86, s16;
	p5 =	slt.u32 s15, $0x7C;
	[tilespmem:s13+$0xFFFFFFF0] =	vst v8;
	v6 =	vmul.f32 v6, v1;
	v8 =	vld [tilespmem:s13+$0x60]  }
0x1a3: {  	v10 =	vmov s17;
	s17 =	sadd.s32 $0x85, s16;
	v11 =	vmov s19;
	s16 =	sadd.s32 $0x87, s16;
	[tilespmem:s13+$0x0] =	vst v7;
	v5 =	vmul.f32 v5, v1;
	v7 =	vld [tilespmem:s13+$0x80]  }
0x1a4: {  	v10 =	vand.u32 $0xFFFFFFFC, v10;
	v12 =	vmov s17;
	v11 =	vand.u32 $0xFFFFFFFE, v11;
	[tilespmem:s13+$0x10] =	vst v6;
	v6 =	vld [tilespmem:s13+$0x90]  }
0x1a5: {  	v10 =	vbroadcast v10, $0x0;
	v12 =	vand.u32 $0xFFFFFFFD, v12;
	v11 =	vbroadcast v11, $0x0;
	[tilespmem:s13+$0x20] =	vst v5;
	v5 =	vld [tilespmem:s13+$0xA0]  }
0x1a6: {  	v13 =	vmov s16;
	v3 =	vmul.f32 v3, v1;
	v12 =	vbroadcast v12, $0x0;
	v14 =	vld [tilespmem:s13+$0xB0]  }
0x1a7: {  	v4 =	vmul.f32 v4, v1;
	v9 =	vmul.f32 v9, v1;
	v15 =	vld [tilespmem:s13+$0xC0]  }
0x1a8: {  	[tilespmem:s13+$0x30] =	vst v3;
	v3 =	vmul.f32 v8, v1;
	v7 =	vmul.f32 v7, v2;
	v8 =	vld [tilespmem:s13+$0xD0]  }
0x1a9: {  	[tilespmem:s13+$0x40] =	vst v4;
	v4 =	vmul.f32 v6, v2;
	v6 =	vld [tilespmem:s13+$0xE0]  }
0x1aa: {  	[tilespmem:s13+$0x50] =	vst v9;
	v5 =	vmul.f32 v5, v2;
	v9 =	vld [tilespmem:s13+$0xF0]  }
0x1ab: {  	s13 =	sadd.s32 $0x200, s13;
	v1 =	vld.idx.msk [tilespmem:v11+s0+$0x0], $0xffff;
	[tilespmem:s14+$0x60] =	vst v3;
	v3 =	vmul.f32 v14, v2  }
0x1ac: {  	v11 =	vld [tilespmem:s13+$0x70];
	[tilespmem:s14+$0x80] =	vst v7;
	v7 =	vmul.f32 v15, v2  }
0x1ad: {  	v10 =	vld.idx.msk [tilespmem:v10+s0+$0x0], $0xffff;
	[tilespmem:s14+$0x90] =	vst v4;
	v4 =	vmul.f32 v8, v2  }
0x1ae: {  	v8 =	vld.idx.msk [tilespmem:v12+s0+$0x0], $0xffff;
	[tilespmem:s14+$0xA0] =	vst v5;
	v5 =	vmul.f32 v6, v2  }
0x1af: {  	[tilespmem:s14+$0xB0] =	vst v3;
	v3 =	vmul.f32 v9, v2;
	v2 =	vld.idx.msk [tilespmem:v13+s0+$0x0], $0xffff  }
0x1b0: {  	v6 =	vld [tilespmem:s13+$0xFFFFFF00];
	[tilespmem:s14+$0xC0] =	vst v7  }
0x1b1: {  	v7 =	vld [tilespmem:s13+$0xFFFFFF10];
	v9 =	vmul.f32 v11, v1;
	[tilespmem:s14+$0xD0] =	vst v4  }
0x1b2: {  	v4 =	vld [tilespmem:s13+$0xFFFFFF20];
	[tilespmem:s14+$0xE0] =	vst v5  }
0x1b3: {  	v5 =	vld [tilespmem:s13+$0xFFFFFF30];
	[tilespmem:s13+$0x70] =	vst v9  }
0x1b4: {  	v9 =	vld [tilespmem:s13+$0xFFFFFF40];
	[tilespmem:s14+$0xF0] =	vst v3;
	s14 =	smov.u32 s13  }
0x1b5: {  	v3 =	vmul.f32 v6, v10;
	v6 =	vld [tilespmem:s13+$0xFFFFFF50]  }
0x1b6: {  	v7 =	vmul.f32 v7, v10;
	v11 =	vld [tilespmem:s13+$0xFFFFFF60]  }
0x1b7: {  	[tilespmem:s13+$0xFFFFFF00] =	vst v3;
	v3 =	vmul.f32 v4, v10;
	v4 =	vld [tilespmem:s13+$0xFFFFFF70]  }
0x1b8: {  	[tilespmem:s13+$0xFFFFFF10] =	vst v7;
	v5 =	vmul.f32 v5, v10;
	v7 =	vld [tilespmem:s13+$0xFFFFFF80]  }
0x1b9: {  	[tilespmem:s13+$0xFFFFFF20] =	vst v3;
	v3 =	vmul.f32 v9, v10;
	v9 =	vld [tilespmem:s13+$0xFFFFFF90]  }
0x1ba: {  	[tilespmem:s13+$0xFFFFFF30] =	vst v5;
	v5 =	vmul.f32 v6, v10;
	v6 =	vld [tilespmem:s13+$0xFFFFFFA0]  }
0x1bb: {  	[tilespmem:s13+$0xFFFFFF40] =	vst v3;
	v3 =	vmul.f32 v11, v10;
	v11 =	vld [tilespmem:s13+$0xFFFFFFB0]  }
0x1bc: {  	[tilespmem:s13+$0xFFFFFF50] =	vst v5;
	v4 =	vmul.f32 v4, v10;
	v5 =	vld [tilespmem:s13+$0xFFFFFFC0]  }
0x1bd: {  	[tilespmem:s13+$0xFFFFFF60] =	vst v3;
	v3 =	vmul.f32 v7, v8;
	v10 =	vld [tilespmem:s13+$0xFFFFFFD0]  }
0x1be: {  	[tilespmem:s13+$0xFFFFFF70] =	vst v4;
	v4 =	vmul.f32 v9, v8;
	v9 =	vld [tilespmem:s13+$0xFFFFFFE0]  }
0x1bf: {  	[tilespmem:s13+$0xFFFFFF80] =	vst v3;
	v3 =	vmul.f32 v6, v8;
	v12 =	vld [tilespmem:s13+$0xFFFFFFF0]  }
.Ltmp6:
0x1c0: {  	[tilespmem:s13+$0xFFFFFF90] =	vst v4;
	v4 =	vmul.f32 v11, v8;
	v7 =	vld [tilespmem:s13+$0x0];
	(pc) =	sbr.rel @p5 .LBB2_15-.Ltmp6, $4  }
0x1c1: {  	[tilespmem:s13+$0xFFFFFFA0] =	vst v3;
	v3 =	vmul.f32 v5, v8;
	v6 =	vld [tilespmem:s13+$0x10]  }
0x1c2: {  	[tilespmem:s13+$0xFFFFFFB0] =	vst v4;
	v4 =	vmul.f32 v10, v8;
	v5 =	vld [tilespmem:s13+$0x20]  }
0x1c3: {  	[tilespmem:s13+$0xFFFFFFC0] =	vst v3;
	v9 =	vmul.f32 v9, v8;
	v3 =	vld [tilespmem:s13+$0x30]  }
0x1c4: {  	[tilespmem:s13+$0xFFFFFFD0] =	vst v4;
	v8 =	vmul.f32 v12, v8;
	v4 =	vld [tilespmem:s13+$0x40]  }
0x1c5: {  	v10 =	vld [tilespmem:s13+$0x50]  }
0x1c6: {  	[tilespmem:s13+$0xFFFFFFE0] =	vst v9;
	v7 =	vmul.f32 v7, v1;
	v54 =	vld [tilespmem:s13+$0x60]  }
0x1c7: {  	v55 =	vld [tilespmem:s13+$0x80];
	[tilespmem:s13+$0xFFFFFFF0] =	vst v8;
	v6 =	vmul.f32 v6, v1  }
0x1c8: {  	v56 =	vld [tilespmem:s13+$0x90];
	[tilespmem:s13+$0x0] =	vst v7;
	v5 =	vmul.f32 v5, v1  }
0x1c9: {  	v57 =	vld [tilespmem:s13+$0xA0];
	[tilespmem:s13+$0x10] =	vst v6;
	v3 =	vmul.f32 v3, v1  }
0x1ca: {  	v58 =	vld [tilespmem:s13+$0xB0];
	[tilespmem:s13+$0x20] =	vst v5;
	v4 =	vmul.f32 v4, v1  }
0x1cb: {  	v11 =	vld [tilespmem:s13+$0xC0];
	v10 =	vmul.f32 v10, v1;
	[tilespmem:s13+$0x30] =	vst v3  }
0x1cc: {  	v60 =	vld [tilespmem:s13+$0xE0];
	v59 =	vmul.f32 v55, v2;
	[tilespmem:s13+$0x40] =	vst v4  }
0x1cd: {  	v3 =	vld [tilespmem:s13+$0xD0];
	v7 =	vmul.f32 v56, v2;
	[tilespmem:s13+$0x50] =	vst v10  }
0x1ce: {  	v61 =	vld [tilespmem:s13+$0xF0];
	v1 =	vmul.f32 v54, v1;
	[tilespmem:s14+$0x80] =	vst v59  }
0x1cf: {  	v62 =	vmul.f32 v58, v2;
	[tilespmem:s14+$0x90] =	vst v7  }
0x1d0: {  	[tilespmem:s14+$0x60] =	vst v1;
	v1 =	vmul.f32 v57, v2  }
0x1d1: {  	v63 =	vmul.f32 v11, v2;
	[tilespmem:s14+$0xB0] =	vst v62  }
0x1d2: {  	[tilespmem:s14+$0xA0] =	vst v1;
	v1 =	vmul.f32 v3, v2  }
0x1d3: {  	[tilespmem:s14+$0xC0] =	vst v63;
	v3 =	vmul.f32 v60, v2  }
0x1d4: {  	s11 =	sadd.s32 $0x1, s11;
	v2 =	vmul.f32 v61, v2;
	[tilespmem:s14+$0xD0] =	vst v1  }
0x1d5: {  	p5 =	sne.s32 s11, $0x10;
	[tilespmem:s14+$0xE0] =	vst v3  }
.Ltmp7:
0x1d6: {  	s12 =	sadd.s32 $0x1000, s12;
	[tilespmem:s14+$0xF0] =	vst v2;
	(pc) =	sbr.rel @p5 .LBB2_12-.Ltmp7, $4  }
0x1d7: {  	[spmem:s1] =	stream.indirect.scatter.add.f32 [tilespmem:s5], [sflag:$0x3], $0x80, s12, s3, $0xb8;
	[tilespmem:$0x1F880] =	vst v63  }
0x1d8: {  	_ =	swait.ge [sflag:s30], $0x4000  }
0x1d9: {  	[sflag:s30] =	ssyncset.done $0x0  }
0x1da: {  	s10 =	sadd.s32 $0x100, s10;
	[sflag:s30] =	ssyncadd.s32 $0xFFFFC000  }
0x1db: {  	s10 =	rddreg [dreg:$0x9]  }
0x1dc: {  	[tilespmem:s2], [sflag:$0x3] =	stream.linear.gather [hbm4b:s10+s2], $0x1000, $0x38;
	[tilespmem:$0x1F880] =	vst v63  }
0x1dd: {  	_ =	swait.ge [sflag:s30], $0x1000  }
0x1de: {  	[sflag:s30] =	ssyncset.done $0x0  }
0x1df: {  	s19 =	rddreg [dreg:$0xa];
	[sflag:s30] =	ssyncadd.s32 $0xFFFFF000  }
0x1e0: {  	[tilespmem:s31], [sflag:$0x3] =	stream.linear.gather [hbm4b:s19+s2], $0x1000, $0x38;
	[tilespmem:$0x1F880] =	vst v63  }
0x1e1: {  	_ =	swait.ge [sflag:s30], $0x1000  }
0x1e2: {  	[sflag:s30] =	ssyncset.done $0x0  }
0x1e3: {  	s22 =	rddreg [dreg:$0x11];
	[sflag:s30] =	ssyncadd.s32 $0xFFFFF000  }
0x1e4: {  	[tilespmem:s0], [sflag:$0x3] =	stream.linear.gather [hbm4b:s22+s2], $0x1000, $0x38;
	[tilespmem:$0x1F880] =	vst v63  }
0x1e5: {  	_ =	swait.ge [sflag:s30], $0x1000  }
0x1e6: {  	[sflag:s30] =	ssyncset.done $0x0  }
0x1e7: {  	s11 =	simm.s32 $0x20;
	[sflag:s30] =	ssyncadd.s32 $0xFFFFF000  }
0x1e8: {  	v1 =	vld [tilespmem:s11+$0xFFFFFFE0]  }
0x1e9: {  	v3 =	vld [tilespmem:s11+$0x0]  }
0x1ea: {  	v2 =	vld [tilespmem:s11+$0x10]  }
0x1eb: {  	v4 =	vld [tilespmem:s11+$0xFFFFFFF0];
	_ =	sdelay $0x1  }
0x1ec: {  	s10 =	simm.s32 $0x60;
	v5 =	vadd.s32 v0, v1  }
0x1ed: {  	v1 =	vld [tilespmem:s10+$0xFFFFFFE0];
	v6 =	vadd.s32 v0, v3;
	[tilespmem:s11+$0xFFFFFFE0] =	vst v5  }
0x1ee: {  	v3 =	vld [tilespmem:s10+$0x0];
	v5 =	vadd.s32 v0, v2;
	[tilespmem:s11+$0x0] =	vst v6  }
0x1ef: {  	s12 =	simm.s32 $0x4;
	v4 =	vadd.s32 v0, v4;
	v2 =	vld [tilespmem:s10+$0x10];
	[tilespmem:s11+$0x10] =	vst v5  }
.LBB2_18:
0x1f0: {  	s12 =	sadd.s32 $0x4, s12  }
0x1f1: {  	v5 =	vld [tilespmem:s10+$0xFFFFFFF0];
	[tilespmem:s11+$0xFFFFFFF0] =	vst v4;
	s11 =	smov.u32 s10;
	p5 =	slt.u32 s12, $0xFC  }
.Ltmp8:
0x1f2: {  	(pc) =	sbr.rel @p5 .LBB2_18-.Ltmp8, $4  }
0x1f3: {  	s10 =	sadd.s32 $0x40, s10;
	v4 =	vadd.s32 v0, v1  }
0x1f4: {  	v1 =	vld [tilespmem:s10+$0xFFFFFFE0];
	[tilespmem:s11+$0xFFFFFFE0] =	vst v4;
	v4 =	vadd.s32 v0, v2  }
0x1f5: {  	v2 =	vld [tilespmem:s10+$0x10];
	v6 =	vadd.s32 v0, v3;
	[tilespmem:s11+$0x10] =	vst v4  }
0x1f6: {  	v3 =	vld [tilespmem:s10+$0x0];
	v4 =	vadd.s32 v0, v5;
	[tilespmem:s11+$0x0] =	vst v6  }
0x1f7: {  	v5 =	vld [tilespmem:s10+$0xFFFFFFF0];
	_ =	sdelay $0x1  }
0x1f8: {  	[tilespmem:s11+$0xFFFFFFF0] =	vst v4;
	v1 =	vadd.s32 v0, v1  }
0x1f9: {  	[tilespmem:s10+$0xFFFFFFE0] =	vst v1;
	v1 =	vadd.s32 v0, v2  }
0x1fa: {  	v2 =	vadd.s32 v0, v3;
	[tilespmem:s10+$0x10] =	vst v1  }
0x1fb: {  	v1 =	vadd.s32 v0, v5;
	[tilespmem:s10+$0x0] =	vst v2  }
0x1fc: {  	s11 =	simm.s32 $0x0;
	[tilespmem:s10+$0xFFFFFFF0] =	vst v1;
	s10 =	simm.s32 $0x0  }
0x1fd: {  	[tilespmem:s4], [sflag:$0x1] =	stream.indirect.gather [hbm4b:s21+s3], $0x80, s10, s3, $0xb8;
	[tilespmem:$0x1F880] =	vst v63  }
.LBB2_20:
0x1fe: {  	s15 =	sadd.s32 $0xFFFFFFFC, s10  }
0x1ff: {  	s13 =	sshll.u32 s11, $0x8;
	s12 =	sadd.s32 $0x6, s15  }
0x200: {  	s22 =	sadd.s32 $0x4, s15;
	v1 =	vmov s12;
	s12 =	sor.u32 $0x80, s13  }
0x201: {  	v2 =	vmov s22;
	[tilespmem:s5], [sflag:$0x2] =	stream.indirect.gather [hbm4b:s21+s3], $0x80, s12, s3, $0xb8;
	[tilespmem:$0x1F880] =	vst v63  }
0x202: {  	v2 =	vand.u32 $0xFFFFFFFC, v2;
	_ =	swait.ge [sflag:s6], $0x4000  }
0x203: {  	v1 =	vand.u32 $0xFFFFFFFE, v1;
	v2 =	vbroadcast v2, $0x0;
	[sflag:s6] =	ssyncset.done $0x0  }
0x204: {  	s14 =	simm.s32 $0x3100;
	v1 =	vbroadcast v1, $0x0;
	[sflag:s6] =	ssyncadd.s32 $0xFFFFC000  }
0x205: {  	v3 =	vld [tilespmem:s14+$0x70]  }
0x206: {  	v5 =	vld [tilespmem:s14+$0xFFFFFF00]  }
0x207: {  	s16 =	sadd.s32 $0x5, s15;
	v6 =	vld [tilespmem:s14+$0xFFFFFF10]  }
0x208: {  	v4 =	vmov s16;
	v7 =	vld [tilespmem:s14+$0xFFFFFF20]  }
0x209: {  	v4 =	vand.u32 $0xFFFFFFFD, v4;
	v2 =	vld.idx.msk [tilespmem:v2+s0+$0x0], $0xffff  }
0x20a: {  	v4 =	vbroadcast v4, $0x0;
	v1 =	vld.idx.msk [tilespmem:v1+s0+$0x0], $0xffff  }
0x20b: {  	v8 =	vld [tilespmem:s14+$0xFFFFFF30]  }
0x20c: {  	v9 =	vld [tilespmem:s14+$0xFFFFFF40]  }
0x20d: {  	v10 =	vld [tilespmem:s14+$0xFFFFFF50]  }
0x20e: {  	v11 =	vld [tilespmem:s14+$0xFFFFFF60];
	v5 =	vmul.f32 v5, v2  }
0x20f: {  	v13 =	vld [tilespmem:s14+$0xFFFFFFD0];
	v3 =	vmul.f32 v3, v1  }
0x210: {  	v4 =	vld.idx.msk [tilespmem:v4+s0+$0x0], $0xffff;
	[tilespmem:s14+$0xFFFFFF00] =	vst v5;
	v5 =	vmul.f32 v6, v2  }
0x211: {  	v6 =	vld [tilespmem:s14+$0xFFFFFF70];
	[tilespmem:s14+$0x70] =	vst v3;
	v3 =	vmul.f32 v7, v2  }
0x212: {  	s15 =	sadd.s32 $0x7, s15;
	v7 =	vld [tilespmem:s14+$0xFFFFFF80];
	[tilespmem:s14+$0xFFFFFF10] =	vst v5;
	v5 =	vmul.f32 v8, v2  }
0x213: {  	v12 =	vmov s15;
	v8 =	vld [tilespmem:s14+$0xFFFFFF90];
	[tilespmem:s14+$0xFFFFFF20] =	vst v3;
	v3 =	vmul.f32 v9, v2  }
0x214: {  	v9 =	vld [tilespmem:s14+$0xFFFFFFA0];
	[tilespmem:s14+$0xFFFFFF30] =	vst v5;
	v5 =	vmul.f32 v10, v2  }
0x215: {  	v10 =	vld [tilespmem:s14+$0xFFFFFFB0];
	[tilespmem:s14+$0xFFFFFF40] =	vst v3;
	v3 =	vmul.f32 v11, v2  }
0x216: {  	v11 =	vld [tilespmem:s14+$0xFFFFFFC0];
	v6 =	vmul.f32 v6, v2;
	[tilespmem:s14+$0xFFFFFF50] =	vst v5  }
0x217: {  	v14 =	vld [tilespmem:s14+$0xFFFFFFE0];
	v5 =	vmul.f32 v7, v4;
	[tilespmem:s14+$0xFFFFFF60] =	vst v3  }
0x218: {  	v2 =	vld.idx.msk [tilespmem:v12+s0+$0x0], $0xffff;
	v3 =	vmul.f32 v8, v4;
	[tilespmem:s14+$0xFFFFFF70] =	vst v6  }
0x219: {  	v8 =	vld [tilespmem:s14+$0xFFFFFFF0];
	[tilespmem:s14+$0xFFFFFF80] =	vst v5;
	v5 =	vmul.f32 v9, v4  }
0x21a: {  	v7 =	vld [tilespmem:s14+$0x0];
	[tilespmem:s14+$0xFFFFFF90] =	vst v3;
	v3 =	vmul.f32 v10, v4  }
0x21b: {  	v6 =	vld [tilespmem:s14+$0x10];
	v9 =	vmul.f32 v11, v4;
	[tilespmem:s14+$0xFFFFFFA0] =	vst v5  }
0x21c: {  	v10 =	vmul.f32 v13, v4;
	v5 =	vld [tilespmem:s14+$0x20];
	[tilespmem:s14+$0xFFFFFFB0] =	vst v3  }
0x21d: {  	[tilespmem:s14+$0xFFFFFFC0] =	vst v9;
	v3 =	vld [tilespmem:s14+$0x30];
	v9 =	vmul.f32 v14, v4  }
0x21e: {  	s16 =	simm.s32 $0x0;
	s15 =	simm.s32 $0x3100;
	[tilespmem:s14+$0xFFFFFFD0] =	vst v10;
	v8 =	vmul.f32 v8, v4;
	v4 =	vld [tilespmem:s14+$0x40]  }
.LBB2_21:
0x21f: {  	s17 =	sadd.s32 s16, s10;
	s16 =	sadd.s32 $0x4, s16;
	[tilespmem:s14+$0xFFFFFFE0] =	vst v9;
	v7 =	vmul.f32 v7, v1;
	v9 =	vld [tilespmem:s14+$0x50]  }
0x220: {  	s19 =	sadd.s32 $0x4, s17;
	s22 =	sadd.s32 $0x6, s17;
	p5 =	slt.u32 s16, $0x7C;
	[tilespmem:s14+$0xFFFFFFF0] =	vst v8;
	v6 =	vmul.f32 v6, v1;
	v8 =	vld [tilespmem:s14+$0x60]  }
0x221: {  	v10 =	vmov s19;
	s19 =	sadd.s32 $0x5, s17;
	v11 =	vmov s22;
	s17 =	sadd.s32 $0x7, s17;
	[tilespmem:s14+$0x0] =	vst v7;
	v5 =	vmul.f32 v5, v1;
	v7 =	vld [tilespmem:s14+$0x80]  }
0x222: {  	v10 =	vand.u32 $0xFFFFFFFC, v10;
	v12 =	vmov s19;
	v11 =	vand.u32 $0xFFFFFFFE, v11;
	[tilespmem:s14+$0x10] =	vst v6;
	v6 =	vld [tilespmem:s14+$0x90]  }
0x223: {  	v10 =	vbroadcast v10, $0x0;
	v12 =	vand.u32 $0xFFFFFFFD, v12;
	v11 =	vbroadcast v11, $0x0;
	[tilespmem:s14+$0x20] =	vst v5;
	v5 =	vld [tilespmem:s14+$0xA0]  }
0x224: {  	v13 =	vmov s17;
	v3 =	vmul.f32 v3, v1;
	v12 =	vbroadcast v12, $0x0;
	v14 =	vld [tilespmem:s14+$0xB0]  }
0x225: {  	v4 =	vmul.f32 v4, v1;
	v9 =	vmul.f32 v9, v1;
	v15 =	vld [tilespmem:s14+$0xC0]  }
0x226: {  	[tilespmem:s14+$0x30] =	vst v3;
	v3 =	vmul.f32 v8, v1;
	v7 =	vmul.f32 v7, v2;
	v8 =	vld [tilespmem:s14+$0xD0]  }
0x227: {  	[tilespmem:s14+$0x40] =	vst v4;
	v4 =	vmul.f32 v6, v2;
	v6 =	vld [tilespmem:s14+$0xE0]  }
0x228: {  	[tilespmem:s14+$0x50] =	vst v9;
	v5 =	vmul.f32 v5, v2;
	v9 =	vld [tilespmem:s14+$0xF0]  }
0x229: {  	s14 =	sadd.s32 $0x200, s14;
	v1 =	vld.idx.msk [tilespmem:v11+s0+$0x0], $0xffff;
	[tilespmem:s15+$0x60] =	vst v3;
	v3 =	vmul.f32 v14, v2  }
0x22a: {  	v11 =	vld [tilespmem:s14+$0x70];
	[tilespmem:s15+$0x80] =	vst v7;
	v7 =	vmul.f32 v15, v2  }
0x22b: {  	v10 =	vld.idx.msk [tilespmem:v10+s0+$0x0], $0xffff;
	[tilespmem:s15+$0x90] =	vst v4;
	v4 =	vmul.f32 v8, v2  }
0x22c: {  	v8 =	vld.idx.msk [tilespmem:v12+s0+$0x0], $0xffff;
	[tilespmem:s15+$0xA0] =	vst v5;
	v5 =	vmul.f32 v6, v2  }
0x22d: {  	[tilespmem:s15+$0xB0] =	vst v3;
	v3 =	vmul.f32 v9, v2;
	v2 =	vld.idx.msk [tilespmem:v13+s0+$0x0], $0xffff  }
0x22e: {  	v6 =	vld [tilespmem:s14+$0xFFFFFF00];
	[tilespmem:s15+$0xC0] =	vst v7  }
0x22f: {  	v7 =	vld [tilespmem:s14+$0xFFFFFF10];
	v9 =	vmul.f32 v11, v1;
	[tilespmem:s15+$0xD0] =	vst v4  }
0x230: {  	v4 =	vld [tilespmem:s14+$0xFFFFFF20];
	[tilespmem:s15+$0xE0] =	vst v5  }
0x231: {  	v5 =	vld [tilespmem:s14+$0xFFFFFF30];
	[tilespmem:s14+$0x70] =	vst v9  }
0x232: {  	v9 =	vld [tilespmem:s14+$0xFFFFFF40];
	[tilespmem:s15+$0xF0] =	vst v3;
	s15 =	smov.u32 s14  }
0x233: {  	v3 =	vmul.f32 v6, v10;
	v6 =	vld [tilespmem:s14+$0xFFFFFF50]  }
0x234: {  	v7 =	vmul.f32 v7, v10;
	v11 =	vld [tilespmem:s14+$0xFFFFFF60]  }
0x235: {  	[tilespmem:s14+$0xFFFFFF00] =	vst v3;
	v3 =	vmul.f32 v4, v10;
	v4 =	vld [tilespmem:s14+$0xFFFFFF70]  }
0x236: {  	[tilespmem:s14+$0xFFFFFF10] =	vst v7;
	v5 =	vmul.f32 v5, v10;
	v7 =	vld [tilespmem:s14+$0xFFFFFF80]  }
0x237: {  	[tilespmem:s14+$0xFFFFFF20] =	vst v3;
	v3 =	vmul.f32 v9, v10;
	v9 =	vld [tilespmem:s14+$0xFFFFFF90]  }
0x238: {  	[tilespmem:s14+$0xFFFFFF30] =	vst v5;
	v5 =	vmul.f32 v6, v10;
	v6 =	vld [tilespmem:s14+$0xFFFFFFA0]  }
0x239: {  	[tilespmem:s14+$0xFFFFFF40] =	vst v3;
	v3 =	vmul.f32 v11, v10;
	v11 =	vld [tilespmem:s14+$0xFFFFFFB0]  }
0x23a: {  	[tilespmem:s14+$0xFFFFFF50] =	vst v5;
	v4 =	vmul.f32 v4, v10;
	v5 =	vld [tilespmem:s14+$0xFFFFFFC0]  }
0x23b: {  	[tilespmem:s14+$0xFFFFFF60] =	vst v3;
	v3 =	vmul.f32 v7, v8;
	v10 =	vld [tilespmem:s14+$0xFFFFFFD0]  }
0x23c: {  	[tilespmem:s14+$0xFFFFFF70] =	vst v4;
	v4 =	vmul.f32 v9, v8;
	v9 =	vld [tilespmem:s14+$0xFFFFFFE0]  }
0x23d: {  	[tilespmem:s14+$0xFFFFFF80] =	vst v3;
	v3 =	vmul.f32 v6, v8;
	v12 =	vld [tilespmem:s14+$0xFFFFFFF0]  }
.Ltmp9:
0x23e: {  	[tilespmem:s14+$0xFFFFFF90] =	vst v4;
	v4 =	vmul.f32 v11, v8;
	v7 =	vld [tilespmem:s14+$0x0];
	(pc) =	sbr.rel @p5 .LBB2_21-.Ltmp9, $4  }
0x23f: {  	[tilespmem:s14+$0xFFFFFFA0] =	vst v3;
	v3 =	vmul.f32 v5, v8;
	v6 =	vld [tilespmem:s14+$0x10]  }
0x240: {  	[tilespmem:s14+$0xFFFFFFB0] =	vst v4;
	v4 =	vmul.f32 v10, v8;
	v5 =	vld [tilespmem:s14+$0x20]  }
0x241: {  	[tilespmem:s14+$0xFFFFFFC0] =	vst v3;
	v9 =	vmul.f32 v9, v8;
	v3 =	vld [tilespmem:s14+$0x30]  }
0x242: {  	[tilespmem:s14+$0xFFFFFFD0] =	vst v4;
	v8 =	vmul.f32 v12, v8;
	v4 =	vld [tilespmem:s14+$0x40]  }
0x243: {  	v10 =	vld [tilespmem:s14+$0x50];
	[tilespmem:s14+$0xFFFFFFE0] =	vst v9;
	v7 =	vmul.f32 v7, v1  }
0x244: {  	v9 =	vld [tilespmem:s14+$0x60];
	[tilespmem:s14+$0xFFFFFFF0] =	vst v8;
	v6 =	vmul.f32 v6, v1  }
0x245: {  	v8 =	vld [tilespmem:s14+$0x80];
	[tilespmem:s14+$0x0] =	vst v7;
	v5 =	vmul.f32 v5, v1  }
0x246: {  	v7 =	vld [tilespmem:s14+$0x90];
	[tilespmem:s14+$0x10] =	vst v6;
	v3 =	vmul.f32 v3, v1  }
0x247: {  	v6 =	vld [tilespmem:s14+$0xA0];
	[tilespmem:s14+$0x20] =	vst v5;
	v4 =	vmul.f32 v4, v1  }
0x248: {  	v5 =	vld [tilespmem:s14+$0xB0];
	v10 =	vmul.f32 v10, v1;
	[tilespmem:s14+$0x30] =	vst v3  }
0x249: {  	v11 =	vld [tilespmem:s14+$0xC0];
	v1 =	vmul.f32 v9, v1;
	[tilespmem:s14+$0x40] =	vst v4  }
0x24a: {  	v3 =	vld [tilespmem:s14+$0xD0];
	v4 =	vmul.f32 v8, v2;
	[tilespmem:s14+$0x50] =	vst v10  }
0x24b: {  	v8 =	vld [tilespmem:s14+$0xE0];
	v7 =	vmul.f32 v7, v2;
	[tilespmem:s15+$0x60] =	vst v1  }
0x24c: {  	v9 =	vld [tilespmem:s14+$0xF0];
	v1 =	vmul.f32 v6, v2;
	[tilespmem:s15+$0x80] =	vst v4  }
0x24d: {  	v4 =	vmul.f32 v5, v2;
	[tilespmem:s15+$0x90] =	vst v7  }
0x24e: {  	v5 =	vmul.f32 v11, v2;
	[tilespmem:s15+$0xA0] =	vst v1  }
0x24f: {  	v1 =	vmul.f32 v3, v2;
	[tilespmem:s15+$0xB0] =	vst v4  }
0x250: {  	v3 =	vmul.f32 v8, v2;
	[tilespmem:s15+$0xC0] =	vst v5  }
0x251: {  	v2 =	vmul.f32 v9, v2;
	[tilespmem:s15+$0xD0] =	vst v1  }
0x252: {  	s14 =	sadd.s32 $0xFFFFFFFC, s10;
	[tilespmem:s15+$0xE0] =	vst v3  }
0x253: {  	s13 =	sadd.s32 $0x1000, s13;
	p5 =	seq.s32 s11, $0xF;
	s17 =	sadd.s32 $0x86, s14;
	[tilespmem:s15+$0xF0] =	vst v2  }
0x254: {  	v1 =	vmov s17;
	[spmem:s1] =	stream.indirect.scatter.add.f32 [tilespmem:s4], [sflag:$0x3], $0x80, s13, s3, $0xb8;
	[tilespmem:$0x1F880] =	vst v63  }
0x255: {  	s19 =	sadd.s32 $0x84, s14;
	v1 =	vand.u32 $0xFFFFFFFE, v1;
	s13 =	sshll.u32 @!p5 s11, $0x8;
	_ =	swait.ge [sflag:s30], $0x4000  }
0x256: {  	s16 =	simm.s32 @!p5 $0x3000;
	v2 =	vmov s19;
	v1 =	vbroadcast v1, $0x0;
	s13 =	sand.u32 @!p5 $0x3FFFFF00, s13;
	[sflag:s30] =	ssyncset.done $0x0  }
0x257: {  	s15 =	simm.s32 @!p5 $0x80;
	v2 =	vand.u32 $0xFFFFFFFC, v2;
	s13 =	sadd.s32 @!p5 $0x100, s13;
	[sflag:s30] =	ssyncadd.s32 $0xFFFFC000  }
0x258: {  	v2 =	vbroadcast v2, $0x0;
	[tilespmem:s16], [sflag:$0x1] =	stream.indirect.gather @!p5 [hbm4b:s21+s15], $0x80, s13, s15, $0xb8;
	[tilespmem:$0x1F880] =	vst v63  }
0x259: {  	_ =	swait.ge [sflag:s7], $0x4000  }
0x25a: {  	[sflag:s7] =	ssyncset.done $0x0  }
0x25b: {  	[sflag:s7] =	ssyncadd.s32 $0xFFFFC000  }
0x25c: {  	s13 =	simm.s32 $0x7100;
	v1 =	vld.idx.msk [tilespmem:v1+s0+$0x0], $0xffff  }
0x25d: {  	s22 =	sadd.s32 $0x85, s14;
	v3 =	vld [tilespmem:s13+$0x70]  }
0x25e: {  	v4 =	vmov s22;
	v2 =	vld.idx.msk [tilespmem:v2+s0+$0x0], $0xffff  }
0x25f: {  	v4 =	vand.u32 $0xFFFFFFFD, v4;
	v5 =	vld [tilespmem:s13+$0xFFFFFF00]  }
0x260: {  	v4 =	vbroadcast v4, $0x0;
	v6 =	vld [tilespmem:s13+$0xFFFFFF10]  }
0x261: {  	v7 =	vld [tilespmem:s13+$0xFFFFFF20]  }
0x262: {  	v8 =	vld [tilespmem:s13+$0xFFFFFF30]  }
0x263: {  	v9 =	vld [tilespmem:s13+$0xFFFFFF40]  }
0x264: {  	v10 =	vld [tilespmem:s13+$0xFFFFFF50]  }
0x265: {  	v11 =	vld [tilespmem:s13+$0xFFFFFF60];
	v5 =	vmul.f32 v5, v2  }
0x266: {  	v4 =	vld.idx.msk [tilespmem:v4+s0+$0x0], $0xffff;
	v3 =	vmul.f32 v3, v1  }
0x267: {  	v13 =	vld [tilespmem:s13+$0xFFFFFFD0];
	[tilespmem:s13+$0xFFFFFF00] =	vst v5;
	v5 =	vmul.f32 v6, v2  }
0x268: {  	v6 =	vld [tilespmem:s13+$0xFFFFFF70];
	[tilespmem:s13+$0x70] =	vst v3;
	v3 =	vmul.f32 v7, v2  }
0x269: {  	s14 =	sadd.s32 $0x87, s14;
	v7 =	vld [tilespmem:s13+$0xFFFFFF80];
	[tilespmem:s13+$0xFFFFFF10] =	vst v5;
	v5 =	vmul.f32 v8, v2  }
0x26a: {  	v12 =	vmov s14;
	v8 =	vld [tilespmem:s13+$0xFFFFFF90];
	[tilespmem:s13+$0xFFFFFF20] =	vst v3;
	v3 =	vmul.f32 v9, v2  }
0x26b: {  	v9 =	vld [tilespmem:s13+$0xFFFFFFA0];
	[tilespmem:s13+$0xFFFFFF30] =	vst v5;
	v5 =	vmul.f32 v10, v2  }
0x26c: {  	v10 =	vld [tilespmem:s13+$0xFFFFFFB0];
	[tilespmem:s13+$0xFFFFFF40] =	vst v3;
	v3 =	vmul.f32 v11, v2  }
0x26d: {  	v11 =	vld [tilespmem:s13+$0xFFFFFFC0];
	v6 =	vmul.f32 v6, v2;
	[tilespmem:s13+$0xFFFFFF50] =	vst v5  }
0x26e: {  	v14 =	vld [tilespmem:s13+$0xFFFFFFE0];
	v5 =	vmul.f32 v7, v4;
	[tilespmem:s13+$0xFFFFFF60] =	vst v3  }
0x26f: {  	v2 =	vld.idx.msk [tilespmem:v12+s0+$0x0], $0xffff;
	v3 =	vmul.f32 v8, v4;
	[tilespmem:s13+$0xFFFFFF70] =	vst v6  }
0x270: {  	v8 =	vld [tilespmem:s13+$0xFFFFFFF0];
	[tilespmem:s13+$0xFFFFFF80] =	vst v5;
	v5 =	vmul.f32 v9, v4  }
0x271: {  	v7 =	vld [tilespmem:s13+$0x0];
	[tilespmem:s13+$0xFFFFFF90] =	vst v3;
	v3 =	vmul.f32 v10, v4  }
0x272: {  	v6 =	vld [tilespmem:s13+$0x10];
	v9 =	vmul.f32 v11, v4;
	[tilespmem:s13+$0xFFFFFFA0] =	vst v5  }
0x273: {  	v10 =	vmul.f32 v13, v4;
	v5 =	vld [tilespmem:s13+$0x20];
	[tilespmem:s13+$0xFFFFFFB0] =	vst v3  }
0x274: {  	[tilespmem:s13+$0xFFFFFFC0] =	vst v9;
	v3 =	vld [tilespmem:s13+$0x30];
	v9 =	vmul.f32 v14, v4  }
0x275: {  	s14 =	simm.s32 $0x7100;
	s15 =	simm.s32 $0x0;
	[tilespmem:s13+$0xFFFFFFD0] =	vst v10;
	v8 =	vmul.f32 v8, v4;
	v4 =	vld [tilespmem:s13+$0x40]  }
.LBB2_23:
0x276: {  	s16 =	sadd.s32 s15, s10;
	s15 =	sadd.s32 $0x4, s15;
	[tilespmem:s13+$0xFFFFFFE0] =	vst v9;
	v7 =	vmul.f32 v7, v1;
	v9 =	vld [tilespmem:s13+$0x50]  }
0x277: {  	s17 =	sadd.s32 $0x84, s16;
	s19 =	sadd.s32 $0x86, s16;
	p5 =	slt.u32 s15, $0x7C;
	[tilespmem:s13+$0xFFFFFFF0] =	vst v8;
	v6 =	vmul.f32 v6, v1;
	v8 =	vld [tilespmem:s13+$0x60]  }
0x278: {  	v10 =	vmov s17;
	s17 =	sadd.s32 $0x85, s16;
	v11 =	vmov s19;
	s16 =	sadd.s32 $0x87, s16;
	[tilespmem:s13+$0x0] =	vst v7;
	v5 =	vmul.f32 v5, v1;
	v7 =	vld [tilespmem:s13+$0x80]  }
0x279: {  	v10 =	vand.u32 $0xFFFFFFFC, v10;
	v12 =	vmov s17;
	v11 =	vand.u32 $0xFFFFFFFE, v11;
	[tilespmem:s13+$0x10] =	vst v6;
	v6 =	vld [tilespmem:s13+$0x90]  }
0x27a: {  	v10 =	vbroadcast v10, $0x0;
	v12 =	vand.u32 $0xFFFFFFFD, v12;
	v11 =	vbroadcast v11, $0x0;
	[tilespmem:s13+$0x20] =	vst v5;
	v5 =	vld [tilespmem:s13+$0xA0]  }
0x27b: {  	v13 =	vmov s16;
	v3 =	vmul.f32 v3, v1;
	v12 =	vbroadcast v12, $0x0;
	v14 =	vld [tilespmem:s13+$0xB0]  }
0x27c: {  	v4 =	vmul.f32 v4, v1;
	v9 =	vmul.f32 v9, v1;
	v15 =	vld [tilespmem:s13+$0xC0]  }
0x27d: {  	[tilespmem:s13+$0x30] =	vst v3;
	v3 =	vmul.f32 v8, v1;
	v7 =	vmul.f32 v7, v2;
	v8 =	vld [tilespmem:s13+$0xD0]  }
0x27e: {  	[tilespmem:s13+$0x40] =	vst v4;
	v4 =	vmul.f32 v6, v2;
	v6 =	vld [tilespmem:s13+$0xE0]  }
0x27f: {  	[tilespmem:s13+$0x50] =	vst v9;
	v5 =	vmul.f32 v5, v2;
	v9 =	vld [tilespmem:s13+$0xF0]  }
0x280: {  	s13 =	sadd.s32 $0x200, s13;
	v1 =	vld.idx.msk [tilespmem:v11+s0+$0x0], $0xffff;
	[tilespmem:s14+$0x60] =	vst v3;
	v3 =	vmul.f32 v14, v2  }
0x281: {  	v11 =	vld [tilespmem:s13+$0x70];
	[tilespmem:s14+$0x80] =	vst v7;
	v7 =	vmul.f32 v15, v2  }
0x282: {  	v10 =	vld.idx.msk [tilespmem:v10+s0+$0x0], $0xffff;
	[tilespmem:s14+$0x90] =	vst v4;
	v4 =	vmul.f32 v8, v2  }
0x283: {  	v8 =	vld.idx.msk [tilespmem:v12+s0+$0x0], $0xffff;
	[tilespmem:s14+$0xA0] =	vst v5;
	v5 =	vmul.f32 v6, v2  }
0x284: {  	[tilespmem:s14+$0xB0] =	vst v3;
	v3 =	vmul.f32 v9, v2;
	v2 =	vld.idx.msk [tilespmem:v13+s0+$0x0], $0xffff  }
0x285: {  	v6 =	vld [tilespmem:s13+$0xFFFFFF00];
	[tilespmem:s14+$0xC0] =	vst v7  }
0x286: {  	v7 =	vld [tilespmem:s13+$0xFFFFFF10];
	v9 =	vmul.f32 v11, v1;
	[tilespmem:s14+$0xD0] =	vst v4  }
0x287: {  	v4 =	vld [tilespmem:s13+$0xFFFFFF20];
	[tilespmem:s14+$0xE0] =	vst v5  }
0x288: {  	v5 =	vld [tilespmem:s13+$0xFFFFFF30];
	[tilespmem:s13+$0x70] =	vst v9  }
0x289: {  	v9 =	vld [tilespmem:s13+$0xFFFFFF40];
	[tilespmem:s14+$0xF0] =	vst v3;
	s14 =	smov.u32 s13  }
0x28a: {  	v3 =	vmul.f32 v6, v10;
	v6 =	vld [tilespmem:s13+$0xFFFFFF50]  }
0x28b: {  	v7 =	vmul.f32 v7, v10;
	v11 =	vld [tilespmem:s13+$0xFFFFFF60]  }
0x28c: {  	[tilespmem:s13+$0xFFFFFF00] =	vst v3;
	v3 =	vmul.f32 v4, v10;
	v4 =	vld [tilespmem:s13+$0xFFFFFF70]  }
0x28d: {  	[tilespmem:s13+$0xFFFFFF10] =	vst v7;
	v5 =	vmul.f32 v5, v10;
	v7 =	vld [tilespmem:s13+$0xFFFFFF80]  }
0x28e: {  	[tilespmem:s13+$0xFFFFFF20] =	vst v3;
	v3 =	vmul.f32 v9, v10;
	v9 =	vld [tilespmem:s13+$0xFFFFFF90]  }
0x28f: {  	[tilespmem:s13+$0xFFFFFF30] =	vst v5;
	v5 =	vmul.f32 v6, v10;
	v6 =	vld [tilespmem:s13+$0xFFFFFFA0]  }
0x290: {  	[tilespmem:s13+$0xFFFFFF40] =	vst v3;
	v3 =	vmul.f32 v11, v10;
	v11 =	vld [tilespmem:s13+$0xFFFFFFB0]  }
0x291: {  	[tilespmem:s13+$0xFFFFFF50] =	vst v5;
	v4 =	vmul.f32 v4, v10;
	v5 =	vld [tilespmem:s13+$0xFFFFFFC0]  }
0x292: {  	[tilespmem:s13+$0xFFFFFF60] =	vst v3;
	v3 =	vmul.f32 v7, v8;
	v10 =	vld [tilespmem:s13+$0xFFFFFFD0]  }
0x293: {  	[tilespmem:s13+$0xFFFFFF70] =	vst v4;
	v4 =	vmul.f32 v9, v8;
	v9 =	vld [tilespmem:s13+$0xFFFFFFE0]  }
0x294: {  	[tilespmem:s13+$0xFFFFFF80] =	vst v3;
	v3 =	vmul.f32 v6, v8;
	v12 =	vld [tilespmem:s13+$0xFFFFFFF0]  }
.Ltmp10:
0x295: {  	[tilespmem:s13+$0xFFFFFF90] =	vst v4;
	v4 =	vmul.f32 v11, v8;
	v7 =	vld [tilespmem:s13+$0x0];
	(pc) =	sbr.rel @p5 .LBB2_23-.Ltmp10, $4  }
0x296: {  	[tilespmem:s13+$0xFFFFFFA0] =	vst v3;
	v3 =	vmul.f32 v5, v8;
	v6 =	vld [tilespmem:s13+$0x10]  }
0x297: {  	[tilespmem:s13+$0xFFFFFFB0] =	vst v4;
	v4 =	vmul.f32 v10, v8;
	v5 =	vld [tilespmem:s13+$0x20]  }
0x298: {  	[tilespmem:s13+$0xFFFFFFC0] =	vst v3;
	v9 =	vmul.f32 v9, v8;
	v3 =	vld [tilespmem:s13+$0x30]  }
0x299: {  	[tilespmem:s13+$0xFFFFFFD0] =	vst v4;
	v8 =	vmul.f32 v12, v8;
	v4 =	vld [tilespmem:s13+$0x40]  }
0x29a: {  	v10 =	vld [tilespmem:s13+$0x50]  }
0x29b: {  	[tilespmem:s13+$0xFFFFFFE0] =	vst v9;
	v7 =	vmul.f32 v7, v1;
	v54 =	vld [tilespmem:s13+$0x60]  }
0x29c: {  	v55 =	vld [tilespmem:s13+$0x80];
	[tilespmem:s13+$0xFFFFFFF0] =	vst v8;
	v6 =	vmul.f32 v6, v1  }
0x29d: {  	v56 =	vld [tilespmem:s13+$0x90];
	[tilespmem:s13+$0x0] =	vst v7;
	v5 =	vmul.f32 v5, v1  }
0x29e: {  	v57 =	vld [tilespmem:s13+$0xA0];
	[tilespmem:s13+$0x10] =	vst v6;
	v3 =	vmul.f32 v3, v1  }
0x29f: {  	v58 =	vld [tilespmem:s13+$0xB0];
	[tilespmem:s13+$0x20] =	vst v5;
	v4 =	vmul.f32 v4, v1  }
0x2a0: {  	v11 =	vld [tilespmem:s13+$0xC0];
	v10 =	vmul.f32 v10, v1;
	[tilespmem:s13+$0x30] =	vst v3  }
0x2a1: {  	v60 =	vld [tilespmem:s13+$0xE0];
	v59 =	vmul.f32 v55, v2;
	[tilespmem:s13+$0x40] =	vst v4  }
0x2a2: {  	v3 =	vld [tilespmem:s13+$0xD0];
	v7 =	vmul.f32 v56, v2;
	[tilespmem:s13+$0x50] =	vst v10  }
0x2a3: {  	v61 =	vld [tilespmem:s13+$0xF0];
	v1 =	vmul.f32 v54, v1;
	[tilespmem:s14+$0x80] =	vst v59  }
0x2a4: {  	v62 =	vmul.f32 v58, v2;
	[tilespmem:s14+$0x90] =	vst v7  }
0x2a5: {  	[tilespmem:s14+$0x60] =	vst v1;
	v1 =	vmul.f32 v57, v2  }
0x2a6: {  	v63 =	vmul.f32 v11, v2;
	[tilespmem:s14+$0xB0] =	vst v62  }
0x2a7: {  	[tilespmem:s14+$0xA0] =	vst v1;
	v1 =	vmul.f32 v3, v2  }
0x2a8: {  	[tilespmem:s14+$0xC0] =	vst v63;
	v3 =	vmul.f32 v60, v2  }
0x2a9: {  	s11 =	sadd.s32 $0x1, s11;
	v2 =	vmul.f32 v61, v2;
	[tilespmem:s14+$0xD0] =	vst v1  }
0x2aa: {  	p5 =	sne.s32 s11, $0x10;
	[tilespmem:s14+$0xE0] =	vst v3  }
.Ltmp11:
0x2ab: {  	s12 =	sadd.s32 $0x1000, s12;
	[tilespmem:s14+$0xF0] =	vst v2;
	(pc) =	sbr.rel @p5 .LBB2_20-.Ltmp11, $4  }
0x2ac: {  	[spmem:s1] =	stream.indirect.scatter.add.f32 [tilespmem:s5], [sflag:$0x3], $0x80, s12, s3, $0xb8;
	[tilespmem:$0x1F880] =	vst v63  }
0x2ad: {  	_ =	swait.ge [sflag:s30], $0x4000  }
0x2ae: {  	[sflag:s30] =	ssyncset.done $0x0  }
0x2af: {  	s10 =	sadd.s32 $0x100, s10;
	[sflag:s30] =	ssyncadd.s32 $0xFFFFC000  }
0x2b0: {  	s10 =	rddreg [dreg:$0xb]  }
0x2b1: {  	[tilespmem:s2], [sflag:$0x3] =	stream.linear.gather [hbm4b:s10+s2], $0x1000, $0x38;
	[tilespmem:$0x1F880] =	vst v63  }
0x2b2: {  	_ =	swait.ge [sflag:s30], $0x1000  }
0x2b3: {  	[sflag:s30] =	ssyncset.done $0x0  }
0x2b4: {  	s19 =	rddreg [dreg:$0xc];
	[sflag:s30] =	ssyncadd.s32 $0xFFFFF000  }
0x2b5: {  	[tilespmem:s31], [sflag:$0x3] =	stream.linear.gather [hbm4b:s19+s2], $0x1000, $0x38;
	[tilespmem:$0x1F880] =	vst v63  }
0x2b6: {  	_ =	swait.ge [sflag:s30], $0x1000  }
0x2b7: {  	[sflag:s30] =	ssyncset.done $0x0  }
0x2b8: {  	s22 =	rddreg [dreg:$0x12];
	[sflag:s30] =	ssyncadd.s32 $0xFFFFF000  }
0x2b9: {  	[tilespmem:s0], [sflag:$0x3] =	stream.linear.gather [hbm4b:s22+s2], $0x1000, $0x38;
	[tilespmem:$0x1F880] =	vst v63  }
0x2ba: {  	_ =	swait.ge [sflag:s30], $0x1000  }
0x2bb: {  	[sflag:s30] =	ssyncset.done $0x0  }
0x2bc: {  	s11 =	simm.s32 $0x20;
	[sflag:s30] =	ssyncadd.s32 $0xFFFFF000  }
0x2bd: {  	v1 =	vld [tilespmem:s11+$0xFFFFFFE0]  }
0x2be: {  	v3 =	vld [tilespmem:s11+$0x0]  }
0x2bf: {  	v2 =	vld [tilespmem:s11+$0x10]  }
0x2c0: {  	v4 =	vld [tilespmem:s11+$0xFFFFFFF0];
	_ =	sdelay $0x1  }
0x2c1: {  	s10 =	simm.s32 $0x60;
	v5 =	vadd.s32 v0, v1  }
0x2c2: {  	v1 =	vld [tilespmem:s10+$0xFFFFFFE0];
	v6 =	vadd.s32 v0, v3;
	[tilespmem:s11+$0xFFFFFFE0] =	vst v5  }
0x2c3: {  	v3 =	vld [tilespmem:s10+$0x0];
	v5 =	vadd.s32 v0, v2;
	[tilespmem:s11+$0x0] =	vst v6  }
0x2c4: {  	s12 =	simm.s32 $0x4;
	v4 =	vadd.s32 v0, v4;
	v2 =	vld [tilespmem:s10+$0x10];
	[tilespmem:s11+$0x10] =	vst v5  }
.LBB2_26:
0x2c5: {  	s12 =	sadd.s32 $0x4, s12  }
0x2c6: {  	v5 =	vld [tilespmem:s10+$0xFFFFFFF0];
	[tilespmem:s11+$0xFFFFFFF0] =	vst v4;
	s11 =	smov.u32 s10;
	p5 =	slt.u32 s12, $0xFC  }
.Ltmp12:
0x2c7: {  	(pc) =	sbr.rel @p5 .LBB2_26-.Ltmp12, $4  }
0x2c8: {  	s10 =	sadd.s32 $0x40, s10;
	v4 =	vadd.s32 v0, v1  }
0x2c9: {  	v1 =	vld [tilespmem:s10+$0xFFFFFFE0];
	[tilespmem:s11+$0xFFFFFFE0] =	vst v4;
	v4 =	vadd.s32 v0, v2  }
0x2ca: {  	v2 =	vld [tilespmem:s10+$0x10];
	v6 =	vadd.s32 v0, v3;
	[tilespmem:s11+$0x10] =	vst v4  }
0x2cb: {  	v3 =	vld [tilespmem:s10+$0x0];
	v4 =	vadd.s32 v0, v5;
	[tilespmem:s11+$0x0] =	vst v6  }
0x2cc: {  	v5 =	vld [tilespmem:s10+$0xFFFFFFF0];
	_ =	sdelay $0x1  }
0x2cd: {  	[tilespmem:s11+$0xFFFFFFF0] =	vst v4;
	v1 =	vadd.s32 v0, v1  }
0x2ce: {  	[tilespmem:s10+$0xFFFFFFE0] =	vst v1;
	v1 =	vadd.s32 v0, v2  }
0x2cf: {  	v2 =	vadd.s32 v0, v3;
	[tilespmem:s10+$0x10] =	vst v1  }
0x2d0: {  	v1 =	vadd.s32 v0, v5;
	[tilespmem:s10+$0x0] =	vst v2  }
0x2d1: {  	s11 =	simm.s32 $0x0;
	[tilespmem:s10+$0xFFFFFFF0] =	vst v1;
	s10 =	simm.s32 $0x0  }
0x2d2: {  	[tilespmem:s4], [sflag:$0x1] =	stream.indirect.gather [hbm4b:s21+s3], $0x80, s10, s3, $0xb8;
	[tilespmem:$0x1F880] =	vst v63  }
.LBB2_28:
0x2d3: {  	s15 =	sadd.s32 $0xFFFFFFFC, s10  }
0x2d4: {  	s13 =	sshll.u32 s11, $0x8;
	s12 =	sadd.s32 $0x6, s15  }
0x2d5: {  	s22 =	sadd.s32 $0x4, s15;
	v1 =	vmov s12;
	s12 =	sor.u32 $0x80, s13  }
0x2d6: {  	v2 =	vmov s22;
	[tilespmem:s5], [sflag:$0x2] =	stream.indirect.gather [hbm4b:s21+s3], $0x80, s12, s3, $0xb8;
	[tilespmem:$0x1F880] =	vst v63  }
0x2d7: {  	v2 =	vand.u32 $0xFFFFFFFC, v2;
	_ =	swait.ge [sflag:s6], $0x4000  }
0x2d8: {  	v1 =	vand.u32 $0xFFFFFFFE, v1;
	v2 =	vbroadcast v2, $0x0;
	[sflag:s6] =	ssyncset.done $0x0  }
0x2d9: {  	s14 =	simm.s32 $0x3100;
	v1 =	vbroadcast v1, $0x0;
	[sflag:s6] =	ssyncadd.s32 $0xFFFFC000  }
0x2da: {  	v3 =	vld [tilespmem:s14+$0x70]  }
0x2db: {  	v5 =	vld [tilespmem:s14+$0xFFFFFF00]  }
0x2dc: {  	s16 =	sadd.s32 $0x5, s15;
	v6 =	vld [tilespmem:s14+$0xFFFFFF10]  }
0x2dd: {  	v4 =	vmov s16;
	v7 =	vld [tilespmem:s14+$0xFFFFFF20]  }
0x2de: {  	v4 =	vand.u32 $0xFFFFFFFD, v4;
	v2 =	vld.idx.msk [tilespmem:v2+s0+$0x0], $0xffff  }
0x2df: {  	v4 =	vbroadcast v4, $0x0;
	v1 =	vld.idx.msk [tilespmem:v1+s0+$0x0], $0xffff  }
0x2e0: {  	v8 =	vld [tilespmem:s14+$0xFFFFFF30]  }
0x2e1: {  	v9 =	vld [tilespmem:s14+$0xFFFFFF40]  }
0x2e2: {  	v10 =	vld [tilespmem:s14+$0xFFFFFF50]  }
0x2e3: {  	v11 =	vld [tilespmem:s14+$0xFFFFFF60];
	v5 =	vmul.f32 v5, v2  }
0x2e4: {  	v13 =	vld [tilespmem:s14+$0xFFFFFFD0];
	v3 =	vmul.f32 v3, v1  }
0x2e5: {  	v4 =	vld.idx.msk [tilespmem:v4+s0+$0x0], $0xffff;
	[tilespmem:s14+$0xFFFFFF00] =	vst v5;
	v5 =	vmul.f32 v6, v2  }
0x2e6: {  	v6 =	vld [tilespmem:s14+$0xFFFFFF70];
	[tilespmem:s14+$0x70] =	vst v3;
	v3 =	vmul.f32 v7, v2  }
0x2e7: {  	s15 =	sadd.s32 $0x7, s15;
	v7 =	vld [tilespmem:s14+$0xFFFFFF80];
	[tilespmem:s14+$0xFFFFFF10] =	vst v5;
	v5 =	vmul.f32 v8, v2  }
0x2e8: {  	v12 =	vmov s15;
	v8 =	vld [tilespmem:s14+$0xFFFFFF90];
	[tilespmem:s14+$0xFFFFFF20] =	vst v3;
	v3 =	vmul.f32 v9, v2  }
0x2e9: {  	v9 =	vld [tilespmem:s14+$0xFFFFFFA0];
	[tilespmem:s14+$0xFFFFFF30] =	vst v5;
	v5 =	vmul.f32 v10, v2  }
0x2ea: {  	v10 =	vld [tilespmem:s14+$0xFFFFFFB0];
	[tilespmem:s14+$0xFFFFFF40] =	vst v3;
	v3 =	vmul.f32 v11, v2  }
0x2eb: {  	v11 =	vld [tilespmem:s14+$0xFFFFFFC0];
	v6 =	vmul.f32 v6, v2;
	[tilespmem:s14+$0xFFFFFF50] =	vst v5  }
0x2ec: {  	v14 =	vld [tilespmem:s14+$0xFFFFFFE0];
	v5 =	vmul.f32 v7, v4;
	[tilespmem:s14+$0xFFFFFF60] =	vst v3  }
0x2ed: {  	v2 =	vld.idx.msk [tilespmem:v12+s0+$0x0], $0xffff;
	v3 =	vmul.f32 v8, v4;
	[tilespmem:s14+$0xFFFFFF70] =	vst v6  }
0x2ee: {  	v8 =	vld [tilespmem:s14+$0xFFFFFFF0];
	[tilespmem:s14+$0xFFFFFF80] =	vst v5;
	v5 =	vmul.f32 v9, v4  }
0x2ef: {  	v7 =	vld [tilespmem:s14+$0x0];
	[tilespmem:s14+$0xFFFFFF90] =	vst v3;
	v3 =	vmul.f32 v10, v4  }
0x2f0: {  	v6 =	vld [tilespmem:s14+$0x10];
	v9 =	vmul.f32 v11, v4;
	[tilespmem:s14+$0xFFFFFFA0] =	vst v5  }
0x2f1: {  	v10 =	vmul.f32 v13, v4;
	v5 =	vld [tilespmem:s14+$0x20];
	[tilespmem:s14+$0xFFFFFFB0] =	vst v3  }
0x2f2: {  	[tilespmem:s14+$0xFFFFFFC0] =	vst v9;
	v3 =	vld [tilespmem:s14+$0x30];
	v9 =	vmul.f32 v14, v4  }
0x2f3: {  	s16 =	simm.s32 $0x0;
	s15 =	simm.s32 $0x3100;
	[tilespmem:s14+$0xFFFFFFD0] =	vst v10;
	v8 =	vmul.f32 v8, v4;
	v4 =	vld [tilespmem:s14+$0x40]  }
.LBB2_29:
0x2f4: {  	s17 =	sadd.s32 s16, s10;
	s16 =	sadd.s32 $0x4, s16;
	[tilespmem:s14+$0xFFFFFFE0] =	vst v9;
	v7 =	vmul.f32 v7, v1;
	v9 =	vld [tilespmem:s14+$0x50]  }
0x2f5: {  	s19 =	sadd.s32 $0x4, s17;
	s22 =	sadd.s32 $0x6, s17;
	p5 =	slt.u32 s16, $0x7C;
	[tilespmem:s14+$0xFFFFFFF0] =	vst v8;
	v6 =	vmul.f32 v6, v1;
	v8 =	vld [tilespmem:s14+$0x60]  }
0x2f6: {  	v10 =	vmov s19;
	s19 =	sadd.s32 $0x5, s17;
	v11 =	vmov s22;
	s17 =	sadd.s32 $0x7, s17;
	[tilespmem:s14+$0x0] =	vst v7;
	v5 =	vmul.f32 v5, v1;
	v7 =	vld [tilespmem:s14+$0x80]  }
0x2f7: {  	v10 =	vand.u32 $0xFFFFFFFC, v10;
	v12 =	vmov s19;
	v11 =	vand.u32 $0xFFFFFFFE, v11;
	[tilespmem:s14+$0x10] =	vst v6;
	v6 =	vld [tilespmem:s14+$0x90]  }
0x2f8: {  	v10 =	vbroadcast v10, $0x0;
	v12 =	vand.u32 $0xFFFFFFFD, v12;
	v11 =	vbroadcast v11, $0x0;
	[tilespmem:s14+$0x20] =	vst v5;
	v5 =	vld [tilespmem:s14+$0xA0]  }
0x2f9: {  	v13 =	vmov s17;
	v3 =	vmul.f32 v3, v1;
	v12 =	vbroadcast v12, $0x0;
	v14 =	vld [tilespmem:s14+$0xB0]  }
0x2fa: {  	v4 =	vmul.f32 v4, v1;
	v9 =	vmul.f32 v9, v1;
	v15 =	vld [tilespmem:s14+$0xC0]  }
0x2fb: {  	[tilespmem:s14+$0x30] =	vst v3;
	v3 =	vmul.f32 v8, v1;
	v7 =	vmul.f32 v7, v2;
	v8 =	vld [tilespmem:s14+$0xD0]  }
0x2fc: {  	[tilespmem:s14+$0x40] =	vst v4;
	v4 =	vmul.f32 v6, v2;
	v6 =	vld [tilespmem:s14+$0xE0]  }
0x2fd: {  	[tilespmem:s14+$0x50] =	vst v9;
	v5 =	vmul.f32 v5, v2;
	v9 =	vld [tilespmem:s14+$0xF0]  }
0x2fe: {  	s14 =	sadd.s32 $0x200, s14;
	v1 =	vld.idx.msk [tilespmem:v11+s0+$0x0], $0xffff;
	[tilespmem:s15+$0x60] =	vst v3;
	v3 =	vmul.f32 v14, v2  }
0x2ff: {  	v11 =	vld [tilespmem:s14+$0x70];
	[tilespmem:s15+$0x80] =	vst v7;
	v7 =	vmul.f32 v15, v2  }
0x300: {  	v10 =	vld.idx.msk [tilespmem:v10+s0+$0x0], $0xffff;
	[tilespmem:s15+$0x90] =	vst v4;
	v4 =	vmul.f32 v8, v2  }
0x301: {  	v8 =	vld.idx.msk [tilespmem:v12+s0+$0x0], $0xffff;
	[tilespmem:s15+$0xA0] =	vst v5;
	v5 =	vmul.f32 v6, v2  }
0x302: {  	[tilespmem:s15+$0xB0] =	vst v3;
	v3 =	vmul.f32 v9, v2;
	v2 =	vld.idx.msk [tilespmem:v13+s0+$0x0], $0xffff  }
0x303: {  	v6 =	vld [tilespmem:s14+$0xFFFFFF00];
	[tilespmem:s15+$0xC0] =	vst v7  }
0x304: {  	v7 =	vld [tilespmem:s14+$0xFFFFFF10];
	v9 =	vmul.f32 v11, v1;
	[tilespmem:s15+$0xD0] =	vst v4  }
0x305: {  	v4 =	vld [tilespmem:s14+$0xFFFFFF20];
	[tilespmem:s15+$0xE0] =	vst v5  }
0x306: {  	v5 =	vld [tilespmem:s14+$0xFFFFFF30];
	[tilespmem:s14+$0x70] =	vst v9  }
0x307: {  	v9 =	vld [tilespmem:s14+$0xFFFFFF40];
	[tilespmem:s15+$0xF0] =	vst v3;
	s15 =	smov.u32 s14  }
0x308: {  	v3 =	vmul.f32 v6, v10;
	v6 =	vld [tilespmem:s14+$0xFFFFFF50]  }
0x309: {  	v7 =	vmul.f32 v7, v10;
	v11 =	vld [tilespmem:s14+$0xFFFFFF60]  }
0x30a: {  	[tilespmem:s14+$0xFFFFFF00] =	vst v3;
	v3 =	vmul.f32 v4, v10;
	v4 =	vld [tilespmem:s14+$0xFFFFFF70]  }
0x30b: {  	[tilespmem:s14+$0xFFFFFF10] =	vst v7;
	v5 =	vmul.f32 v5, v10;
	v7 =	vld [tilespmem:s14+$0xFFFFFF80]  }
0x30c: {  	[tilespmem:s14+$0xFFFFFF20] =	vst v3;
	v3 =	vmul.f32 v9, v10;
	v9 =	vld [tilespmem:s14+$0xFFFFFF90]  }
0x30d: {  	[tilespmem:s14+$0xFFFFFF30] =	vst v5;
	v5 =	vmul.f32 v6, v10;
	v6 =	vld [tilespmem:s14+$0xFFFFFFA0]  }
0x30e: {  	[tilespmem:s14+$0xFFFFFF40] =	vst v3;
	v3 =	vmul.f32 v11, v10;
	v11 =	vld [tilespmem:s14+$0xFFFFFFB0]  }
0x30f: {  	[tilespmem:s14+$0xFFFFFF50] =	vst v5;
	v4 =	vmul.f32 v4, v10;
	v5 =	vld [tilespmem:s14+$0xFFFFFFC0]  }
0x310: {  	[tilespmem:s14+$0xFFFFFF60] =	vst v3;
	v3 =	vmul.f32 v7, v8;
	v10 =	vld [tilespmem:s14+$0xFFFFFFD0]  }
0x311: {  	[tilespmem:s14+$0xFFFFFF70] =	vst v4;
	v4 =	vmul.f32 v9, v8;
	v9 =	vld [tilespmem:s14+$0xFFFFFFE0]  }
0x312: {  	[tilespmem:s14+$0xFFFFFF80] =	vst v3;
	v3 =	vmul.f32 v6, v8;
	v12 =	vld [tilespmem:s14+$0xFFFFFFF0]  }
.Ltmp13:
0x313: {  	[tilespmem:s14+$0xFFFFFF90] =	vst v4;
	v4 =	vmul.f32 v11, v8;
	v7 =	vld [tilespmem:s14+$0x0];
	(pc) =	sbr.rel @p5 .LBB2_29-.Ltmp13, $4  }
0x314: {  	[tilespmem:s14+$0xFFFFFFA0] =	vst v3;
	v3 =	vmul.f32 v5, v8;
	v6 =	vld [tilespmem:s14+$0x10]  }
0x315: {  	[tilespmem:s14+$0xFFFFFFB0] =	vst v4;
	v4 =	vmul.f32 v10, v8;
	v5 =	vld [tilespmem:s14+$0x20]  }
0x316: {  	[tilespmem:s14+$0xFFFFFFC0] =	vst v3;
	v9 =	vmul.f32 v9, v8;
	v3 =	vld [tilespmem:s14+$0x30]  }
0x317: {  	[tilespmem:s14+$0xFFFFFFD0] =	vst v4;
	v8 =	vmul.f32 v12, v8;
	v4 =	vld [tilespmem:s14+$0x40]  }
0x318: {  	v10 =	vld [tilespmem:s14+$0x50];
	[tilespmem:s14+$0xFFFFFFE0] =	vst v9;
	v7 =	vmul.f32 v7, v1  }
0x319: {  	v9 =	vld [tilespmem:s14+$0x60];
	[tilespmem:s14+$0xFFFFFFF0] =	vst v8;
	v6 =	vmul.f32 v6, v1  }
0x31a: {  	v8 =	vld [tilespmem:s14+$0x80];
	[tilespmem:s14+$0x0] =	vst v7;
	v5 =	vmul.f32 v5, v1  }
0x31b: {  	v7 =	vld [tilespmem:s14+$0x90];
	[tilespmem:s14+$0x10] =	vst v6;
	v3 =	vmul.f32 v3, v1  }
0x31c: {  	v6 =	vld [tilespmem:s14+$0xA0];
	[tilespmem:s14+$0x20] =	vst v5;
	v4 =	vmul.f32 v4, v1  }
0x31d: {  	v5 =	vld [tilespmem:s14+$0xB0];
	v10 =	vmul.f32 v10, v1;
	[tilespmem:s14+$0x30] =	vst v3  }
0x31e: {  	v11 =	vld [tilespmem:s14+$0xC0];
	v1 =	vmul.f32 v9, v1;
	[tilespmem:s14+$0x40] =	vst v4  }
0x31f: {  	v3 =	vld [tilespmem:s14+$0xD0];
	v4 =	vmul.f32 v8, v2;
	[tilespmem:s14+$0x50] =	vst v10  }
0x320: {  	v8 =	vld [tilespmem:s14+$0xE0];
	v7 =	vmul.f32 v7, v2;
	[tilespmem:s15+$0x60] =	vst v1  }
0x321: {  	v9 =	vld [tilespmem:s14+$0xF0];
	v1 =	vmul.f32 v6, v2;
	[tilespmem:s15+$0x80] =	vst v4  }
0x322: {  	v4 =	vmul.f32 v5, v2;
	[tilespmem:s15+$0x90] =	vst v7  }
0x323: {  	v5 =	vmul.f32 v11, v2;
	[tilespmem:s15+$0xA0] =	vst v1  }
0x324: {  	v1 =	vmul.f32 v3, v2;
	[tilespmem:s15+$0xB0] =	vst v4  }
0x325: {  	v3 =	vmul.f32 v8, v2;
	[tilespmem:s15+$0xC0] =	vst v5  }
0x326: {  	v2 =	vmul.f32 v9, v2;
	[tilespmem:s15+$0xD0] =	vst v1  }
0x327: {  	s14 =	sadd.s32 $0xFFFFFFFC, s10;
	[tilespmem:s15+$0xE0] =	vst v3  }
0x328: {  	s13 =	sadd.s32 $0x1000, s13;
	p5 =	seq.s32 s11, $0xF;
	s17 =	sadd.s32 $0x86, s14;
	[tilespmem:s15+$0xF0] =	vst v2  }
0x329: {  	v1 =	vmov s17;
	[spmem:s1] =	stream.indirect.scatter.add.f32 [tilespmem:s4], [sflag:$0x3], $0x80, s13, s3, $0xb8;
	[tilespmem:$0x1F880] =	vst v63  }
0x32a: {  	s19 =	sadd.s32 $0x84, s14;
	v1 =	vand.u32 $0xFFFFFFFE, v1;
	s13 =	sshll.u32 @!p5 s11, $0x8;
	_ =	swait.ge [sflag:s30], $0x4000  }
0x32b: {  	s16 =	simm.s32 @!p5 $0x3000;
	v2 =	vmov s19;
	v1 =	vbroadcast v1, $0x0;
	s13 =	sand.u32 @!p5 $0x3FFFFF00, s13;
	[sflag:s30] =	ssyncset.done $0x0  }
0x32c: {  	s15 =	simm.s32 @!p5 $0x80;
	v2 =	vand.u32 $0xFFFFFFFC, v2;
	s13 =	sadd.s32 @!p5 $0x100, s13;
	[sflag:s30] =	ssyncadd.s32 $0xFFFFC000  }
0x32d: {  	v2 =	vbroadcast v2, $0x0;
	[tilespmem:s16], [sflag:$0x1] =	stream.indirect.gather @!p5 [hbm4b:s21+s15], $0x80, s13, s15, $0xb8;
	[tilespmem:$0x1F880] =	vst v63  }
0x32e: {  	_ =	swait.ge [sflag:s7], $0x4000  }
0x32f: {  	[sflag:s7] =	ssyncset.done $0x0  }
0x330: {  	[sflag:s7] =	ssyncadd.s32 $0xFFFFC000  }
0x331: {  	s13 =	simm.s32 $0x7100;
	v1 =	vld.idx.msk [tilespmem:v1+s0+$0x0], $0xffff  }
0x332: {  	s22 =	sadd.s32 $0x85, s14;
	v3 =	vld [tilespmem:s13+$0x70]  }
0x333: {  	v4 =	vmov s22;
	v2 =	vld.idx.msk [tilespmem:v2+s0+$0x0], $0xffff  }
0x334: {  	v4 =	vand.u32 $0xFFFFFFFD, v4;
	v5 =	vld [tilespmem:s13+$0xFFFFFF00]  }
0x335: {  	v4 =	vbroadcast v4, $0x0;
	v6 =	vld [tilespmem:s13+$0xFFFFFF10]  }
0x336: {  	v7 =	vld [tilespmem:s13+$0xFFFFFF20]  }
0x337: {  	v8 =	vld [tilespmem:s13+$0xFFFFFF30]  }
0x338: {  	v9 =	vld [tilespmem:s13+$0xFFFFFF40]  }
0x339: {  	v10 =	vld [tilespmem:s13+$0xFFFFFF50]  }
0x33a: {  	v11 =	vld [tilespmem:s13+$0xFFFFFF60];
	v5 =	vmul.f32 v5, v2  }
0x33b: {  	v4 =	vld.idx.msk [tilespmem:v4+s0+$0x0], $0xffff;
	v3 =	vmul.f32 v3, v1  }
0x33c: {  	v13 =	vld [tilespmem:s13+$0xFFFFFFD0];
	[tilespmem:s13+$0xFFFFFF00] =	vst v5;
	v5 =	vmul.f32 v6, v2  }
0x33d: {  	v6 =	vld [tilespmem:s13+$0xFFFFFF70];
	[tilespmem:s13+$0x70] =	vst v3;
	v3 =	vmul.f32 v7, v2  }
0x33e: {  	s14 =	sadd.s32 $0x87, s14;
	v7 =	vld [tilespmem:s13+$0xFFFFFF80];
	[tilespmem:s13+$0xFFFFFF10] =	vst v5;
	v5 =	vmul.f32 v8, v2  }
0x33f: {  	v12 =	vmov s14;
	v8 =	vld [tilespmem:s13+$0xFFFFFF90];
	[tilespmem:s13+$0xFFFFFF20] =	vst v3;
	v3 =	vmul.f32 v9, v2  }
0x340: {  	v9 =	vld [tilespmem:s13+$0xFFFFFFA0];
	[tilespmem:s13+$0xFFFFFF30] =	vst v5;
	v5 =	vmul.f32 v10, v2  }
0x341: {  	v10 =	vld [tilespmem:s13+$0xFFFFFFB0];
	[tilespmem:s13+$0xFFFFFF40] =	vst v3;
	v3 =	vmul.f32 v11, v2  }
0x342: {  	v11 =	vld [tilespmem:s13+$0xFFFFFFC0];
	v6 =	vmul.f32 v6, v2;
	[tilespmem:s13+$0xFFFFFF50] =	vst v5  }
0x343: {  	v14 =	vld [tilespmem:s13+$0xFFFFFFE0];
	v5 =	vmul.f32 v7, v4;
	[tilespmem:s13+$0xFFFFFF60] =	vst v3  }
0x344: {  	v2 =	vld.idx.msk [tilespmem:v12+s0+$0x0], $0xffff;
	v3 =	vmul.f32 v8, v4;
	[tilespmem:s13+$0xFFFFFF70] =	vst v6  }
0x345: {  	v8 =	vld [tilespmem:s13+$0xFFFFFFF0];
	[tilespmem:s13+$0xFFFFFF80] =	vst v5;
	v5 =	vmul.f32 v9, v4  }
0x346: {  	v7 =	vld [tilespmem:s13+$0x0];
	[tilespmem:s13+$0xFFFFFF90] =	vst v3;
	v3 =	vmul.f32 v10, v4  }
0x347: {  	v6 =	vld [tilespmem:s13+$0x10];
	v9 =	vmul.f32 v11, v4;
	[tilespmem:s13+$0xFFFFFFA0] =	vst v5  }
0x348: {  	v10 =	vmul.f32 v13, v4;
	v5 =	vld [tilespmem:s13+$0x20];
	[tilespmem:s13+$0xFFFFFFB0] =	vst v3  }
0x349: {  	[tilespmem:s13+$0xFFFFFFC0] =	vst v9;
	v3 =	vld [tilespmem:s13+$0x30];
	v9 =	vmul.f32 v14, v4  }
0x34a: {  	s14 =	simm.s32 $0x7100;
	s15 =	simm.s32 $0x0;
	[tilespmem:s13+$0xFFFFFFD0] =	vst v10;
	v8 =	vmul.f32 v8, v4;
	v4 =	vld [tilespmem:s13+$0x40]  }
.LBB2_31:
0x34b: {  	s16 =	sadd.s32 s15, s10;
	s15 =	sadd.s32 $0x4, s15;
	[tilespmem:s13+$0xFFFFFFE0] =	vst v9;
	v7 =	vmul.f32 v7, v1;
	v9 =	vld [tilespmem:s13+$0x50]  }
0x34c: {  	s17 =	sadd.s32 $0x84, s16;
	s19 =	sadd.s32 $0x86, s16;
	p5 =	slt.u32 s15, $0x7C;
	[tilespmem:s13+$0xFFFFFFF0] =	vst v8;
	v6 =	vmul.f32 v6, v1;
	v8 =	vld [tilespmem:s13+$0x60]  }
0x34d: {  	v10 =	vmov s17;
	s17 =	sadd.s32 $0x85, s16;
	v11 =	vmov s19;
	s16 =	sadd.s32 $0x87, s16;
	[tilespmem:s13+$0x0] =	vst v7;
	v5 =	vmul.f32 v5, v1;
	v7 =	vld [tilespmem:s13+$0x80]  }
0x34e: {  	v10 =	vand.u32 $0xFFFFFFFC, v10;
	v12 =	vmov s17;
	v11 =	vand.u32 $0xFFFFFFFE, v11;
	[tilespmem:s13+$0x10] =	vst v6;
	v6 =	vld [tilespmem:s13+$0x90]  }
0x34f: {  	v10 =	vbroadcast v10, $0x0;
	v12 =	vand.u32 $0xFFFFFFFD, v12;
	v11 =	vbroadcast v11, $0x0;
	[tilespmem:s13+$0x20] =	vst v5;
	v5 =	vld [tilespmem:s13+$0xA0]  }
0x350: {  	v13 =	vmov s16;
	v3 =	vmul.f32 v3, v1;
	v12 =	vbroadcast v12, $0x0;
	v14 =	vld [tilespmem:s13+$0xB0]  }
0x351: {  	v4 =	vmul.f32 v4, v1;
	v9 =	vmul.f32 v9, v1;
	v15 =	vld [tilespmem:s13+$0xC0]  }
0x352: {  	[tilespmem:s13+$0x30] =	vst v3;
	v3 =	vmul.f32 v8, v1;
	v7 =	vmul.f32 v7, v2;
	v8 =	vld [tilespmem:s13+$0xD0]  }
0x353: {  	[tilespmem:s13+$0x40] =	vst v4;
	v4 =	vmul.f32 v6, v2;
	v6 =	vld [tilespmem:s13+$0xE0]  }
0x354: {  	[tilespmem:s13+$0x50] =	vst v9;
	v5 =	vmul.f32 v5, v2;
	v9 =	vld [tilespmem:s13+$0xF0]  }
0x355: {  	s13 =	sadd.s32 $0x200, s13;
	v1 =	vld.idx.msk [tilespmem:v11+s0+$0x0], $0xffff;
	[tilespmem:s14+$0x60] =	vst v3;
	v3 =	vmul.f32 v14, v2  }
0x356: {  	v11 =	vld [tilespmem:s13+$0x70];
	[tilespmem:s14+$0x80] =	vst v7;
	v7 =	vmul.f32 v15, v2  }
0x357: {  	v10 =	vld.idx.msk [tilespmem:v10+s0+$0x0], $0xffff;
	[tilespmem:s14+$0x90] =	vst v4;
	v4 =	vmul.f32 v8, v2  }
0x358: {  	v8 =	vld.idx.msk [tilespmem:v12+s0+$0x0], $0xffff;
	[tilespmem:s14+$0xA0] =	vst v5;
	v5 =	vmul.f32 v6, v2  }
0x359: {  	[tilespmem:s14+$0xB0] =	vst v3;
	v3 =	vmul.f32 v9, v2;
	v2 =	vld.idx.msk [tilespmem:v13+s0+$0x0], $0xffff  }
0x35a: {  	v6 =	vld [tilespmem:s13+$0xFFFFFF00];
	[tilespmem:s14+$0xC0] =	vst v7  }
0x35b: {  	v7 =	vld [tilespmem:s13+$0xFFFFFF10];
	v9 =	vmul.f32 v11, v1;
	[tilespmem:s14+$0xD0] =	vst v4  }
0x35c: {  	v4 =	vld [tilespmem:s13+$0xFFFFFF20];
	[tilespmem:s14+$0xE0] =	vst v5  }
0x35d: {  	v5 =	vld [tilespmem:s13+$0xFFFFFF30];
	[tilespmem:s13+$0x70] =	vst v9  }
0x35e: {  	v9 =	vld [tilespmem:s13+$0xFFFFFF40];
	[tilespmem:s14+$0xF0] =	vst v3;
	s14 =	smov.u32 s13  }
0x35f: {  	v3 =	vmul.f32 v6, v10;
	v6 =	vld [tilespmem:s13+$0xFFFFFF50]  }
0x360: {  	v7 =	vmul.f32 v7, v10;
	v11 =	vld [tilespmem:s13+$0xFFFFFF60]  }
0x361: {  	[tilespmem:s13+$0xFFFFFF00] =	vst v3;
	v3 =	vmul.f32 v4, v10;
	v4 =	vld [tilespmem:s13+$0xFFFFFF70]  }
0x362: {  	[tilespmem:s13+$0xFFFFFF10] =	vst v7;
	v5 =	vmul.f32 v5, v10;
	v7 =	vld [tilespmem:s13+$0xFFFFFF80]  }
0x363: {  	[tilespmem:s13+$0xFFFFFF20] =	vst v3;
	v3 =	vmul.f32 v9, v10;
	v9 =	vld [tilespmem:s13+$0xFFFFFF90]  }
0x364: {  	[tilespmem:s13+$0xFFFFFF30] =	vst v5;
	v5 =	vmul.f32 v6, v10;
	v6 =	vld [tilespmem:s13+$0xFFFFFFA0]  }
0x365: {  	[tilespmem:s13+$0xFFFFFF40] =	vst v3;
	v3 =	vmul.f32 v11, v10;
	v11 =	vld [tilespmem:s13+$0xFFFFFFB0]  }
0x366: {  	[tilespmem:s13+$0xFFFFFF50] =	vst v5;
	v4 =	vmul.f32 v4, v10;
	v5 =	vld [tilespmem:s13+$0xFFFFFFC0]  }
0x367: {  	[tilespmem:s13+$0xFFFFFF60] =	vst v3;
	v3 =	vmul.f32 v7, v8;
	v10 =	vld [tilespmem:s13+$0xFFFFFFD0]  }
0x368: {  	[tilespmem:s13+$0xFFFFFF70] =	vst v4;
	v4 =	vmul.f32 v9, v8;
	v9 =	vld [tilespmem:s13+$0xFFFFFFE0]  }
0x369: {  	[tilespmem:s13+$0xFFFFFF80] =	vst v3;
	v3 =	vmul.f32 v6, v8;
	v12 =	vld [tilespmem:s13+$0xFFFFFFF0]  }
.Ltmp14:
0x36a: {  	[tilespmem:s13+$0xFFFFFF90] =	vst v4;
	v4 =	vmul.f32 v11, v8;
	v7 =	vld [tilespmem:s13+$0x0];
	(pc) =	sbr.rel @p5 .LBB2_31-.Ltmp14, $4  }
0x36b: {  	[tilespmem:s13+$0xFFFFFFA0] =	vst v3;
	v3 =	vmul.f32 v5, v8;
	v6 =	vld [tilespmem:s13+$0x10]  }
0x36c: {  	[tilespmem:s13+$0xFFFFFFB0] =	vst v4;
	v4 =	vmul.f32 v10, v8;
	v5 =	vld [tilespmem:s13+$0x20]  }
0x36d: {  	[tilespmem:s13+$0xFFFFFFC0] =	vst v3;
	v9 =	vmul.f32 v9, v8;
	v3 =	vld [tilespmem:s13+$0x30]  }
0x36e: {  	[tilespmem:s13+$0xFFFFFFD0] =	vst v4;
	v8 =	vmul.f32 v12, v8;
	v4 =	vld [tilespmem:s13+$0x40]  }
0x36f: {  	v10 =	vld [tilespmem:s13+$0x50]  }
0x370: {  	[tilespmem:s13+$0xFFFFFFE0] =	vst v9;
	v7 =	vmul.f32 v7, v1;
	v54 =	vld [tilespmem:s13+$0x60]  }
0x371: {  	v55 =	vld [tilespmem:s13+$0x80];
	[tilespmem:s13+$0xFFFFFFF0] =	vst v8;
	v6 =	vmul.f32 v6, v1  }
0x372: {  	v56 =	vld [tilespmem:s13+$0x90];
	[tilespmem:s13+$0x0] =	vst v7;
	v5 =	vmul.f32 v5, v1  }
0x373: {  	v57 =	vld [tilespmem:s13+$0xA0];
	[tilespmem:s13+$0x10] =	vst v6;
	v3 =	vmul.f32 v3, v1  }
0x374: {  	v58 =	vld [tilespmem:s13+$0xB0];
	[tilespmem:s13+$0x20] =	vst v5;
	v4 =	vmul.f32 v4, v1  }
0x375: {  	v11 =	vld [tilespmem:s13+$0xC0];
	v10 =	vmul.f32 v10, v1;
	[tilespmem:s13+$0x30] =	vst v3  }
0x376: {  	v60 =	vld [tilespmem:s13+$0xE0];
	v59 =	vmul.f32 v55, v2;
	[tilespmem:s13+$0x40] =	vst v4  }
0x377: {  	v3 =	vld [tilespmem:s13+$0xD0];
	v7 =	vmul.f32 v56, v2;
	[tilespmem:s13+$0x50] =	vst v10  }
0x378: {  	v61 =	vld [tilespmem:s13+$0xF0];
	v1 =	vmul.f32 v54, v1;
	[tilespmem:s14+$0x80] =	vst v59  }
0x379: {  	v62 =	vmul.f32 v58, v2;
	[tilespmem:s14+$0x90] =	vst v7  }
0x37a: {  	[tilespmem:s14+$0x60] =	vst v1;
	v1 =	vmul.f32 v57, v2  }
0x37b: {  	v63 =	vmul.f32 v11, v2;
	[tilespmem:s14+$0xB0] =	vst v62  }
0x37c: {  	[tilespmem:s14+$0xA0] =	vst v1;
	v1 =	vmul.f32 v3, v2  }
0x37d: {  	[tilespmem:s14+$0xC0] =	vst v63;
	v3 =	vmul.f32 v60, v2  }
0x37e: {  	s11 =	sadd.s32 $0x1, s11;
	v2 =	vmul.f32 v61, v2;
	[tilespmem:s14+$0xD0] =	vst v1  }
0x37f: {  	p5 =	sne.s32 s11, $0x10;
	[tilespmem:s14+$0xE0] =	vst v3  }
.Ltmp15:
0x380: {  	s12 =	sadd.s32 $0x1000, s12;
	[tilespmem:s14+$0xF0] =	vst v2;
	(pc) =	sbr.rel @p5 .LBB2_28-.Ltmp15, $4  }
0x381: {  	[spmem:s1] =	stream.indirect.scatter.add.f32 [tilespmem:s5], [sflag:$0x3], $0x80, s12, s3, $0xb8;
	[tilespmem:$0x1F880] =	vst v63  }
0x382: {  	_ =	swait.ge [sflag:s30], $0x4000  }
0x383: {  	[sflag:s30] =	ssyncset.done $0x0  }
0x384: {  	s10 =	sadd.s32 $0x100, s10;
	[sflag:s30] =	ssyncadd.s32 $0xFFFFC000  }
0x385: {  	s10 =	rddreg [dreg:$0xd]  }
0x386: {  	[tilespmem:s2], [sflag:$0x3] =	stream.linear.gather [hbm4b:s10+s2], $0xE20, $0x38;
	[tilespmem:$0x1F880] =	vst v63  }
0x387: {  	_ =	swait.ge [sflag:s30], $0xE20  }
0x388: {  	[sflag:s30] =	ssyncset.done $0x0  }
0x389: {  	s19 =	rddreg [dreg:$0xe];
	[sflag:s30] =	ssyncadd.s32 $0xFFFFF1E0  }
0x38a: {  	[tilespmem:s31], [sflag:$0x3] =	stream.linear.gather [hbm4b:s19+s2], $0xE20, $0x38;
	[tilespmem:$0x1F880] =	vst v63  }
0x38b: {  	_ =	swait.ge [sflag:s30], $0xE20  }
0x38c: {  	[sflag:s30] =	ssyncset.done $0x0  }
0x38d: {  	s22 =	rddreg [dreg:$0x13];
	[sflag:s30] =	ssyncadd.s32 $0xFFFFF1E0  }
0x38e: {  	[tilespmem:s0], [sflag:$0x3] =	stream.linear.gather [hbm4b:s22+s2], $0xE20, $0x38;
	[tilespmem:$0x1F880] =	vst v63  }
0x38f: {  	_ =	swait.ge [sflag:s30], $0xE20  }
0x390: {  	[sflag:s30] =	ssyncset.done $0x0  }
0x391: {  	s11 =	simm.s32 $0x20;
	[sflag:s30] =	ssyncadd.s32 $0xFFFFF1E0  }
0x392: {  	v1 =	vld [tilespmem:s11+$0xFFFFFFE0]  }
0x393: {  	v3 =	vld [tilespmem:s11+$0x0]  }
0x394: {  	v2 =	vld [tilespmem:s11+$0x10]  }
0x395: {  	v4 =	vld [tilespmem:s11+$0xFFFFFFF0];
	_ =	sdelay $0x1  }
0x396: {  	s10 =	simm.s32 $0x60;
	v5 =	vadd.s32 v0, v1  }
0x397: {  	v1 =	vld [tilespmem:s10+$0xFFFFFFE0];
	v6 =	vadd.s32 v0, v3;
	[tilespmem:s11+$0xFFFFFFE0] =	vst v5  }
0x398: {  	v3 =	vld [tilespmem:s10+$0x0];
	v5 =	vadd.s32 v0, v2;
	[tilespmem:s11+$0x0] =	vst v6  }
0x399: {  	s12 =	simm.s32 $0x4;
	v4 =	vadd.s32 v0, v4;
	v2 =	vld [tilespmem:s10+$0x10];
	[tilespmem:s11+$0x10] =	vst v5  }
.LBB2_34:
0x39a: {  	s12 =	sadd.s32 $0x4, s12  }
0x39b: {  	v5 =	vld [tilespmem:s10+$0xFFFFFFF0];
	[tilespmem:s11+$0xFFFFFFF0] =	vst v4;
	s11 =	smov.u32 s10;
	p5 =	slt.u32 s12, $0xDC  }
.Ltmp16:
0x39c: {  	(pc) =	sbr.rel @p5 .LBB2_34-.Ltmp16, $4  }
0x39d: {  	s10 =	sadd.s32 $0x40, s10;
	v4 =	vadd.s32 v0, v1  }
0x39e: {  	v1 =	vld [tilespmem:s10+$0xFFFFFFE0];
	[tilespmem:s11+$0xFFFFFFE0] =	vst v4;
	v4 =	vadd.s32 v0, v2  }
0x39f: {  	v2 =	vld [tilespmem:s10+$0x10];
	v6 =	vadd.s32 v0, v3;
	[tilespmem:s11+$0x10] =	vst v4  }
0x3a0: {  	v3 =	vld [tilespmem:s10+$0x0];
	v4 =	vadd.s32 v0, v5;
	[tilespmem:s11+$0x0] =	vst v6  }
0x3a1: {  	v5 =	vld [tilespmem:s10+$0xFFFFFFF0];
	_ =	sdelay $0x1  }
0x3a2: {  	[tilespmem:s11+$0xFFFFFFF0] =	vst v4;
	v1 =	vadd.s32 v0, v1  }
0x3a3: {  	[tilespmem:s10+$0xFFFFFFE0] =	vst v1;
	v1 =	vadd.s32 v0, v2  }
0x3a4: {  	v2 =	vadd.s32 v0, v3;
	[tilespmem:s10+$0x10] =	vst v1  }
0x3a5: {  	v1 =	vadd.s32 v0, v5;
	[tilespmem:s10+$0x0] =	vst v2  }
0x3a6: {  	[tilespmem:s10+$0xFFFFFFF0] =	vst v1;
	s10 =	simm.s32 $0x0  }
.LBB2_36:
0x3a7: {  	s11 =	sshra.s32 s10, $0x2  }
0x3a8: {  	v1 =	vld [tilespmem:s11+$0xE00]  }
0x3a9: {  	p5 =	sne.s32 s10, $0x40  }
.Ltmp17:
0x3aa: {  	_ = 	snop;
	(pc) =	sbr.rel @p5 .LBB2_36-.Ltmp17, $3  }
0x3ab: {  	_ =	sdelay $0x1  }
0x3ac: {  	v1 =	vadd.s32 v0, v1  }
0x3ad: {  	s10 =	sadd.s32 $0x40, s10;
	[tilespmem:s11+$0xE00] =	vst v1  }
0x3ae: {  	s10 =	simm.s32 $0x0;
	s11 =	simm.s32 $0x0  }
0x3af: {  	[tilespmem:s4], [sflag:$0x1] =	stream.indirect.gather [hbm4b:s21+s3], $0x80, s10, s3, $0xb8;
	[tilespmem:$0x1F880] =	vst v63  }
.LBB2_38:
0x3b0: {  	s15 =	sadd.s32 $0xFFFFFFFC, s10  }
0x3b1: {  	s13 =	sshll.u32 s11, $0x8;
	s12 =	sadd.s32 $0x6, s15  }
0x3b2: {  	s22 =	sadd.s32 $0x4, s15;
	v1 =	vmov s12;
	s12 =	sor.u32 $0x80, s13  }
0x3b3: {  	v2 =	vmov s22;
	[tilespmem:s5], [sflag:$0x2] =	stream.indirect.gather [hbm4b:s21+s3], $0x80, s12, s3, $0xb8;
	[tilespmem:$0x1F880] =	vst v63  }
0x3b4: {  	v2 =	vand.u32 $0xFFFFFFFC, v2;
	_ =	swait.ge [sflag:s6], $0x4000  }
0x3b5: {  	v1 =	vand.u32 $0xFFFFFFFE, v1;
	v2 =	vbroadcast v2, $0x0;
	[sflag:s6] =	ssyncset.done $0x0  }
0x3b6: {  	s14 =	simm.s32 $0x3100;
	v1 =	vbroadcast v1, $0x0;
	[sflag:s6] =	ssyncadd.s32 $0xFFFFC000  }
0x3b7: {  	v3 =	vld [tilespmem:s14+$0x70]  }
0x3b8: {  	v5 =	vld [tilespmem:s14+$0xFFFFFF00]  }
0x3b9: {  	s16 =	sadd.s32 $0x5, s15;
	v6 =	vld [tilespmem:s14+$0xFFFFFF10]  }
0x3ba: {  	v4 =	vmov s16;
	v7 =	vld [tilespmem:s14+$0xFFFFFF20]  }
0x3bb: {  	v4 =	vand.u32 $0xFFFFFFFD, v4;
	v2 =	vld.idx.msk [tilespmem:v2+s0+$0x0], $0xffff  }
0x3bc: {  	v4 =	vbroadcast v4, $0x0;
	v1 =	vld.idx.msk [tilespmem:v1+s0+$0x0], $0xffff  }
0x3bd: {  	v8 =	vld [tilespmem:s14+$0xFFFFFF30]  }
0x3be: {  	v9 =	vld [tilespmem:s14+$0xFFFFFF40]  }
0x3bf: {  	v10 =	vld [tilespmem:s14+$0xFFFFFF50]  }
0x3c0: {  	v11 =	vld [tilespmem:s14+$0xFFFFFF60];
	v5 =	vmul.f32 v5, v2  }
0x3c1: {  	v13 =	vld [tilespmem:s14+$0xFFFFFFD0];
	v3 =	vmul.f32 v3, v1  }
0x3c2: {  	v4 =	vld.idx.msk [tilespmem:v4+s0+$0x0], $0xffff;
	[tilespmem:s14+$0xFFFFFF00] =	vst v5;
	v5 =	vmul.f32 v6, v2  }
0x3c3: {  	v6 =	vld [tilespmem:s14+$0xFFFFFF70];
	[tilespmem:s14+$0x70] =	vst v3;
	v3 =	vmul.f32 v7, v2  }
0x3c4: {  	s15 =	sadd.s32 $0x7, s15;
	v7 =	vld [tilespmem:s14+$0xFFFFFF80];
	[tilespmem:s14+$0xFFFFFF10] =	vst v5;
	v5 =	vmul.f32 v8, v2  }
0x3c5: {  	v12 =	vmov s15;
	v8 =	vld [tilespmem:s14+$0xFFFFFF90];
	[tilespmem:s14+$0xFFFFFF20] =	vst v3;
	v3 =	vmul.f32 v9, v2  }
0x3c6: {  	v9 =	vld [tilespmem:s14+$0xFFFFFFA0];
	[tilespmem:s14+$0xFFFFFF30] =	vst v5;
	v5 =	vmul.f32 v10, v2  }
0x3c7: {  	v10 =	vld [tilespmem:s14+$0xFFFFFFB0];
	[tilespmem:s14+$0xFFFFFF40] =	vst v3;
	v3 =	vmul.f32 v11, v2  }
0x3c8: {  	v11 =	vld [tilespmem:s14+$0xFFFFFFC0];
	v6 =	vmul.f32 v6, v2;
	[tilespmem:s14+$0xFFFFFF50] =	vst v5  }
0x3c9: {  	v14 =	vld [tilespmem:s14+$0xFFFFFFE0];
	v5 =	vmul.f32 v7, v4;
	[tilespmem:s14+$0xFFFFFF60] =	vst v3  }
0x3ca: {  	v2 =	vld.idx.msk [tilespmem:v12+s0+$0x0], $0xffff;
	v3 =	vmul.f32 v8, v4;
	[tilespmem:s14+$0xFFFFFF70] =	vst v6  }
0x3cb: {  	v8 =	vld [tilespmem:s14+$0xFFFFFFF0];
	[tilespmem:s14+$0xFFFFFF80] =	vst v5;
	v5 =	vmul.f32 v9, v4  }
0x3cc: {  	v7 =	vld [tilespmem:s14+$0x0];
	[tilespmem:s14+$0xFFFFFF90] =	vst v3;
	v3 =	vmul.f32 v10, v4  }
0x3cd: {  	v6 =	vld [tilespmem:s14+$0x10];
	v9 =	vmul.f32 v11, v4;
	[tilespmem:s14+$0xFFFFFFA0] =	vst v5  }
0x3ce: {  	v10 =	vmul.f32 v13, v4;
	v5 =	vld [tilespmem:s14+$0x20];
	[tilespmem:s14+$0xFFFFFFB0] =	vst v3  }
0x3cf: {  	[tilespmem:s14+$0xFFFFFFC0] =	vst v9;
	v3 =	vld [tilespmem:s14+$0x30];
	v9 =	vmul.f32 v14, v4  }
0x3d0: {  	s16 =	simm.s32 $0x0;
	s15 =	simm.s32 $0x3100;
	[tilespmem:s14+$0xFFFFFFD0] =	vst v10;
	v8 =	vmul.f32 v8, v4;
	v4 =	vld [tilespmem:s14+$0x40]  }
.LBB2_39:
0x3d1: {  	s17 =	sadd.s32 s16, s10;
	s16 =	sadd.s32 $0x4, s16;
	[tilespmem:s14+$0xFFFFFFE0] =	vst v9;
	v7 =	vmul.f32 v7, v1;
	v9 =	vld [tilespmem:s14+$0x50]  }
0x3d2: {  	s19 =	sadd.s32 $0x4, s17;
	s22 =	sadd.s32 $0x6, s17;
	p5 =	slt.u32 s16, $0x7C;
	[tilespmem:s14+$0xFFFFFFF0] =	vst v8;
	v6 =	vmul.f32 v6, v1;
	v8 =	vld [tilespmem:s14+$0x60]  }
0x3d3: {  	v10 =	vmov s19;
	s19 =	sadd.s32 $0x5, s17;
	v11 =	vmov s22;
	s17 =	sadd.s32 $0x7, s17;
	[tilespmem:s14+$0x0] =	vst v7;
	v5 =	vmul.f32 v5, v1;
	v7 =	vld [tilespmem:s14+$0x80]  }
0x3d4: {  	v10 =	vand.u32 $0xFFFFFFFC, v10;
	v12 =	vmov s19;
	v11 =	vand.u32 $0xFFFFFFFE, v11;
	[tilespmem:s14+$0x10] =	vst v6;
	v6 =	vld [tilespmem:s14+$0x90]  }
0x3d5: {  	v10 =	vbroadcast v10, $0x0;
	v12 =	vand.u32 $0xFFFFFFFD, v12;
	v11 =	vbroadcast v11, $0x0;
	[tilespmem:s14+$0x20] =	vst v5;
	v5 =	vld [tilespmem:s14+$0xA0]  }
0x3d6: {  	v13 =	vmov s17;
	v3 =	vmul.f32 v3, v1;
	v12 =	vbroadcast v12, $0x0;
	v14 =	vld [tilespmem:s14+$0xB0]  }
0x3d7: {  	v4 =	vmul.f32 v4, v1;
	v9 =	vmul.f32 v9, v1;
	v15 =	vld [tilespmem:s14+$0xC0]  }
0x3d8: {  	[tilespmem:s14+$0x30] =	vst v3;
	v3 =	vmul.f32 v8, v1;
	v7 =	vmul.f32 v7, v2;
	v8 =	vld [tilespmem:s14+$0xD0]  }
0x3d9: {  	[tilespmem:s14+$0x40] =	vst v4;
	v4 =	vmul.f32 v6, v2;
	v6 =	vld [tilespmem:s14+$0xE0]  }
0x3da: {  	[tilespmem:s14+$0x50] =	vst v9;
	v5 =	vmul.f32 v5, v2;
	v9 =	vld [tilespmem:s14+$0xF0]  }
0x3db: {  	s14 =	sadd.s32 $0x200, s14;
	v1 =	vld.idx.msk [tilespmem:v11+s0+$0x0], $0xffff;
	[tilespmem:s15+$0x60] =	vst v3;
	v3 =	vmul.f32 v14, v2  }
0x3dc: {  	v11 =	vld [tilespmem:s14+$0x70];
	[tilespmem:s15+$0x80] =	vst v7;
	v7 =	vmul.f32 v15, v2  }
0x3dd: {  	v10 =	vld.idx.msk [tilespmem:v10+s0+$0x0], $0xffff;
	[tilespmem:s15+$0x90] =	vst v4;
	v4 =	vmul.f32 v8, v2  }
0x3de: {  	v8 =	vld.idx.msk [tilespmem:v12+s0+$0x0], $0xffff;
	[tilespmem:s15+$0xA0] =	vst v5;
	v5 =	vmul.f32 v6, v2  }
0x3df: {  	[tilespmem:s15+$0xB0] =	vst v3;
	v3 =	vmul.f32 v9, v2;
	v2 =	vld.idx.msk [tilespmem:v13+s0+$0x0], $0xffff  }
0x3e0: {  	v6 =	vld [tilespmem:s14+$0xFFFFFF00];
	[tilespmem:s15+$0xC0] =	vst v7  }
0x3e1: {  	v7 =	vld [tilespmem:s14+$0xFFFFFF10];
	v9 =	vmul.f32 v11, v1;
	[tilespmem:s15+$0xD0] =	vst v4  }
0x3e2: {  	v4 =	vld [tilespmem:s14+$0xFFFFFF20];
	[tilespmem:s15+$0xE0] =	vst v5  }
0x3e3: {  	v5 =	vld [tilespmem:s14+$0xFFFFFF30];
	[tilespmem:s14+$0x70] =	vst v9  }
0x3e4: {  	v9 =	vld [tilespmem:s14+$0xFFFFFF40];
	[tilespmem:s15+$0xF0] =	vst v3;
	s15 =	smov.u32 s14  }
0x3e5: {  	v3 =	vmul.f32 v6, v10;
	v6 =	vld [tilespmem:s14+$0xFFFFFF50]  }
0x3e6: {  	v7 =	vmul.f32 v7, v10;
	v11 =	vld [tilespmem:s14+$0xFFFFFF60]  }
0x3e7: {  	[tilespmem:s14+$0xFFFFFF00] =	vst v3;
	v3 =	vmul.f32 v4, v10;
	v4 =	vld [tilespmem:s14+$0xFFFFFF70]  }
0x3e8: {  	[tilespmem:s14+$0xFFFFFF10] =	vst v7;
	v5 =	vmul.f32 v5, v10;
	v7 =	vld [tilespmem:s14+$0xFFFFFF80]  }
0x3e9: {  	[tilespmem:s14+$0xFFFFFF20] =	vst v3;
	v3 =	vmul.f32 v9, v10;
	v9 =	vld [tilespmem:s14+$0xFFFFFF90]  }
0x3ea: {  	[tilespmem:s14+$0xFFFFFF30] =	vst v5;
	v5 =	vmul.f32 v6, v10;
	v6 =	vld [tilespmem:s14+$0xFFFFFFA0]  }
0x3eb: {  	[tilespmem:s14+$0xFFFFFF40] =	vst v3;
	v3 =	vmul.f32 v11, v10;
	v11 =	vld [tilespmem:s14+$0xFFFFFFB0]  }
0x3ec: {  	[tilespmem:s14+$0xFFFFFF50] =	vst v5;
	v4 =	vmul.f32 v4, v10;
	v5 =	vld [tilespmem:s14+$0xFFFFFFC0]  }
0x3ed: {  	[tilespmem:s14+$0xFFFFFF60] =	vst v3;
	v3 =	vmul.f32 v7, v8;
	v10 =	vld [tilespmem:s14+$0xFFFFFFD0]  }
0x3ee: {  	[tilespmem:s14+$0xFFFFFF70] =	vst v4;
	v4 =	vmul.f32 v9, v8;
	v9 =	vld [tilespmem:s14+$0xFFFFFFE0]  }
0x3ef: {  	[tilespmem:s14+$0xFFFFFF80] =	vst v3;
	v3 =	vmul.f32 v6, v8;
	v12 =	vld [tilespmem:s14+$0xFFFFFFF0]  }
.Ltmp18:
0x3f0: {  	[tilespmem:s14+$0xFFFFFF90] =	vst v4;
	v4 =	vmul.f32 v11, v8;
	v7 =	vld [tilespmem:s14+$0x0];
	(pc) =	sbr.rel @p5 .LBB2_39-.Ltmp18, $4  }
0x3f1: {  	[tilespmem:s14+$0xFFFFFFA0] =	vst v3;
	v3 =	vmul.f32 v5, v8;
	v6 =	vld [tilespmem:s14+$0x10]  }
0x3f2: {  	[tilespmem:s14+$0xFFFFFFB0] =	vst v4;
	v4 =	vmul.f32 v10, v8;
	v5 =	vld [tilespmem:s14+$0x20]  }
0x3f3: {  	[tilespmem:s14+$0xFFFFFFC0] =	vst v3;
	v9 =	vmul.f32 v9, v8;
	v3 =	vld [tilespmem:s14+$0x30]  }
0x3f4: {  	[tilespmem:s14+$0xFFFFFFD0] =	vst v4;
	v8 =	vmul.f32 v12, v8;
	v4 =	vld [tilespmem:s14+$0x40]  }
0x3f5: {  	v10 =	vld [tilespmem:s14+$0x50];
	[tilespmem:s14+$0xFFFFFFE0] =	vst v9;
	v7 =	vmul.f32 v7, v1  }
0x3f6: {  	v9 =	vld [tilespmem:s14+$0x60];
	[tilespmem:s14+$0xFFFFFFF0] =	vst v8;
	v6 =	vmul.f32 v6, v1  }
0x3f7: {  	v8 =	vld [tilespmem:s14+$0x80];
	[tilespmem:s14+$0x0] =	vst v7;
	v5 =	vmul.f32 v5, v1  }
0x3f8: {  	v7 =	vld [tilespmem:s14+$0x90];
	[tilespmem:s14+$0x10] =	vst v6;
	v3 =	vmul.f32 v3, v1  }
0x3f9: {  	v6 =	vld [tilespmem:s14+$0xA0];
	[tilespmem:s14+$0x20] =	vst v5;
	v4 =	vmul.f32 v4, v1  }
0x3fa: {  	v5 =	vld [tilespmem:s14+$0xB0];
	v10 =	vmul.f32 v10, v1;
	[tilespmem:s14+$0x30] =	vst v3  }
0x3fb: {  	v11 =	vld [tilespmem:s14+$0xC0];
	v1 =	vmul.f32 v9, v1;
	[tilespmem:s14+$0x40] =	vst v4  }
0x3fc: {  	v3 =	vld [tilespmem:s14+$0xD0];
	v4 =	vmul.f32 v8, v2;
	[tilespmem:s14+$0x50] =	vst v10  }
0x3fd: {  	v8 =	vld [tilespmem:s14+$0xE0];
	v7 =	vmul.f32 v7, v2;
	[tilespmem:s15+$0x60] =	vst v1  }
0x3fe: {  	v9 =	vld [tilespmem:s14+$0xF0];
	v1 =	vmul.f32 v6, v2;
	[tilespmem:s15+$0x80] =	vst v4  }
0x3ff: {  	v4 =	vmul.f32 v5, v2;
	[tilespmem:s15+$0x90] =	vst v7  }
0x400: {  	v5 =	vmul.f32 v11, v2;
	[tilespmem:s15+$0xA0] =	vst v1  }
0x401: {  	v1 =	vmul.f32 v3, v2;
	[tilespmem:s15+$0xB0] =	vst v4  }
0x402: {  	v3 =	vmul.f32 v8, v2;
	[tilespmem:s15+$0xC0] =	vst v5  }
0x403: {  	v2 =	vmul.f32 v9, v2;
	[tilespmem:s15+$0xD0] =	vst v1  }
0x404: {  	s14 =	sadd.s32 $0xFFFFFFFC, s10;
	[tilespmem:s15+$0xE0] =	vst v3  }
0x405: {  	s13 =	sadd.s32 $0x1000, s13;
	p5 =	seq.s32 s11, $0xD;
	s17 =	sadd.s32 $0x86, s14;
	[tilespmem:s15+$0xF0] =	vst v2  }
0x406: {  	v1 =	vmov s17;
	[spmem:s1] =	stream.indirect.scatter.add.f32 [tilespmem:s4], [sflag:$0x3], $0x80, s13, s3, $0xb8;
	[tilespmem:$0x1F880] =	vst v63  }
0x407: {  	s19 =	sadd.s32 $0x84, s14;
	v1 =	vand.u32 $0xFFFFFFFE, v1;
	s13 =	sshll.u32 @!p5 s11, $0x8;
	_ =	swait.ge [sflag:s30], $0x4000  }
0x408: {  	s16 =	simm.s32 @!p5 $0x3000;
	v2 =	vmov s19;
	v1 =	vbroadcast v1, $0x0;
	s13 =	sand.u32 @!p5 $0x3FFFFF00, s13;
	[sflag:s30] =	ssyncset.done $0x0  }
0x409: {  	s15 =	simm.s32 @!p5 $0x80;
	v2 =	vand.u32 $0xFFFFFFFC, v2;
	s13 =	sadd.s32 @!p5 $0x100, s13;
	[sflag:s30] =	ssyncadd.s32 $0xFFFFC000  }
0x40a: {  	v2 =	vbroadcast v2, $0x0;
	[tilespmem:s16], [sflag:$0x1] =	stream.indirect.gather @!p5 [hbm4b:s21+s15], $0x80, s13, s15, $0xb8;
	[tilespmem:$0x1F880] =	vst v63  }
0x40b: {  	_ =	swait.ge [sflag:s7], $0x4000  }
0x40c: {  	[sflag:s7] =	ssyncset.done $0x0  }
0x40d: {  	[sflag:s7] =	ssyncadd.s32 $0xFFFFC000  }
0x40e: {  	s13 =	simm.s32 $0x7100;
	v1 =	vld.idx.msk [tilespmem:v1+s0+$0x0], $0xffff  }
0x40f: {  	s22 =	sadd.s32 $0x85, s14;
	v3 =	vld [tilespmem:s13+$0x70]  }
0x410: {  	v4 =	vmov s22;
	v2 =	vld.idx.msk [tilespmem:v2+s0+$0x0], $0xffff  }
0x411: {  	v4 =	vand.u32 $0xFFFFFFFD, v4;
	v5 =	vld [tilespmem:s13+$0xFFFFFF00]  }
0x412: {  	v4 =	vbroadcast v4, $0x0;
	v6 =	vld [tilespmem:s13+$0xFFFFFF10]  }
0x413: {  	v7 =	vld [tilespmem:s13+$0xFFFFFF20]  }
0x414: {  	v8 =	vld [tilespmem:s13+$0xFFFFFF30]  }
0x415: {  	v9 =	vld [tilespmem:s13+$0xFFFFFF40]  }
0x416: {  	v10 =	vld [tilespmem:s13+$0xFFFFFF50]  }
0x417: {  	v11 =	vld [tilespmem:s13+$0xFFFFFF60];
	v5 =	vmul.f32 v5, v2  }
0x418: {  	v4 =	vld.idx.msk [tilespmem:v4+s0+$0x0], $0xffff;
	v3 =	vmul.f32 v3, v1  }
0x419: {  	v13 =	vld [tilespmem:s13+$0xFFFFFFD0];
	[tilespmem:s13+$0xFFFFFF00] =	vst v5;
	v5 =	vmul.f32 v6, v2  }
0x41a: {  	v6 =	vld [tilespmem:s13+$0xFFFFFF70];
	[tilespmem:s13+$0x70] =	vst v3;
	v3 =	vmul.f32 v7, v2  }
0x41b: {  	s14 =	sadd.s32 $0x87, s14;
	v7 =	vld [tilespmem:s13+$0xFFFFFF80];
	[tilespmem:s13+$0xFFFFFF10] =	vst v5;
	v5 =	vmul.f32 v8, v2  }
0x41c: {  	v12 =	vmov s14;
	v8 =	vld [tilespmem:s13+$0xFFFFFF90];
	[tilespmem:s13+$0xFFFFFF20] =	vst v3;
	v3 =	vmul.f32 v9, v2  }
0x41d: {  	v9 =	vld [tilespmem:s13+$0xFFFFFFA0];
	[tilespmem:s13+$0xFFFFFF30] =	vst v5;
	v5 =	vmul.f32 v10, v2  }
0x41e: {  	v10 =	vld [tilespmem:s13+$0xFFFFFFB0];
	[tilespmem:s13+$0xFFFFFF40] =	vst v3;
	v3 =	vmul.f32 v11, v2  }
0x41f: {  	v11 =	vld [tilespmem:s13+$0xFFFFFFC0];
	v6 =	vmul.f32 v6, v2;
	[tilespmem:s13+$0xFFFFFF50] =	vst v5  }
0x420: {  	v14 =	vld [tilespmem:s13+$0xFFFFFFE0];
	v5 =	vmul.f32 v7, v4;
	[tilespmem:s13+$0xFFFFFF60] =	vst v3  }
0x421: {  	v2 =	vld.idx.msk [tilespmem:v12+s0+$0x0], $0xffff;
	v3 =	vmul.f32 v8, v4;
	[tilespmem:s13+$0xFFFFFF70] =	vst v6  }
0x422: {  	v8 =	vld [tilespmem:s13+$0xFFFFFFF0];
	[tilespmem:s13+$0xFFFFFF80] =	vst v5;
	v5 =	vmul.f32 v9, v4  }
0x423: {  	v7 =	vld [tilespmem:s13+$0x0];
	[tilespmem:s13+$0xFFFFFF90] =	vst v3;
	v3 =	vmul.f32 v10, v4  }
0x424: {  	v6 =	vld [tilespmem:s13+$0x10];
	v9 =	vmul.f32 v11, v4;
	[tilespmem:s13+$0xFFFFFFA0] =	vst v5  }
0x425: {  	v10 =	vmul.f32 v13, v4;
	v5 =	vld [tilespmem:s13+$0x20];
	[tilespmem:s13+$0xFFFFFFB0] =	vst v3  }
0x426: {  	[tilespmem:s13+$0xFFFFFFC0] =	vst v9;
	v3 =	vld [tilespmem:s13+$0x30];
	v9 =	vmul.f32 v14, v4  }
0x427: {  	s14 =	simm.s32 $0x7100;
	s15 =	simm.s32 $0x0;
	[tilespmem:s13+$0xFFFFFFD0] =	vst v10;
	v8 =	vmul.f32 v8, v4;
	v4 =	vld [tilespmem:s13+$0x40]  }
.LBB2_41:
0x428: {  	s16 =	sadd.s32 s15, s10;
	s15 =	sadd.s32 $0x4, s15;
	[tilespmem:s13+$0xFFFFFFE0] =	vst v9;
	v7 =	vmul.f32 v7, v1;
	v9 =	vld [tilespmem:s13+$0x50]  }
0x429: {  	s17 =	sadd.s32 $0x84, s16;
	s19 =	sadd.s32 $0x86, s16;
	p5 =	slt.u32 s15, $0x7C;
	[tilespmem:s13+$0xFFFFFFF0] =	vst v8;
	v6 =	vmul.f32 v6, v1;
	v8 =	vld [tilespmem:s13+$0x60]  }
0x42a: {  	v10 =	vmov s17;
	s17 =	sadd.s32 $0x85, s16;
	v11 =	vmov s19;
	s16 =	sadd.s32 $0x87, s16;
	[tilespmem:s13+$0x0] =	vst v7;
	v5 =	vmul.f32 v5, v1;
	v7 =	vld [tilespmem:s13+$0x80]  }
0x42b: {  	v10 =	vand.u32 $0xFFFFFFFC, v10;
	v12 =	vmov s17;
	v11 =	vand.u32 $0xFFFFFFFE, v11;
	[tilespmem:s13+$0x10] =	vst v6;
	v6 =	vld [tilespmem:s13+$0x90]  }
0x42c: {  	v10 =	vbroadcast v10, $0x0;
	v12 =	vand.u32 $0xFFFFFFFD, v12;
	v11 =	vbroadcast v11, $0x0;
	[tilespmem:s13+$0x20] =	vst v5;
	v5 =	vld [tilespmem:s13+$0xA0]  }
0x42d: {  	v13 =	vmov s16;
	v3 =	vmul.f32 v3, v1;
	v12 =	vbroadcast v12, $0x0;
	v14 =	vld [tilespmem:s13+$0xB0]  }
0x42e: {  	v4 =	vmul.f32 v4, v1;
	v9 =	vmul.f32 v9, v1;
	v15 =	vld [tilespmem:s13+$0xC0]  }
0x42f: {  	[tilespmem:s13+$0x30] =	vst v3;
	v3 =	vmul.f32 v8, v1;
	v7 =	vmul.f32 v7, v2;
	v8 =	vld [tilespmem:s13+$0xD0]  }
0x430: {  	[tilespmem:s13+$0x40] =	vst v4;
	v4 =	vmul.f32 v6, v2;
	v6 =	vld [tilespmem:s13+$0xE0]  }
0x431: {  	[tilespmem:s13+$0x50] =	vst v9;
	v5 =	vmul.f32 v5, v2;
	v9 =	vld [tilespmem:s13+$0xF0]  }
0x432: {  	s13 =	sadd.s32 $0x200, s13;
	v1 =	vld.idx.msk [tilespmem:v11+s0+$0x0], $0xffff;
	[tilespmem:s14+$0x60] =	vst v3;
	v3 =	vmul.f32 v14, v2  }
0x433: {  	v11 =	vld [tilespmem:s13+$0x70];
	[tilespmem:s14+$0x80] =	vst v7;
	v7 =	vmul.f32 v15, v2  }
0x434: {  	v10 =	vld.idx.msk [tilespmem:v10+s0+$0x0], $0xffff;
	[tilespmem:s14+$0x90] =	vst v4;
	v4 =	vmul.f32 v8, v2  }
0x435: {  	v8 =	vld.idx.msk [tilespmem:v12+s0+$0x0], $0xffff;
	[tilespmem:s14+$0xA0] =	vst v5;
	v5 =	vmul.f32 v6, v2  }
0x436: {  	[tilespmem:s14+$0xB0] =	vst v3;
	v3 =	vmul.f32 v9, v2;
	v2 =	vld.idx.msk [tilespmem:v13+s0+$0x0], $0xffff  }
0x437: {  	v6 =	vld [tilespmem:s13+$0xFFFFFF00];
	[tilespmem:s14+$0xC0] =	vst v7  }
0x438: {  	v7 =	vld [tilespmem:s13+$0xFFFFFF10];
	v9 =	vmul.f32 v11, v1;
	[tilespmem:s14+$0xD0] =	vst v4  }
0x439: {  	v4 =	vld [tilespmem:s13+$0xFFFFFF20];
	[tilespmem:s14+$0xE0] =	vst v5  }
0x43a: {  	v5 =	vld [tilespmem:s13+$0xFFFFFF30];
	[tilespmem:s13+$0x70] =	vst v9  }
0x43b: {  	v9 =	vld [tilespmem:s13+$0xFFFFFF40];
	[tilespmem:s14+$0xF0] =	vst v3;
	s14 =	smov.u32 s13  }
0x43c: {  	v3 =	vmul.f32 v6, v10;
	v6 =	vld [tilespmem:s13+$0xFFFFFF50]  }
0x43d: {  	v7 =	vmul.f32 v7, v10;
	v11 =	vld [tilespmem:s13+$0xFFFFFF60]  }
0x43e: {  	[tilespmem:s13+$0xFFFFFF00] =	vst v3;
	v3 =	vmul.f32 v4, v10;
	v4 =	vld [tilespmem:s13+$0xFFFFFF70]  }
0x43f: {  	[tilespmem:s13+$0xFFFFFF10] =	vst v7;
	v5 =	vmul.f32 v5, v10;
	v7 =	vld [tilespmem:s13+$0xFFFFFF80]  }
0x440: {  	[tilespmem:s13+$0xFFFFFF20] =	vst v3;
	v3 =	vmul.f32 v9, v10;
	v9 =	vld [tilespmem:s13+$0xFFFFFF90]  }
0x441: {  	[tilespmem:s13+$0xFFFFFF30] =	vst v5;
	v5 =	vmul.f32 v6, v10;
	v6 =	vld [tilespmem:s13+$0xFFFFFFA0]  }
0x442: {  	[tilespmem:s13+$0xFFFFFF40] =	vst v3;
	v3 =	vmul.f32 v11, v10;
	v11 =	vld [tilespmem:s13+$0xFFFFFFB0]  }
0x443: {  	[tilespmem:s13+$0xFFFFFF50] =	vst v5;
	v4 =	vmul.f32 v4, v10;
	v5 =	vld [tilespmem:s13+$0xFFFFFFC0]  }
0x444: {  	[tilespmem:s13+$0xFFFFFF60] =	vst v3;
	v3 =	vmul.f32 v7, v8;
	v10 =	vld [tilespmem:s13+$0xFFFFFFD0]  }
0x445: {  	[tilespmem:s13+$0xFFFFFF70] =	vst v4;
	v4 =	vmul.f32 v9, v8;
	v9 =	vld [tilespmem:s13+$0xFFFFFFE0]  }
0x446: {  	[tilespmem:s13+$0xFFFFFF80] =	vst v3;
	v3 =	vmul.f32 v6, v8;
	v12 =	vld [tilespmem:s13+$0xFFFFFFF0]  }
.Ltmp19:
0x447: {  	[tilespmem:s13+$0xFFFFFF90] =	vst v4;
	v4 =	vmul.f32 v11, v8;
	v7 =	vld [tilespmem:s13+$0x0];
	(pc) =	sbr.rel @p5 .LBB2_41-.Ltmp19, $4  }
0x448: {  	[tilespmem:s13+$0xFFFFFFA0] =	vst v3;
	v3 =	vmul.f32 v5, v8;
	v6 =	vld [tilespmem:s13+$0x10]  }
0x449: {  	[tilespmem:s13+$0xFFFFFFB0] =	vst v4;
	v4 =	vmul.f32 v10, v8;
	v5 =	vld [tilespmem:s13+$0x20]  }
0x44a: {  	[tilespmem:s13+$0xFFFFFFC0] =	vst v3;
	v9 =	vmul.f32 v9, v8;
	v3 =	vld [tilespmem:s13+$0x30]  }
0x44b: {  	[tilespmem:s13+$0xFFFFFFD0] =	vst v4;
	v8 =	vmul.f32 v12, v8;
	v4 =	vld [tilespmem:s13+$0x40]  }
0x44c: {  	v10 =	vld [tilespmem:s13+$0x50]  }
0x44d: {  	[tilespmem:s13+$0xFFFFFFE0] =	vst v9;
	v7 =	vmul.f32 v7, v1;
	v54 =	vld [tilespmem:s13+$0x60]  }
0x44e: {  	v55 =	vld [tilespmem:s13+$0x80];
	[tilespmem:s13+$0xFFFFFFF0] =	vst v8;
	v6 =	vmul.f32 v6, v1  }
0x44f: {  	v56 =	vld [tilespmem:s13+$0x90];
	[tilespmem:s13+$0x0] =	vst v7;
	v5 =	vmul.f32 v5, v1  }
0x450: {  	v57 =	vld [tilespmem:s13+$0xA0];
	[tilespmem:s13+$0x10] =	vst v6;
	v3 =	vmul.f32 v3, v1  }
0x451: {  	v58 =	vld [tilespmem:s13+$0xB0];
	[tilespmem:s13+$0x20] =	vst v5;
	v4 =	vmul.f32 v4, v1  }
0x452: {  	v11 =	vld [tilespmem:s13+$0xC0];
	v10 =	vmul.f32 v10, v1;
	[tilespmem:s13+$0x30] =	vst v3  }
0x453: {  	v60 =	vld [tilespmem:s13+$0xE0];
	v59 =	vmul.f32 v55, v2;
	[tilespmem:s13+$0x40] =	vst v4  }
0x454: {  	v3 =	vld [tilespmem:s13+$0xD0];
	v7 =	vmul.f32 v56, v2;
	[tilespmem:s13+$0x50] =	vst v10  }
0x455: {  	v61 =	vld [tilespmem:s13+$0xF0];
	v1 =	vmul.f32 v54, v1;
	[tilespmem:s14+$0x80] =	vst v59  }
0x456: {  	v62 =	vmul.f32 v58, v2;
	[tilespmem:s14+$0x90] =	vst v7  }
0x457: {  	[tilespmem:s14+$0x60] =	vst v1;
	v1 =	vmul.f32 v57, v2  }
0x458: {  	v63 =	vmul.f32 v11, v2;
	[tilespmem:s14+$0xB0] =	vst v62  }
0x459: {  	[tilespmem:s14+$0xA0] =	vst v1;
	v1 =	vmul.f32 v3, v2  }
0x45a: {  	[tilespmem:s14+$0xC0] =	vst v63;
	v3 =	vmul.f32 v60, v2  }
0x45b: {  	s11 =	sadd.s32 $0x1, s11;
	v2 =	vmul.f32 v61, v2;
	[tilespmem:s14+$0xD0] =	vst v1  }
0x45c: {  	p5 =	sne.s32 s11, $0xE;
	[tilespmem:s14+$0xE0] =	vst v3  }
.Ltmp20:
0x45d: {  	s12 =	sadd.s32 $0x1000, s12;
	[tilespmem:s14+$0xF0] =	vst v2;
	(pc) =	sbr.rel @p5 .LBB2_38-.Ltmp20, $4  }
0x45e: {  	[spmem:s1] =	stream.indirect.scatter.add.f32 [tilespmem:s5], [sflag:$0x3], $0x80, s12, s3, $0xb8;
	[tilespmem:$0x1F880] =	vst v63  }
0x45f: {  	_ =	swait.ge [sflag:s30], $0x4000  }
0x460: {  	[sflag:s30] =	ssyncset.done $0x0  }
0x461: {  	s10 =	sadd.s32 $0x100, s10;
	[sflag:s30] =	ssyncadd.s32 $0xFFFFC000  }
0x462: {  	s10 =	simm.s32 $0xE00  }
0x463: {  	s17 =	simm.s32 $0xE02;
	v1 =	vmov s10  }
0x464: {  	v2 =	vmov s17;
	v1 =	vand.u32 $0xFFFFFFFC, v1  }
0x465: {  	s19 =	simm.s32 $0xE00;
	s16 =	simm.s32 $0xB000;
	v2 =	vand.u32 $0xFFFFFFFE, v2;
	v1 =	vbroadcast v1, $0x0  }
0x466: {  	[tilespmem:s16], [sflag:$0x1] =	stream.indirect.gather [hbm4b:s21+s8], $0x80, s19, s8, $0xb8;
	v2 =	vbroadcast v2, $0x0;
	[tilespmem:$0x1F880] =	vst v63  }
0x467: {  	_ =	swait.ge [sflag:s6], $0x1000  }
0x468: {  	[sflag:s6] =	ssyncset.done $0x0  }
0x469: {  	s10 =	simm.s32 $0xB100;
	[sflag:s6] =	ssyncadd.s32 $0xFFFFF000  }
0x46a: {  	v4 =	vld [tilespmem:s10+$0x70]  }
0x46b: {  	s11 =	simm.s32 $0xE01;
	v3 =	vld.idx.msk [tilespmem:v1+s0+$0x0], $0xffff  }
0x46c: {  	v1 =	vld.idx.msk [tilespmem:v2+s0+$0x0], $0xffff;
	v2 =	vmov s11  }
0x46d: {  	v5 =	vld [tilespmem:s10+$0xFFFFFF00];
	v2 =	vand.u32 $0xFFFFFFFD, v2  }
0x46e: {  	v6 =	vld [tilespmem:s10+$0xFFFFFF10];
	v2 =	vbroadcast v2, $0x0  }
0x46f: {  	v7 =	vld [tilespmem:s10+$0xFFFFFF20]  }
0x470: {  	v8 =	vld [tilespmem:s10+$0xFFFFFF30]  }
0x471: {  	v9 =	vld [tilespmem:s10+$0xFFFFFF40]  }
0x472: {  	v10 =	vld [tilespmem:s10+$0xFFFFFF50]  }
0x473: {  	v11 =	vld [tilespmem:s10+$0xFFFFFF60];
	v5 =	vmul.f32 v5, v3  }
0x474: {  	v12 =	vld.idx.msk [tilespmem:v2+s0+$0x0], $0xffff;
	v2 =	vmul.f32 v4, v1  }
0x475: {  	[tilespmem:s10+$0xFFFFFF00] =	vst v5;
	v5 =	vld [tilespmem:s10+$0xFFFFFF70];
	v4 =	vmul.f32 v6, v3  }
0x476: {  	v6 =	vld [tilespmem:s10+$0xFFFFFF80];
	[tilespmem:s10+$0x70] =	vst v2;
	v2 =	vmul.f32 v7, v3  }
0x477: {  	s22 =	simm.s32 $0xE03;
	[tilespmem:s10+$0xFFFFFF10] =	vst v4;
	v4 =	vmul.f32 v8, v3;
	v7 =	vld [tilespmem:s10+$0xFFFFFF90]  }
0x478: {  	v8 =	vmov s22;
	[tilespmem:s10+$0xFFFFFF20] =	vst v2;
	v2 =	vmul.f32 v9, v3;
	v9 =	vld [tilespmem:s10+$0xFFFFFFA0]  }
0x479: {  	[tilespmem:s10+$0xFFFFFF30] =	vst v4;
	v4 =	vmul.f32 v10, v3;
	v10 =	vld [tilespmem:s10+$0xFFFFFFB0]  }
0x47a: {  	[tilespmem:s10+$0xFFFFFF40] =	vst v2;
	v2 =	vmul.f32 v11, v3;
	v11 =	vld [tilespmem:s10+$0xFFFFFFC0]  }
0x47b: {  	[tilespmem:s10+$0xFFFFFF50] =	vst v4;
	v4 =	vmul.f32 v6, v12;
	v6 =	vld [tilespmem:s10+$0xFFFFFFD0]  }
0x47c: {  	v3 =	vmul.f32 v5, v3;
	v5 =	vld [tilespmem:s10+$0xFFFFFFE0];
	[tilespmem:s10+$0xFFFFFF60] =	vst v2  }
0x47d: {  	v7 =	vmul.f32 v7, v12;
	v2 =	vld.idx.msk [tilespmem:v8+s0+$0x0], $0xffff;
	[tilespmem:s10+$0xFFFFFF80] =	vst v4  }
0x47e: {  	[tilespmem:s10+$0xFFFFFF70] =	vst v3;
	v8 =	vld [tilespmem:s10+$0xFFFFFFF0];
	v3 =	vmul.f32 v9, v12  }
0x47f: {  	[tilespmem:s10+$0xFFFFFF90] =	vst v7;
	v4 =	vmul.f32 v10, v12;
	v10 =	vld [tilespmem:s10+$0x0]  }
0x480: {  	v7 =	vld [tilespmem:s10+$0x10];
	[tilespmem:s10+$0xFFFFFFA0] =	vst v3;
	v3 =	vmul.f32 v11, v12  }
0x481: {  	[tilespmem:s10+$0xFFFFFFB0] =	vst v4;
	v4 =	vmul.f32 v6, v12;
	v6 =	vld [tilespmem:s10+$0x20]  }
0x482: {  	[tilespmem:s10+$0xFFFFFFC0] =	vst v3;
	v3 =	vmul.f32 v5, v12;
	v5 =	vld [tilespmem:s10+$0x30]  }
0x483: {  	[tilespmem:s10+$0xFFFFFFD0] =	vst v4;
	v4 =	vld [tilespmem:s10+$0x40];
	v9 =	vmul.f32 v8, v12  }
0x484: {  	s12 =	simm.s32 $0x0;
	s11 =	simm.s32 $0xB100;
	v8 =	vmul.f32 v10, v1;
	[tilespmem:s10+$0xFFFFFFE0] =	vst v3;
	v3 =	vld [tilespmem:s10+$0x50]  }
.LBB2_44:
0x485: {  	s13 =	sadd.s32 $0xE07, s12;
	[tilespmem:s10+$0xFFFFFFF0] =	vst v9;
	v7 =	vmul.f32 v7, v1;
	v9 =	vld [tilespmem:s10+$0x60]  }
0x486: {  	s14 =	sadd.s32 $0xE04, s12;
	s15 =	sadd.s32 $0xE05, s12;
	v10 =	vmov s13;
	[tilespmem:s10+$0x0] =	vst v8;
	v6 =	vmul.f32 v6, v1;
	v8 =	vld [tilespmem:s10+$0x80]  }
0x487: {  	v11 =	vmov s14;
	v12 =	vmov s15;
	[tilespmem:s10+$0x10] =	vst v7;
	v5 =	vmul.f32 v5, v1;
	v7 =	vld [tilespmem:s10+$0x90]  }
0x488: {  	s13 =	sadd.s32 $0xE06, s12;
	s12 =	sadd.s32 $0x4, s12;
	v11 =	vand.u32 $0xFFFFFFFC, v11;
	v12 =	vand.u32 $0xFFFFFFFD, v12;
	[tilespmem:s10+$0x20] =	vst v6;
	v4 =	vmul.f32 v4, v1;
	v6 =	vld [tilespmem:s10+$0xA0]  }
0x489: {  	v13 =	vmov s13;
	p5 =	slt.u32 s12, $0x1C;
	v11 =	vbroadcast v11, $0x0;
	[tilespmem:s10+$0x30] =	vst v5;
	v3 =	vmul.f32 v3, v1;
	v5 =	vld [tilespmem:s10+$0xB0]  }
0x48a: {  	v12 =	vbroadcast v12, $0x0;
	v13 =	vand.u32 $0xFFFFFFFE, v13;
	[tilespmem:s10+$0x40] =	vst v4;
	v1 =	vmul.f32 v9, v1;
	v4 =	vld [tilespmem:s10+$0xC0]  }
0x48b: {  	v9 =	vbroadcast v13, $0x0;
	[tilespmem:s10+$0x50] =	vst v3;
	v3 =	vmul.f32 v8, v2;
	v8 =	vld [tilespmem:s10+$0xD0]  }
0x48c: {  	[tilespmem:s10+$0x60] =	vst v1;
	v1 =	vmul.f32 v7, v2;
	v7 =	vld [tilespmem:s10+$0xE0]  }
0x48d: {  	[tilespmem:s10+$0x80] =	vst v3;
	v3 =	vmul.f32 v6, v2;
	v6 =	vld [tilespmem:s10+$0xF0]  }
0x48e: {  	v10 =	vld.idx.msk [tilespmem:v10+s0+$0x0], $0xffff;
	[tilespmem:s10+$0x90] =	vst v1;
	v1 =	vmul.f32 v5, v2  }
0x48f: {  	v5 =	vld.idx.msk [tilespmem:v11+s0+$0x0], $0xffff;
	[tilespmem:s10+$0xA0] =	vst v3;
	v3 =	vmul.f32 v4, v2  }
0x490: {  	v4 =	vld.idx.msk [tilespmem:v12+s0+$0x0], $0xffff;
	[tilespmem:s10+$0xB0] =	vst v1;
	v8 =	vmul.f32 v8, v2  }
0x491: {  	s10 =	sadd.s32 $0x200, s10;
	v1 =	vld.idx.msk [tilespmem:v9+s0+$0x0], $0xffff;
	[tilespmem:s11+$0xC0] =	vst v3;
	v3 =	vmul.f32 v7, v2  }
0x492: {  	v7 =	vld [tilespmem:s10+$0x70];
	[tilespmem:s11+$0xD0] =	vst v8;
	v8 =	vmul.f32 v6, v2  }
0x493: {  	v6 =	vld [tilespmem:s10+$0xFFFFFF00];
	[tilespmem:s11+$0xE0] =	vst v3  }
0x494: {  	v2 =	vmov v10;
	v3 =	vld [tilespmem:s10+$0xFFFFFF10];
	[tilespmem:s11+$0xF0] =	vst v8;
	s11 =	smov.u32 s10  }
0x495: {  	v8 =	vld [tilespmem:s10+$0xFFFFFF20]  }
0x496: {  	v9 =	vld [tilespmem:s10+$0xFFFFFF30]  }
0x497: {  	v10 =	vld [tilespmem:s10+$0xFFFFFF40];
	v7 =	vmul.f32 v7, v1  }
0x498: {  	v6 =	vmul.f32 v6, v5;
	v11 =	vld [tilespmem:s10+$0xFFFFFF50]  }
0x499: {  	v3 =	vmul.f32 v3, v5;
	v12 =	vld [tilespmem:s10+$0xFFFFFF60];
	[tilespmem:s10+$0x70] =	vst v7  }
0x49a: {  	[tilespmem:s10+$0xFFFFFF00] =	vst v6;
	v6 =	vmul.f32 v8, v5;
	v7 =	vld [tilespmem:s10+$0xFFFFFF70]  }
0x49b: {  	[tilespmem:s10+$0xFFFFFF10] =	vst v3;
	v3 =	vmul.f32 v9, v5;
	v8 =	vld [tilespmem:s10+$0xFFFFFF80]  }
0x49c: {  	[tilespmem:s10+$0xFFFFFF20] =	vst v6;
	v6 =	vmul.f32 v10, v5;
	v9 =	vld [tilespmem:s10+$0xFFFFFF90]  }
0x49d: {  	[tilespmem:s10+$0xFFFFFF30] =	vst v3;
	v3 =	vmul.f32 v11, v5;
	v10 =	vld [tilespmem:s10+$0xFFFFFFA0]  }
0x49e: {  	[tilespmem:s10+$0xFFFFFF40] =	vst v6;
	v6 =	vmul.f32 v12, v5;
	v11 =	vld [tilespmem:s10+$0xFFFFFFB0]  }
0x49f: {  	[tilespmem:s10+$0xFFFFFF50] =	vst v3;
	v3 =	vmul.f32 v7, v5;
	v5 =	vld [tilespmem:s10+$0xFFFFFFC0]  }
0x4a0: {  	[tilespmem:s10+$0xFFFFFF60] =	vst v6;
	v6 =	vmul.f32 v8, v4;
	v8 =	vld [tilespmem:s10+$0xFFFFFFD0]  }
0x4a1: {  	[tilespmem:s10+$0xFFFFFF70] =	vst v3;
	v3 =	vmul.f32 v9, v4;
	v9 =	vld [tilespmem:s10+$0xFFFFFFE0]  }
0x4a2: {  	[tilespmem:s10+$0xFFFFFF80] =	vst v6;
	v6 =	vmul.f32 v10, v4;
	v10 =	vld [tilespmem:s10+$0xFFFFFFF0]  }
0x4a3: {  	[tilespmem:s10+$0xFFFFFF90] =	vst v3;
	v3 =	vmul.f32 v11, v4;
	v11 =	vld [tilespmem:s10+$0x0]  }
.Ltmp21:
0x4a4: {  	[tilespmem:s10+$0xFFFFFFA0] =	vst v6;
	v5 =	vmul.f32 v5, v4;
	v7 =	vld [tilespmem:s10+$0x10];
	(pc) =	sbr.rel @p5 .LBB2_44-.Ltmp21, $4  }
0x4a5: {  	[tilespmem:s10+$0xFFFFFFB0] =	vst v3;
	v3 =	vmul.f32 v8, v4;
	v6 =	vld [tilespmem:s10+$0x20]  }
0x4a6: {  	[tilespmem:s10+$0xFFFFFFC0] =	vst v5;
	v8 =	vmul.f32 v9, v4;
	v5 =	vld [tilespmem:s10+$0x30]  }
0x4a7: {  	[tilespmem:s10+$0xFFFFFFD0] =	vst v3;
	v9 =	vmul.f32 v10, v4;
	v4 =	vld [tilespmem:s10+$0x40]  }
0x4a8: {  	[tilespmem:s10+$0xFFFFFFE0] =	vst v8;
	v8 =	vmul.f32 v11, v1;
	v3 =	vld [tilespmem:s10+$0x50]  }
0x4a9: {  	[tilespmem:s10+$0xFFFFFFF0] =	vst v9;
	v7 =	vmul.f32 v7, v1;
	v55 =	vld [tilespmem:s10+$0x80]  }
0x4aa: {  	v10 =	vld [tilespmem:s10+$0x60];
	[tilespmem:s10+$0x0] =	vst v8;
	v6 =	vmul.f32 v6, v1  }
0x4ab: {  	v56 =	vld [tilespmem:s10+$0x90];
	[tilespmem:s10+$0x10] =	vst v7;
	v5 =	vmul.f32 v5, v1  }
0x4ac: {  	v57 =	vld [tilespmem:s10+$0xA0];
	[tilespmem:s10+$0x20] =	vst v6;
	v4 =	vmul.f32 v4, v1  }
0x4ad: {  	v58 =	vld [tilespmem:s10+$0xB0];
	[tilespmem:s10+$0x30] =	vst v5;
	v3 =	vmul.f32 v3, v1  }
0x4ae: {  	v59 =	vld [tilespmem:s10+$0xC0];
	[tilespmem:s10+$0x40] =	vst v4;
	v60 =	vmul.f32 v55, v2  }
0x4af: {  	v61 =	vld [tilespmem:s10+$0xD0];
	v1 =	vmul.f32 v10, v1;
	[tilespmem:s10+$0x50] =	vst v3  }
0x4b0: {  	v8 =	vmul.f32 v56, v2;
	v3 =	vld [tilespmem:s10+$0xE0];
	[tilespmem:s10+$0x80] =	vst v60  }
0x4b1: {  	v62 =	vld [tilespmem:s10+$0xF0];
	[tilespmem:s10+$0x60] =	vst v1;
	v1 =	vmul.f32 v57, v2  }
0x4b2: {  	v6 =	vmul.f32 v58, v2;
	[tilespmem:s10+$0x90] =	vst v8  }
0x4b3: {  	[tilespmem:s10+$0xA0] =	vst v1;
	v1 =	vmul.f32 v59, v2  }
0x4b4: {  	v63 =	vmul.f32 v61, v2;
	[tilespmem:s10+$0xB0] =	vst v6  }
0x4b5: {  	[tilespmem:s11+$0xC0] =	vst v1;
	v1 =	vmul.f32 v3, v2  }
0x4b6: {  	[tilespmem:s11+$0xD0] =	vst v63;
	v2 =	vmul.f32 v62, v2  }
0x4b7: {  	[tilespmem:s11+$0xE0] =	vst v1  }
0x4b8: {  	s22 =	simm.s32 $0x1E00;
	[tilespmem:s11+$0xF0] =	vst v2  }
0x4b9: {  	[spmem:s1] =	stream.indirect.scatter.add.f32 [tilespmem:s16], [sflag:$0x3], $0x80, s22, s8, $0xb8;
	[tilespmem:$0x1F880] =	vst v63  }
0x4ba: {  	_ =	swait.ge [sflag:s30], $0x1000  }
0x4bb: {  	[sflag:s30] =	ssyncset.done $0x0  }
0x4bc: {  	[sflag:s30] =	ssyncadd.s32 $0xFFFFF000  }
0x4bd: {  	s10 =	sshrl.u32 @!p3 s18, $0x3;
	[bflag:$0x0] =	sbarrier.arrive $0xFFFF  }
0x4be: {  	[hbm:s23], [sflag:s20] =	dma.local @!p3 [spmem:s10], $0x2700  }
0x4bf: {  	s10 =	simm.s32 @!p3 $0x3  }
0x4c0: {  	_ =	swait.ge @!p3 [sflag:s10], $0x2700  }
0x4c1: {  	[sflag:s10] =	ssyncset.done @!p3 $0x0  }
0x4c2: {  	[sflag:s10] =	ssyncadd.s32 @!p3 $0xFFFFD900;
	s10 =	sshrl.u32 @!p1 s29, $0x3  }
0x4c3: {  	[hbm:s24], [sflag:s20] =	dma.local @!p1 [spmem:s10], $0x100  }
0x4c4: {  	s10 =	simm.s32 @!p1 $0x3  }
0x4c5: {  	_ =	swait.ge @!p1 [sflag:s10], $0x100  }
0x4c6: {  	[sflag:s10] =	ssyncset.done @!p1 $0x0  }
0x4c7: {  	[sflag:s10] =	ssyncadd.s32 @!p1 $0xFFFFFF00;
	s10 =	sshrl.u32 @p2 s18, $0x3  }
0x4c8: {  	[hbm:s25], [sflag:s20] =	dma.local @p2 [spmem:s10], $0x2700  }
0x4c9: {  	s10 =	simm.s32 @p2 $0x3  }
0x4ca: {  	_ =	swait.ge @p2 [sflag:s10], $0x2700  }
0x4cb: {  	s9 =	sadd.s32 $0x1, s9;
	[sflag:s10] =	ssyncset.done @p2 $0x0  }
0x4cc: {  	p5 =	sne.s32 s9, s28;
	[sflag:s10] =	ssyncadd.s32 @p2 $0xFFFFD900;
	s10 =	sshrl.u32 @!p4 s29, $0x3  }
0x4cd: {  	[hbm:s26], [sflag:s20] =	dma.local @!p4 [spmem:s10], $0x100  }
.Ltmp22:
0x4ce: {  	_ = 	snop;
	(pc) =	sbr.rel @p5 .LBB2_1-.Ltmp22, $4  }
0x4cf: {  	s10 =	simm.s32 @!p4 $0x3  }
0x4d0: {  	_ =	swait.ge @!p4 [sflag:s10], $0x100  }
0x4d1: {  	[sflag:s10] =	ssyncset.done @!p4 $0x0  }
0x4d2: {  	[sflag:s10] =	ssyncadd.s32 @!p4 $0xFFFFFF00  }
0x4d3: {  	_ =	sfence.sel $0x180000  }
0x4d4: {  	[bflag:$0x0] =	sbarrier.arrive $0xFFFF  }
0x4d5: {  	_ =	strace $0x90000047  }
0x4d6: {  	[bflag:$0x2] =	sbarrier.arrive $0xFFFF  }
0x4d7: {  	s0 =	rddreg [dreg:$0x4]  }
0x4d8: {  	s0 =	sadd.s32 @!p0 $0x100000, s0  }
0x4d9: {  	[sflag:s0] =	ssyncadd.tile.s32 @!p0 $0x1;
	_ =	shalt  }
.Lfunc_end2:
_tile_overlayer_lowered:
.L_overlay_start_2:
0x4da: {  	(tag) =	ssettag $0x2  }
0x4db: {  	s0 =	rddreg [dreg:$0x0];
	s2 =	stileid.u32  }
0x4dc: {  	s1 =	rddreg [dreg:$0x1];
	p0 =	sne.s32 s2, $0x0  }
0x4dd: {  	s3 =	rddreg [dreg:$0x2];
	[bflag:$0x3] =	sbarrier.arrive $0xFFFF;
	s2 =	simm.s32 @!p0 $0x1C03  }
0x4de: {  	[timem:s3], [sflag:s2] =	dma.local @!p0 [hbm:s0], s1  }
0x4df: {  	s0 =	simm.s32 @!p0 $0x3  }
0x4e0: {  	_ =	swait.ge @!p0 [sflag:s0], s1  }
0x4e1: {  	s1 =	ssub.s32 @!p0 $0x0, s1;
	[sflag:s0] =	ssyncset.done @!p0 $0x0  }
0x4e2: {  	[sflag:s0] =	ssyncadd.s32 @!p0 s1  }
0x4e3: {  	[bflag:$0x3] =	sbarrier.arrive $0xFFFF  }
0x4e4: {  	_ =	shalt  }

</sc_bundles>
